<compile_context>
chip_gen: v7x
topology: tpu7x:2x2x1
jax: 0.10.2.dev20260603
libtpu: 0.0.44.dev20260713+nightly
codegen_flags: <defaults>
</compile_context>

<pallas_src>
import functools

import jax
import jax.numpy as jnp
from jax import lax
from jax.experimental import pallas as pl
from jax.experimental.pallas import tpu as pltpu
from jax.experimental.pallas import tpu_sc as plsc

B = 128
N = 32768
K = 30
NCHUNK = N // 16
UNROLL = 4
NGROUP = NCHUNK // UNROLL
CAP = 4096
EPS = 1e-07
LN2 = 0.6931471805599453
NEG_BIG = -3.4e38


def _any(m):
    return plsc.all_reduce_population_count(m)[0] > 0


def _sort_asc(v):
    return plsc.sort_key_val(v, v)[0]


def _sort_desc(v):
    return plsc.sort_key_val(v, v, descending=True)[0]


def _lane(vec, i):
    li = lax.iota(jnp.int32, 16)
    return jnp.max(jnp.where(li == i, vec, NEG_BIG))


def _merge_chunk(v, state):
    H, L, th = state
    hit = _any(v > th)

    def merge(c):
        H, L, _ = c
        vs = _sort_asc(v)
        up = jnp.maximum(vs, L)
        upd = _sort_desc(up)
        nH = _sort_asc(jnp.maximum(H, upd))
        nL = _sort_desc(jnp.minimum(H, upd))
        return (nH, nL, jnp.min(nL))

    return lax.cond(hit, merge, lambda c: c, (H, L, th))


def _hl_init(c0, c1):
    h0 = _sort_asc(c0)
    l0 = _sort_desc(c1)
    H = _sort_asc(jnp.maximum(h0, l0))
    L = _sort_desc(jnp.minimum(h0, l0))
    return (H, L, jnp.min(L))


def _hl_fin(st):
    H, L, _ = st
    tv = _lane(L, K - 1 - 16)
    cgt = (jnp.sum((H > tv).astype(jnp.int32))
           + jnp.sum((L > tv).astype(jnp.int32)))
    return tv, K - cgt


def _collect(v, ivec, th, cur, cref):
    m = v >= th
    im = m.astype(jnp.int32)
    pos = cur + plsc.cumsum(im) - im
    posc = jnp.minimum(pos, CAP - 1)
    plsc.store_scatter(cref, [posc], ivec, mask=m)
    return cur + plsc.all_reduce_population_count(m)


def _scan_collect2(tb, lb, candT, candL):
    li = lax.iota(jnp.int32, 16)
    zi = jnp.zeros((16,), jnp.int32)

    t0 = tb[pl.ds(0, 16)]
    t1 = tb[pl.ds(16, 16)]
    x0 = lb[pl.ds(0, 16)]
    x1 = lb[pl.ds(16, 16)]
    curT = _collect(t0, li, NEG_BIG, zi, candT)
    curT = _collect(t1, li + 16, NEG_BIG, curT, candT)
    curL = _collect(x0, li, NEG_BIG, zi, candL)
    curL = _collect(x1, li + 16, NEG_BIG, curL, candL)
    At, Bt = t0, t1
    Al, Bl = x0, x1
    tht = jnp.min(jnp.minimum(At, Bt))
    thl = jnp.min(jnp.minimum(Al, Bl))
    for j in (2, 3):
        v = tb[pl.ds(16 * j, 16)]
        curT = _collect(v, li + 16 * j, tht, curT, candT)
        Bt = jnp.maximum(Bt, jnp.minimum(At, v))
        At = jnp.maximum(At, v)
        x = lb[pl.ds(16 * j, 16)]
        curL = _collect(x, li + 16 * j, thl, curL, candL)
        Bl = jnp.maximum(Bl, jnp.minimum(Al, x))
        Al = jnp.maximum(Al, x)
    tht = jnp.min(jnp.minimum(At, Bt))
    thl = jnp.min(jnp.minimum(Al, Bl))

    def it(g, carry):
        At, Bt, tht, Al, Bl, thl, curT, curL = carry
        base = g * (16 * UNROLL)
        ts = [tb[pl.ds(base + 16 * j, 16)] for j in range(UNROLL)]
        xs = [lb[pl.ds(base + 16 * j, 16)] for j in range(UNROLL)]
        tmax = jnp.maximum(jnp.maximum(ts[0], ts[1]), jnp.maximum(ts[2], ts[3]))
        xmax = jnp.maximum(jnp.maximum(xs[0], xs[1]), jnp.maximum(xs[2], xs[3]))
        hit = _any((tmax >= tht) | (xmax >= thl))

        def slow(c):
            At, Bt, tht, Al, Bl, thl, curT, curL = c
            nBt = jnp.maximum(Bt, jnp.minimum(At, tmax))
            nAt = jnp.maximum(At, tmax)
            nBl = jnp.maximum(Bl, jnp.minimum(Al, xmax))
            nAl = jnp.maximum(Al, xmax)
            for j in range(UNROLL):
                curT = _collect(ts[j], li + (base + 16 * j), tht, curT, candT)
            for j in range(UNROLL):
                curL = _collect(xs[j], li + (base + 16 * j), thl, curL, candL)
            return (nAt, nBt, jnp.min(jnp.minimum(nAt, nBt)),
                    nAl, nBl, jnp.min(jnp.minimum(nAl, nBl)),
                    curT, curL)

        return lax.cond(hit, slow, lambda c: c, carry)

    carry = lax.fori_loop(1, NGROUP, it,
                          (At, Bt, tht, Al, Bl, thl, curT, curL))
    return jnp.max(carry[6]), jnp.max(carry[7])


def _select30(cref, cn, buf):
    li = lax.iota(jnp.int32, 16)
    minf = jnp.float32(float("-inf"))

    def gather(i):
        idxv = cref[pl.ds(i * 16, 16)]
        idxg = jnp.minimum(jnp.maximum(idxv, 0), N - 1)
        return plsc.load_gather(buf, [idxg])

    st = _hl_init(gather(0), gather(1))
    nch = (cn + 15) // 16

    def it(i, st):
        vals = gather(i)
        valid = (li + i * 16) < cn
        v = jnp.where(valid, vals, minf)
        return _merge_chunk(v, st)

    st = lax.fori_loop(2, nch, it, st)
    return _hl_fin(st)


def _scan_topk2_full(tb, lb):
    st_t = _hl_init(tb[pl.ds(0, 16)], tb[pl.ds(16, 16)])
    st_l = _hl_init(lb[pl.ds(0, 16)], lb[pl.ds(16, 16)])
    for j in (2, 3):
        st_t = _merge_chunk(tb[pl.ds(16 * j, 16)], st_t)
        st_l = _merge_chunk(lb[pl.ds(16 * j, 16)], st_l)

    def it(g, carry):
        st_t, st_l = carry
        base = g * (16 * UNROLL)
        ts = [tb[pl.ds(base + 16 * j, 16)] for j in range(UNROLL)]
        xs = [lb[pl.ds(base + 16 * j, 16)] for j in range(UNROLL)]
        tmax = jnp.maximum(jnp.maximum(ts[0], ts[1]), jnp.maximum(ts[2], ts[3]))
        xmax = jnp.maximum(jnp.maximum(xs[0], xs[1]), jnp.maximum(xs[2], xs[3]))
        hit = _any((tmax > st_t[2]) | (xmax > st_l[2]))

        def slow(c):
            st_t, st_l = c
            for j in range(UNROLL):
                st_t = _merge_chunk(ts[j], st_t)
            for j in range(UNROLL):
                st_l = _merge_chunk(xs[j], st_l)
            return (st_t, st_l)

        return lax.cond(hit, slow, lambda c: c, carry)

    st_t, st_l = lax.fori_loop(1, NGROUP, it, (st_t, st_l))
    tvt, needt = _hl_fin(st_t)
    tvl, needl = _hl_fin(st_l)
    return tvt, needt, tvl, needl


def _cand_members(cref, cn, buf, tv, need, mref):
    li = lax.iota(jnp.int32, 16)
    zi = jnp.zeros((16,), jnp.int32)
    nch = (cn + 15) // 16

    def it(i, carry):
        tie, cur = carry
        idxv = cref[pl.ds(i * 16, 16)]
        idxg = jnp.minimum(jnp.maximum(idxv, 0), N - 1)
        vals = plsc.load_gather(buf, [idxg])
        valid = (li + i * 16) < cn
        mg = valid & (vals > tv)
        me = valid & (vals == tv)
        ime = me.astype(jnp.int32)
        pe = plsc.cumsum(ime) - ime
        mm = mg | (me & (tie + pe < need))
        imm = mm.astype(jnp.int32)
        pos = cur + plsc.cumsum(imm) - imm
        plsc.store_scatter(mref, [pos], idxv, mask=mm)
        return (tie + jnp.sum(ime), cur + plsc.all_reduce_population_count(mm))

    lax.fori_loop(0, nch, it, (jnp.int32(0), zi))


def _membership_full(tb, lb, tvt, needt, tvl, needl, tmem):
    li = lax.iota(jnp.int32, 16)
    zero = jnp.int32(0)
    zi = jnp.zeros((16,), jnp.int32)

    def chunk(t, x, iv, c):
        tieT, tieL, cur, ovv = c
        mTg = t > tvt
        mTe = t == tvt
        mLg = x > tvl
        mLe = x == tvl
        iTe = mTe.astype(jnp.int32)
        iLe = mLe.astype(jnp.int32)
        peT = plsc.cumsum(iTe) - iTe
        peL = plsc.cumsum(iLe) - iLe
        memT = mTg | (mTe & (tieT + peT < needt))
        memL = mLg | (mLe & (tieL + peL < needl))
        imT = memT.astype(jnp.int32)
        pos = cur + plsc.cumsum(imT) - imT
        plsc.store_scatter(tmem, [pos], iv, mask=memT)
        return (tieT + jnp.sum(iTe),
                tieL + jnp.sum(iLe),
                cur + plsc.all_reduce_population_count(memT),
                ovv + (memT & memL).astype(jnp.int32))

    def it(g, carry):
        base = g * (16 * UNROLL)
        ts = [tb[pl.ds(base + 16 * j, 16)] for j in range(UNROLL)]
        xs = [lb[pl.ds(base + 16 * j, 16)] for j in range(UNROLL)]
        tmax = jnp.maximum(jnp.maximum(ts[0], ts[1]), jnp.maximum(ts[2], ts[3]))
        xmax = jnp.maximum(jnp.maximum(xs[0], xs[1]), jnp.maximum(xs[2], xs[3]))
        hit = _any((tmax >= tvt) | (xmax >= tvl))

        def slow(c):
            for j in range(UNROLL):
                c = chunk(ts[j], xs[j], li + (base + 16 * j), c)
            return c

        return lax.cond(hit, slow, lambda c: c, carry)

    carry = lax.fori_loop(0, NGROUP, it, (zero, zero, zi, zi))
    return jnp.sum(carry[3])


def _neg_log_sigmoid(x):
    s = 1.0 / (1.0 + jnp.exp(-x))
    y = s + jnp.float32(EPS)
    bits = plsc.bitcast(y, jnp.int32)
    e = (bits >> 23) - 127
    m = plsc.bitcast((bits & 0x7FFFFF) | 0x3F800000, jnp.float32)
    z = (m - 1.0) / (m + 1.0)
    z2 = z * z
    p = 1.0 + z2 * (jnp.float32(1 / 3) + z2 * (jnp.float32(1 / 5)
          + z2 * (jnp.float32(1 / 7) + z2 * jnp.float32(1 / 9))))
    lny = e.astype(jnp.float32) * jnp.float32(LN2) + 2.0 * z * p
    return -lny


def _sc_body(logits_hbm, targets_hbm, out_hbm,
             tbuf, lbuf, candT, candL, tmem, lmem, obuf, semt, seml):
    cid = lax.axis_index("c")
    sid = lax.axis_index("s")
    wid = sid * 2 + cid

    li = lax.iota(jnp.int32, 16)

    def row_it(r, lossvec):
        row = wid * 4 + r
        ct = pltpu.async_copy(targets_hbm.at[row], tbuf, semt)
        cl = pltpu.async_copy(logits_hbm.at[row], lbuf, seml)
        ct.wait()
        cl.wait()
        tmem[pl.ds(0, 16)] = jnp.full((16,), -1, jnp.int32)
        tmem[pl.ds(16, 16)] = jnp.full((16,), -1, jnp.int32)
        lmem[pl.ds(0, 16)] = jnp.full((16,), -2, jnp.int32)
        lmem[pl.ds(16, 16)] = jnp.full((16,), -2, jnp.int32)

        cnt, cnl = _scan_collect2(tbuf, lbuf, candT, candL)
        overflow = (cnt > CAP - 1) | (cnl > CAP - 1)

        def fast(_):
            tvt, needt = _select30(candT, cnt, tbuf)
            tvl, needl = _select30(candL, cnl, lbuf)
            _cand_members(candT, cnt, tbuf, tvt, needt, tmem)
            _cand_members(candL, cnl, lbuf, tvl, needl, lmem)
            t0 = tmem[pl.ds(0, 16)]
            t1 = tmem[pl.ds(16, 16)]
            acc = jnp.zeros((16,), jnp.int32)
            for sh in range(16):
                perm = (li + sh) & 15
                r0 = plsc.load_gather(lmem, [perm])
                r1 = plsc.load_gather(lmem, [perm + 16])
                acc = (acc + (t0 == r0).astype(jnp.int32)
                       + (t0 == r1).astype(jnp.int32)
                       + (t1 == r0).astype(jnp.int32)
                       + (t1 == r1).astype(jnp.int32))
            return jnp.sum(acc)

        def slowfb(_):
            tvt, needt, tvl, needl = _scan_topk2_full(tbuf, lbuf)
            return _membership_full(tbuf, lbuf, tvt, needt, tvl, needl, tmem)

        ov = lax.cond(overflow, slowfb, fast, None)

        t0 = jnp.maximum(tmem[pl.ds(0, 16)], 0)
        t1 = jnp.maximum(tmem[pl.ds(16, 16)], 0)
        g0 = plsc.load_gather(lbuf, [t0])
        g1 = plsc.load_gather(lbuf, [t1])
        f0 = _neg_log_sigmoid(g0)
        f1 = jnp.where(li < K - 16, _neg_log_sigmoid(g1), 0.0)
        fsum = jnp.sum(f0 + f1)
        w = 1.0 - ov.astype(jnp.float32) * jnp.float32(1.0 / K)
        loss_r = fsum * jnp.float32(1.0 / K) * w
        return jnp.where(li == r, loss_r, lossvec)

    lossvec = lax.fori_loop(0, 4, row_it, jnp.zeros((16,), jnp.float32))
    obuf[...] = lossvec
    pltpu.sync_copy(obuf, out_hbm.at[wid])


@jax.jit
def _sc_call(logits, targets):
    fn = functools.partial(
        pl.kernel,
        out_type=jax.ShapeDtypeStruct((32, 16), jnp.float32),
        mesh=plsc.VectorSubcoreMesh(core_axis_name="c", subcore_axis_name="s"),
        compiler_params=pltpu.CompilerParams(needs_layout_passes=False),
        scratch_types=[
            pltpu.VMEM((N,), jnp.float32),
            pltpu.VMEM((N,), jnp.float32),
            pltpu.VMEM((CAP,), jnp.int32),
            pltpu.VMEM((CAP,), jnp.int32),
            pltpu.VMEM((32,), jnp.int32),
            pltpu.VMEM((32,), jnp.int32),
            pltpu.VMEM((16,), jnp.float32),
            pltpu.SemaphoreType.DMA,
            pltpu.SemaphoreType.DMA,
        ],
    )(_sc_body)
    part = fn(logits, targets)
    return jnp.sum(part) * jnp.float32(1.0 / B)


def kernel(logits, targets):
    return _sc_call(logits, targets)

# --- scband reference (transcript-rebuilt; emitter-appended) ---
"""Pipeline reference for scband-soft-margin-rank-loss-30940944401148 (READ-ONLY COPY).

The authoritative reference and input builder live on the scoring server;
editing this copy changes nothing except your own understanding.
"""

import jax, jax.numpy as jnp
import numpy as np

EPS = 1e-07
TOP_K = 30
MARGIN = 0.05
TEMPERATURE = 1.0


def setup_inputs(seed: int = 0) -> dict:
    key = jax.random.key(seed)
    k1, k2 = jax.random.split(key)
    logits = jax.random.normal(k1, (128, 32768), dtype=jnp.float32)
    targets = jax.random.uniform(k2, (128, 32768), dtype=jnp.float32)
    return {"logits": logits, "targets": targets}


def reference(logits, targets):
    batch_size, num_classes = logits.shape
    k = min(TOP_K, num_classes)
    # top-k indices of true targets
    _, true_topk_idx = jax.lax.top_k(targets, k)
    # gather logits at true top-k positions
    topk_logits = jnp.take_along_axis(logits, true_topk_idx, axis=1)
    # top-k indices of predicted logits
    _, pred_topk_idx = jax.lax.top_k(logits, k)
    # overlap = |set_true & set_pred| / k per row (indices within a top-k are unique,
    # so pairwise equality count equals set-intersection size)
    matches = (true_topk_idx[:, :, None] == pred_topk_idx[:, None, :]).astype(jnp.float32)
    overlap = matches.sum(axis=(1, 2)) / k
    adaptive_weight = 1.0 - overlap
    probs = jax.nn.sigmoid(topk_logits / TEMPERATURE)
    loss = -jnp.log(probs + EPS).mean(axis=1)
    loss = (loss * adaptive_weight).mean()
    return loss

if __name__ == "__main__":
    import jax
    _d = setup_inputs()
    print(jax.jit(kernel)(*tuple(_d.values())))

</pallas_src>

<mosaic_0001>
#map = affine_map<(d0, d1) -> (0, 0)>
module attributes {stable_mosaic.version = 14 : i64} {
  func.func @_sc_body(%arg0: i32, %arg1: i32, %arg2: memref<128x32768xf32, #tpu.memory_space<hbm>>, %arg3: memref<128x32768xf32, #tpu.memory_space<hbm>>, %arg4: memref<32x16xf32, #tpu.memory_space<hbm>>, %arg5: memref<32768xf32, #tpu.memory_space<vmem>>, %arg6: memref<32768xf32, #tpu.memory_space<vmem>>, %arg7: memref<4096xi32, #tpu.memory_space<vmem>>, %arg8: memref<4096xi32, #tpu.memory_space<vmem>>, %arg9: memref<32xi32, #tpu.memory_space<vmem>>, %arg10: memref<32xi32, #tpu.memory_space<vmem>>, %arg11: memref<16xf32, #tpu.memory_space<vmem>>, %arg12: memref<!tpu.dma_semaphore, #tpu.memory_space<semaphore_mem>>, %arg13: memref<!tpu.dma_semaphore, #tpu.memory_space<semaphore_mem>>) attributes {dimension_semantics = [#tpu.dimension_semantics<core_parallel>, #tpu.dimension_semantics<subcore_parallel>], iteration_bounds = array<i64: 2, 16>, scalar_prefetch = 0 : i64, scratch_operands = 9 : i64, tpu.core_type = #tpu.core_type<sc_vector_subcore>, window_params = [{transform_indices = #map}, {transform_indices = #map}, {transform_indices = #map}]} {
    %mul3A = arith.constant 2 : i32
    %mul3A_0 = arith.muli %arg1, %mul3A : i32
    %add3A = arith.addi %mul3A_0, %arg0 : i32
    %iota3A = tpu.iota {dimensions = array<i32: 0>} : vector<16xi32>
    %broadcast_in_dim3A = arith.constant 0.000000e+00 : f32
    %broadcast_in_dim3A_1 = vector.broadcast %broadcast_in_dim3A : f32 to vector<16xf32>
    %scan3A = arith.constant 0 : i32
    %scan3A_2 = arith.constant 4 : i32
    %scan3A_3 = arith.addi %scan3A, %scan3A_2 : i32
    %scan3A_4 = arith.constant 1 : i32
    %scan3A_5 = scf.for %scan3A_8 = %scan3A to %scan3A_3 step %scan3A_4 iter_args(%scan3A_9 = %broadcast_in_dim3A_1) -> (vector<16xf32>)  : i32 {
      %mul3A_10 = arith.constant 4 : i32
      %mul3A_11 = arith.muli %add3A, %mul3A_10 : i32
      %add3A_12 = arith.addi %mul3A_11, %scan3A_8 : i32
      %dma_start3A = arith.constant 0 : i32
      %dma_start3A_13 = tpu.memref_slice %arg3[%add3A_12, %dma_start3A] : memref<128x32768xf32, #tpu.memory_space<hbm>> -> memref<1x32768xf32, #tpu.memory_space<hbm>>
      %dma_start3A_14 = tpu.memref_squeeze %dma_start3A_13 : memref<1x32768xf32, #tpu.memory_space<hbm>> -> memref<32768xf32, #tpu.memory_space<hbm>>
      %dma_start3A_15 = arith.constant 0 : i32
      %dma_start3A_16 = tpu.memref_slice %arg3[%add3A_12, %dma_start3A_15] : memref<128x32768xf32, #tpu.memory_space<hbm>> -> memref<1x32768xf32, #tpu.memory_space<hbm>>
      %dma_start3A_17 = tpu.memref_squeeze %dma_start3A_16 : memref<1x32768xf32, #tpu.memory_space<hbm>> -> memref<32768xf32, #tpu.memory_space<hbm>>
      tpu.enqueue_dma source(%dma_start3A_17 : memref<32768xf32, #tpu.memory_space<hbm>>) target(%arg5 : memref<32768xf32, #tpu.memory_space<vmem>>) target_semaphore(%arg12 : memref<!tpu.dma_semaphore, #tpu.memory_space<semaphore_mem>>)
      %dma_start3A_18 = arith.constant 0 : i32
      %dma_start3A_19 = tpu.memref_slice %arg2[%add3A_12, %dma_start3A_18] : memref<128x32768xf32, #tpu.memory_space<hbm>> -> memref<1x32768xf32, #tpu.memory_space<hbm>>
      %dma_start3A_20 = tpu.memref_squeeze %dma_start3A_19 : memref<1x32768xf32, #tpu.memory_space<hbm>> -> memref<32768xf32, #tpu.memory_space<hbm>>
      %dma_start3A_21 = arith.constant 0 : i32
      %dma_start3A_22 = tpu.memref_slice %arg2[%add3A_12, %dma_start3A_21] : memref<128x32768xf32, #tpu.memory_space<hbm>> -> memref<1x32768xf32, #tpu.memory_space<hbm>>
      %dma_start3A_23 = tpu.memref_squeeze %dma_start3A_22 : memref<1x32768xf32, #tpu.memory_space<hbm>> -> memref<32768xf32, #tpu.memory_space<hbm>>
      tpu.enqueue_dma source(%dma_start3A_23 : memref<32768xf32, #tpu.memory_space<hbm>>) target(%arg6 : memref<32768xf32, #tpu.memory_space<vmem>>) target_semaphore(%arg13 : memref<!tpu.dma_semaphore, #tpu.memory_space<semaphore_mem>>)
      %dma_wait3A = arith.constant 0 : i32
      %dma_wait3A_24 = tpu.memref_slice %arg3[%add3A_12, %dma_wait3A] : memref<128x32768xf32, #tpu.memory_space<hbm>> -> memref<1x32768xf32, #tpu.memory_space<hbm>>
      %dma_wait3A_25 = tpu.memref_squeeze %dma_wait3A_24 : memref<1x32768xf32, #tpu.memory_space<hbm>> -> memref<32768xf32, #tpu.memory_space<hbm>>
      %dma_wait3A_26 = arith.constant 0 : i32
      %dma_wait3A_27 = tpu.memref_slice %arg3[%add3A_12, %dma_wait3A_26] : memref<128x32768xf32, #tpu.memory_space<hbm>> -> memref<1x32768xf32, #tpu.memory_space<hbm>>
      %dma_wait3A_28 = tpu.memref_squeeze %dma_wait3A_27 : memref<1x32768xf32, #tpu.memory_space<hbm>> -> memref<32768xf32, #tpu.memory_space<hbm>>
      tpu.wait_dma2 semaphore(%arg12 : memref<!tpu.dma_semaphore, #tpu.memory_space<semaphore_mem>>) src(%dma_wait3A_28 : memref<32768xf32, #tpu.memory_space<hbm>>) dst(%arg5 : memref<32768xf32, #tpu.memory_space<vmem>>)
      %dma_wait3A_29 = arith.constant 0 : i32
      %dma_wait3A_30 = tpu.memref_slice %arg2[%add3A_12, %dma_wait3A_29] : memref<128x32768xf32, #tpu.memory_space<hbm>> -> memref<1x32768xf32, #tpu.memory_space<hbm>>
      %dma_wait3A_31 = tpu.memref_squeeze %dma_wait3A_30 : memref<1x32768xf32, #tpu.memory_space<hbm>> -> memref<32768xf32, #tpu.memory_space<hbm>>
      %dma_wait3A_32 = arith.constant 0 : i32
      %dma_wait3A_33 = tpu.memref_slice %arg2[%add3A_12, %dma_wait3A_32] : memref<128x32768xf32, #tpu.memory_space<hbm>> -> memref<1x32768xf32, #tpu.memory_space<hbm>>
      %dma_wait3A_34 = tpu.memref_squeeze %dma_wait3A_33 : memref<1x32768xf32, #tpu.memory_space<hbm>> -> memref<32768xf32, #tpu.memory_space<hbm>>
      tpu.wait_dma2 semaphore(%arg13 : memref<!tpu.dma_semaphore, #tpu.memory_space<semaphore_mem>>) src(%dma_wait3A_34 : memref<32768xf32, #tpu.memory_space<hbm>>) dst(%arg6 : memref<32768xf32, #tpu.memory_space<vmem>>)
      %broadcast_in_dim3A_35 = arith.constant -1 : i32
      %broadcast_in_dim3A_36 = vector.broadcast %broadcast_in_dim3A_35 : i32 to vector<16xi32>
      %swap3A_37 = arith.constant 0 : index
      %swap3A_38 = tpu.vector_load %arg9[%swap3A_37] {strides = array<i32>} : memref<32xi32, #tpu.memory_space<vmem>>, vector<16xi32>,
      tpu.vector_store %arg9[%swap3A_37], %broadcast_in_dim3A_36 {strides = array<i32>} : memref<32xi32, #tpu.memory_space<vmem>>, vector<16xi32>,
      %broadcast_in_dim3A_39 = arith.constant -1 : i32
      %broadcast_in_dim3A_40 = vector.broadcast %broadcast_in_dim3A_39 : i32 to vector<16xi32>
      %swap3A_41 = arith.constant 16 : index
      %swap3A_42 = tpu.vector_load %arg9[%swap3A_41] {strides = array<i32>} : memref<32xi32, #tpu.memory_space<vmem>>, vector<16xi32>,
      tpu.vector_store %arg9[%swap3A_41], %broadcast_in_dim3A_40 {strides = array<i32>} : memref<32xi32, #tpu.memory_space<vmem>>, vector<16xi32>,
      %broadcast_in_dim3A_43 = arith.constant -2 : i32
      %broadcast_in_dim3A_44 = vector.broadcast %broadcast_in_dim3A_43 : i32 to vector<16xi32>
      %swap3A_45 = arith.constant 0 : index
      %swap3A_46 = tpu.vector_load %arg10[%swap3A_45] {strides = array<i32>} : memref<32xi32, #tpu.memory_space<vmem>>, vector<16xi32>,
      tpu.vector_store %arg10[%swap3A_45], %broadcast_in_dim3A_44 {strides = array<i32>} : memref<32xi32, #tpu.memory_space<vmem>>, vector<16xi32>,
      %broadcast_in_dim3A_47 = arith.constant -2 : i32
      %broadcast_in_dim3A_48 = vector.broadcast %broadcast_in_dim3A_47 : i32 to vector<16xi32>
      %swap3A_49 = arith.constant 16 : index
      %swap3A_50 = tpu.vector_load %arg10[%swap3A_49] {strides = array<i32>} : memref<32xi32, #tpu.memory_space<vmem>>, vector<16xi32>,
      tpu.vector_store %arg10[%swap3A_49], %broadcast_in_dim3A_48 {strides = array<i32>} : memref<32xi32, #tpu.memory_space<vmem>>, vector<16xi32>,
      %iota3A_51 = tpu.iota {dimensions = array<i32: 0>} : vector<16xi32>
      %broadcast_in_dim3A_52 = arith.constant 0 : i32
      %broadcast_in_dim3A_53 = vector.broadcast %broadcast_in_dim3A_52 : i32 to vector<16xi32>
      %get3A = arith.constant 0 : index
      %get3A_54 = tpu.vector_load %arg5[%get3A] {strides = array<i32>} : memref<32768xf32, #tpu.memory_space<vmem>>, vector<16xf32>,
      %get3A_55 = arith.constant 16 : index
      %get3A_56 = tpu.vector_load %arg5[%get3A_55] {strides = array<i32>} : memref<32768xf32, #tpu.memory_space<vmem>>, vector<16xf32>,
      %get3A_57 = arith.constant 0 : index
      %get3A_58 = tpu.vector_load %arg6[%get3A_57] {strides = array<i32>} : memref<32768xf32, #tpu.memory_space<vmem>>, vector<16xf32>,
      %get3A_59 = arith.constant 16 : index
      %get3A_60 = tpu.vector_load %arg6[%get3A_59] {strides = array<i32>} : memref<32768xf32, #tpu.memory_space<vmem>>, vector<16xf32>,
      %ge3A = arith.constant -3.400000e+38 : f32
      %ge3A_61 = vector.broadcast %ge3A : f32 to vector<16xf32>
      %ge3A_62 = arith.cmpf oge, %get3A_54, %ge3A_61 : vector<16xf32>
      %convert_element_type3A = arith.extui %ge3A_62 : vector<16xi1> to vector<16xi32>
      %broadcast_in_dim3A_63 = arith.constant true
      %broadcast_in_dim3A_64 = vector.broadcast %broadcast_in_dim3A_63 : i1 to vector<16xi1>
      %masked_cumsum3A = tpu.scan <sum>, %convert_element_type3A masked %broadcast_in_dim3A_64 : vector<16xi32>, vector<16xi1> -> vector<16xi32>
      %add3A_65 = arith.addi %broadcast_in_dim3A_53, %masked_cumsum3A : vector<16xi32>
      %sub3A = arith.subi %add3A_65, %convert_element_type3A : vector<16xi32>
      %min3A = arith.constant 4095 : i32
      %min3A_66 = vector.broadcast %min3A : i32 to vector<16xi32>
      %min3A_67 = arith.minsi %sub3A, %min3A_66 : vector<16xi32>
      tpu.vector_store_idx %arg7[%min3A_67], %iota3A_51 masked %ge3A_62 : memref<4096xi32, #tpu.memory_space<vmem>>[vector<16xi32>], vector<16xi32>, vector<16xi1>
      %all_reduce_population_count3A = tpu.all_reduce %ge3A_62 {dim = 0 : i64, kind = #tpu.reduction_kind<sum>} : vector<16xi1> -> vector<16xi32>
      %add3A_68 = arith.addi %broadcast_in_dim3A_53, %all_reduce_population_count3A : vector<16xi32>
      %add3A_69 = arith.constant 16 : i32
      %add3A_70 = vector.broadcast %add3A_69 : i32 to vector<16xi32>
      %add3A_71 = arith.addi %iota3A_51, %add3A_70 : vector<16xi32>
      %ge3A_72 = arith.constant -3.400000e+38 : f32
      %ge3A_73 = vector.broadcast %ge3A_72 : f32 to vector<16xf32>
      %ge3A_74 = arith.cmpf oge, %get3A_56, %ge3A_73 : vector<16xf32>
      %convert_element_type3A_75 = arith.extui %ge3A_74 : vector<16xi1> to vector<16xi32>
      %broadcast_in_dim3A_76 = arith.constant true
      %broadcast_in_dim3A_77 = vector.broadcast %broadcast_in_dim3A_76 : i1 to vector<16xi1>
      %masked_cumsum3A_78 = tpu.scan <sum>, %convert_element_type3A_75 masked %broadcast_in_dim3A_77 : vector<16xi32>, vector<16xi1> -> vector<16xi32>
      %add3A_79 = arith.addi %add3A_68, %masked_cumsum3A_78 : vector<16xi32>
      %sub3A_80 = arith.subi %add3A_79, %convert_element_type3A_75 : vector<16xi32>
      %min3A_81 = arith.constant 4095 : i32
      %min3A_82 = vector.broadcast %min3A_81 : i32 to vector<16xi32>
      %min3A_83 = arith.minsi %sub3A_80, %min3A_82 : vector<16xi32>
      tpu.vector_store_idx %arg7[%min3A_83], %add3A_71 masked %ge3A_74 : memref<4096xi32, #tpu.memory_space<vmem>>[vector<16xi32>], vector<16xi32>, vector<16xi1>
      %all_reduce_population_count3A_84 = tpu.all_reduce %ge3A_74 {dim = 0 : i64, kind = #tpu.reduction_kind<sum>} : vector<16xi1> -> vector<16xi32>
      %add3A_85 = arith.addi %add3A_68, %all_reduce_population_count3A_84 : vector<16xi32>
      %ge3A_86 = arith.constant -3.400000e+38 : f32
      %ge3A_87 = vector.broadcast %ge3A_86 : f32 to vector<16xf32>
      %ge3A_88 = arith.cmpf oge, %get3A_58, %ge3A_87 : vector<16xf32>
      %convert_element_type3A_89 = arith.extui %ge3A_88 : vector<16xi1> to vector<16xi32>
      %broadcast_in_dim3A_90 = arith.constant true
      %broadcast_in_dim3A_91 = vector.broadcast %broadcast_in_dim3A_90 : i1 to vector<16xi1>
      %masked_cumsum3A_92 = tpu.scan <sum>, %convert_element_type3A_89 masked %broadcast_in_dim3A_91 : vector<16xi32>, vector<16xi1> -> vector<16xi32>
      %add3A_93 = arith.addi %broadcast_in_dim3A_53, %masked_cumsum3A_92 : vector<16xi32>
      %sub3A_94 = arith.subi %add3A_93, %convert_element_type3A_89 : vector<16xi32>
      %min3A_95 = arith.constant 4095 : i32
      %min3A_96 = vector.broadcast %min3A_95 : i32 to vector<16xi32>
      %min3A_97 = arith.minsi %sub3A_94, %min3A_96 : vector<16xi32>
      tpu.vector_store_idx %arg8[%min3A_97], %iota3A_51 masked %ge3A_88 : memref<4096xi32, #tpu.memory_space<vmem>>[vector<16xi32>], vector<16xi32>, vector<16xi1>
      %all_reduce_population_count3A_98 = tpu.all_reduce %ge3A_88 {dim = 0 : i64, kind = #tpu.reduction_kind<sum>} : vector<16xi1> -> vector<16xi32>
      %add3A_99 = arith.addi %broadcast_in_dim3A_53, %all_reduce_population_count3A_98 : vector<16xi32>
      %add3A_100 = arith.constant 16 : i32
      %add3A_101 = vector.broadcast %add3A_100 : i32 to vector<16xi32>
      %add3A_102 = arith.addi %iota3A_51, %add3A_101 : vector<16xi32>
      %ge3A_103 = arith.constant -3.400000e+38 : f32
      %ge3A_104 = vector.broadcast %ge3A_103 : f32 to vector<16xf32>
      %ge3A_105 = arith.cmpf oge, %get3A_60, %ge3A_104 : vector<16xf32>
      %convert_element_type3A_106 = arith.extui %ge3A_105 : vector<16xi1> to vector<16xi32>
      %broadcast_in_dim3A_107 = arith.constant true
      %broadcast_in_dim3A_108 = vector.broadcast %broadcast_in_dim3A_107 : i1 to vector<16xi1>
      %masked_cumsum3A_109 = tpu.scan <sum>, %convert_element_type3A_106 masked %broadcast_in_dim3A_108 : vector<16xi32>, vector<16xi1> -> vector<16xi32>
      %add3A_110 = arith.addi %add3A_99, %masked_cumsum3A_109 : vector<16xi32>
      %sub3A_111 = arith.subi %add3A_110, %convert_element_type3A_106 : vector<16xi32>
      %min3A_112 = arith.constant 4095 : i32
      %min3A_113 = vector.broadcast %min3A_112 : i32 to vector<16xi32>
      %min3A_114 = arith.minsi %sub3A_111, %min3A_113 : vector<16xi32>
      tpu.vector_store_idx %arg8[%min3A_114], %add3A_102 masked %ge3A_105 : memref<4096xi32, #tpu.memory_space<vmem>>[vector<16xi32>], vector<16xi32>, vector<16xi1>
      %all_reduce_population_count3A_115 = tpu.all_reduce %ge3A_105 {dim = 0 : i64, kind = #tpu.reduction_kind<sum>} : vector<16xi1> -> vector<16xi32>
      %add3A_116 = arith.addi %add3A_99, %all_reduce_population_count3A_115 : vector<16xi32>
      %min3A_117 = arith.minimumf %get3A_54, %get3A_56 : vector<16xf32>
      %reduce_min3A = arith.constant true
      %reduce_min3A_118 = vector.broadcast %reduce_min3A : i1 to vector<16xi1>
      %reduce_min3A_119 = tpu.scan <min>, %min3A_117 masked %reduce_min3A_118 : vector<16xf32>, vector<16xi1> -> vector<16xf32>
      %reduce_min3A_120 = vector.extract %reduce_min3A_119[15] : f32 from vector<16xf32>
      %min3A_121 = arith.minimumf %get3A_58, %get3A_60 : vector<16xf32>
      %reduce_min3A_122 = arith.constant true
      %reduce_min3A_123 = vector.broadcast %reduce_min3A_122 : i1 to vector<16xi1>
      %reduce_min3A_124 = tpu.scan <min>, %min3A_121 masked %reduce_min3A_123 : vector<16xf32>, vector<16xi1> -> vector<16xf32>
      %reduce_min3A_125 = vector.extract %reduce_min3A_124[15] : f32 from vector<16xf32>
      %get3A_126 = arith.constant 32 : index
      %get3A_127 = tpu.vector_load %arg5[%get3A_126] {strides = array<i32>} : memref<32768xf32, #tpu.memory_space<vmem>>, vector<16xf32>,
      %add3A_128 = arith.constant 32 : i32
      %add3A_129 = vector.broadcast %add3A_128 : i32 to vector<16xi32>
      %add3A_130 = arith.addi %iota3A_51, %add3A_129 : vector<16xi32>
      %ge3A_131 = vector.broadcast %reduce_min3A_120 : f32 to vector<16xf32>
      %ge3A_132 = arith.cmpf oge, %get3A_127, %ge3A_131 : vector<16xf32>
      %convert_element_type3A_133 = arith.extui %ge3A_132 : vector<16xi1> to vector<16xi32>
      %broadcast_in_dim3A_134 = arith.constant true
      %broadcast_in_dim3A_135 = vector.broadcast %broadcast_in_dim3A_134 : i1 to vector<16xi1>
      %masked_cumsum3A_136 = tpu.scan <sum>, %convert_element_type3A_133 masked %broadcast_in_dim3A_135 : vector<16xi32>, vector<16xi1> -> vector<16xi32>
      %add3A_137 = arith.addi %add3A_85, %masked_cumsum3A_136 : vector<16xi32>
      %sub3A_138 = arith.subi %add3A_137, %convert_element_type3A_133 : vector<16xi32>
      %min3A_139 = arith.constant 4095 : i32
      %min3A_140 = vector.broadcast %min3A_139 : i32 to vector<16xi32>
      %min3A_141 = arith.minsi %sub3A_138, %min3A_140 : vector<16xi32>
      tpu.vector_store_idx %arg7[%min3A_141], %add3A_130 masked %ge3A_132 : memref<4096xi32, #tpu.memory_space<vmem>>[vector<16xi32>], vector<16xi32>, vector<16xi1>
      %all_reduce_population_count3A_142 = tpu.all_reduce %ge3A_132 {dim = 0 : i64, kind = #tpu.reduction_kind<sum>} : vector<16xi1> -> vector<16xi32>
      %add3A_143 = arith.addi %add3A_85, %all_reduce_population_count3A_142 : vector<16xi32>
      %min3A_144 = arith.minimumf %get3A_54, %get3A_127 : vector<16xf32>
      %max3A = arith.maximumf %get3A_56, %min3A_144 : vector<16xf32>
      %max3A_145 = arith.maximumf %get3A_54, %get3A_127 : vector<16xf32>
      %get3A_146 = arith.constant 32 : index
      %get3A_147 = tpu.vector_load %arg6[%get3A_146] {strides = array<i32>} : memref<32768xf32, #tpu.memory_space<vmem>>, vector<16xf32>,
      %add3A_148 = arith.constant 32 : i32
      %add3A_149 = vector.broadcast %add3A_148 : i32 to vector<16xi32>
      %add3A_150 = arith.addi %iota3A_51, %add3A_149 : vector<16xi32>
      %ge3A_151 = vector.broadcast %reduce_min3A_125 : f32 to vector<16xf32>
      %ge3A_152 = arith.cmpf oge, %get3A_147, %ge3A_151 : vector<16xf32>
      %convert_element_type3A_153 = arith.extui %ge3A_152 : vector<16xi1> to vector<16xi32>
      %broadcast_in_dim3A_154 = arith.constant true
      %broadcast_in_dim3A_155 = vector.broadcast %broadcast_in_dim3A_154 : i1 to vector<16xi1>
      %masked_cumsum3A_156 = tpu.scan <sum>, %convert_element_type3A_153 masked %broadcast_in_dim3A_155 : vector<16xi32>, vector<16xi1> -> vector<16xi32>
      %add3A_157 = arith.addi %add3A_116, %masked_cumsum3A_156 : vector<16xi32>
      %sub3A_158 = arith.subi %add3A_157, %convert_element_type3A_153 : vector<16xi32>
      %min3A_159 = arith.constant 4095 : i32
      %min3A_160 = vector.broadcast %min3A_159 : i32 to vector<16xi32>
      %min3A_161 = arith.minsi %sub3A_158, %min3A_160 : vector<16xi32>
      tpu.vector_store_idx %arg8[%min3A_161], %add3A_150 masked %ge3A_152 : memref<4096xi32, #tpu.memory_space<vmem>>[vector<16xi32>], vector<16xi32>, vector<16xi1>
      %all_reduce_population_count3A_162 = tpu.all_reduce %ge3A_152 {dim = 0 : i64, kind = #tpu.reduction_kind<sum>} : vector<16xi1> -> vector<16xi32>
      %add3A_163 = arith.addi %add3A_116, %all_reduce_population_count3A_162 : vector<16xi32>
      %min3A_164 = arith.minimumf %get3A_58, %get3A_147 : vector<16xf32>
      %max3A_165 = arith.maximumf %get3A_60, %min3A_164 : vector<16xf32>
      %max3A_166 = arith.maximumf %get3A_58, %get3A_147 : vector<16xf32>
      %get3A_167 = arith.constant 48 : index
      %get3A_168 = tpu.vector_load %arg5[%get3A_167] {strides = array<i32>} : memref<32768xf32, #tpu.memory_space<vmem>>, vector<16xf32>,
      %add3A_169 = arith.constant 48 : i32
      %add3A_170 = vector.broadcast %add3A_169 : i32 to vector<16xi32>
      %add3A_171 = arith.addi %iota3A_51, %add3A_170 : vector<16xi32>
      %ge3A_172 = vector.broadcast %reduce_min3A_120 : f32 to vector<16xf32>
      %ge3A_173 = arith.cmpf oge, %get3A_168, %ge3A_172 : vector<16xf32>
      %convert_element_type3A_174 = arith.extui %ge3A_173 : vector<16xi1> to vector<16xi32>
      %broadcast_in_dim3A_175 = arith.constant true
      %broadcast_in_dim3A_176 = vector.broadcast %broadcast_in_dim3A_175 : i1 to vector<16xi1>
      %masked_cumsum3A_177 = tpu.scan <sum>, %convert_element_type3A_174 masked %broadcast_in_dim3A_176 : vector<16xi32>, vector<16xi1> -> vector<16xi32>
      %add3A_178 = arith.addi %add3A_143, %masked_cumsum3A_177 : vector<16xi32>
      %sub3A_179 = arith.subi %add3A_178, %convert_element_type3A_174 : vector<16xi32>
      %min3A_180 = arith.constant 4095 : i32
      %min3A_181 = vector.broadcast %min3A_180 : i32 to vector<16xi32>
      %min3A_182 = arith.minsi %sub3A_179, %min3A_181 : vector<16xi32>
      tpu.vector_store_idx %arg7[%min3A_182], %add3A_171 masked %ge3A_173 : memref<4096xi32, #tpu.memory_space<vmem>>[vector<16xi32>], vector<16xi32>, vector<16xi1>
      %all_reduce_population_count3A_183 = tpu.all_reduce %ge3A_173 {dim = 0 : i64, kind = #tpu.reduction_kind<sum>} : vector<16xi1> -> vector<16xi32>
      %add3A_184 = arith.addi %add3A_143, %all_reduce_population_count3A_183 : vector<16xi32>
      %min3A_185 = arith.minimumf %max3A_145, %get3A_168 : vector<16xf32>
      %max3A_186 = arith.maximumf %max3A, %min3A_185 : vector<16xf32>
      %max3A_187 = arith.maximumf %max3A_145, %get3A_168 : vector<16xf32>
      %get3A_188 = arith.constant 48 : index
      %get3A_189 = tpu.vector_load %arg6[%get3A_188] {strides = array<i32>} : memref<32768xf32, #tpu.memory_space<vmem>>, vector<16xf32>,
      %add3A_190 = arith.constant 48 : i32
      %add3A_191 = vector.broadcast %add3A_190 : i32 to vector<16xi32>
      %add3A_192 = arith.addi %iota3A_51, %add3A_191 : vector<16xi32>
      %ge3A_193 = vector.broadcast %reduce_min3A_125 : f32 to vector<16xf32>
      %ge3A_194 = arith.cmpf oge, %get3A_189, %ge3A_193 : vector<16xf32>
      %convert_element_type3A_195 = arith.extui %ge3A_194 : vector<16xi1> to vector<16xi32>
      %broadcast_in_dim3A_196 = arith.constant true
      %broadcast_in_dim3A_197 = vector.broadcast %broadcast_in_dim3A_196 : i1 to vector<16xi1>
      %masked_cumsum3A_198 = tpu.scan <sum>, %convert_element_type3A_195 masked %broadcast_in_dim3A_197 : vector<16xi32>, vector<16xi1> -> vector<16xi32>
      %add3A_199 = arith.addi %add3A_163, %masked_cumsum3A_198 : vector<16xi32>
      %sub3A_200 = arith.subi %add3A_199, %convert_element_type3A_195 : vector<16xi32>
      %min3A_201 = arith.constant 4095 : i32
      %min3A_202 = vector.broadcast %min3A_201 : i32 to vector<16xi32>
      %min3A_203 = arith.minsi %sub3A_200, %min3A_202 : vector<16xi32>
      tpu.vector_store_idx %arg8[%min3A_203], %add3A_192 masked %ge3A_194 : memref<4096xi32, #tpu.memory_space<vmem>>[vector<16xi32>], vector<16xi32>, vector<16xi1>
      %all_reduce_population_count3A_204 = tpu.all_reduce %ge3A_194 {dim = 0 : i64, kind = #tpu.reduction_kind<sum>} : vector<16xi1> -> vector<16xi32>
      %add3A_205 = arith.addi %add3A_163, %all_reduce_population_count3A_204 : vector<16xi32>
      %min3A_206 = arith.minimumf %max3A_166, %get3A_189 : vector<16xf32>
      %max3A_207 = arith.maximumf %max3A_165, %min3A_206 : vector<16xf32>
      %max3A_208 = arith.maximumf %max3A_166, %get3A_189 : vector<16xf32>
      %min3A_209 = arith.minimumf %max3A_187, %max3A_186 : vector<16xf32>
      %reduce_min3A_210 = arith.constant true
      %reduce_min3A_211 = vector.broadcast %reduce_min3A_210 : i1 to vector<16xi1>
      %reduce_min3A_212 = tpu.scan <min>, %min3A_209 masked %reduce_min3A_211 : vector<16xf32>, vector<16xi1> -> vector<16xf32>
      %reduce_min3A_213 = vector.extract %reduce_min3A_212[15] : f32 from vector<16xf32>
      %min3A_214 = arith.minimumf %max3A_208, %max3A_207 : vector<16xf32>
      %reduce_min3A_215 = arith.constant true
      %reduce_min3A_216 = vector.broadcast %reduce_min3A_215 : i1 to vector<16xi1>
      %reduce_min3A_217 = tpu.scan <min>, %min3A_214 masked %reduce_min3A_216 : vector<16xf32>, vector<16xi1> -> vector<16xf32>
      %reduce_min3A_218 = vector.extract %reduce_min3A_217[15] : f32 from vector<16xf32>
      %scan3A_219 = arith.constant 1 : i32
      %scan3A_220 = arith.constant 511 : i32
      %scan3A_221 = arith.addi %scan3A_219, %scan3A_220 : i32
      %scan3A_222 = arith.constant 1 : i32
      %scan3A_223:8 = scf.for %scan3A_399 = %scan3A_219 to %scan3A_221 step %scan3A_222 iter_args(%scan3A_400 = %max3A_187, %scan3A_401 = %max3A_186, %scan3A_402 = %reduce_min3A_213, %scan3A_403 = %max3A_208, %scan3A_404 = %max3A_207, %scan3A_405 = %reduce_min3A_218, %scan3A_406 = %add3A_184, %scan3A_407 = %add3A_205) -> (vector<16xf32>, vector<16xf32>, f32, vector<16xf32>, vector<16xf32>, f32, vector<16xi32>, vector<16xi32>)  : i32 {
        %mul3A_408 = arith.constant 64 : i32
        %mul3A_409 = arith.muli %scan3A_399, %mul3A_408 : i32
        %add3A_410 = arith.constant 0 : i32
        %add3A_411 = arith.addi %mul3A_409, %add3A_410 : i32
        %get3A_412 = arith.index_cast %add3A_411 : i32 to index
        %get3A_413 = tpu.vector_load %arg5[%get3A_412] {strides = array<i32>} : memref<32768xf32, #tpu.memory_space<vmem>>, vector<16xf32>,
        %add3A_414 = arith.constant 16 : i32
        %add3A_415 = arith.addi %mul3A_409, %add3A_414 : i32
        %get3A_416 = arith.index_cast %add3A_415 : i32 to index
        %get3A_417 = tpu.vector_load %arg5[%get3A_416] {strides = array<i32>} : memref<32768xf32, #tpu.memory_space<vmem>>, vector<16xf32>,
        %add3A_418 = arith.constant 32 : i32
        %add3A_419 = arith.addi %mul3A_409, %add3A_418 : i32
        %get3A_420 = arith.index_cast %add3A_419 : i32 to index
        %get3A_421 = tpu.vector_load %arg5[%get3A_420] {strides = array<i32>} : memref<32768xf32, #tpu.memory_space<vmem>>, vector<16xf32>,
        %add3A_422 = arith.constant 48 : i32
        %add3A_423 = arith.addi %mul3A_409, %add3A_422 : i32
        %get3A_424 = arith.index_cast %add3A_423 : i32 to index
        %get3A_425 = tpu.vector_load %arg5[%get3A_424] {strides = array<i32>} : memref<32768xf32, #tpu.memory_space<vmem>>, vector<16xf32>,
        %add3A_426 = arith.constant 0 : i32
        %add3A_427 = arith.addi %mul3A_409, %add3A_426 : i32
        %get3A_428 = arith.index_cast %add3A_427 : i32 to index
        %get3A_429 = tpu.vector_load %arg6[%get3A_428] {strides = array<i32>} : memref<32768xf32, #tpu.memory_space<vmem>>, vector<16xf32>,
        %add3A_430 = arith.constant 16 : i32
        %add3A_431 = arith.addi %mul3A_409, %add3A_430 : i32
        %get3A_432 = arith.index_cast %add3A_431 : i32 to index
        %get3A_433 = tpu.vector_load %arg6[%get3A_432] {strides = array<i32>} : memref<32768xf32, #tpu.memory_space<vmem>>, vector<16xf32>,
        %add3A_434 = arith.constant 32 : i32
        %add3A_435 = arith.addi %mul3A_409, %add3A_434 : i32
        %get3A_436 = arith.index_cast %add3A_435 : i32 to index
        %get3A_437 = tpu.vector_load %arg6[%get3A_436] {strides = array<i32>} : memref<32768xf32, #tpu.memory_space<vmem>>, vector<16xf32>,
        %add3A_438 = arith.constant 48 : i32
        %add3A_439 = arith.addi %mul3A_409, %add3A_438 : i32
        %get3A_440 = arith.index_cast %add3A_439 : i32 to index
        %get3A_441 = tpu.vector_load %arg6[%get3A_440] {strides = array<i32>} : memref<32768xf32, #tpu.memory_space<vmem>>, vector<16xf32>,
        %max3A_442 = arith.maximumf %get3A_413, %get3A_417 : vector<16xf32>
        %max3A_443 = arith.maximumf %get3A_421, %get3A_425 : vector<16xf32>
        %max3A_444 = arith.maximumf %max3A_442, %max3A_443 : vector<16xf32>
        %max3A_445 = arith.maximumf %get3A_429, %get3A_433 : vector<16xf32>
        %max3A_446 = arith.maximumf %get3A_437, %get3A_441 : vector<16xf32>
        %max3A_447 = arith.maximumf %max3A_445, %max3A_446 : vector<16xf32>
        %ge3A_448 = vector.broadcast %scan3A_402 : f32 to vector<16xf32>
        %ge3A_449 = arith.cmpf oge, %max3A_444, %ge3A_448 : vector<16xf32>
        %ge3A_450 = vector.broadcast %scan3A_405 : f32 to vector<16xf32>
        %ge3A_451 = arith.cmpf oge, %max3A_447, %ge3A_450 : vector<16xf32>
        %or3A_452 = arith.ori %ge3A_449, %ge3A_451 : vector<16xi1>
        %all_reduce_population_count3A_453 = tpu.all_reduce %or3A_452 {dim = 0 : i64, kind = #tpu.reduction_kind<sum>} : vector<16xi1> -> vector<16xi32>
        %slice3A = vector.extract_strided_slice %all_reduce_population_count3A_453 {offsets = [0], sizes = [1], strides = [1]} : vector<16xi32> to vector<1xi32>
        %squeeze3A = vector.extract %slice3A[0] : i32 from vector<1xi32>
        %gt3A_454 = arith.constant 0 : i32
        %gt3A_455 = arith.cmpi sgt, %squeeze3A, %gt3A_454 : i32
        %convert_element_type3A_456 = arith.extui %gt3A_455 : i1 to i32
        %cond3A_457 = arith.constant 0 : i32
        %cond3A_458 = arith.cmpi ne, %convert_element_type3A_456, %cond3A_457 : i32
        %cond3A_459:8 = scf.if %cond3A_458 -> (vector<16xf32>, vector<16xf32>, f32, vector<16xf32>, vector<16xf32>, f32, vector<16xi32>, vector<16xi32>) {
          %min3A_460 = arith.minimumf %scan3A_400, %max3A_444 : vector<16xf32>
          %max3A_461 = arith.maximumf %scan3A_401, %min3A_460 : vector<16xf32>
          %max3A_462 = arith.maximumf %scan3A_400, %max3A_444 : vector<16xf32>
          %min3A_463 = arith.minimumf %scan3A_403, %max3A_447 : vector<16xf32>
          %max3A_464 = arith.maximumf %scan3A_404, %min3A_463 : vector<16xf32>
          %max3A_465 = arith.maximumf %scan3A_403, %max3A_447 : vector<16xf32>
          %add3A_466 = arith.constant 0 : i32
          %add3A_467 = arith.addi %mul3A_409, %add3A_466 : i32
          %add3A_468 = vector.broadcast %add3A_467 : i32 to vector<16xi32>
          %add3A_469 = arith.addi %iota3A_51, %add3A_468 : vector<16xi32>
          %ge3A_470 = vector.broadcast %scan3A_402 : f32 to vector<16xf32>
          %ge3A_471 = arith.cmpf oge, %get3A_413, %ge3A_470 : vector<16xf32>
          %convert_element_type3A_472 = arith.extui %ge3A_471 : vector<16xi1> to vector<16xi32>
          %broadcast_in_dim3A_473 = arith.constant true
          %broadcast_in_dim3A_474 = vector.broadcast %broadcast_in_dim3A_473 : i1 to vector<16xi1>
          %masked_cumsum3A_475 = tpu.scan <sum>, %convert_element_type3A_472 masked %broadcast_in_dim3A_474 : vector<16xi32>, vector<16xi1> -> vector<16xi32>
          %add3A_476 = arith.addi %scan3A_406, %masked_cumsum3A_475 : vector<16xi32>
          %sub3A_477 = arith.subi %add3A_476, %convert_element_type3A_472 : vector<16xi32>
          %min3A_478 = arith.constant 4095 : i32
          %min3A_479 = vector.broadcast %min3A_478 : i32 to vector<16xi32>
          %min3A_480 = arith.minsi %sub3A_477, %min3A_479 : vector<16xi32>
          tpu.vector_store_idx %arg7[%min3A_480], %add3A_469 masked %ge3A_471 : memref<4096xi32, #tpu.memory_space<vmem>>[vector<16xi32>], vector<16xi32>, vector<16xi1>
          %all_reduce_population_count3A_481 = tpu.all_reduce %ge3A_471 {dim = 0 : i64, kind = #tpu.reduction_kind<sum>} : vector<16xi1> -> vector<16xi32>
          %add3A_482 = arith.addi %scan3A_406, %all_reduce_population_count3A_481 : vector<16xi32>
          %add3A_483 = arith.constant 16 : i32
          %add3A_484 = arith.addi %mul3A_409, %add3A_483 : i32
          %add3A_485 = vector.broadcast %add3A_484 : i32 to vector<16xi32>
          %add3A_486 = arith.addi %iota3A_51, %add3A_485 : vector<16xi32>
          %ge3A_487 = vector.broadcast %scan3A_402 : f32 to vector<16xf32>
          %ge3A_488 = arith.cmpf oge, %get3A_417, %ge3A_487 : vector<16xf32>
          %convert_element_type3A_489 = arith.extui %ge3A_488 : vector<16xi1> to vector<16xi32>
          %broadcast_in_dim3A_490 = arith.constant true
          %broadcast_in_dim3A_491 = vector.broadcast %broadcast_in_dim3A_490 : i1 to vector<16xi1>
          %masked_cumsum3A_492 = tpu.scan <sum>, %convert_element_type3A_489 masked %broadcast_in_dim3A_491 : vector<16xi32>, vector<16xi1> -> vector<16xi32>
          %add3A_493 = arith.addi %add3A_482, %masked_cumsum3A_492 : vector<16xi32>
          %sub3A_494 = arith.subi %add3A_493, %convert_element_type3A_489 : vector<16xi32>
          %min3A_495 = arith.constant 4095 : i32
          %min3A_496 = vector.broadcast %min3A_495 : i32 to vector<16xi32>
          %min3A_497 = arith.minsi %sub3A_494, %min3A_496 : vector<16xi32>
          tpu.vector_store_idx %arg7[%min3A_497], %add3A_486 masked %ge3A_488 : memref<4096xi32, #tpu.memory_space<vmem>>[vector<16xi32>], vector<16xi32>, vector<16xi1>
          %all_reduce_population_count3A_498 = tpu.all_reduce %ge3A_488 {dim = 0 : i64, kind = #tpu.reduction_kind<sum>} : vector<16xi1> -> vector<16xi32>
          %add3A_499 = arith.addi %add3A_482, %all_reduce_population_count3A_498 : vector<16xi32>
          %add3A_500 = arith.constant 32 : i32
          %add3A_501 = arith.addi %mul3A_409, %add3A_500 : i32
          %add3A_502 = vector.broadcast %add3A_501 : i32 to vector<16xi32>
          %add3A_503 = arith.addi %iota3A_51, %add3A_502 : vector<16xi32>
          %ge3A_504 = vector.broadcast %scan3A_402 : f32 to vector<16xf32>
          %ge3A_505 = arith.cmpf oge, %get3A_421, %ge3A_504 : vector<16xf32>
          %convert_element_type3A_506 = arith.extui %ge3A_505 : vector<16xi1> to vector<16xi32>
          %broadcast_in_dim3A_507 = arith.constant true
          %broadcast_in_dim3A_508 = vector.broadcast %broadcast_in_dim3A_507 : i1 to vector<16xi1>
          %masked_cumsum3A_509 = tpu.scan <sum>, %convert_element_type3A_506 masked %broadcast_in_dim3A_508 : vector<16xi32>, vector<16xi1> -> vector<16xi32>
          %add3A_510 = arith.addi %add3A_499, %masked_cumsum3A_509 : vector<16xi32>
          %sub3A_511 = arith.subi %add3A_510, %convert_element_type3A_506 : vector<16xi32>
          %min3A_512 = arith.constant 4095 : i32
          %min3A_513 = vector.broadcast %min3A_512 : i32 to vector<16xi32>
          %min3A_514 = arith.minsi %sub3A_511, %min3A_513 : vector<16xi32>
          tpu.vector_store_idx %arg7[%min3A_514], %add3A_503 masked %ge3A_505 : memref<4096xi32, #tpu.memory_space<vmem>>[vector<16xi32>], vector<16xi32>, vector<16xi1>
          %all_reduce_population_count3A_515 = tpu.all_reduce %ge3A_505 {dim = 0 : i64, kind = #tpu.reduction_kind<sum>} : vector<16xi1> -> vector<16xi32>
          %add3A_516 = arith.addi %add3A_499, %all_reduce_population_count3A_515 : vector<16xi32>
          %add3A_517 = arith.constant 48 : i32
          %add3A_518 = arith.addi %mul3A_409, %add3A_517 : i32
          %add3A_519 = vector.broadcast %add3A_518 : i32 to vector<16xi32>
          %add3A_520 = arith.addi %iota3A_51, %add3A_519 : vector<16xi32>
          %ge3A_521 = vector.broadcast %scan3A_402 : f32 to vector<16xf32>
          %ge3A_522 = arith.cmpf oge, %get3A_425, %ge3A_521 : vector<16xf32>
          %convert_element_type3A_523 = arith.extui %ge3A_522 : vector<16xi1> to vector<16xi32>
          %broadcast_in_dim3A_524 = arith.constant true
          %broadcast_in_dim3A_525 = vector.broadcast %broadcast_in_dim3A_524 : i1 to vector<16xi1>
          %masked_cumsum3A_526 = tpu.scan <sum>, %convert_element_type3A_523 masked %broadcast_in_dim3A_525 : vector<16xi32>, vector<16xi1> -> vector<16xi32>
          %add3A_527 = arith.addi %add3A_516, %masked_cumsum3A_526 : vector<16xi32>
          %sub3A_528 = arith.subi %add3A_527, %convert_element_type3A_523 : vector<16xi32>
          %min3A_529 = arith.constant 4095 : i32
          %min3A_530 = vector.broadcast %min3A_529 : i32 to vector<16xi32>
          %min3A_531 = arith.minsi %sub3A_528, %min3A_530 : vector<16xi32>
          tpu.vector_store_idx %arg7[%min3A_531], %add3A_520 masked %ge3A_522 : memref<4096xi32, #tpu.memory_space<vmem>>[vector<16xi32>], vector<16xi32>, vector<16xi1>
          %all_reduce_population_count3A_532 = tpu.all_reduce %ge3A_522 {dim = 0 : i64, kind = #tpu.reduction_kind<sum>} : vector<16xi1> -> vector<16xi32>
          %add3A_533 = arith.addi %add3A_516, %all_reduce_population_count3A_532 : vector<16xi32>
          %add3A_534 = arith.constant 0 : i32
          %add3A_535 = arith.addi %mul3A_409, %add3A_534 : i32
          %add3A_536 = vector.broadcast %add3A_535 : i32 to vector<16xi32>
          %add3A_537 = arith.addi %iota3A_51, %add3A_536 : vector<16xi32>
          %ge3A_538 = vector.broadcast %scan3A_405 : f32 to vector<16xf32>
          %ge3A_539 = arith.cmpf oge, %get3A_429, %ge3A_538 : vector<16xf32>
          %convert_element_type3A_540 = arith.extui %ge3A_539 : vector<16xi1> to vector<16xi32>
          %broadcast_in_dim3A_541 = arith.constant true
          %broadcast_in_dim3A_542 = vector.broadcast %broadcast_in_dim3A_541 : i1 to vector<16xi1>
          %masked_cumsum3A_543 = tpu.scan <sum>, %convert_element_type3A_540 masked %broadcast_in_dim3A_542 : vector<16xi32>, vector<16xi1> -> vector<16xi32>
          %add3A_544 = arith.addi %scan3A_407, %masked_cumsum3A_543 : vector<16xi32>
          %sub3A_545 = arith.subi %add3A_544, %convert_element_type3A_540 : vector<16xi32>
          %min3A_546 = arith.constant 4095 : i32
          %min3A_547 = vector.broadcast %min3A_546 : i32 to vector<16xi32>
          %min3A_548 = arith.minsi %sub3A_545, %min3A_547 : vector<16xi32>
          tpu.vector_store_idx %arg8[%min3A_548], %add3A_537 masked %ge3A_539 : memref<4096xi32, #tpu.memory_space<vmem>>[vector<16xi32>], vector<16xi32>, vector<16xi1>
          %all_reduce_population_count3A_549 = tpu.all_reduce %ge3A_539 {dim = 0 : i64, kind = #tpu.reduction_kind<sum>} : vector<16xi1> -> vector<16xi32>
          %add3A_550 = arith.addi %scan3A_407, %all_reduce_population_count3A_549 : vector<16xi32>
          %add3A_551 = arith.constant 16 : i32
          %add3A_552 = arith.addi %mul3A_409, %add3A_551 : i32
          %add3A_553 = vector.broadcast %add3A_552 : i32 to vector<16xi32>
          %add3A_554 = arith.addi %iota3A_51, %add3A_553 : vector<16xi32>
          %ge3A_555 = vector.broadcast %scan3A_405 : f32 to vector<16xf32>
          %ge3A_556 = arith.cmpf oge, %get3A_433, %ge3A_555 : vector<16xf32>
          %convert_element_type3A_557 = arith.extui %ge3A_556 : vector<16xi1> to vector<16xi32>
          %broadcast_in_dim3A_558 = arith.constant true
          %broadcast_in_dim3A_559 = vector.broadcast %broadcast_in_dim3A_558 : i1 to vector<16xi1>
          %masked_cumsum3A_560 = tpu.scan <sum>, %convert_element_type3A_557 masked %broadcast_in_dim3A_559 : vector<16xi32>, vector<16xi1> -> vector<16xi32>
          %add3A_561 = arith.addi %add3A_550, %masked_cumsum3A_560 : vector<16xi32>
          %sub3A_562 = arith.subi %add3A_561, %convert_element_type3A_557 : vector<16xi32>
          %min3A_563 = arith.constant 4095 : i32
          %min3A_564 = vector.broadcast %min3A_563 : i32 to vector<16xi32>
          %min3A_565 = arith.minsi %sub3A_562, %min3A_564 : vector<16xi32>
          tpu.vector_store_idx %arg8[%min3A_565], %add3A_554 masked %ge3A_556 : memref<4096xi32, #tpu.memory_space<vmem>>[vector<16xi32>], vector<16xi32>, vector<16xi1>
          %all_reduce_population_count3A_566 = tpu.all_reduce %ge3A_556 {dim = 0 : i64, kind = #tpu.reduction_kind<sum>} : vector<16xi1> -> vector<16xi32>
          %add3A_567 = arith.addi %add3A_550, %all_reduce_population_count3A_566 : vector<16xi32>
          %add3A_568 = arith.constant 32 : i32
          %add3A_569 = arith.addi %mul3A_409, %add3A_568 : i32
          %add3A_570 = vector.broadcast %add3A_569 : i32 to vector<16xi32>
          %add3A_571 = arith.addi %iota3A_51, %add3A_570 : vector<16xi32>
          %ge3A_572 = vector.broadcast %scan3A_405 : f32 to vector<16xf32>
          %ge3A_573 = arith.cmpf oge, %get3A_437, %ge3A_572 : vector<16xf32>
          %convert_element_type3A_574 = arith.extui %ge3A_573 : vector<16xi1> to vector<16xi32>
          %broadcast_in_dim3A_575 = arith.constant true
          %broadcast_in_dim3A_576 = vector.broadcast %broadcast_in_dim3A_575 : i1 to vector<16xi1>
          %masked_cumsum3A_577 = tpu.scan <sum>, %convert_element_type3A_574 masked %broadcast_in_dim3A_576 : vector<16xi32>, vector<16xi1> -> vector<16xi32>
          %add3A_578 = arith.addi %add3A_567, %masked_cumsum3A_577 : vector<16xi32>
          %sub3A_579 = arith.subi %add3A_578, %convert_element_type3A_574 : vector<16xi32>
          %min3A_580 = arith.constant 4095 : i32
          %min3A_581 = vector.broadcast %min3A_580 : i32 to vector<16xi32>
          %min3A_582 = arith.minsi %sub3A_579, %min3A_581 : vector<16xi32>
          tpu.vector_store_idx %arg8[%min3A_582], %add3A_571 masked %ge3A_573 : memref<4096xi32, #tpu.memory_space<vmem>>[vector<16xi32>], vector<16xi32>, vector<16xi1>
          %all_reduce_population_count3A_583 = tpu.all_reduce %ge3A_573 {dim = 0 : i64, kind = #tpu.reduction_kind<sum>} : vector<16xi1> -> vector<16xi32>
          %add3A_584 = arith.addi %add3A_567, %all_reduce_population_count3A_583 : vector<16xi32>
          %add3A_585 = arith.constant 48 : i32
          %add3A_586 = arith.addi %mul3A_409, %add3A_585 : i32
          %add3A_587 = vector.broadcast %add3A_586 : i32 to vector<16xi32>
          %add3A_588 = arith.addi %iota3A_51, %add3A_587 : vector<16xi32>
          %ge3A_589 = vector.broadcast %scan3A_405 : f32 to vector<16xf32>
          %ge3A_590 = arith.cmpf oge, %get3A_441, %ge3A_589 : vector<16xf32>
          %convert_element_type3A_591 = arith.extui %ge3A_590 : vector<16xi1> to vector<16xi32>
          %broadcast_in_dim3A_592 = arith.constant true
          %broadcast_in_dim3A_593 = vector.broadcast %broadcast_in_dim3A_592 : i1 to vector<16xi1>
          %masked_cumsum3A_594 = tpu.scan <sum>, %convert_element_type3A_591 masked %broadcast_in_dim3A_593 : vector<16xi32>, vector<16xi1> -> vector<16xi32>
          %add3A_595 = arith.addi %add3A_584, %masked_cumsum3A_594 : vector<16xi32>
          %sub3A_596 = arith.subi %add3A_595, %convert_element_type3A_591 : vector<16xi32>
          %min3A_597 = arith.constant 4095 : i32
          %min3A_598 = vector.broadcast %min3A_597 : i32 to vector<16xi32>
          %min3A_599 = arith.minsi %sub3A_596, %min3A_598 : vector<16xi32>
          tpu.vector_store_idx %arg8[%min3A_599], %add3A_588 masked %ge3A_590 : memref<4096xi32, #tpu.memory_space<vmem>>[vector<16xi32>], vector<16xi32>, vector<16xi1>
          %all_reduce_population_count3A_600 = tpu.all_reduce %ge3A_590 {dim = 0 : i64, kind = #tpu.reduction_kind<sum>} : vector<16xi1> -> vector<16xi32>
          %add3A_601 = arith.addi %add3A_584, %all_reduce_population_count3A_600 : vector<16xi32>
          %min3A_602 = arith.minimumf %max3A_462, %max3A_461 : vector<16xf32>
          %reduce_min3A_603 = arith.constant true
          %reduce_min3A_604 = vector.broadcast %reduce_min3A_603 : i1 to vector<16xi1>
          %reduce_min3A_605 = tpu.scan <min>, %min3A_602 masked %reduce_min3A_604 : vector<16xf32>, vector<16xi1> -> vector<16xf32>
          %reduce_min3A_606 = vector.extract %reduce_min3A_605[15] : f32 from vector<16xf32>
          %min3A_607 = arith.minimumf %max3A_465, %max3A_464 : vector<16xf32>
          %reduce_min3A_608 = arith.constant true
          %reduce_min3A_609 = vector.broadcast %reduce_min3A_608 : i1 to vector<16xi1>
          %reduce_min3A_610 = tpu.scan <min>, %min3A_607 masked %reduce_min3A_609 : vector<16xf32>, vector<16xi1> -> vector<16xf32>
          %reduce_min3A_611 = vector.extract %reduce_min3A_610[15] : f32 from vector<16xf32>
          scf.yield %max3A_462, %max3A_461, %reduce_min3A_606, %max3A_465, %max3A_464, %reduce_min3A_611, %add3A_533, %add3A_601 : vector<16xf32>, vector<16xf32>, f32, vector<16xf32>, vector<16xf32>, f32, vector<16xi32>, vector<16xi32>
        } else {
          scf.yield %scan3A_400, %scan3A_401, %scan3A_402, %scan3A_403, %scan3A_404, %scan3A_405, %scan3A_406, %scan3A_407 : vector<16xf32>, vector<16xf32>, f32, vector<16xf32>, vector<16xf32>, f32, vector<16xi32>, vector<16xi32>
        }
        scf.yield %cond3A_459#0, %cond3A_459#1, %cond3A_459#2, %cond3A_459#3, %cond3A_459#4, %cond3A_459#5, %cond3A_459#6, %cond3A_459#7 : vector<16xf32>, vector<16xf32>, f32, vector<16xf32>, vector<16xf32>, f32, vector<16xi32>, vector<16xi32>
      }
      %scan3A_224 = arith.constant 511 : i32
      %reduce_max3A = arith.constant true
      %reduce_max3A_225 = vector.broadcast %reduce_max3A : i1 to vector<16xi1>
      %reduce_max3A_226 = arith.constant -2147483648 : i32
      %reduce_max3A_227 = vector.broadcast %reduce_max3A_226 : i32 to vector<16xi32>
      %reduce_max3A_228 = arith.xori %scan3A_223#6, %reduce_max3A_227 : vector<16xi32>
      %reduce_max3A_229 = tpu.scan <max>, %reduce_max3A_228 masked %reduce_max3A_225 : vector<16xi32>, vector<16xi1> -> vector<16xi32>
      %reduce_max3A_230 = arith.xori %reduce_max3A_229, %reduce_max3A_227 : vector<16xi32>
      %reduce_max3A_231 = vector.extract %reduce_max3A_230[15] : i32 from vector<16xi32>
      %reduce_max3A_232 = arith.constant true
      %reduce_max3A_233 = vector.broadcast %reduce_max3A_232 : i1 to vector<16xi1>
      %reduce_max3A_234 = arith.constant -2147483648 : i32
      %reduce_max3A_235 = vector.broadcast %reduce_max3A_234 : i32 to vector<16xi32>
      %reduce_max3A_236 = arith.xori %scan3A_223#7, %reduce_max3A_235 : vector<16xi32>
      %reduce_max3A_237 = tpu.scan <max>, %reduce_max3A_236 masked %reduce_max3A_233 : vector<16xi32>, vector<16xi1> -> vector<16xi32>
      %reduce_max3A_238 = arith.xori %reduce_max3A_237, %reduce_max3A_235 : vector<16xi32>
      %reduce_max3A_239 = vector.extract %reduce_max3A_238[15] : i32 from vector<16xi32>
      %gt3A = arith.constant 4095 : i32
      %gt3A_240 = arith.cmpi sgt, %reduce_max3A_231, %gt3A : i32
      %gt3A_241 = arith.constant 4095 : i32
      %gt3A_242 = arith.cmpi sgt, %reduce_max3A_239, %gt3A_241 : i32
      %or3A = arith.ori %gt3A_240, %gt3A_242 : i1
      %convert_element_type3A_243 = arith.extui %or3A : i1 to i32
      %cond3A = arith.constant 0 : i32
      %cond3A_244 = arith.cmpi ne, %convert_element_type3A_243, %cond3A : i32
      %cond3A_245 = scf.if %cond3A_244 -> (i32) {
        %get3A_399 = arith.constant 0 : index
        %get3A_400 = tpu.vector_load %arg5[%get3A_399] {strides = array<i32>} : memref<32768xf32, #tpu.memory_space<vmem>>, vector<16xf32>,
        %get3A_401 = arith.constant 16 : index
        %get3A_402 = tpu.vector_load %arg5[%get3A_401] {strides = array<i32>} : memref<32768xf32, #tpu.memory_space<vmem>>, vector<16xf32>,
        %masked_sort3A = arith.constant dense<true> : vector<16xi1>
        %masked_sort3A_403, %masked_sort3A_404, %masked_sort3A_405 = tpu.sort %get3A_400, %get3A_400 masked %masked_sort3A : (vector<16xf32>, vector<16xf32>, vector<16xi1>) -> (vector<16xi1>, vector<16xf32>, vector<16xf32>)
        %masked_sort3A_406 = arith.constant dense<true> : vector<16xi1>
        %masked_sort3A_407, %masked_sort3A_408, %masked_sort3A_409 = tpu.sort %get3A_402, %get3A_402 masked %masked_sort3A_406 {descending = true} : (vector<16xf32>, vector<16xf32>, vector<16xi1>) -> (vector<16xi1>, vector<16xf32>, vector<16xf32>)
        %max3A_410 = arith.maximumf %masked_sort3A_404, %masked_sort3A_408 : vector<16xf32>
        %masked_sort3A_411 = arith.constant dense<true> : vector<16xi1>
        %masked_sort3A_412, %masked_sort3A_413, %masked_sort3A_414 = tpu.sort %max3A_410, %max3A_410 masked %masked_sort3A_411 : (vector<16xf32>, vector<16xf32>, vector<16xi1>) -> (vector<16xi1>, vector<16xf32>, vector<16xf32>)
        %min3A_415 = arith.minimumf %masked_sort3A_404, %masked_sort3A_408 : vector<16xf32>
        %masked_sort3A_416 = arith.constant dense<true> : vector<16xi1>
        %masked_sort3A_417, %masked_sort3A_418, %masked_sort3A_419 = tpu.sort %min3A_415, %min3A_415 masked %masked_sort3A_416 {descending = true} : (vector<16xf32>, vector<16xf32>, vector<16xi1>) -> (vector<16xi1>, vector<16xf32>, vector<16xf32>)
        %reduce_min3A_420 = arith.constant true
        %reduce_min3A_421 = vector.broadcast %reduce_min3A_420 : i1 to vector<16xi1>
        %reduce_min3A_422 = tpu.scan <min>, %masked_sort3A_418 masked %reduce_min3A_421 : vector<16xf32>, vector<16xi1> -> vector<16xf32>
        %reduce_min3A_423 = vector.extract %reduce_min3A_422[15] : f32 from vector<16xf32>
        %get3A_424 = arith.constant 0 : index
        %get3A_425 = tpu.vector_load %arg6[%get3A_424] {strides = array<i32>} : memref<32768xf32, #tpu.memory_space<vmem>>, vector<16xf32>,
        %get3A_426 = arith.constant 16 : index
        %get3A_427 = tpu.vector_load %arg6[%get3A_426] {strides = array<i32>} : memref<32768xf32, #tpu.memory_space<vmem>>, vector<16xf32>,
        %masked_sort3A_428 = arith.constant dense<true> : vector<16xi1>
        %masked_sort3A_429, %masked_sort3A_430, %masked_sort3A_431 = tpu.sort %get3A_425, %get3A_425 masked %masked_sort3A_428 : (vector<16xf32>, vector<16xf32>, vector<16xi1>) -> (vector<16xi1>, vector<16xf32>, vector<16xf32>)
        %masked_sort3A_432 = arith.constant dense<true> : vector<16xi1>
        %masked_sort3A_433, %masked_sort3A_434, %masked_sort3A_435 = tpu.sort %get3A_427, %get3A_427 masked %masked_sort3A_432 {descending = true} : (vector<16xf32>, vector<16xf32>, vector<16xi1>) -> (vector<16xi1>, vector<16xf32>, vector<16xf32>)
        %max3A_436 = arith.maximumf %masked_sort3A_430, %masked_sort3A_434 : vector<16xf32>
        %masked_sort3A_437 = arith.constant dense<true> : vector<16xi1>
        %masked_sort3A_438, %masked_sort3A_439, %masked_sort3A_440 = tpu.sort %max3A_436, %max3A_436 masked %masked_sort3A_437 : (vector<16xf32>, vector<16xf32>, vector<16xi1>) -> (vector<16xi1>, vector<16xf32>, vector<16xf32>)
        %min3A_441 = arith.minimumf %masked_sort3A_430, %masked_sort3A_434 : vector<16xf32>
        %masked_sort3A_442 = arith.constant dense<true> : vector<16xi1>
        %masked_sort3A_443, %masked_sort3A_444, %masked_sort3A_445 = tpu.sort %min3A_441, %min3A_441 masked %masked_sort3A_442 {descending = true} : (vector<16xf32>, vector<16xf32>, vector<16xi1>) -> (vector<16xi1>, vector<16xf32>, vector<16xf32>)
        %reduce_min3A_446 = arith.constant true
        %reduce_min3A_447 = vector.broadcast %reduce_min3A_446 : i1 to vector<16xi1>
        %reduce_min3A_448 = tpu.scan <min>, %masked_sort3A_444 masked %reduce_min3A_447 : vector<16xf32>, vector<16xi1> -> vector<16xf32>
        %reduce_min3A_449 = vector.extract %reduce_min3A_448[15] : f32 from vector<16xf32>
        %get3A_450 = arith.constant 32 : index
        %get3A_451 = tpu.vector_load %arg5[%get3A_450] {strides = array<i32>} : memref<32768xf32, #tpu.memory_space<vmem>>, vector<16xf32>,
        %gt3A_452 = vector.broadcast %reduce_min3A_423 : f32 to vector<16xf32>
        %gt3A_453 = arith.cmpf ogt, %get3A_451, %gt3A_452 : vector<16xf32>
        %all_reduce_population_count3A_454 = tpu.all_reduce %gt3A_453 {dim = 0 : i64, kind = #tpu.reduction_kind<sum>} : vector<16xi1> -> vector<16xi32>
        %slice3A = vector.extract_strided_slice %all_reduce_population_count3A_454 {offsets = [0], sizes = [1], strides = [1]} : vector<16xi32> to vector<1xi32>
        %squeeze3A = vector.extract %slice3A[0] : i32 from vector<1xi32>
        %gt3A_455 = arith.constant 0 : i32
        %gt3A_456 = arith.cmpi sgt, %squeeze3A, %gt3A_455 : i32
        %convert_element_type3A_457 = arith.extui %gt3A_456 : i1 to i32
        %cond3A_458 = arith.constant 0 : i32
        %cond3A_459 = arith.cmpi ne, %convert_element_type3A_457, %cond3A_458 : i32
        %cond3A_460:3 = scf.if %cond3A_459 -> (vector<16xf32>, vector<16xf32>, f32) {
          %masked_sort3A_577 = arith.constant dense<true> : vector<16xi1>
          %masked_sort3A_578, %masked_sort3A_579, %masked_sort3A_580 = tpu.sort %get3A_451, %get3A_451 masked %masked_sort3A_577 : (vector<16xf32>, vector<16xf32>, vector<16xi1>) -> (vector<16xi1>, vector<16xf32>, vector<16xf32>)
          %max3A_581 = arith.maximumf %masked_sort3A_579, %masked_sort3A_418 : vector<16xf32>
          %masked_sort3A_582 = arith.constant dense<true> : vector<16xi1>
          %masked_sort3A_583, %masked_sort3A_584, %masked_sort3A_585 = tpu.sort %max3A_581, %max3A_581 masked %masked_sort3A_582 {descending = true} : (vector<16xf32>, vector<16xf32>, vector<16xi1>) -> (vector<16xi1>, vector<16xf32>, vector<16xf32>)
          %max3A_586 = arith.maximumf %masked_sort3A_413, %masked_sort3A_584 : vector<16xf32>
          %masked_sort3A_587 = arith.constant dense<true> : vector<16xi1>
          %masked_sort3A_588, %masked_sort3A_589, %masked_sort3A_590 = tpu.sort %max3A_586, %max3A_586 masked %masked_sort3A_587 : (vector<16xf32>, vector<16xf32>, vector<16xi1>) -> (vector<16xi1>, vector<16xf32>, vector<16xf32>)
          %min3A_591 = arith.minimumf %masked_sort3A_413, %masked_sort3A_584 : vector<16xf32>
          %masked_sort3A_592 = arith.constant dense<true> : vector<16xi1>
          %masked_sort3A_593, %masked_sort3A_594, %masked_sort3A_595 = tpu.sort %min3A_591, %min3A_591 masked %masked_sort3A_592 {descending = true} : (vector<16xf32>, vector<16xf32>, vector<16xi1>) -> (vector<16xi1>, vector<16xf32>, vector<16xf32>)
          %reduce_min3A_596 = arith.constant true
          %reduce_min3A_597 = vector.broadcast %reduce_min3A_596 : i1 to vector<16xi1>
          %reduce_min3A_598 = tpu.scan <min>, %masked_sort3A_594 masked %reduce_min3A_597 : vector<16xf32>, vector<16xi1> -> vector<16xf32>
          %reduce_min3A_599 = vector.extract %reduce_min3A_598[15] : f32 from vector<16xf32>
          scf.yield %masked_sort3A_589, %masked_sort3A_594, %reduce_min3A_599 : vector<16xf32>, vector<16xf32>, f32
        } else {
          scf.yield %masked_sort3A_413, %masked_sort3A_418, %reduce_min3A_423 : vector<16xf32>, vector<16xf32>, f32
        }
        %get3A_461 = arith.constant 32 : index
        %get3A_462 = tpu.vector_load %arg6[%get3A_461] {strides = array<i32>} : memref<32768xf32, #tpu.memory_space<vmem>>, vector<16xf32>,
        %gt3A_463 = vector.broadcast %reduce_min3A_449 : f32 to vector<16xf32>
        %gt3A_464 = arith.cmpf ogt, %get3A_462, %gt3A_463 : vector<16xf32>
        %all_reduce_population_count3A_465 = tpu.all_reduce %gt3A_464 {dim = 0 : i64, kind = #tpu.reduction_kind<sum>} : vector<16xi1> -> vector<16xi32>
        %slice3A_466 = vector.extract_strided_slice %all_reduce_population_count3A_465 {offsets = [0], sizes = [1], strides = [1]} : vector<16xi32> to vector<1xi32>
        %squeeze3A_467 = vector.extract %slice3A_466[0] : i32 from vector<1xi32>
        %gt3A_468 = arith.constant 0 : i32
        %gt3A_469 = arith.cmpi sgt, %squeeze3A_467, %gt3A_468 : i32
        %convert_element_type3A_470 = arith.extui %gt3A_469 : i1 to i32
        %cond3A_471 = arith.constant 0 : i32
        %cond3A_472 = arith.cmpi ne, %convert_element_type3A_470, %cond3A_471 : i32
        %cond3A_473:3 = scf.if %cond3A_472 -> (vector<16xf32>, vector<16xf32>, f32) {
          %masked_sort3A_577 = arith.constant dense<true> : vector<16xi1>
          %masked_sort3A_578, %masked_sort3A_579, %masked_sort3A_580 = tpu.sort %get3A_462, %get3A_462 masked %masked_sort3A_577 : (vector<16xf32>, vector<16xf32>, vector<16xi1>) -> (vector<16xi1>, vector<16xf32>, vector<16xf32>)
          %max3A_581 = arith.maximumf %masked_sort3A_579, %masked_sort3A_444 : vector<16xf32>
          %masked_sort3A_582 = arith.constant dense<true> : vector<16xi1>
          %masked_sort3A_583, %masked_sort3A_584, %masked_sort3A_585 = tpu.sort %max3A_581, %max3A_581 masked %masked_sort3A_582 {descending = true} : (vector<16xf32>, vector<16xf32>, vector<16xi1>) -> (vector<16xi1>, vector<16xf32>, vector<16xf32>)
          %max3A_586 = arith.maximumf %masked_sort3A_439, %masked_sort3A_584 : vector<16xf32>
          %masked_sort3A_587 = arith.constant dense<true> : vector<16xi1>
          %masked_sort3A_588, %masked_sort3A_589, %masked_sort3A_590 = tpu.sort %max3A_586, %max3A_586 masked %masked_sort3A_587 : (vector<16xf32>, vector<16xf32>, vector<16xi1>) -> (vector<16xi1>, vector<16xf32>, vector<16xf32>)
          %min3A_591 = arith.minimumf %masked_sort3A_439, %masked_sort3A_584 : vector<16xf32>
          %masked_sort3A_592 = arith.constant dense<true> : vector<16xi1>
          %masked_sort3A_593, %masked_sort3A_594, %masked_sort3A_595 = tpu.sort %min3A_591, %min3A_591 masked %masked_sort3A_592 {descending = true} : (vector<16xf32>, vector<16xf32>, vector<16xi1>) -> (vector<16xi1>, vector<16xf32>, vector<16xf32>)
          %reduce_min3A_596 = arith.constant true
          %reduce_min3A_597 = vector.broadcast %reduce_min3A_596 : i1 to vector<16xi1>
          %reduce_min3A_598 = tpu.scan <min>, %masked_sort3A_594 masked %reduce_min3A_597 : vector<16xf32>, vector<16xi1> -> vector<16xf32>
          %reduce_min3A_599 = vector.extract %reduce_min3A_598[15] : f32 from vector<16xf32>
          scf.yield %masked_sort3A_589, %masked_sort3A_594, %reduce_min3A_599 : vector<16xf32>, vector<16xf32>, f32
        } else {
          scf.yield %masked_sort3A_439, %masked_sort3A_444, %reduce_min3A_449 : vector<16xf32>, vector<16xf32>, f32
        }
        %get3A_474 = arith.constant 48 : index
        %get3A_475 = tpu.vector_load %arg5[%get3A_474] {strides = array<i32>} : memref<32768xf32, #tpu.memory_space<vmem>>, vector<16xf32>,
        %gt3A_476 = vector.broadcast %cond3A_460#2 : f32 to vector<16xf32>
        %gt3A_477 = arith.cmpf ogt, %get3A_475, %gt3A_476 : vector<16xf32>
        %all_reduce_population_count3A_478 = tpu.all_reduce %gt3A_477 {dim = 0 : i64, kind = #tpu.reduction_kind<sum>} : vector<16xi1> -> vector<16xi32>
        %slice3A_479 = vector.extract_strided_slice %all_reduce_population_count3A_478 {offsets = [0], sizes = [1], strides = [1]} : vector<16xi32> to vector<1xi32>
        %squeeze3A_480 = vector.extract %slice3A_479[0] : i32 from vector<1xi32>
        %gt3A_481 = arith.constant 0 : i32
        %gt3A_482 = arith.cmpi sgt, %squeeze3A_480, %gt3A_481 : i32
        %convert_element_type3A_483 = arith.extui %gt3A_482 : i1 to i32
        %cond3A_484 = arith.constant 0 : i32
        %cond3A_485 = arith.cmpi ne, %convert_element_type3A_483, %cond3A_484 : i32
        %cond3A_486:3 = scf.if %cond3A_485 -> (vector<16xf32>, vector<16xf32>, f32) {
          %masked_sort3A_577 = arith.constant dense<true> : vector<16xi1>
          %masked_sort3A_578, %masked_sort3A_579, %masked_sort3A_580 = tpu.sort %get3A_475, %get3A_475 masked %masked_sort3A_577 : (vector<16xf32>, vector<16xf32>, vector<16xi1>) -> (vector<16xi1>, vector<16xf32>, vector<16xf32>)
          %max3A_581 = arith.maximumf %masked_sort3A_579, %cond3A_460#1 : vector<16xf32>
          %masked_sort3A_582 = arith.constant dense<true> : vector<16xi1>
          %masked_sort3A_583, %masked_sort3A_584, %masked_sort3A_585 = tpu.sort %max3A_581, %max3A_581 masked %masked_sort3A_582 {descending = true} : (vector<16xf32>, vector<16xf32>, vector<16xi1>) -> (vector<16xi1>, vector<16xf32>, vector<16xf32>)
          %max3A_586 = arith.maximumf %cond3A_460#0, %masked_sort3A_584 : vector<16xf32>
          %masked_sort3A_587 = arith.constant dense<true> : vector<16xi1>
          %masked_sort3A_588, %masked_sort3A_589, %masked_sort3A_590 = tpu.sort %max3A_586, %max3A_586 masked %masked_sort3A_587 : (vector<16xf32>, vector<16xf32>, vector<16xi1>) -> (vector<16xi1>, vector<16xf32>, vector<16xf32>)
          %min3A_591 = arith.minimumf %cond3A_460#0, %masked_sort3A_584 : vector<16xf32>
          %masked_sort3A_592 = arith.constant dense<true> : vector<16xi1>
          %masked_sort3A_593, %masked_sort3A_594, %masked_sort3A_595 = tpu.sort %min3A_591, %min3A_591 masked %masked_sort3A_592 {descending = true} : (vector<16xf32>, vector<16xf32>, vector<16xi1>) -> (vector<16xi1>, vector<16xf32>, vector<16xf32>)
          %reduce_min3A_596 = arith.constant true
          %reduce_min3A_597 = vector.broadcast %reduce_min3A_596 : i1 to vector<16xi1>
          %reduce_min3A_598 = tpu.scan <min>, %masked_sort3A_594 masked %reduce_min3A_597 : vector<16xf32>, vector<16xi1> -> vector<16xf32>
          %reduce_min3A_599 = vector.extract %reduce_min3A_598[15] : f32 from vector<16xf32>
          scf.yield %masked_sort3A_589, %masked_sort3A_594, %reduce_min3A_599 : vector<16xf32>, vector<16xf32>, f32
        } else {
          scf.yield %cond3A_460#0, %cond3A_460#1, %cond3A_460#2 : vector<16xf32>, vector<16xf32>, f32
        }
        %get3A_487 = arith.constant 48 : index
        %get3A_488 = tpu.vector_load %arg6[%get3A_487] {strides = array<i32>} : memref<32768xf32, #tpu.memory_space<vmem>>, vector<16xf32>,
        %gt3A_489 = vector.broadcast %cond3A_473#2 : f32 to vector<16xf32>
        %gt3A_490 = arith.cmpf ogt, %get3A_488, %gt3A_489 : vector<16xf32>
        %all_reduce_population_count3A_491 = tpu.all_reduce %gt3A_490 {dim = 0 : i64, kind = #tpu.reduction_kind<sum>} : vector<16xi1> -> vector<16xi32>
        %slice3A_492 = vector.extract_strided_slice %all_reduce_population_count3A_491 {offsets = [0], sizes = [1], strides = [1]} : vector<16xi32> to vector<1xi32>
        %squeeze3A_493 = vector.extract %slice3A_492[0] : i32 from vector<1xi32>
        %gt3A_494 = arith.constant 0 : i32
        %gt3A_495 = arith.cmpi sgt, %squeeze3A_493, %gt3A_494 : i32
        %convert_element_type3A_496 = arith.extui %gt3A_495 : i1 to i32
        %cond3A_497 = arith.constant 0 : i32
        %cond3A_498 = arith.cmpi ne, %convert_element_type3A_496, %cond3A_497 : i32
        %cond3A_499:3 = scf.if %cond3A_498 -> (vector<16xf32>, vector<16xf32>, f32) {
          %masked_sort3A_577 = arith.constant dense<true> : vector<16xi1>
          %masked_sort3A_578, %masked_sort3A_579, %masked_sort3A_580 = tpu.sort %get3A_488, %get3A_488 masked %masked_sort3A_577 : (vector<16xf32>, vector<16xf32>, vector<16xi1>) -> (vector<16xi1>, vector<16xf32>, vector<16xf32>)
          %max3A_581 = arith.maximumf %masked_sort3A_579, %cond3A_473#1 : vector<16xf32>
          %masked_sort3A_582 = arith.constant dense<true> : vector<16xi1>
          %masked_sort3A_583, %masked_sort3A_584, %masked_sort3A_585 = tpu.sort %max3A_581, %max3A_581 masked %masked_sort3A_582 {descending = true} : (vector<16xf32>, vector<16xf32>, vector<16xi1>) -> (vector<16xi1>, vector<16xf32>, vector<16xf32>)
          %max3A_586 = arith.maximumf %cond3A_473#0, %masked_sort3A_584 : vector<16xf32>
          %masked_sort3A_587 = arith.constant dense<true> : vector<16xi1>
          %masked_sort3A_588, %masked_sort3A_589, %masked_sort3A_590 = tpu.sort %max3A_586, %max3A_586 masked %masked_sort3A_587 : (vector<16xf32>, vector<16xf32>, vector<16xi1>) -> (vector<16xi1>, vector<16xf32>, vector<16xf32>)
          %min3A_591 = arith.minimumf %cond3A_473#0, %masked_sort3A_584 : vector<16xf32>
          %masked_sort3A_592 = arith.constant dense<true> : vector<16xi1>
          %masked_sort3A_593, %masked_sort3A_594, %masked_sort3A_595 = tpu.sort %min3A_591, %min3A_591 masked %masked_sort3A_592 {descending = true} : (vector<16xf32>, vector<16xf32>, vector<16xi1>) -> (vector<16xi1>, vector<16xf32>, vector<16xf32>)
          %reduce_min3A_596 = arith.constant true
          %reduce_min3A_597 = vector.broadcast %reduce_min3A_596 : i1 to vector<16xi1>
          %reduce_min3A_598 = tpu.scan <min>, %masked_sort3A_594 masked %reduce_min3A_597 : vector<16xf32>, vector<16xi1> -> vector<16xf32>
          %reduce_min3A_599 = vector.extract %reduce_min3A_598[15] : f32 from vector<16xf32>
          scf.yield %masked_sort3A_589, %masked_sort3A_594, %reduce_min3A_599 : vector<16xf32>, vector<16xf32>, f32
        } else {
          scf.yield %cond3A_473#0, %cond3A_473#1, %cond3A_473#2 : vector<16xf32>, vector<16xf32>, f32
        }
        %scan3A_500 = arith.constant 1 : i32
        %scan3A_501 = arith.constant 511 : i32
        %scan3A_502 = arith.addi %scan3A_500, %scan3A_501 : i32
        %scan3A_503 = arith.constant 1 : i32
        %scan3A_504:6 = scf.for %scan3A_577 = %scan3A_500 to %scan3A_502 step %scan3A_503 iter_args(%scan3A_578 = %cond3A_486#0, %scan3A_579 = %cond3A_486#1, %scan3A_580 = %cond3A_486#2, %scan3A_581 = %cond3A_499#0, %scan3A_582 = %cond3A_499#1, %scan3A_583 = %cond3A_499#2) -> (vector<16xf32>, vector<16xf32>, f32, vector<16xf32>, vector<16xf32>, f32)  : i32 {
          %mul3A_584 = arith.constant 64 : i32
          %mul3A_585 = arith.muli %scan3A_577, %mul3A_584 : i32
          %add3A_586 = arith.constant 0 : i32
          %add3A_587 = arith.addi %mul3A_585, %add3A_586 : i32
          %get3A_588 = arith.index_cast %add3A_587 : i32 to index
          %get3A_589 = tpu.vector_load %arg5[%get3A_588] {strides = array<i32>} : memref<32768xf32, #tpu.memory_space<vmem>>, vector<16xf32>,
          %add3A_590 = arith.constant 16 : i32
          %add3A_591 = arith.addi %mul3A_585, %add3A_590 : i32
          %get3A_592 = arith.index_cast %add3A_591 : i32 to index
          %get3A_593 = tpu.vector_load %arg5[%get3A_592] {strides = array<i32>} : memref<32768xf32, #tpu.memory_space<vmem>>, vector<16xf32>,
          %add3A_594 = arith.constant 32 : i32
          %add3A_595 = arith.addi %mul3A_585, %add3A_594 : i32
          %get3A_596 = arith.index_cast %add3A_595 : i32 to index
          %get3A_597 = tpu.vector_load %arg5[%get3A_596] {strides = array<i32>} : memref<32768xf32, #tpu.memory_space<vmem>>, vector<16xf32>,
          %add3A_598 = arith.constant 48 : i32
          %add3A_599 = arith.addi %mul3A_585, %add3A_598 : i32
          %get3A_600 = arith.index_cast %add3A_599 : i32 to index
          %get3A_601 = tpu.vector_load %arg5[%get3A_600] {strides = array<i32>} : memref<32768xf32, #tpu.memory_space<vmem>>, vector<16xf32>,
          %add3A_602 = arith.constant 0 : i32
          %add3A_603 = arith.addi %mul3A_585, %add3A_602 : i32
          %get3A_604 = arith.index_cast %add3A_603 : i32 to index
          %get3A_605 = tpu.vector_load %arg6[%get3A_604] {strides = array<i32>} : memref<32768xf32, #tpu.memory_space<vmem>>, vector<16xf32>,
          %add3A_606 = arith.constant 16 : i32
          %add3A_607 = arith.addi %mul3A_585, %add3A_606 : i32
          %get3A_608 = arith.index_cast %add3A_607 : i32 to index
          %get3A_609 = tpu.vector_load %arg6[%get3A_608] {strides = array<i32>} : memref<32768xf32, #tpu.memory_space<vmem>>, vector<16xf32>,
          %add3A_610 = arith.constant 32 : i32
          %add3A_611 = arith.addi %mul3A_585, %add3A_610 : i32
          %get3A_612 = arith.index_cast %add3A_611 : i32 to index
          %get3A_613 = tpu.vector_load %arg6[%get3A_612] {strides = array<i32>} : memref<32768xf32, #tpu.memory_space<vmem>>, vector<16xf32>,
          %add3A_614 = arith.constant 48 : i32
          %add3A_615 = arith.addi %mul3A_585, %add3A_614 : i32
          %get3A_616 = arith.index_cast %add3A_615 : i32 to index
          %get3A_617 = tpu.vector_load %arg6[%get3A_616] {strides = array<i32>} : memref<32768xf32, #tpu.memory_space<vmem>>, vector<16xf32>,
          %max3A_618 = arith.maximumf %get3A_589, %get3A_593 : vector<16xf32>
          %max3A_619 = arith.maximumf %get3A_597, %get3A_601 : vector<16xf32>
          %max3A_620 = arith.maximumf %max3A_618, %max3A_619 : vector<16xf32>
          %max3A_621 = arith.maximumf %get3A_605, %get3A_609 : vector<16xf32>
          %max3A_622 = arith.maximumf %get3A_613, %get3A_617 : vector<16xf32>
          %max3A_623 = arith.maximumf %max3A_621, %max3A_622 : vector<16xf32>
          %gt3A_624 = vector.broadcast %scan3A_580 : f32 to vector<16xf32>
          %gt3A_625 = arith.cmpf ogt, %max3A_620, %gt3A_624 : vector<16xf32>
          %gt3A_626 = vector.broadcast %scan3A_583 : f32 to vector<16xf32>
          %gt3A_627 = arith.cmpf ogt, %max3A_623, %gt3A_626 : vector<16xf32>
          %or3A_628 = arith.ori %gt3A_625, %gt3A_627 : vector<16xi1>
          %all_reduce_population_count3A_629 = tpu.all_reduce %or3A_628 {dim = 0 : i64, kind = #tpu.reduction_kind<sum>} : vector<16xi1> -> vector<16xi32>
          %slice3A_630 = vector.extract_strided_slice %all_reduce_population_count3A_629 {offsets = [0], sizes = [1], strides = [1]} : vector<16xi32> to vector<1xi32>
          %squeeze3A_631 = vector.extract %slice3A_630[0] : i32 from vector<1xi32>
          %gt3A_632 = arith.constant 0 : i32
          %gt3A_633 = arith.cmpi sgt, %squeeze3A_631, %gt3A_632 : i32
          %convert_element_type3A_634 = arith.extui %gt3A_633 : i1 to i32
          %cond3A_635 = arith.constant 0 : i32
          %cond3A_636 = arith.cmpi ne, %convert_element_type3A_634, %cond3A_635 : i32
          %cond3A_637:6 = scf.if %cond3A_636 -> (vector<16xf32>, vector<16xf32>, f32, vector<16xf32>, vector<16xf32>, f32) {
            %gt3A_638 = vector.broadcast %scan3A_580 : f32 to vector<16xf32>
            %gt3A_639 = arith.cmpf ogt, %get3A_589, %gt3A_638 : vector<16xf32>
            %all_reduce_population_count3A_640 = tpu.all_reduce %gt3A_639 {dim = 0 : i64, kind = #tpu.reduction_kind<sum>} : vector<16xi1> -> vector<16xi32>
            %slice3A_641 = vector.extract_strided_slice %all_reduce_population_count3A_640 {offsets = [0], sizes = [1], strides = [1]} : vector<16xi32> to vector<1xi32>
            %squeeze3A_642 = vector.extract %slice3A_641[0] : i32 from vector<1xi32>
            %gt3A_643 = arith.constant 0 : i32
            %gt3A_644 = arith.cmpi sgt, %squeeze3A_642, %gt3A_643 : i32
            %convert_element_type3A_645 = arith.extui %gt3A_644 : i1 to i32
            %cond3A_646 = arith.constant 0 : i32
            %cond3A_647 = arith.cmpi ne, %convert_element_type3A_645, %cond3A_646 : i32
            %cond3A_648:3 = scf.if %cond3A_647 -> (vector<16xf32>, vector<16xf32>, f32) {
              %masked_sort3A_726 = arith.constant dense<true> : vector<16xi1>
              %masked_sort3A_727, %masked_sort3A_728, %masked_sort3A_729 = tpu.sort %get3A_589, %get3A_589 masked %masked_sort3A_726 : (vector<16xf32>, vector<16xf32>, vector<16xi1>) -> (vector<16xi1>, vector<16xf32>, vector<16xf32>)
              %max3A_730 = arith.maximumf %masked_sort3A_728, %scan3A_579 : vector<16xf32>
              %masked_sort3A_731 = arith.constant dense<true> : vector<16xi1>
              %masked_sort3A_732, %masked_sort3A_733, %masked_sort3A_734 = tpu.sort %max3A_730, %max3A_730 masked %masked_sort3A_731 {descending = true} : (vector<16xf32>, vector<16xf32>, vector<16xi1>) -> (vector<16xi1>, vector<16xf32>, vector<16xf32>)
              %max3A_735 = arith.maximumf %scan3A_578, %masked_sort3A_733 : vector<16xf32>
              %masked_sort3A_736 = arith.constant dense<true> : vector<16xi1>
              %masked_sort3A_737, %masked_sort3A_738, %masked_sort3A_739 = tpu.sort %max3A_735, %max3A_735 masked %masked_sort3A_736 : (vector<16xf32>, vector<16xf32>, vector<16xi1>) -> (vector<16xi1>, vector<16xf32>, vector<16xf32>)
              %min3A_740 = arith.minimumf %scan3A_578, %masked_sort3A_733 : vector<16xf32>
              %masked_sort3A_741 = arith.constant dense<true> : vector<16xi1>
              %masked_sort3A_742, %masked_sort3A_743, %masked_sort3A_744 = tpu.sort %min3A_740, %min3A_740 masked %masked_sort3A_741 {descending = true} : (vector<16xf32>, vector<16xf32>, vector<16xi1>) -> (vector<16xi1>, vector<16xf32>, vector<16xf32>)
              %reduce_min3A_745 = arith.constant true
              %reduce_min3A_746 = vector.broadcast %reduce_min3A_745 : i1 to vector<16xi1>
              %reduce_min3A_747 = tpu.scan <min>, %masked_sort3A_743 masked %reduce_min3A_746 : vector<16xf32>, vector<16xi1> -> vector<16xf32>
              %reduce_min3A_748 = vector.extract %reduce_min3A_747[15] : f32 from vector<16xf32>
              scf.yield %masked_sort3A_738, %masked_sort3A_743, %reduce_min3A_748 : vector<16xf32>, vector<16xf32>, f32
            } else {
              scf.yield %scan3A_578, %scan3A_579, %scan3A_580 : vector<16xf32>, vector<16xf32>, f32
            }
            %gt3A_649 = vector.broadcast %cond3A_648#2 : f32 to vector<16xf32>
            %gt3A_650 = arith.cmpf ogt, %get3A_593, %gt3A_649 : vector<16xf32>
            %all_reduce_population_count3A_651 = tpu.all_reduce %gt3A_650 {dim = 0 : i64, kind = #tpu.reduction_kind<sum>} : vector<16xi1> -> vector<16xi32>
            %slice3A_652 = vector.extract_strided_slice %all_reduce_population_count3A_651 {offsets = [0], sizes = [1], strides = [1]} : vector<16xi32> to vector<1xi32>
            %squeeze3A_653 = vector.extract %slice3A_652[0] : i32 from vector<1xi32>
            %gt3A_654 = arith.constant 0 : i32
            %gt3A_655 = arith.cmpi sgt, %squeeze3A_653, %gt3A_654 : i32
            %convert_element_type3A_656 = arith.extui %gt3A_655 : i1 to i32
            %cond3A_657 = arith.constant 0 : i32
            %cond3A_658 = arith.cmpi ne, %convert_element_type3A_656, %cond3A_657 : i32
            %cond3A_659:3 = scf.if %cond3A_658 -> (vector<16xf32>, vector<16xf32>, f32) {
              %masked_sort3A_726 = arith.constant dense<true> : vector<16xi1>
              %masked_sort3A_727, %masked_sort3A_728, %masked_sort3A_729 = tpu.sort %get3A_593, %get3A_593 masked %masked_sort3A_726 : (vector<16xf32>, vector<16xf32>, vector<16xi1>) -> (vector<16xi1>, vector<16xf32>, vector<16xf32>)
              %max3A_730 = arith.maximumf %masked_sort3A_728, %cond3A_648#1 : vector<16xf32>
              %masked_sort3A_731 = arith.constant dense<true> : vector<16xi1>
              %masked_sort3A_732, %masked_sort3A_733, %masked_sort3A_734 = tpu.sort %max3A_730, %max3A_730 masked %masked_sort3A_731 {descending = true} : (vector<16xf32>, vector<16xf32>, vector<16xi1>) -> (vector<16xi1>, vector<16xf32>, vector<16xf32>)
              %max3A_735 = arith.maximumf %cond3A_648#0, %masked_sort3A_733 : vector<16xf32>
              %masked_sort3A_736 = arith.constant dense<true> : vector<16xi1>
              %masked_sort3A_737, %masked_sort3A_738, %masked_sort3A_739 = tpu.sort %max3A_735, %max3A_735 masked %masked_sort3A_736 : (vector<16xf32>, vector<16xf32>, vector<16xi1>) -> (vector<16xi1>, vector<16xf32>, vector<16xf32>)
              %min3A_740 = arith.minimumf %cond3A_648#0, %masked_sort3A_733 : vector<16xf32>
              %masked_sort3A_741 = arith.constant dense<true> : vector<16xi1>
              %masked_sort3A_742, %masked_sort3A_743, %masked_sort3A_744 = tpu.sort %min3A_740, %min3A_740 masked %masked_sort3A_741 {descending = true} : (vector<16xf32>, vector<16xf32>, vector<16xi1>) -> (vector<16xi1>, vector<16xf32>, vector<16xf32>)
              %reduce_min3A_745 = arith.constant true
              %reduce_min3A_746 = vector.broadcast %reduce_min3A_745 : i1 to vector<16xi1>
              %reduce_min3A_747 = tpu.scan <min>, %masked_sort3A_743 masked %reduce_min3A_746 : vector<16xf32>, vector<16xi1> -> vector<16xf32>
              %reduce_min3A_748 = vector.extract %reduce_min3A_747[15] : f32 from vector<16xf32>
              scf.yield %masked_sort3A_738, %masked_sort3A_743, %reduce_min3A_748 : vector<16xf32>, vector<16xf32>, f32
            } else {
              scf.yield %cond3A_648#0, %cond3A_648#1, %cond3A_648#2 : vector<16xf32>, vector<16xf32>, f32
            }
            %gt3A_660 = vector.broadcast %cond3A_659#2 : f32 to vector<16xf32>
            %gt3A_661 = arith.cmpf ogt, %get3A_597, %gt3A_660 : vector<16xf32>
            %all_reduce_population_count3A_662 = tpu.all_reduce %gt3A_661 {dim = 0 : i64, kind = #tpu.reduction_kind<sum>} : vector<16xi1> -> vector<16xi32>
            %slice3A_663 = vector.extract_strided_slice %all_reduce_population_count3A_662 {offsets = [0], sizes = [1], strides = [1]} : vector<16xi32> to vector<1xi32>
            %squeeze3A_664 = vector.extract %slice3A_663[0] : i32 from vector<1xi32>
            %gt3A_665 = arith.constant 0 : i32
            %gt3A_666 = arith.cmpi sgt, %squeeze3A_664, %gt3A_665 : i32
            %convert_element_type3A_667 = arith.extui %gt3A_666 : i1 to i32
            %cond3A_668 = arith.constant 0 : i32
            %cond3A_669 = arith.cmpi ne, %convert_element_type3A_667, %cond3A_668 : i32
            %cond3A_670:3 = scf.if %cond3A_669 -> (vector<16xf32>, vector<16xf32>, f32) {
              %masked_sort3A_726 = arith.constant dense<true> : vector<16xi1>
              %masked_sort3A_727, %masked_sort3A_728, %masked_sort3A_729 = tpu.sort %get3A_597, %get3A_597 masked %masked_sort3A_726 : (vector<16xf32>, vector<16xf32>, vector<16xi1>) -> (vector<16xi1>, vector<16xf32>, vector<16xf32>)
              %max3A_730 = arith.maximumf %masked_sort3A_728, %cond3A_659#1 : vector<16xf32>
              %masked_sort3A_731 = arith.constant dense<true> : vector<16xi1>
              %masked_sort3A_732, %masked_sort3A_733, %masked_sort3A_734 = tpu.sort %max3A_730, %max3A_730 masked %masked_sort3A_731 {descending = true} : (vector<16xf32>, vector<16xf32>, vector<16xi1>) -> (vector<16xi1>, vector<16xf32>, vector<16xf32>)
              %max3A_735 = arith.maximumf %cond3A_659#0, %masked_sort3A_733 : vector<16xf32>
              %masked_sort3A_736 = arith.constant dense<true> : vector<16xi1>
              %masked_sort3A_737, %masked_sort3A_738, %masked_sort3A_739 = tpu.sort %max3A_735, %max3A_735 masked %masked_sort3A_736 : (vector<16xf32>, vector<16xf32>, vector<16xi1>) -> (vector<16xi1>, vector<16xf32>, vector<16xf32>)
              %min3A_740 = arith.minimumf %cond3A_659#0, %masked_sort3A_733 : vector<16xf32>
              %masked_sort3A_741 = arith.constant dense<true> : vector<16xi1>
              %masked_sort3A_742, %masked_sort3A_743, %masked_sort3A_744 = tpu.sort %min3A_740, %min3A_740 masked %masked_sort3A_741 {descending = true} : (vector<16xf32>, vector<16xf32>, vector<16xi1>) -> (vector<16xi1>, vector<16xf32>, vector<16xf32>)
              %reduce_min3A_745 = arith.constant true
              %reduce_min3A_746 = vector.broadcast %reduce_min3A_745 : i1 to vector<16xi1>
              %reduce_min3A_747 = tpu.scan <min>, %masked_sort3A_743 masked %reduce_min3A_746 : vector<16xf32>, vector<16xi1> -> vector<16xf32>
              %reduce_min3A_748 = vector.extract %reduce_min3A_747[15] : f32 from vector<16xf32>
              scf.yield %masked_sort3A_738, %masked_sort3A_743, %reduce_min3A_748 : vector<16xf32>, vector<16xf32>, f32
            } else {
              scf.yield %cond3A_659#0, %cond3A_659#1, %cond3A_659#2 : vector<16xf32>, vector<16xf32>, f32
            }
            %gt3A_671 = vector.broadcast %cond3A_670#2 : f32 to vector<16xf32>
            %gt3A_672 = arith.cmpf ogt, %get3A_601, %gt3A_671 : vector<16xf32>
            %all_reduce_population_count3A_673 = tpu.all_reduce %gt3A_672 {dim = 0 : i64, kind = #tpu.reduction_kind<sum>} : vector<16xi1> -> vector<16xi32>
            %slice3A_674 = vector.extract_strided_slice %all_reduce_population_count3A_673 {offsets = [0], sizes = [1], strides = [1]} : vector<16xi32> to vector<1xi32>
            %squeeze3A_675 = vector.extract %slice3A_674[0] : i32 from vector<1xi32>
            %gt3A_676 = arith.constant 0 : i32
            %gt3A_677 = arith.cmpi sgt, %squeeze3A_675, %gt3A_676 : i32
            %convert_element_type3A_678 = arith.extui %gt3A_677 : i1 to i32
            %cond3A_679 = arith.constant 0 : i32
            %cond3A_680 = arith.cmpi ne, %convert_element_type3A_678, %cond3A_679 : i32
            %cond3A_681:3 = scf.if %cond3A_680 -> (vector<16xf32>, vector<16xf32>, f32) {
              %masked_sort3A_726 = arith.constant dense<true> : vector<16xi1>
              %masked_sort3A_727, %masked_sort3A_728, %masked_sort3A_729 = tpu.sort %get3A_601, %get3A_601 masked %masked_sort3A_726 : (vector<16xf32>, vector<16xf32>, vector<16xi1>) -> (vector<16xi1>, vector<16xf32>, vector<16xf32>)
              %max3A_730 = arith.maximumf %masked_sort3A_728, %cond3A_670#1 : vector<16xf32>
              %masked_sort3A_731 = arith.constant dense<true> : vector<16xi1>
              %masked_sort3A_732, %masked_sort3A_733, %masked_sort3A_734 = tpu.sort %max3A_730, %max3A_730 masked %masked_sort3A_731 {descending = true} : (vector<16xf32>, vector<16xf32>, vector<16xi1>) -> (vector<16xi1>, vector<16xf32>, vector<16xf32>)
              %max3A_735 = arith.maximumf %cond3A_670#0, %masked_sort3A_733 : vector<16xf32>
              %masked_sort3A_736 = arith.constant dense<true> : vector<16xi1>
              %masked_sort3A_737, %masked_sort3A_738, %masked_sort3A_739 = tpu.sort %max3A_735, %max3A_735 masked %masked_sort3A_736 : (vector<16xf32>, vector<16xf32>, vector<16xi1>) -> (vector<16xi1>, vector<16xf32>, vector<16xf32>)
              %min3A_740 = arith.minimumf %cond3A_670#0, %masked_sort3A_733 : vector<16xf32>
              %masked_sort3A_741 = arith.constant dense<true> : vector<16xi1>
              %masked_sort3A_742, %masked_sort3A_743, %masked_sort3A_744 = tpu.sort %min3A_740, %min3A_740 masked %masked_sort3A_741 {descending = true} : (vector<16xf32>, vector<16xf32>, vector<16xi1>) -> (vector<16xi1>, vector<16xf32>, vector<16xf32>)
              %reduce_min3A_745 = arith.constant true
              %reduce_min3A_746 = vector.broadcast %reduce_min3A_745 : i1 to vector<16xi1>
              %reduce_min3A_747 = tpu.scan <min>, %masked_sort3A_743 masked %reduce_min3A_746 : vector<16xf32>, vector<16xi1> -> vector<16xf32>
              %reduce_min3A_748 = vector.extract %reduce_min3A_747[15] : f32 from vector<16xf32>
              scf.yield %masked_sort3A_738, %masked_sort3A_743, %reduce_min3A_748 : vector<16xf32>, vector<16xf32>, f32
            } else {
              scf.yield %cond3A_670#0, %cond3A_670#1, %cond3A_670#2 : vector<16xf32>, vector<16xf32>, f32
            }
            %gt3A_682 = vector.broadcast %scan3A_583 : f32 to vector<16xf32>
            %gt3A_683 = arith.cmpf ogt, %get3A_605, %gt3A_682 : vector<16xf32>
            %all_reduce_population_count3A_684 = tpu.all_reduce %gt3A_683 {dim = 0 : i64, kind = #tpu.reduction_kind<sum>} : vector<16xi1> -> vector<16xi32>
            %slice3A_685 = vector.extract_strided_slice %all_reduce_population_count3A_684 {offsets = [0], sizes = [1], strides = [1]} : vector<16xi32> to vector<1xi32>
            %squeeze3A_686 = vector.extract %slice3A_685[0] : i32 from vector<1xi32>
            %gt3A_687 = arith.constant 0 : i32
            %gt3A_688 = arith.cmpi sgt, %squeeze3A_686, %gt3A_687 : i32
            %convert_element_type3A_689 = arith.extui %gt3A_688 : i1 to i32
            %cond3A_690 = arith.constant 0 : i32
            %cond3A_691 = arith.cmpi ne, %convert_element_type3A_689, %cond3A_690 : i32
            %cond3A_692:3 = scf.if %cond3A_691 -> (vector<16xf32>, vector<16xf32>, f32) {
              %masked_sort3A_726 = arith.constant dense<true> : vector<16xi1>
              %masked_sort3A_727, %masked_sort3A_728, %masked_sort3A_729 = tpu.sort %get3A_605, %get3A_605 masked %masked_sort3A_726 : (vector<16xf32>, vector<16xf32>, vector<16xi1>) -> (vector<16xi1>, vector<16xf32>, vector<16xf32>)
              %max3A_730 = arith.maximumf %masked_sort3A_728, %scan3A_582 : vector<16xf32>
              %masked_sort3A_731 = arith.constant dense<true> : vector<16xi1>
              %masked_sort3A_732, %masked_sort3A_733, %masked_sort3A_734 = tpu.sort %max3A_730, %max3A_730 masked %masked_sort3A_731 {descending = true} : (vector<16xf32>, vector<16xf32>, vector<16xi1>) -> (vector<16xi1>, vector<16xf32>, vector<16xf32>)
              %max3A_735 = arith.maximumf %scan3A_581, %masked_sort3A_733 : vector<16xf32>
              %masked_sort3A_736 = arith.constant dense<true> : vector<16xi1>
              %masked_sort3A_737, %masked_sort3A_738, %masked_sort3A_739 = tpu.sort %max3A_735, %max3A_735 masked %masked_sort3A_736 : (vector<16xf32>, vector<16xf32>, vector<16xi1>) -> (vector<16xi1>, vector<16xf32>, vector<16xf32>)
              %min3A_740 = arith.minimumf %scan3A_581, %masked_sort3A_733 : vector<16xf32>
              %masked_sort3A_741 = arith.constant dense<true> : vector<16xi1>
              %masked_sort3A_742, %masked_sort3A_743, %masked_sort3A_744 = tpu.sort %min3A_740, %min3A_740 masked %masked_sort3A_741 {descending = true} : (vector<16xf32>, vector<16xf32>, vector<16xi1>) -> (vector<16xi1>, vector<16xf32>, vector<16xf32>)
              %reduce_min3A_745 = arith.constant true
              %reduce_min3A_746 = vector.broadcast %reduce_min3A_745 : i1 to vector<16xi1>
              %reduce_min3A_747 = tpu.scan <min>, %masked_sort3A_743 masked %reduce_min3A_746 : vector<16xf32>, vector<16xi1> -> vector<16xf32>
              %reduce_min3A_748 = vector.extract %reduce_min3A_747[15] : f32 from vector<16xf32>
              scf.yield %masked_sort3A_738, %masked_sort3A_743, %reduce_min3A_748 : vector<16xf32>, vector<16xf32>, f32
            } else {
              scf.yield %scan3A_581, %scan3A_582, %scan3A_583 : vector<16xf32>, vector<16xf32>, f32
            }
            %gt3A_693 = vector.broadcast %cond3A_692#2 : f32 to vector<16xf32>
            %gt3A_694 = arith.cmpf ogt, %get3A_609, %gt3A_693 : vector<16xf32>
            %all_reduce_population_count3A_695 = tpu.all_reduce %gt3A_694 {dim = 0 : i64, kind = #tpu.reduction_kind<sum>} : vector<16xi1> -> vector<16xi32>
            %slice3A_696 = vector.extract_strided_slice %all_reduce_population_count3A_695 {offsets = [0], sizes = [1], strides = [1]} : vector<16xi32> to vector<1xi32>
            %squeeze3A_697 = vector.extract %slice3A_696[0] : i32 from vector<1xi32>
            %gt3A_698 = arith.constant 0 : i32
            %gt3A_699 = arith.cmpi sgt, %squeeze3A_697, %gt3A_698 : i32
            %convert_element_type3A_700 = arith.extui %gt3A_699 : i1 to i32
            %cond3A_701 = arith.constant 0 : i32
            %cond3A_702 = arith.cmpi ne, %convert_element_type3A_700, %cond3A_701 : i32
            %cond3A_703:3 = scf.if %cond3A_702 -> (vector<16xf32>, vector<16xf32>, f32) {
              %masked_sort3A_726 = arith.constant dense<true> : vector<16xi1>
              %masked_sort3A_727, %masked_sort3A_728, %masked_sort3A_729 = tpu.sort %get3A_609, %get3A_609 masked %masked_sort3A_726 : (vector<16xf32>, vector<16xf32>, vector<16xi1>) -> (vector<16xi1>, vector<16xf32>, vector<16xf32>)
              %max3A_730 = arith.maximumf %masked_sort3A_728, %cond3A_692#1 : vector<16xf32>
              %masked_sort3A_731 = arith.constant dense<true> : vector<16xi1>
              %masked_sort3A_732, %masked_sort3A_733, %masked_sort3A_734 = tpu.sort %max3A_730, %max3A_730 masked %masked_sort3A_731 {descending = true} : (vector<16xf32>, vector<16xf32>, vector<16xi1>) -> (vector<16xi1>, vector<16xf32>, vector<16xf32>)
              %max3A_735 = arith.maximumf %cond3A_692#0, %masked_sort3A_733 : vector<16xf32>
              %masked_sort3A_736 = arith.constant dense<true> : vector<16xi1>
              %masked_sort3A_737, %masked_sort3A_738, %masked_sort3A_739 = tpu.sort %max3A_735, %max3A_735 masked %masked_sort3A_736 : (vector<16xf32>, vector<16xf32>, vector<16xi1>) -> (vector<16xi1>, vector<16xf32>, vector<16xf32>)
              %min3A_740 = arith.minimumf %cond3A_692#0, %masked_sort3A_733 : vector<16xf32>
              %masked_sort3A_741 = arith.constant dense<true> : vector<16xi1>
              %masked_sort3A_742, %masked_sort3A_743, %masked_sort3A_744 = tpu.sort %min3A_740, %min3A_740 masked %masked_sort3A_741 {descending = true} : (vector<16xf32>, vector<16xf32>, vector<16xi1>) -> (vector<16xi1>, vector<16xf32>, vector<16xf32>)
              %reduce_min3A_745 = arith.constant true
              %reduce_min3A_746 = vector.broadcast %reduce_min3A_745 : i1 to vector<16xi1>
              %reduce_min3A_747 = tpu.scan <min>, %masked_sort3A_743 masked %reduce_min3A_746 : vector<16xf32>, vector<16xi1> -> vector<16xf32>
              %reduce_min3A_748 = vector.extract %reduce_min3A_747[15] : f32 from vector<16xf32>
              scf.yield %masked_sort3A_738, %masked_sort3A_743, %reduce_min3A_748 : vector<16xf32>, vector<16xf32>, f32
            } else {
              scf.yield %cond3A_692#0, %cond3A_692#1, %cond3A_692#2 : vector<16xf32>, vector<16xf32>, f32
            }
            %gt3A_704 = vector.broadcast %cond3A_703#2 : f32 to vector<16xf32>
            %gt3A_705 = arith.cmpf ogt, %get3A_613, %gt3A_704 : vector<16xf32>
            %all_reduce_population_count3A_706 = tpu.all_reduce %gt3A_705 {dim = 0 : i64, kind = #tpu.reduction_kind<sum>} : vector<16xi1> -> vector<16xi32>
            %slice3A_707 = vector.extract_strided_slice %all_reduce_population_count3A_706 {offsets = [0], sizes = [1], strides = [1]} : vector<16xi32> to vector<1xi32>
            %squeeze3A_708 = vector.extract %slice3A_707[0] : i32 from vector<1xi32>
            %gt3A_709 = arith.constant 0 : i32
            %gt3A_710 = arith.cmpi sgt, %squeeze3A_708, %gt3A_709 : i32
            %convert_element_type3A_711 = arith.extui %gt3A_710 : i1 to i32
            %cond3A_712 = arith.constant 0 : i32
            %cond3A_713 = arith.cmpi ne, %convert_element_type3A_711, %cond3A_712 : i32
            %cond3A_714:3 = scf.if %cond3A_713 -> (vector<16xf32>, vector<16xf32>, f32) {
              %masked_sort3A_726 = arith.constant dense<true> : vector<16xi1>
              %masked_sort3A_727, %masked_sort3A_728, %masked_sort3A_729 = tpu.sort %get3A_613, %get3A_613 masked %masked_sort3A_726 : (vector<16xf32>, vector<16xf32>, vector<16xi1>) -> (vector<16xi1>, vector<16xf32>, vector<16xf32>)
              %max3A_730 = arith.maximumf %masked_sort3A_728, %cond3A_703#1 : vector<16xf32>
              %masked_sort3A_731 = arith.constant dense<true> : vector<16xi1>
              %masked_sort3A_732, %masked_sort3A_733, %masked_sort3A_734 = tpu.sort %max3A_730, %max3A_730 masked %masked_sort3A_731 {descending = true} : (vector<16xf32>, vector<16xf32>, vector<16xi1>) -> (vector<16xi1>, vector<16xf32>, vector<16xf32>)
              %max3A_735 = arith.maximumf %cond3A_703#0, %masked_sort3A_733 : vector<16xf32>
              %masked_sort3A_736 = arith.constant dense<true> : vector<16xi1>
              %masked_sort3A_737, %masked_sort3A_738, %masked_sort3A_739 = tpu.sort %max3A_735, %max3A_735 masked %masked_sort3A_736 : (vector<16xf32>, vector<16xf32>, vector<16xi1>) -> (vector<16xi1>, vector<16xf32>, vector<16xf32>)
              %min3A_740 = arith.minimumf %cond3A_703#0, %masked_sort3A_733 : vector<16xf32>
              %masked_sort3A_741 = arith.constant dense<true> : vector<16xi1>
              %masked_sort3A_742, %masked_sort3A_743, %masked_sort3A_744 = tpu.sort %min3A_740, %min3A_740 masked %masked_sort3A_741 {descending = true} : (vector<16xf32>, vector<16xf32>, vector<16xi1>) -> (vector<16xi1>, vector<16xf32>, vector<16xf32>)
              %reduce_min3A_745 = arith.constant true
              %reduce_min3A_746 = vector.broadcast %reduce_min3A_745 : i1 to vector<16xi1>
              %reduce_min3A_747 = tpu.scan <min>, %masked_sort3A_743 masked %reduce_min3A_746 : vector<16xf32>, vector<16xi1> -> vector<16xf32>
              %reduce_min3A_748 = vector.extract %reduce_min3A_747[15] : f32 from vector<16xf32>
              scf.yield %masked_sort3A_738, %masked_sort3A_743, %reduce_min3A_748 : vector<16xf32>, vector<16xf32>, f32
            } else {
              scf.yield %cond3A_703#0, %cond3A_703#1, %cond3A_703#2 : vector<16xf32>, vector<16xf32>, f32
            }
            %gt3A_715 = vector.broadcast %cond3A_714#2 : f32 to vector<16xf32>
            %gt3A_716 = arith.cmpf ogt, %get3A_617, %gt3A_715 : vector<16xf32>
            %all_reduce_population_count3A_717 = tpu.all_reduce %gt3A_716 {dim = 0 : i64, kind = #tpu.reduction_kind<sum>} : vector<16xi1> -> vector<16xi32>
            %slice3A_718 = vector.extract_strided_slice %all_reduce_population_count3A_717 {offsets = [0], sizes = [1], strides = [1]} : vector<16xi32> to vector<1xi32>
            %squeeze3A_719 = vector.extract %slice3A_718[0] : i32 from vector<1xi32>
            %gt3A_720 = arith.constant 0 : i32
            %gt3A_721 = arith.cmpi sgt, %squeeze3A_719, %gt3A_720 : i32
            %convert_element_type3A_722 = arith.extui %gt3A_721 : i1 to i32
            %cond3A_723 = arith.constant 0 : i32
            %cond3A_724 = arith.cmpi ne, %convert_element_type3A_722, %cond3A_723 : i32
            %cond3A_725:3 = scf.if %cond3A_724 -> (vector<16xf32>, vector<16xf32>, f32) {
              %masked_sort3A_726 = arith.constant dense<true> : vector<16xi1>
              %masked_sort3A_727, %masked_sort3A_728, %masked_sort3A_729 = tpu.sort %get3A_617, %get3A_617 masked %masked_sort3A_726 : (vector<16xf32>, vector<16xf32>, vector<16xi1>) -> (vector<16xi1>, vector<16xf32>, vector<16xf32>)
              %max3A_730 = arith.maximumf %masked_sort3A_728, %cond3A_714#1 : vector<16xf32>
              %masked_sort3A_731 = arith.constant dense<true> : vector<16xi1>
              %masked_sort3A_732, %masked_sort3A_733, %masked_sort3A_734 = tpu.sort %max3A_730, %max3A_730 masked %masked_sort3A_731 {descending = true} : (vector<16xf32>, vector<16xf32>, vector<16xi1>) -> (vector<16xi1>, vector<16xf32>, vector<16xf32>)
              %max3A_735 = arith.maximumf %cond3A_714#0, %masked_sort3A_733 : vector<16xf32>
              %masked_sort3A_736 = arith.constant dense<true> : vector<16xi1>
              %masked_sort3A_737, %masked_sort3A_738, %masked_sort3A_739 = tpu.sort %max3A_735, %max3A_735 masked %masked_sort3A_736 : (vector<16xf32>, vector<16xf32>, vector<16xi1>) -> (vector<16xi1>, vector<16xf32>, vector<16xf32>)
              %min3A_740 = arith.minimumf %cond3A_714#0, %masked_sort3A_733 : vector<16xf32>
              %masked_sort3A_741 = arith.constant dense<true> : vector<16xi1>
              %masked_sort3A_742, %masked_sort3A_743, %masked_sort3A_744 = tpu.sort %min3A_740, %min3A_740 masked %masked_sort3A_741 {descending = true} : (vector<16xf32>, vector<16xf32>, vector<16xi1>) -> (vector<16xi1>, vector<16xf32>, vector<16xf32>)
              %reduce_min3A_745 = arith.constant true
              %reduce_min3A_746 = vector.broadcast %reduce_min3A_745 : i1 to vector<16xi1>
              %reduce_min3A_747 = tpu.scan <min>, %masked_sort3A_743 masked %reduce_min3A_746 : vector<16xf32>, vector<16xi1> -> vector<16xf32>
              %reduce_min3A_748 = vector.extract %reduce_min3A_747[15] : f32 from vector<16xf32>
              scf.yield %masked_sort3A_738, %masked_sort3A_743, %reduce_min3A_748 : vector<16xf32>, vector<16xf32>, f32
            } else {
              scf.yield %cond3A_714#0, %cond3A_714#1, %cond3A_714#2 : vector<16xf32>, vector<16xf32>, f32
            }
            scf.yield %cond3A_681#0, %cond3A_681#1, %cond3A_681#2, %cond3A_725#0, %cond3A_725#1, %cond3A_725#2 : vector<16xf32>, vector<16xf32>, f32, vector<16xf32>, vector<16xf32>, f32
          } else {
            scf.yield %scan3A_578, %scan3A_579, %scan3A_580, %scan3A_581, %scan3A_582, %scan3A_583 : vector<16xf32>, vector<16xf32>, f32, vector<16xf32>, vector<16xf32>, f32
          }
          scf.yield %cond3A_637#0, %cond3A_637#1, %cond3A_637#2, %cond3A_637#3, %cond3A_637#4, %cond3A_637#5 : vector<16xf32>, vector<16xf32>, f32, vector<16xf32>, vector<16xf32>, f32
        }
        %scan3A_505 = arith.constant 511 : i32
        %iota3A_506 = tpu.iota {dimensions = array<i32: 0>} : vector<16xi32>
        %eq3A_507 = arith.constant 13 : i32
        %eq3A_508 = vector.broadcast %eq3A_507 : i32 to vector<16xi32>
        %eq3A_509 = arith.cmpi eq, %iota3A_506, %eq3A_508 : vector<16xi32>
        %jit3A_510 = arith.constant -3.400000e+38 : f32
        %broadcast_in_dim3A_511 = vector.broadcast %jit3A_510 : f32 to vector<16xf32>
        %select_n3A_512 = arith.select %eq3A_509, %scan3A_504#1, %broadcast_in_dim3A_511 : vector<16xi1>, vector<16xf32>
        %reduce_max3A_513 = arith.constant true
        %reduce_max3A_514 = vector.broadcast %reduce_max3A_513 : i1 to vector<16xi1>
        %reduce_max3A_515 = tpu.scan <max>, %select_n3A_512 masked %reduce_max3A_514 : vector<16xf32>, vector<16xi1> -> vector<16xf32>
        %reduce_max3A_516 = vector.extract %reduce_max3A_515[15] : f32 from vector<16xf32>
        %gt3A_517 = vector.broadcast %reduce_max3A_516 : f32 to vector<16xf32>
        %gt3A_518 = arith.cmpf ogt, %scan3A_504#0, %gt3A_517 : vector<16xf32>
        %convert_element_type3A_519 = arith.extui %gt3A_518 : vector<16xi1> to vector<16xi32>
        %reduce_sum3A_520 = arith.constant true
        %reduce_sum3A_521 = vector.broadcast %reduce_sum3A_520 : i1 to vector<16xi1>
        %reduce_sum3A_522 = tpu.scan <sum>, %convert_element_type3A_519 masked %reduce_sum3A_521 : vector<16xi32>, vector<16xi1> -> vector<16xi32>
        %reduce_sum3A_523 = vector.extract %reduce_sum3A_522[15] : i32 from vector<16xi32>
        %gt3A_524 = vector.broadcast %reduce_max3A_516 : f32 to vector<16xf32>
        %gt3A_525 = arith.cmpf ogt, %scan3A_504#1, %gt3A_524 : vector<16xf32>
        %convert_element_type3A_526 = arith.extui %gt3A_525 : vector<16xi1> to vector<16xi32>
        %reduce_sum3A_527 = arith.constant true
        %reduce_sum3A_528 = vector.broadcast %reduce_sum3A_527 : i1 to vector<16xi1>
        %reduce_sum3A_529 = tpu.scan <sum>, %convert_element_type3A_526 masked %reduce_sum3A_528 : vector<16xi32>, vector<16xi1> -> vector<16xi32>
        %reduce_sum3A_530 = vector.extract %reduce_sum3A_529[15] : i32 from vector<16xi32>
        %add3A_531 = arith.addi %reduce_sum3A_523, %reduce_sum3A_530 : i32
        %sub3A_532 = arith.constant 30 : i32
        %sub3A_533 = arith.subi %sub3A_532, %add3A_531 : i32
        %iota3A_534 = tpu.iota {dimensions = array<i32: 0>} : vector<16xi32>
        %eq3A_535 = arith.constant 13 : i32
        %eq3A_536 = vector.broadcast %eq3A_535 : i32 to vector<16xi32>
        %eq3A_537 = arith.cmpi eq, %iota3A_534, %eq3A_536 : vector<16xi32>
        %jit3A_538 = arith.constant -3.400000e+38 : f32
        %broadcast_in_dim3A_539 = vector.broadcast %jit3A_538 : f32 to vector<16xf32>
        %select_n3A_540 = arith.select %eq3A_537, %scan3A_504#4, %broadcast_in_dim3A_539 : vector<16xi1>, vector<16xf32>
        %reduce_max3A_541 = arith.constant true
        %reduce_max3A_542 = vector.broadcast %reduce_max3A_541 : i1 to vector<16xi1>
        %reduce_max3A_543 = tpu.scan <max>, %select_n3A_540 masked %reduce_max3A_542 : vector<16xf32>, vector<16xi1> -> vector<16xf32>
        %reduce_max3A_544 = vector.extract %reduce_max3A_543[15] : f32 from vector<16xf32>
        %gt3A_545 = vector.broadcast %reduce_max3A_544 : f32 to vector<16xf32>
        %gt3A_546 = arith.cmpf ogt, %scan3A_504#3, %gt3A_545 : vector<16xf32>
        %convert_element_type3A_547 = arith.extui %gt3A_546 : vector<16xi1> to vector<16xi32>
        %reduce_sum3A_548 = arith.constant true
        %reduce_sum3A_549 = vector.broadcast %reduce_sum3A_548 : i1 to vector<16xi1>
        %reduce_sum3A_550 = tpu.scan <sum>, %convert_element_type3A_547 masked %reduce_sum3A_549 : vector<16xi32>, vector<16xi1> -> vector<16xi32>
        %reduce_sum3A_551 = vector.extract %reduce_sum3A_550[15] : i32 from vector<16xi32>
        %gt3A_552 = vector.broadcast %reduce_max3A_544 : f32 to vector<16xf32>
        %gt3A_553 = arith.cmpf ogt, %scan3A_504#4, %gt3A_552 : vector<16xf32>
        %convert_element_type3A_554 = arith.extui %gt3A_553 : vector<16xi1> to vector<16xi32>
        %reduce_sum3A_555 = arith.constant true
        %reduce_sum3A_556 = vector.broadcast %reduce_sum3A_555 : i1 to vector<16xi1>
        %reduce_sum3A_557 = tpu.scan <sum>, %convert_element_type3A_554 masked %reduce_sum3A_556 : vector<16xi32>, vector<16xi1> -> vector<16xi32>
        %reduce_sum3A_558 = vector.extract %reduce_sum3A_557[15] : i32 from vector<16xi32>
        %add3A_559 = arith.addi %reduce_sum3A_551, %reduce_sum3A_558 : i32
        %sub3A_560 = arith.constant 30 : i32
        %sub3A_561 = arith.subi %sub3A_560, %add3A_559 : i32
        %iota3A_562 = tpu.iota {dimensions = array<i32: 0>} : vector<16xi32>
        %broadcast_in_dim3A_563 = arith.constant 0 : i32
        %broadcast_in_dim3A_564 = vector.broadcast %broadcast_in_dim3A_563 : i32 to vector<16xi32>
        %scan3A_565 = arith.constant 0 : i32
        %scan3A_566 = arith.constant 0 : i32
        %scan3A_567 = arith.constant 0 : i32
        %scan3A_568 = arith.constant 512 : i32
        %scan3A_569 = arith.addi %scan3A_567, %scan3A_568 : i32
        %scan3A_570 = arith.constant 1 : i32
        %scan3A_571:4 = scf.for %scan3A_577 = %scan3A_567 to %scan3A_569 step %scan3A_570 iter_args(%scan3A_578 = %scan3A_565, %scan3A_579 = %scan3A_566, %scan3A_580 = %broadcast_in_dim3A_564, %scan3A_581 = %broadcast_in_dim3A_564) -> (i32, i32, vector<16xi32>, vector<16xi32>)  : i32 {
          %mul3A_582 = arith.constant 64 : i32
          %mul3A_583 = arith.muli %scan3A_577, %mul3A_582 : i32
          %add3A_584 = arith.constant 0 : i32
          %add3A_585 = arith.addi %mul3A_583, %add3A_584 : i32
          %get3A_586 = arith.index_cast %add3A_585 : i32 to index
          %get3A_587 = tpu.vector_load %arg5[%get3A_586] {strides = array<i32>} : memref<32768xf32, #tpu.memory_space<vmem>>, vector<16xf32>,
          %add3A_588 = arith.constant 16 : i32
          %add3A_589 = arith.addi %mul3A_583, %add3A_588 : i32
          %get3A_590 = arith.index_cast %add3A_589 : i32 to index
          %get3A_591 = tpu.vector_load %arg5[%get3A_590] {strides = array<i32>} : memref<32768xf32, #tpu.memory_space<vmem>>, vector<16xf32>,
          %add3A_592 = arith.constant 32 : i32
          %add3A_593 = arith.addi %mul3A_583, %add3A_592 : i32
          %get3A_594 = arith.index_cast %add3A_593 : i32 to index
          %get3A_595 = tpu.vector_load %arg5[%get3A_594] {strides = array<i32>} : memref<32768xf32, #tpu.memory_space<vmem>>, vector<16xf32>,
          %add3A_596 = arith.constant 48 : i32
          %add3A_597 = arith.addi %mul3A_583, %add3A_596 : i32
          %get3A_598 = arith.index_cast %add3A_597 : i32 to index
          %get3A_599 = tpu.vector_load %arg5[%get3A_598] {strides = array<i32>} : memref<32768xf32, #tpu.memory_space<vmem>>, vector<16xf32>,
          %add3A_600 = arith.constant 0 : i32
          %add3A_601 = arith.addi %mul3A_583, %add3A_600 : i32
          %get3A_602 = arith.index_cast %add3A_601 : i32 to index
          %get3A_603 = tpu.vector_load %arg6[%get3A_602] {strides = array<i32>} : memref<32768xf32, #tpu.memory_space<vmem>>, vector<16xf32>,
          %add3A_604 = arith.constant 16 : i32
          %add3A_605 = arith.addi %mul3A_583, %add3A_604 : i32
          %get3A_606 = arith.index_cast %add3A_605 : i32 to index
          %get3A_607 = tpu.vector_load %arg6[%get3A_606] {strides = array<i32>} : memref<32768xf32, #tpu.memory_space<vmem>>, vector<16xf32>,
          %add3A_608 = arith.constant 32 : i32
          %add3A_609 = arith.addi %mul3A_583, %add3A_608 : i32
          %get3A_610 = arith.index_cast %add3A_609 : i32 to index
          %get3A_611 = tpu.vector_load %arg6[%get3A_610] {strides = array<i32>} : memref<32768xf32, #tpu.memory_space<vmem>>, vector<16xf32>,
          %add3A_612 = arith.constant 48 : i32
          %add3A_613 = arith.addi %mul3A_583, %add3A_612 : i32
          %get3A_614 = arith.index_cast %add3A_613 : i32 to index
          %get3A_615 = tpu.vector_load %arg6[%get3A_614] {strides = array<i32>} : memref<32768xf32, #tpu.memory_space<vmem>>, vector<16xf32>,
          %max3A_616 = arith.maximumf %get3A_587, %get3A_591 : vector<16xf32>
          %max3A_617 = arith.maximumf %get3A_595, %get3A_599 : vector<16xf32>
          %max3A_618 = arith.maximumf %max3A_616, %max3A_617 : vector<16xf32>
          %max3A_619 = arith.maximumf %get3A_603, %get3A_607 : vector<16xf32>
          %max3A_620 = arith.maximumf %get3A_611, %get3A_615 : vector<16xf32>
          %max3A_621 = arith.maximumf %max3A_619, %max3A_620 : vector<16xf32>
          %ge3A_622 = vector.broadcast %reduce_max3A_516 : f32 to vector<16xf32>
          %ge3A_623 = arith.cmpf oge, %max3A_618, %ge3A_622 : vector<16xf32>
          %ge3A_624 = vector.broadcast %reduce_max3A_544 : f32 to vector<16xf32>
          %ge3A_625 = arith.cmpf oge, %max3A_621, %ge3A_624 : vector<16xf32>
          %or3A_626 = arith.ori %ge3A_623, %ge3A_625 : vector<16xi1>
          %all_reduce_population_count3A_627 = tpu.all_reduce %or3A_626 {dim = 0 : i64, kind = #tpu.reduction_kind<sum>} : vector<16xi1> -> vector<16xi32>
          %slice3A_628 = vector.extract_strided_slice %all_reduce_population_count3A_627 {offsets = [0], sizes = [1], strides = [1]} : vector<16xi32> to vector<1xi32>
          %squeeze3A_629 = vector.extract %slice3A_628[0] : i32 from vector<1xi32>
          %gt3A_630 = arith.constant 0 : i32
          %gt3A_631 = arith.cmpi sgt, %squeeze3A_629, %gt3A_630 : i32
          %convert_element_type3A_632 = arith.extui %gt3A_631 : i1 to i32
          %cond3A_633 = arith.constant 0 : i32
          %cond3A_634 = arith.cmpi ne, %convert_element_type3A_632, %cond3A_633 : i32
          %cond3A_635:4 = scf.if %cond3A_634 -> (i32, i32, vector<16xi32>, vector<16xi32>) {
            %add3A_636 = arith.constant 0 : i32
            %add3A_637 = arith.addi %mul3A_583, %add3A_636 : i32
            %add3A_638 = vector.broadcast %add3A_637 : i32 to vector<16xi32>
            %add3A_639 = arith.addi %iota3A_562, %add3A_638 : vector<16xi32>
            %gt3A_640 = vector.broadcast %reduce_max3A_516 : f32 to vector<16xf32>
            %gt3A_641 = arith.cmpf ogt, %get3A_587, %gt3A_640 : vector<16xf32>
            %eq3A_642 = vector.broadcast %reduce_max3A_516 : f32 to vector<16xf32>
            %eq3A_643 = arith.cmpf oeq, %get3A_587, %eq3A_642 : vector<16xf32>
            %gt3A_644 = vector.broadcast %reduce_max3A_544 : f32 to vector<16xf32>
            %gt3A_645 = arith.cmpf ogt, %get3A_603, %gt3A_644 : vector<16xf32>
            %eq3A_646 = vector.broadcast %reduce_max3A_544 : f32 to vector<16xf32>
            %eq3A_647 = arith.cmpf oeq, %get3A_603, %eq3A_646 : vector<16xf32>
            %convert_element_type3A_648 = arith.extui %eq3A_643 : vector<16xi1> to vector<16xi32>
            %convert_element_type3A_649 = arith.extui %eq3A_647 : vector<16xi1> to vector<16xi32>
            %broadcast_in_dim3A_650 = arith.constant true
            %broadcast_in_dim3A_651 = vector.broadcast %broadcast_in_dim3A_650 : i1 to vector<16xi1>
            %masked_cumsum3A_652 = tpu.scan <sum>, %convert_element_type3A_648 masked %broadcast_in_dim3A_651 : vector<16xi32>, vector<16xi1> -> vector<16xi32>
            %sub3A_653 = arith.subi %masked_cumsum3A_652, %convert_element_type3A_648 : vector<16xi32>
            %broadcast_in_dim3A_654 = arith.constant true
            %broadcast_in_dim3A_655 = vector.broadcast %broadcast_in_dim3A_654 : i1 to vector<16xi1>
            %masked_cumsum3A_656 = tpu.scan <sum>, %convert_element_type3A_649 masked %broadcast_in_dim3A_655 : vector<16xi32>, vector<16xi1> -> vector<16xi32>
            %sub3A_657 = arith.subi %masked_cumsum3A_656, %convert_element_type3A_649 : vector<16xi32>
            %add3A_658 = vector.broadcast %scan3A_578 : i32 to vector<16xi32>
            %add3A_659 = arith.addi %add3A_658, %sub3A_653 : vector<16xi32>
            %lt3A_660 = vector.broadcast %sub3A_533 : i32 to vector<16xi32>
            %lt3A_661 = arith.cmpi slt, %add3A_659, %lt3A_660 : vector<16xi32>
            %and3A_662 = arith.andi %eq3A_643, %lt3A_661 : vector<16xi1>
            %or3A_663 = arith.ori %gt3A_641, %and3A_662 : vector<16xi1>
            %add3A_664 = vector.broadcast %scan3A_579 : i32 to vector<16xi32>
            %add3A_665 = arith.addi %add3A_664, %sub3A_657 : vector<16xi32>
            %lt3A_666 = vector.broadcast %sub3A_561 : i32 to vector<16xi32>
            %lt3A_667 = arith.cmpi slt, %add3A_665, %lt3A_666 : vector<16xi32>
            %and3A_668 = arith.andi %eq3A_647, %lt3A_667 : vector<16xi1>
            %or3A_669 = arith.ori %gt3A_645, %and3A_668 : vector<16xi1>
            %convert_element_type3A_670 = arith.extui %or3A_663 : vector<16xi1> to vector<16xi32>
            %broadcast_in_dim3A_671 = arith.constant true
            %broadcast_in_dim3A_672 = vector.broadcast %broadcast_in_dim3A_671 : i1 to vector<16xi1>
            %masked_cumsum3A_673 = tpu.scan <sum>, %convert_element_type3A_670 masked %broadcast_in_dim3A_672 : vector<16xi32>, vector<16xi1> -> vector<16xi32>
            %add3A_674 = arith.addi %scan3A_580, %masked_cumsum3A_673 : vector<16xi32>
            %sub3A_675 = arith.subi %add3A_674, %convert_element_type3A_670 : vector<16xi32>
            tpu.vector_store_idx %arg9[%sub3A_675], %add3A_639 masked %or3A_663 : memref<32xi32, #tpu.memory_space<vmem>>[vector<16xi32>], vector<16xi32>, vector<16xi1>
            %reduce_sum3A_676 = arith.constant true
            %reduce_sum3A_677 = vector.broadcast %reduce_sum3A_676 : i1 to vector<16xi1>
            %reduce_sum3A_678 = tpu.scan <sum>, %convert_element_type3A_648 masked %reduce_sum3A_677 : vector<16xi32>, vector<16xi1> -> vector<16xi32>
            %reduce_sum3A_679 = vector.extract %reduce_sum3A_678[15] : i32 from vector<16xi32>
            %add3A_680 = arith.addi %scan3A_578, %reduce_sum3A_679 : i32
            %reduce_sum3A_681 = arith.constant true
            %reduce_sum3A_682 = vector.broadcast %reduce_sum3A_681 : i1 to vector<16xi1>
            %reduce_sum3A_683 = tpu.scan <sum>, %convert_element_type3A_649 masked %reduce_sum3A_682 : vector<16xi32>, vector<16xi1> -> vector<16xi32>
            %reduce_sum3A_684 = vector.extract %reduce_sum3A_683[15] : i32 from vector<16xi32>
            %add3A_685 = arith.addi %scan3A_579, %reduce_sum3A_684 : i32
            %all_reduce_population_count3A_686 = tpu.all_reduce %or3A_663 {dim = 0 : i64, kind = #tpu.reduction_kind<sum>} : vector<16xi1> -> vector<16xi32>
            %add3A_687 = arith.addi %scan3A_580, %all_reduce_population_count3A_686 : vector<16xi32>
            %and3A_688 = arith.andi %or3A_663, %or3A_669 : vector<16xi1>
            %convert_element_type3A_689 = arith.extui %and3A_688 : vector<16xi1> to vector<16xi32>
            %add3A_690 = arith.addi %scan3A_581, %convert_element_type3A_689 : vector<16xi32>
            %add3A_691 = arith.constant 16 : i32
            %add3A_692 = arith.addi %mul3A_583, %add3A_691 : i32
            %add3A_693 = vector.broadcast %add3A_692 : i32 to vector<16xi32>
            %add3A_694 = arith.addi %iota3A_562, %add3A_693 : vector<16xi32>
            %gt3A_695 = vector.broadcast %reduce_max3A_516 : f32 to vector<16xf32>
            %gt3A_696 = arith.cmpf ogt, %get3A_591, %gt3A_695 : vector<16xf32>
            %eq3A_697 = vector.broadcast %reduce_max3A_516 : f32 to vector<16xf32>
            %eq3A_698 = arith.cmpf oeq, %get3A_591, %eq3A_697 : vector<16xf32>
            %gt3A_699 = vector.broadcast %reduce_max3A_544 : f32 to vector<16xf32>
            %gt3A_700 = arith.cmpf ogt, %get3A_607, %gt3A_699 : vector<16xf32>
            %eq3A_701 = vector.broadcast %reduce_max3A_544 : f32 to vector<16xf32>
            %eq3A_702 = arith.cmpf oeq, %get3A_607, %eq3A_701 : vector<16xf32>
            %convert_element_type3A_703 = arith.extui %eq3A_698 : vector<16xi1> to vector<16xi32>
            %convert_element_type3A_704 = arith.extui %eq3A_702 : vector<16xi1> to vector<16xi32>
            %broadcast_in_dim3A_705 = arith.constant true
            %broadcast_in_dim3A_706 = vector.broadcast %broadcast_in_dim3A_705 : i1 to vector<16xi1>
            %masked_cumsum3A_707 = tpu.scan <sum>, %convert_element_type3A_703 masked %broadcast_in_dim3A_706 : vector<16xi32>, vector<16xi1> -> vector<16xi32>
            %sub3A_708 = arith.subi %masked_cumsum3A_707, %convert_element_type3A_703 : vector<16xi32>
            %broadcast_in_dim3A_709 = arith.constant true
            %broadcast_in_dim3A_710 = vector.broadcast %broadcast_in_dim3A_709 : i1 to vector<16xi1>
            %masked_cumsum3A_711 = tpu.scan <sum>, %convert_element_type3A_704 masked %broadcast_in_dim3A_710 : vector<16xi32>, vector<16xi1> -> vector<16xi32>
            %sub3A_712 = arith.subi %masked_cumsum3A_711, %convert_element_type3A_704 : vector<16xi32>
            %add3A_713 = vector.broadcast %add3A_680 : i32 to vector<16xi32>
            %add3A_714 = arith.addi %add3A_713, %sub3A_708 : vector<16xi32>
            %lt3A_715 = vector.broadcast %sub3A_533 : i32 to vector<16xi32>
            %lt3A_716 = arith.cmpi slt, %add3A_714, %lt3A_715 : vector<16xi32>
            %and3A_717 = arith.andi %eq3A_698, %lt3A_716 : vector<16xi1>
            %or3A_718 = arith.ori %gt3A_696, %and3A_717 : vector<16xi1>
            %add3A_719 = vector.broadcast %add3A_685 : i32 to vector<16xi32>
            %add3A_720 = arith.addi %add3A_719, %sub3A_712 : vector<16xi32>
            %lt3A_721 = vector.broadcast %sub3A_561 : i32 to vector<16xi32>
            %lt3A_722 = arith.cmpi slt, %add3A_720, %lt3A_721 : vector<16xi32>
            %and3A_723 = arith.andi %eq3A_702, %lt3A_722 : vector<16xi1>
            %or3A_724 = arith.ori %gt3A_700, %and3A_723 : vector<16xi1>
            %convert_element_type3A_725 = arith.extui %or3A_718 : vector<16xi1> to vector<16xi32>
            %broadcast_in_dim3A_726 = arith.constant true
            %broadcast_in_dim3A_727 = vector.broadcast %broadcast_in_dim3A_726 : i1 to vector<16xi1>
            %masked_cumsum3A_728 = tpu.scan <sum>, %convert_element_type3A_725 masked %broadcast_in_dim3A_727 : vector<16xi32>, vector<16xi1> -> vector<16xi32>
            %add3A_729 = arith.addi %add3A_687, %masked_cumsum3A_728 : vector<16xi32>
            %sub3A_730 = arith.subi %add3A_729, %convert_element_type3A_725 : vector<16xi32>
            tpu.vector_store_idx %arg9[%sub3A_730], %add3A_694 masked %or3A_718 : memref<32xi32, #tpu.memory_space<vmem>>[vector<16xi32>], vector<16xi32>, vector<16xi1>
            %reduce_sum3A_731 = arith.constant true
            %reduce_sum3A_732 = vector.broadcast %reduce_sum3A_731 : i1 to vector<16xi1>
            %reduce_sum3A_733 = tpu.scan <sum>, %convert_element_type3A_703 masked %reduce_sum3A_732 : vector<16xi32>, vector<16xi1> -> vector<16xi32>
            %reduce_sum3A_734 = vector.extract %reduce_sum3A_733[15] : i32 from vector<16xi32>
            %add3A_735 = arith.addi %add3A_680, %reduce_sum3A_734 : i32
            %reduce_sum3A_736 = arith.constant true
            %reduce_sum3A_737 = vector.broadcast %reduce_sum3A_736 : i1 to vector<16xi1>
            %reduce_sum3A_738 = tpu.scan <sum>, %convert_element_type3A_704 masked %reduce_sum3A_737 : vector<16xi32>, vector<16xi1> -> vector<16xi32>
            %reduce_sum3A_739 = vector.extract %reduce_sum3A_738[15] : i32 from vector<16xi32>
            %add3A_740 = arith.addi %add3A_685, %reduce_sum3A_739 : i32
            %all_reduce_population_count3A_741 = tpu.all_reduce %or3A_718 {dim = 0 : i64, kind = #tpu.reduction_kind<sum>} : vector<16xi1> -> vector<16xi32>
            %add3A_742 = arith.addi %add3A_687, %all_reduce_population_count3A_741 : vector<16xi32>
            %and3A_743 = arith.andi %or3A_718, %or3A_724 : vector<16xi1>
            %convert_element_type3A_744 = arith.extui %and3A_743 : vector<16xi1> to vector<16xi32>
            %add3A_745 = arith.addi %add3A_690, %convert_element_type3A_744 : vector<16xi32>
            %add3A_746 = arith.constant 32 : i32
            %add3A_747 = arith.addi %mul3A_583, %add3A_746 : i32
            %add3A_748 = vector.broadcast %add3A_747 : i32 to vector<16xi32>
            %add3A_749 = arith.addi %iota3A_562, %add3A_748 : vector<16xi32>
            %gt3A_750 = vector.broadcast %reduce_max3A_516 : f32 to vector<16xf32>
            %gt3A_751 = arith.cmpf ogt, %get3A_595, %gt3A_750 : vector<16xf32>
            %eq3A_752 = vector.broadcast %reduce_max3A_516 : f32 to vector<16xf32>
            %eq3A_753 = arith.cmpf oeq, %get3A_595, %eq3A_752 : vector<16xf32>
            %gt3A_754 = vector.broadcast %reduce_max3A_544 : f32 to vector<16xf32>
            %gt3A_755 = arith.cmpf ogt, %get3A_611, %gt3A_754 : vector<16xf32>
            %eq3A_756 = vector.broadcast %reduce_max3A_544 : f32 to vector<16xf32>
            %eq3A_757 = arith.cmpf oeq, %get3A_611, %eq3A_756 : vector<16xf32>
            %convert_element_type3A_758 = arith.extui %eq3A_753 : vector<16xi1> to vector<16xi32>
            %convert_element_type3A_759 = arith.extui %eq3A_757 : vector<16xi1> to vector<16xi32>
            %broadcast_in_dim3A_760 = arith.constant true
            %broadcast_in_dim3A_761 = vector.broadcast %broadcast_in_dim3A_760 : i1 to vector<16xi1>
            %masked_cumsum3A_762 = tpu.scan <sum>, %convert_element_type3A_758 masked %broadcast_in_dim3A_761 : vector<16xi32>, vector<16xi1> -> vector<16xi32>
            %sub3A_763 = arith.subi %masked_cumsum3A_762, %convert_element_type3A_758 : vector<16xi32>
            %broadcast_in_dim3A_764 = arith.constant true
            %broadcast_in_dim3A_765 = vector.broadcast %broadcast_in_dim3A_764 : i1 to vector<16xi1>
            %masked_cumsum3A_766 = tpu.scan <sum>, %convert_element_type3A_759 masked %broadcast_in_dim3A_765 : vector<16xi32>, vector<16xi1> -> vector<16xi32>
            %sub3A_767 = arith.subi %masked_cumsum3A_766, %convert_element_type3A_759 : vector<16xi32>
            %add3A_768 = vector.broadcast %add3A_735 : i32 to vector<16xi32>
            %add3A_769 = arith.addi %add3A_768, %sub3A_763 : vector<16xi32>
            %lt3A_770 = vector.broadcast %sub3A_533 : i32 to vector<16xi32>
            %lt3A_771 = arith.cmpi slt, %add3A_769, %lt3A_770 : vector<16xi32>
            %and3A_772 = arith.andi %eq3A_753, %lt3A_771 : vector<16xi1>
            %or3A_773 = arith.ori %gt3A_751, %and3A_772 : vector<16xi1>
            %add3A_774 = vector.broadcast %add3A_740 : i32 to vector<16xi32>
            %add3A_775 = arith.addi %add3A_774, %sub3A_767 : vector<16xi32>
            %lt3A_776 = vector.broadcast %sub3A_561 : i32 to vector<16xi32>
            %lt3A_777 = arith.cmpi slt, %add3A_775, %lt3A_776 : vector<16xi32>
            %and3A_778 = arith.andi %eq3A_757, %lt3A_777 : vector<16xi1>
            %or3A_779 = arith.ori %gt3A_755, %and3A_778 : vector<16xi1>
            %convert_element_type3A_780 = arith.extui %or3A_773 : vector<16xi1> to vector<16xi32>
            %broadcast_in_dim3A_781 = arith.constant true
            %broadcast_in_dim3A_782 = vector.broadcast %broadcast_in_dim3A_781 : i1 to vector<16xi1>
            %masked_cumsum3A_783 = tpu.scan <sum>, %convert_element_type3A_780 masked %broadcast_in_dim3A_782 : vector<16xi32>, vector<16xi1> -> vector<16xi32>
            %add3A_784 = arith.addi %add3A_742, %masked_cumsum3A_783 : vector<16xi32>
            %sub3A_785 = arith.subi %add3A_784, %convert_element_type3A_780 : vector<16xi32>
            tpu.vector_store_idx %arg9[%sub3A_785], %add3A_749 masked %or3A_773 : memref<32xi32, #tpu.memory_space<vmem>>[vector<16xi32>], vector<16xi32>, vector<16xi1>
            %reduce_sum3A_786 = arith.constant true
            %reduce_sum3A_787 = vector.broadcast %reduce_sum3A_786 : i1 to vector<16xi1>
            %reduce_sum3A_788 = tpu.scan <sum>, %convert_element_type3A_758 masked %reduce_sum3A_787 : vector<16xi32>, vector<16xi1> -> vector<16xi32>
            %reduce_sum3A_789 = vector.extract %reduce_sum3A_788[15] : i32 from vector<16xi32>
            %add3A_790 = arith.addi %add3A_735, %reduce_sum3A_789 : i32
            %reduce_sum3A_791 = arith.constant true
            %reduce_sum3A_792 = vector.broadcast %reduce_sum3A_791 : i1 to vector<16xi1>
            %reduce_sum3A_793 = tpu.scan <sum>, %convert_element_type3A_759 masked %reduce_sum3A_792 : vector<16xi32>, vector<16xi1> -> vector<16xi32>
            %reduce_sum3A_794 = vector.extract %reduce_sum3A_793[15] : i32 from vector<16xi32>
            %add3A_795 = arith.addi %add3A_740, %reduce_sum3A_794 : i32
            %all_reduce_population_count3A_796 = tpu.all_reduce %or3A_773 {dim = 0 : i64, kind = #tpu.reduction_kind<sum>} : vector<16xi1> -> vector<16xi32>
            %add3A_797 = arith.addi %add3A_742, %all_reduce_population_count3A_796 : vector<16xi32>
            %and3A_798 = arith.andi %or3A_773, %or3A_779 : vector<16xi1>
            %convert_element_type3A_799 = arith.extui %and3A_798 : vector<16xi1> to vector<16xi32>
            %add3A_800 = arith.addi %add3A_745, %convert_element_type3A_799 : vector<16xi32>
            %add3A_801 = arith.constant 48 : i32
            %add3A_802 = arith.addi %mul3A_583, %add3A_801 : i32
            %add3A_803 = vector.broadcast %add3A_802 : i32 to vector<16xi32>
            %add3A_804 = arith.addi %iota3A_562, %add3A_803 : vector<16xi32>
            %gt3A_805 = vector.broadcast %reduce_max3A_516 : f32 to vector<16xf32>
            %gt3A_806 = arith.cmpf ogt, %get3A_599, %gt3A_805 : vector<16xf32>
            %eq3A_807 = vector.broadcast %reduce_max3A_516 : f32 to vector<16xf32>
            %eq3A_808 = arith.cmpf oeq, %get3A_599, %eq3A_807 : vector<16xf32>
            %gt3A_809 = vector.broadcast %reduce_max3A_544 : f32 to vector<16xf32>
            %gt3A_810 = arith.cmpf ogt, %get3A_615, %gt3A_809 : vector<16xf32>
            %eq3A_811 = vector.broadcast %reduce_max3A_544 : f32 to vector<16xf32>
            %eq3A_812 = arith.cmpf oeq, %get3A_615, %eq3A_811 : vector<16xf32>
            %convert_element_type3A_813 = arith.extui %eq3A_808 : vector<16xi1> to vector<16xi32>
            %convert_element_type3A_814 = arith.extui %eq3A_812 : vector<16xi1> to vector<16xi32>
            %broadcast_in_dim3A_815 = arith.constant true
            %broadcast_in_dim3A_816 = vector.broadcast %broadcast_in_dim3A_815 : i1 to vector<16xi1>
            %masked_cumsum3A_817 = tpu.scan <sum>, %convert_element_type3A_813 masked %broadcast_in_dim3A_816 : vector<16xi32>, vector<16xi1> -> vector<16xi32>
            %sub3A_818 = arith.subi %masked_cumsum3A_817, %convert_element_type3A_813 : vector<16xi32>
            %broadcast_in_dim3A_819 = arith.constant true
            %broadcast_in_dim3A_820 = vector.broadcast %broadcast_in_dim3A_819 : i1 to vector<16xi1>
            %masked_cumsum3A_821 = tpu.scan <sum>, %convert_element_type3A_814 masked %broadcast_in_dim3A_820 : vector<16xi32>, vector<16xi1> -> vector<16xi32>
            %sub3A_822 = arith.subi %masked_cumsum3A_821, %convert_element_type3A_814 : vector<16xi32>
            %add3A_823 = vector.broadcast %add3A_790 : i32 to vector<16xi32>
            %add3A_824 = arith.addi %add3A_823, %sub3A_818 : vector<16xi32>
            %lt3A_825 = vector.broadcast %sub3A_533 : i32 to vector<16xi32>
            %lt3A_826 = arith.cmpi slt, %add3A_824, %lt3A_825 : vector<16xi32>
            %and3A_827 = arith.andi %eq3A_808, %lt3A_826 : vector<16xi1>
            %or3A_828 = arith.ori %gt3A_806, %and3A_827 : vector<16xi1>
            %add3A_829 = vector.broadcast %add3A_795 : i32 to vector<16xi32>
            %add3A_830 = arith.addi %add3A_829, %sub3A_822 : vector<16xi32>
            %lt3A_831 = vector.broadcast %sub3A_561 : i32 to vector<16xi32>
            %lt3A_832 = arith.cmpi slt, %add3A_830, %lt3A_831 : vector<16xi32>
            %and3A_833 = arith.andi %eq3A_812, %lt3A_832 : vector<16xi1>
            %or3A_834 = arith.ori %gt3A_810, %and3A_833 : vector<16xi1>
            %convert_element_type3A_835 = arith.extui %or3A_828 : vector<16xi1> to vector<16xi32>
            %broadcast_in_dim3A_836 = arith.constant true
            %broadcast_in_dim3A_837 = vector.broadcast %broadcast_in_dim3A_836 : i1 to vector<16xi1>
            %masked_cumsum3A_838 = tpu.scan <sum>, %convert_element_type3A_835 masked %broadcast_in_dim3A_837 : vector<16xi32>, vector<16xi1> -> vector<16xi32>
            %add3A_839 = arith.addi %add3A_797, %masked_cumsum3A_838 : vector<16xi32>
            %sub3A_840 = arith.subi %add3A_839, %convert_element_type3A_835 : vector<16xi32>
            tpu.vector_store_idx %arg9[%sub3A_840], %add3A_804 masked %or3A_828 : memref<32xi32, #tpu.memory_space<vmem>>[vector<16xi32>], vector<16xi32>, vector<16xi1>
            %reduce_sum3A_841 = arith.constant true
            %reduce_sum3A_842 = vector.broadcast %reduce_sum3A_841 : i1 to vector<16xi1>
            %reduce_sum3A_843 = tpu.scan <sum>, %convert_element_type3A_813 masked %reduce_sum3A_842 : vector<16xi32>, vector<16xi1> -> vector<16xi32>
            %reduce_sum3A_844 = vector.extract %reduce_sum3A_843[15] : i32 from vector<16xi32>
            %add3A_845 = arith.addi %add3A_790, %reduce_sum3A_844 : i32
            %reduce_sum3A_846 = arith.constant true
            %reduce_sum3A_847 = vector.broadcast %reduce_sum3A_846 : i1 to vector<16xi1>
            %reduce_sum3A_848 = tpu.scan <sum>, %convert_element_type3A_814 masked %reduce_sum3A_847 : vector<16xi32>, vector<16xi1> -> vector<16xi32>
            %reduce_sum3A_849 = vector.extract %reduce_sum3A_848[15] : i32 from vector<16xi32>
            %add3A_850 = arith.addi %add3A_795, %reduce_sum3A_849 : i32
            %all_reduce_population_count3A_851 = tpu.all_reduce %or3A_828 {dim = 0 : i64, kind = #tpu.reduction_kind<sum>} : vector<16xi1> -> vector<16xi32>
            %add3A_852 = arith.addi %add3A_797, %all_reduce_population_count3A_851 : vector<16xi32>
            %and3A_853 = arith.andi %or3A_828, %or3A_834 : vector<16xi1>
            %convert_element_type3A_854 = arith.extui %and3A_853 : vector<16xi1> to vector<16xi32>
            %add3A_855 = arith.addi %add3A_800, %convert_element_type3A_854 : vector<16xi32>
            scf.yield %add3A_845, %add3A_850, %add3A_852, %add3A_855 : i32, i32, vector<16xi32>, vector<16xi32>
          } else {
            scf.yield %scan3A_578, %scan3A_579, %scan3A_580, %scan3A_581 : i32, i32, vector<16xi32>, vector<16xi32>
          }
          scf.yield %cond3A_635#0, %cond3A_635#1, %cond3A_635#2, %cond3A_635#3 : i32, i32, vector<16xi32>, vector<16xi32>
        }
        %scan3A_572 = arith.constant 512 : i32
        %reduce_sum3A_573 = arith.constant true
        %reduce_sum3A_574 = vector.broadcast %reduce_sum3A_573 : i1 to vector<16xi1>
        %reduce_sum3A_575 = tpu.scan <sum>, %scan3A_571#3 masked %reduce_sum3A_574 : vector<16xi32>, vector<16xi1> -> vector<16xi32>
        %reduce_sum3A_576 = vector.extract %reduce_sum3A_575[15] : i32 from vector<16xi32>
        scf.yield %reduce_sum3A_576 : i32
      } else {
        %iota3A_399 = tpu.iota {dimensions = array<i32: 0>} : vector<16xi32>
        %get3A_400 = arith.constant 0 : index
        %get3A_401 = tpu.vector_load %arg7[%get3A_400] {strides = array<i32>} : memref<4096xi32, #tpu.memory_space<vmem>>, vector<16xi32>,
        %max3A_402 = arith.constant 0 : i32
        %max3A_403 = vector.broadcast %max3A_402 : i32 to vector<16xi32>
        %max3A_404 = arith.maxsi %get3A_401, %max3A_403 : vector<16xi32>
        %min3A_405 = arith.constant 32767 : i32
        %min3A_406 = vector.broadcast %min3A_405 : i32 to vector<16xi32>
        %min3A_407 = arith.minsi %max3A_404, %min3A_406 : vector<16xi32>
        %gather3A_408 = tpu.vector_load_idx %arg5[%min3A_407] : memref<32768xf32, #tpu.memory_space<vmem>>[vector<16xi32>], vector<16xf32>,
        %get3A_409 = arith.constant 16 : index
        %get3A_410 = tpu.vector_load %arg7[%get3A_409] {strides = array<i32>} : memref<4096xi32, #tpu.memory_space<vmem>>, vector<16xi32>,
        %max3A_411 = arith.constant 0 : i32
        %max3A_412 = vector.broadcast %max3A_411 : i32 to vector<16xi32>
        %max3A_413 = arith.maxsi %get3A_410, %max3A_412 : vector<16xi32>
        %min3A_414 = arith.constant 32767 : i32
        %min3A_415 = vector.broadcast %min3A_414 : i32 to vector<16xi32>
        %min3A_416 = arith.minsi %max3A_413, %min3A_415 : vector<16xi32>
        %gather3A_417 = tpu.vector_load_idx %arg5[%min3A_416] : memref<32768xf32, #tpu.memory_space<vmem>>[vector<16xi32>], vector<16xf32>,
        %masked_sort3A = arith.constant dense<true> : vector<16xi1>
        %masked_sort3A_418, %masked_sort3A_419, %masked_sort3A_420 = tpu.sort %gather3A_408, %gather3A_408 masked %masked_sort3A : (vector<16xf32>, vector<16xf32>, vector<16xi1>) -> (vector<16xi1>, vector<16xf32>, vector<16xf32>)
        %masked_sort3A_421 = arith.constant dense<true> : vector<16xi1>
        %masked_sort3A_422, %masked_sort3A_423, %masked_sort3A_424 = tpu.sort %gather3A_417, %gather3A_417 masked %masked_sort3A_421 {descending = true} : (vector<16xf32>, vector<16xf32>, vector<16xi1>) -> (vector<16xi1>, vector<16xf32>, vector<16xf32>)
        %max3A_425 = arith.maximumf %masked_sort3A_419, %masked_sort3A_423 : vector<16xf32>
        %masked_sort3A_426 = arith.constant dense<true> : vector<16xi1>
        %masked_sort3A_427, %masked_sort3A_428, %masked_sort3A_429 = tpu.sort %max3A_425, %max3A_425 masked %masked_sort3A_426 : (vector<16xf32>, vector<16xf32>, vector<16xi1>) -> (vector<16xi1>, vector<16xf32>, vector<16xf32>)
        %min3A_430 = arith.minimumf %masked_sort3A_419, %masked_sort3A_423 : vector<16xf32>
        %masked_sort3A_431 = arith.constant dense<true> : vector<16xi1>
        %masked_sort3A_432, %masked_sort3A_433, %masked_sort3A_434 = tpu.sort %min3A_430, %min3A_430 masked %masked_sort3A_431 {descending = true} : (vector<16xf32>, vector<16xf32>, vector<16xi1>) -> (vector<16xi1>, vector<16xf32>, vector<16xf32>)
        %reduce_min3A_435 = arith.constant true
        %reduce_min3A_436 = vector.broadcast %reduce_min3A_435 : i1 to vector<16xi1>
        %reduce_min3A_437 = tpu.scan <min>, %masked_sort3A_433 masked %reduce_min3A_436 : vector<16xf32>, vector<16xi1> -> vector<16xf32>
        %reduce_min3A_438 = vector.extract %reduce_min3A_437[15] : f32 from vector<16xf32>
        %add3A_439 = arith.constant 15 : i32
        %add3A_440 = arith.addi %reduce_max3A_231, %add3A_439 : i32
        %jit3A_441 = arith.constant 16 : i32
        %div3A_442 = arith.divsi %add3A_440, %jit3A_441 : i32
        %sign3A = arith.constant 0 : i32
        %sign3A_443 = arith.cmpi sgt, %add3A_440, %sign3A : i32
        %sign3A_444 = arith.extui %sign3A_443 : i1 to i32
        %sign3A_445 = arith.constant 0 : i32
        %sign3A_446 = arith.cmpi slt, %add3A_440, %sign3A_445 : i32
        %sign3A_447 = arith.extui %sign3A_446 : i1 to i32
        %sign3A_448 = arith.subi %sign3A_444, %sign3A_447 : i32
        %sign3A_449 = arith.constant 0 : i32
        %sign3A_450 = arith.cmpi sgt, %jit3A_441, %sign3A_449 : i32
        %sign3A_451 = arith.extui %sign3A_450 : i1 to i32
        %sign3A_452 = arith.constant 0 : i32
        %sign3A_453 = arith.cmpi slt, %jit3A_441, %sign3A_452 : i32
        %sign3A_454 = arith.extui %sign3A_453 : i1 to i32
        %sign3A_455 = arith.subi %sign3A_451, %sign3A_454 : i32
        %ne3A = arith.cmpi ne, %sign3A_448, %sign3A_455 : i32
        %rem3A = arith.remsi %add3A_440, %jit3A_441 : i32
        %ne3A_456 = arith.constant 0 : i32
        %ne3A_457 = arith.cmpi ne, %rem3A, %ne3A_456 : i32
        %and3A_458 = arith.andi %ne3A, %ne3A_457 : i1
        %sub3A_459 = arith.constant 1 : i32
        %sub3A_460 = arith.subi %div3A_442, %sub3A_459 : i32
        %select_n3A_461 = arith.select %and3A_458, %sub3A_460, %div3A_442 : i32
        %while3A = arith.constant 0xFF800000 : f32
        %while3A_462 = arith.constant 2 : i32
        %while3A_463 = arith.subi %select_n3A_461, %while3A_462 : i32
        %while3A_464 = arith.addi %while3A_462, %while3A_463 : i32
        %while3A_465 = arith.constant 1 : i32
        %while3A_466 = arith.divsi %while3A_463, %while3A_465 : i32
        %while3A_467 = arith.muli %while3A_466, %while3A_465 : i32
        %while3A_468 = arith.addi %while3A_462, %while3A_467 : i32
        %while3A_469 = arith.constant 1 : i32
        %while3A_470:3 = scf.for %while3A_1068 = %while3A_462 to %while3A_468 step %while3A_469 iter_args(%while3A_1069 = %masked_sort3A_428, %while3A_1070 = %masked_sort3A_433, %while3A_1071 = %reduce_min3A_438) -> (vector<16xf32>, vector<16xf32>, f32)  : i32 {
          %mul3A_1072 = arith.constant 16 : i32
          %mul3A_1073 = arith.muli %while3A_1068, %mul3A_1072 : i32
          %get3A_1074 = arith.index_cast %mul3A_1073 : i32 to index
          %get3A_1075 = tpu.vector_load %arg7[%get3A_1074] {strides = array<i32>} : memref<4096xi32, #tpu.memory_space<vmem>>, vector<16xi32>,
          %max3A_1076 = arith.constant 0 : i32
          %max3A_1077 = vector.broadcast %max3A_1076 : i32 to vector<16xi32>
          %max3A_1078 = arith.maxsi %get3A_1075, %max3A_1077 : vector<16xi32>
          %min3A_1079 = arith.constant 32767 : i32
          %min3A_1080 = vector.broadcast %min3A_1079 : i32 to vector<16xi32>
          %min3A_1081 = arith.minsi %max3A_1078, %min3A_1080 : vector<16xi32>
          %gather3A_1082 = tpu.vector_load_idx %arg5[%min3A_1081] : memref<32768xf32, #tpu.memory_space<vmem>>[vector<16xi32>], vector<16xf32>,
          %mul3A_1083 = arith.constant 16 : i32
          %mul3A_1084 = arith.muli %while3A_1068, %mul3A_1083 : i32
          %add3A_1085 = vector.broadcast %mul3A_1084 : i32 to vector<16xi32>
          %add3A_1086 = arith.addi %iota3A_399, %add3A_1085 : vector<16xi32>
          %lt3A_1087 = vector.broadcast %reduce_max3A_231 : i32 to vector<16xi32>
          %lt3A_1088 = arith.cmpi slt, %add3A_1086, %lt3A_1087 : vector<16xi32>
          %broadcast_in_dim3A_1089 = vector.broadcast %while3A : f32 to vector<16xf32>
          %select_n3A_1090 = arith.select %lt3A_1088, %gather3A_1082, %broadcast_in_dim3A_1089 : vector<16xi1>, vector<16xf32>
          %gt3A_1091 = vector.broadcast %while3A_1071 : f32 to vector<16xf32>
          %gt3A_1092 = arith.cmpf ogt, %select_n3A_1090, %gt3A_1091 : vector<16xf32>
          %all_reduce_population_count3A_1093 = tpu.all_reduce %gt3A_1092 {dim = 0 : i64, kind = #tpu.reduction_kind<sum>} : vector<16xi1> -> vector<16xi32>
          %slice3A = vector.extract_strided_slice %all_reduce_population_count3A_1093 {offsets = [0], sizes = [1], strides = [1]} : vector<16xi32> to vector<1xi32>
          %squeeze3A = vector.extract %slice3A[0] : i32 from vector<1xi32>
          %gt3A_1094 = arith.constant 0 : i32
          %gt3A_1095 = arith.cmpi sgt, %squeeze3A, %gt3A_1094 : i32
          %convert_element_type3A_1096 = arith.extui %gt3A_1095 : i1 to i32
          %cond3A_1097 = arith.constant 0 : i32
          %cond3A_1098 = arith.cmpi ne, %convert_element_type3A_1096, %cond3A_1097 : i32
          %cond3A_1099:3 = scf.if %cond3A_1098 -> (vector<16xf32>, vector<16xf32>, f32) {
            %masked_sort3A_1100 = arith.constant dense<true> : vector<16xi1>
            %masked_sort3A_1101, %masked_sort3A_1102, %masked_sort3A_1103 = tpu.sort %select_n3A_1090, %select_n3A_1090 masked %masked_sort3A_1100 : (vector<16xf32>, vector<16xf32>, vector<16xi1>) -> (vector<16xi1>, vector<16xf32>, vector<16xf32>)
            %max3A_1104 = arith.maximumf %masked_sort3A_1102, %while3A_1070 : vector<16xf32>
            %masked_sort3A_1105 = arith.constant dense<true> : vector<16xi1>
            %masked_sort3A_1106, %masked_sort3A_1107, %masked_sort3A_1108 = tpu.sort %max3A_1104, %max3A_1104 masked %masked_sort3A_1105 {descending = true} : (vector<16xf32>, vector<16xf32>, vector<16xi1>) -> (vector<16xi1>, vector<16xf32>, vector<16xf32>)
            %max3A_1109 = arith.maximumf %while3A_1069, %masked_sort3A_1107 : vector<16xf32>
            %masked_sort3A_1110 = arith.constant dense<true> : vector<16xi1>
            %masked_sort3A_1111, %masked_sort3A_1112, %masked_sort3A_1113 = tpu.sort %max3A_1109, %max3A_1109 masked %masked_sort3A_1110 : (vector<16xf32>, vector<16xf32>, vector<16xi1>) -> (vector<16xi1>, vector<16xf32>, vector<16xf32>)
            %min3A_1114 = arith.minimumf %while3A_1069, %masked_sort3A_1107 : vector<16xf32>
            %masked_sort3A_1115 = arith.constant dense<true> : vector<16xi1>
            %masked_sort3A_1116, %masked_sort3A_1117, %masked_sort3A_1118 = tpu.sort %min3A_1114, %min3A_1114 masked %masked_sort3A_1115 {descending = true} : (vector<16xf32>, vector<16xf32>, vector<16xi1>) -> (vector<16xi1>, vector<16xf32>, vector<16xf32>)
            %reduce_min3A_1119 = arith.constant true
            %reduce_min3A_1120 = vector.broadcast %reduce_min3A_1119 : i1 to vector<16xi1>
            %reduce_min3A_1121 = tpu.scan <min>, %masked_sort3A_1117 masked %reduce_min3A_1120 : vector<16xf32>, vector<16xi1> -> vector<16xf32>
            %reduce_min3A_1122 = vector.extract %reduce_min3A_1121[15] : f32 from vector<16xf32>
            scf.yield %masked_sort3A_1112, %masked_sort3A_1117, %reduce_min3A_1122 : vector<16xf32>, vector<16xf32>, f32
          } else {
            scf.yield %while3A_1069, %while3A_1070, %while3A_1071 : vector<16xf32>, vector<16xf32>, f32
          }
          scf.yield %cond3A_1099#0, %cond3A_1099#1, %cond3A_1099#2 : vector<16xf32>, vector<16xf32>, f32
        }
        %while3A_471 = arith.constant 1 : i32
        %while3A_472:3 = scf.for %while3A_1068 = %while3A_468 to %while3A_464 step %while3A_471 iter_args(%while3A_1069 = %while3A_470#0, %while3A_1070 = %while3A_470#1, %while3A_1071 = %while3A_470#2) -> (vector<16xf32>, vector<16xf32>, f32)  : i32 {
          %mul3A_1072 = arith.constant 16 : i32
          %mul3A_1073 = arith.muli %while3A_1068, %mul3A_1072 : i32
          %get3A_1074 = arith.index_cast %mul3A_1073 : i32 to index
          %get3A_1075 = tpu.vector_load %arg7[%get3A_1074] {strides = array<i32>} : memref<4096xi32, #tpu.memory_space<vmem>>, vector<16xi32>,
          %max3A_1076 = arith.constant 0 : i32
          %max3A_1077 = vector.broadcast %max3A_1076 : i32 to vector<16xi32>
          %max3A_1078 = arith.maxsi %get3A_1075, %max3A_1077 : vector<16xi32>
          %min3A_1079 = arith.constant 32767 : i32
          %min3A_1080 = vector.broadcast %min3A_1079 : i32 to vector<16xi32>
          %min3A_1081 = arith.minsi %max3A_1078, %min3A_1080 : vector<16xi32>
          %gather3A_1082 = tpu.vector_load_idx %arg5[%min3A_1081] : memref<32768xf32, #tpu.memory_space<vmem>>[vector<16xi32>], vector<16xf32>,
          %mul3A_1083 = arith.constant 16 : i32
          %mul3A_1084 = arith.muli %while3A_1068, %mul3A_1083 : i32
          %add3A_1085 = vector.broadcast %mul3A_1084 : i32 to vector<16xi32>
          %add3A_1086 = arith.addi %iota3A_399, %add3A_1085 : vector<16xi32>
          %lt3A_1087 = vector.broadcast %reduce_max3A_231 : i32 to vector<16xi32>
          %lt3A_1088 = arith.cmpi slt, %add3A_1086, %lt3A_1087 : vector<16xi32>
          %broadcast_in_dim3A_1089 = vector.broadcast %while3A : f32 to vector<16xf32>
          %select_n3A_1090 = arith.select %lt3A_1088, %gather3A_1082, %broadcast_in_dim3A_1089 : vector<16xi1>, vector<16xf32>
          %gt3A_1091 = vector.broadcast %while3A_1071 : f32 to vector<16xf32>
          %gt3A_1092 = arith.cmpf ogt, %select_n3A_1090, %gt3A_1091 : vector<16xf32>
          %all_reduce_population_count3A_1093 = tpu.all_reduce %gt3A_1092 {dim = 0 : i64, kind = #tpu.reduction_kind<sum>} : vector<16xi1> -> vector<16xi32>
          %slice3A = vector.extract_strided_slice %all_reduce_population_count3A_1093 {offsets = [0], sizes = [1], strides = [1]} : vector<16xi32> to vector<1xi32>
          %squeeze3A = vector.extract %slice3A[0] : i32 from vector<1xi32>
          %gt3A_1094 = arith.constant 0 : i32
          %gt3A_1095 = arith.cmpi sgt, %squeeze3A, %gt3A_1094 : i32
          %convert_element_type3A_1096 = arith.extui %gt3A_1095 : i1 to i32
          %cond3A_1097 = arith.constant 0 : i32
          %cond3A_1098 = arith.cmpi ne, %convert_element_type3A_1096, %cond3A_1097 : i32
          %cond3A_1099:3 = scf.if %cond3A_1098 -> (vector<16xf32>, vector<16xf32>, f32) {
            %masked_sort3A_1100 = arith.constant dense<true> : vector<16xi1>
            %masked_sort3A_1101, %masked_sort3A_1102, %masked_sort3A_1103 = tpu.sort %select_n3A_1090, %select_n3A_1090 masked %masked_sort3A_1100 : (vector<16xf32>, vector<16xf32>, vector<16xi1>) -> (vector<16xi1>, vector<16xf32>, vector<16xf32>)
            %max3A_1104 = arith.maximumf %masked_sort3A_1102, %while3A_1070 : vector<16xf32>
            %masked_sort3A_1105 = arith.constant dense<true> : vector<16xi1>
            %masked_sort3A_1106, %masked_sort3A_1107, %masked_sort3A_1108 = tpu.sort %max3A_1104, %max3A_1104 masked %masked_sort3A_1105 {descending = true} : (vector<16xf32>, vector<16xf32>, vector<16xi1>) -> (vector<16xi1>, vector<16xf32>, vector<16xf32>)
            %max3A_1109 = arith.maximumf %while3A_1069, %masked_sort3A_1107 : vector<16xf32>
            %masked_sort3A_1110 = arith.constant dense<true> : vector<16xi1>
            %masked_sort3A_1111, %masked_sort3A_1112, %masked_sort3A_1113 = tpu.sort %max3A_1109, %max3A_1109 masked %masked_sort3A_1110 : (vector<16xf32>, vector<16xf32>, vector<16xi1>) -> (vector<16xi1>, vector<16xf32>, vector<16xf32>)
            %min3A_1114 = arith.minimumf %while3A_1069, %masked_sort3A_1107 : vector<16xf32>
            %masked_sort3A_1115 = arith.constant dense<true> : vector<16xi1>
            %masked_sort3A_1116, %masked_sort3A_1117, %masked_sort3A_1118 = tpu.sort %min3A_1114, %min3A_1114 masked %masked_sort3A_1115 {descending = true} : (vector<16xf32>, vector<16xf32>, vector<16xi1>) -> (vector<16xi1>, vector<16xf32>, vector<16xf32>)
            %reduce_min3A_1119 = arith.constant true
            %reduce_min3A_1120 = vector.broadcast %reduce_min3A_1119 : i1 to vector<16xi1>
            %reduce_min3A_1121 = tpu.scan <min>, %masked_sort3A_1117 masked %reduce_min3A_1120 : vector<16xf32>, vector<16xi1> -> vector<16xf32>
            %reduce_min3A_1122 = vector.extract %reduce_min3A_1121[15] : f32 from vector<16xf32>
            scf.yield %masked_sort3A_1112, %masked_sort3A_1117, %reduce_min3A_1122 : vector<16xf32>, vector<16xf32>, f32
          } else {
            scf.yield %while3A_1069, %while3A_1070, %while3A_1071 : vector<16xf32>, vector<16xf32>, f32
          }
          scf.yield %cond3A_1099#0, %cond3A_1099#1, %cond3A_1099#2 : vector<16xf32>, vector<16xf32>, f32
        }
        %iota3A_473 = tpu.iota {dimensions = array<i32: 0>} : vector<16xi32>
        %eq3A_474 = arith.constant 13 : i32
        %eq3A_475 = vector.broadcast %eq3A_474 : i32 to vector<16xi32>
        %eq3A_476 = arith.cmpi eq, %iota3A_473, %eq3A_475 : vector<16xi32>
        %jit3A_477 = arith.constant -3.400000e+38 : f32
        %broadcast_in_dim3A_478 = vector.broadcast %jit3A_477 : f32 to vector<16xf32>
        %select_n3A_479 = arith.select %eq3A_476, %while3A_472#1, %broadcast_in_dim3A_478 : vector<16xi1>, vector<16xf32>
        %reduce_max3A_480 = arith.constant true
        %reduce_max3A_481 = vector.broadcast %reduce_max3A_480 : i1 to vector<16xi1>
        %reduce_max3A_482 = tpu.scan <max>, %select_n3A_479 masked %reduce_max3A_481 : vector<16xf32>, vector<16xi1> -> vector<16xf32>
        %reduce_max3A_483 = vector.extract %reduce_max3A_482[15] : f32 from vector<16xf32>
        %gt3A_484 = vector.broadcast %reduce_max3A_483 : f32 to vector<16xf32>
        %gt3A_485 = arith.cmpf ogt, %while3A_472#0, %gt3A_484 : vector<16xf32>
        %convert_element_type3A_486 = arith.extui %gt3A_485 : vector<16xi1> to vector<16xi32>
        %reduce_sum3A_487 = arith.constant true
        %reduce_sum3A_488 = vector.broadcast %reduce_sum3A_487 : i1 to vector<16xi1>
        %reduce_sum3A_489 = tpu.scan <sum>, %convert_element_type3A_486 masked %reduce_sum3A_488 : vector<16xi32>, vector<16xi1> -> vector<16xi32>
        %reduce_sum3A_490 = vector.extract %reduce_sum3A_489[15] : i32 from vector<16xi32>
        %gt3A_491 = vector.broadcast %reduce_max3A_483 : f32 to vector<16xf32>
        %gt3A_492 = arith.cmpf ogt, %while3A_472#1, %gt3A_491 : vector<16xf32>
        %convert_element_type3A_493 = arith.extui %gt3A_492 : vector<16xi1> to vector<16xi32>
        %reduce_sum3A_494 = arith.constant true
        %reduce_sum3A_495 = vector.broadcast %reduce_sum3A_494 : i1 to vector<16xi1>
        %reduce_sum3A_496 = tpu.scan <sum>, %convert_element_type3A_493 masked %reduce_sum3A_495 : vector<16xi32>, vector<16xi1> -> vector<16xi32>
        %reduce_sum3A_497 = vector.extract %reduce_sum3A_496[15] : i32 from vector<16xi32>
        %add3A_498 = arith.addi %reduce_sum3A_490, %reduce_sum3A_497 : i32
        %sub3A_499 = arith.constant 30 : i32
        %sub3A_500 = arith.subi %sub3A_499, %add3A_498 : i32
        %iota3A_501 = tpu.iota {dimensions = array<i32: 0>} : vector<16xi32>
        %get3A_502 = arith.constant 0 : index
        %get3A_503 = tpu.vector_load %arg8[%get3A_502] {strides = array<i32>} : memref<4096xi32, #tpu.memory_space<vmem>>, vector<16xi32>,
        %max3A_504 = arith.constant 0 : i32
        %max3A_505 = vector.broadcast %max3A_504 : i32 to vector<16xi32>
        %max3A_506 = arith.maxsi %get3A_503, %max3A_505 : vector<16xi32>
        %min3A_507 = arith.constant 32767 : i32
        %min3A_508 = vector.broadcast %min3A_507 : i32 to vector<16xi32>
        %min3A_509 = arith.minsi %max3A_506, %min3A_508 : vector<16xi32>
        %gather3A_510 = tpu.vector_load_idx %arg6[%min3A_509] : memref<32768xf32, #tpu.memory_space<vmem>>[vector<16xi32>], vector<16xf32>,
        %get3A_511 = arith.constant 16 : index
        %get3A_512 = tpu.vector_load %arg8[%get3A_511] {strides = array<i32>} : memref<4096xi32, #tpu.memory_space<vmem>>, vector<16xi32>,
        %max3A_513 = arith.constant 0 : i32
        %max3A_514 = vector.broadcast %max3A_513 : i32 to vector<16xi32>
        %max3A_515 = arith.maxsi %get3A_512, %max3A_514 : vector<16xi32>
        %min3A_516 = arith.constant 32767 : i32
        %min3A_517 = vector.broadcast %min3A_516 : i32 to vector<16xi32>
        %min3A_518 = arith.minsi %max3A_515, %min3A_517 : vector<16xi32>
        %gather3A_519 = tpu.vector_load_idx %arg6[%min3A_518] : memref<32768xf32, #tpu.memory_space<vmem>>[vector<16xi32>], vector<16xf32>,
        %masked_sort3A_520 = arith.constant dense<true> : vector<16xi1>
        %masked_sort3A_521, %masked_sort3A_522, %masked_sort3A_523 = tpu.sort %gather3A_510, %gather3A_510 masked %masked_sort3A_520 : (vector<16xf32>, vector<16xf32>, vector<16xi1>) -> (vector<16xi1>, vector<16xf32>, vector<16xf32>)
        %masked_sort3A_524 = arith.constant dense<true> : vector<16xi1>
        %masked_sort3A_525, %masked_sort3A_526, %masked_sort3A_527 = tpu.sort %gather3A_519, %gather3A_519 masked %masked_sort3A_524 {descending = true} : (vector<16xf32>, vector<16xf32>, vector<16xi1>) -> (vector<16xi1>, vector<16xf32>, vector<16xf32>)
        %max3A_528 = arith.maximumf %masked_sort3A_522, %masked_sort3A_526 : vector<16xf32>
        %masked_sort3A_529 = arith.constant dense<true> : vector<16xi1>
        %masked_sort3A_530, %masked_sort3A_531, %masked_sort3A_532 = tpu.sort %max3A_528, %max3A_528 masked %masked_sort3A_529 : (vector<16xf32>, vector<16xf32>, vector<16xi1>) -> (vector<16xi1>, vector<16xf32>, vector<16xf32>)
        %min3A_533 = arith.minimumf %masked_sort3A_522, %masked_sort3A_526 : vector<16xf32>
        %masked_sort3A_534 = arith.constant dense<true> : vector<16xi1>
        %masked_sort3A_535, %masked_sort3A_536, %masked_sort3A_537 = tpu.sort %min3A_533, %min3A_533 masked %masked_sort3A_534 {descending = true} : (vector<16xf32>, vector<16xf32>, vector<16xi1>) -> (vector<16xi1>, vector<16xf32>, vector<16xf32>)
        %reduce_min3A_538 = arith.constant true
        %reduce_min3A_539 = vector.broadcast %reduce_min3A_538 : i1 to vector<16xi1>
        %reduce_min3A_540 = tpu.scan <min>, %masked_sort3A_536 masked %reduce_min3A_539 : vector<16xf32>, vector<16xi1> -> vector<16xf32>
        %reduce_min3A_541 = vector.extract %reduce_min3A_540[15] : f32 from vector<16xf32>
        %add3A_542 = arith.constant 15 : i32
        %add3A_543 = arith.addi %reduce_max3A_239, %add3A_542 : i32
        %jit3A_544 = arith.constant 16 : i32
        %div3A_545 = arith.divsi %add3A_543, %jit3A_544 : i32
        %sign3A_546 = arith.constant 0 : i32
        %sign3A_547 = arith.cmpi sgt, %add3A_543, %sign3A_546 : i32
        %sign3A_548 = arith.extui %sign3A_547 : i1 to i32
        %sign3A_549 = arith.constant 0 : i32
        %sign3A_550 = arith.cmpi slt, %add3A_543, %sign3A_549 : i32
        %sign3A_551 = arith.extui %sign3A_550 : i1 to i32
        %sign3A_552 = arith.subi %sign3A_548, %sign3A_551 : i32
        %sign3A_553 = arith.constant 0 : i32
        %sign3A_554 = arith.cmpi sgt, %jit3A_544, %sign3A_553 : i32
        %sign3A_555 = arith.extui %sign3A_554 : i1 to i32
        %sign3A_556 = arith.constant 0 : i32
        %sign3A_557 = arith.cmpi slt, %jit3A_544, %sign3A_556 : i32
        %sign3A_558 = arith.extui %sign3A_557 : i1 to i32
        %sign3A_559 = arith.subi %sign3A_555, %sign3A_558 : i32
        %ne3A_560 = arith.cmpi ne, %sign3A_552, %sign3A_559 : i32
        %rem3A_561 = arith.remsi %add3A_543, %jit3A_544 : i32
        %ne3A_562 = arith.constant 0 : i32
        %ne3A_563 = arith.cmpi ne, %rem3A_561, %ne3A_562 : i32
        %and3A_564 = arith.andi %ne3A_560, %ne3A_563 : i1
        %sub3A_565 = arith.constant 1 : i32
        %sub3A_566 = arith.subi %div3A_545, %sub3A_565 : i32
        %select_n3A_567 = arith.select %and3A_564, %sub3A_566, %div3A_545 : i32
        %while3A_568 = arith.constant 0xFF800000 : f32
        %while3A_569 = arith.constant 2 : i32
        %while3A_570 = arith.subi %select_n3A_567, %while3A_569 : i32
        %while3A_571 = arith.addi %while3A_569, %while3A_570 : i32
        %while3A_572 = arith.constant 1 : i32
        %while3A_573 = arith.divsi %while3A_570, %while3A_572 : i32
        %while3A_574 = arith.muli %while3A_573, %while3A_572 : i32
        %while3A_575 = arith.addi %while3A_569, %while3A_574 : i32
        %while3A_576 = arith.constant 1 : i32
        %while3A_577:3 = scf.for %while3A_1068 = %while3A_569 to %while3A_575 step %while3A_576 iter_args(%while3A_1069 = %masked_sort3A_531, %while3A_1070 = %masked_sort3A_536, %while3A_1071 = %reduce_min3A_541) -> (vector<16xf32>, vector<16xf32>, f32)  : i32 {
          %mul3A_1072 = arith.constant 16 : i32
          %mul3A_1073 = arith.muli %while3A_1068, %mul3A_1072 : i32
          %get3A_1074 = arith.index_cast %mul3A_1073 : i32 to index
          %get3A_1075 = tpu.vector_load %arg8[%get3A_1074] {strides = array<i32>} : memref<4096xi32, #tpu.memory_space<vmem>>, vector<16xi32>,
          %max3A_1076 = arith.constant 0 : i32
          %max3A_1077 = vector.broadcast %max3A_1076 : i32 to vector<16xi32>
          %max3A_1078 = arith.maxsi %get3A_1075, %max3A_1077 : vector<16xi32>
          %min3A_1079 = arith.constant 32767 : i32
          %min3A_1080 = vector.broadcast %min3A_1079 : i32 to vector<16xi32>
          %min3A_1081 = arith.minsi %max3A_1078, %min3A_1080 : vector<16xi32>
          %gather3A_1082 = tpu.vector_load_idx %arg6[%min3A_1081] : memref<32768xf32, #tpu.memory_space<vmem>>[vector<16xi32>], vector<16xf32>,
          %mul3A_1083 = arith.constant 16 : i32
          %mul3A_1084 = arith.muli %while3A_1068, %mul3A_1083 : i32
          %add3A_1085 = vector.broadcast %mul3A_1084 : i32 to vector<16xi32>
          %add3A_1086 = arith.addi %iota3A_501, %add3A_1085 : vector<16xi32>
          %lt3A_1087 = vector.broadcast %reduce_max3A_239 : i32 to vector<16xi32>
          %lt3A_1088 = arith.cmpi slt, %add3A_1086, %lt3A_1087 : vector<16xi32>
          %broadcast_in_dim3A_1089 = vector.broadcast %while3A_568 : f32 to vector<16xf32>
          %select_n3A_1090 = arith.select %lt3A_1088, %gather3A_1082, %broadcast_in_dim3A_1089 : vector<16xi1>, vector<16xf32>
          %gt3A_1091 = vector.broadcast %while3A_1071 : f32 to vector<16xf32>
          %gt3A_1092 = arith.cmpf ogt, %select_n3A_1090, %gt3A_1091 : vector<16xf32>
          %all_reduce_population_count3A_1093 = tpu.all_reduce %gt3A_1092 {dim = 0 : i64, kind = #tpu.reduction_kind<sum>} : vector<16xi1> -> vector<16xi32>
          %slice3A = vector.extract_strided_slice %all_reduce_population_count3A_1093 {offsets = [0], sizes = [1], strides = [1]} : vector<16xi32> to vector<1xi32>
          %squeeze3A = vector.extract %slice3A[0] : i32 from vector<1xi32>
          %gt3A_1094 = arith.constant 0 : i32
          %gt3A_1095 = arith.cmpi sgt, %squeeze3A, %gt3A_1094 : i32
          %convert_element_type3A_1096 = arith.extui %gt3A_1095 : i1 to i32
          %cond3A_1097 = arith.constant 0 : i32
          %cond3A_1098 = arith.cmpi ne, %convert_element_type3A_1096, %cond3A_1097 : i32
          %cond3A_1099:3 = scf.if %cond3A_1098 -> (vector<16xf32>, vector<16xf32>, f32) {
            %masked_sort3A_1100 = arith.constant dense<true> : vector<16xi1>
            %masked_sort3A_1101, %masked_sort3A_1102, %masked_sort3A_1103 = tpu.sort %select_n3A_1090, %select_n3A_1090 masked %masked_sort3A_1100 : (vector<16xf32>, vector<16xf32>, vector<16xi1>) -> (vector<16xi1>, vector<16xf32>, vector<16xf32>)
            %max3A_1104 = arith.maximumf %masked_sort3A_1102, %while3A_1070 : vector<16xf32>
            %masked_sort3A_1105 = arith.constant dense<true> : vector<16xi1>
            %masked_sort3A_1106, %masked_sort3A_1107, %masked_sort3A_1108 = tpu.sort %max3A_1104, %max3A_1104 masked %masked_sort3A_1105 {descending = true} : (vector<16xf32>, vector<16xf32>, vector<16xi1>) -> (vector<16xi1>, vector<16xf32>, vector<16xf32>)
            %max3A_1109 = arith.maximumf %while3A_1069, %masked_sort3A_1107 : vector<16xf32>
            %masked_sort3A_1110 = arith.constant dense<true> : vector<16xi1>
            %masked_sort3A_1111, %masked_sort3A_1112, %masked_sort3A_1113 = tpu.sort %max3A_1109, %max3A_1109 masked %masked_sort3A_1110 : (vector<16xf32>, vector<16xf32>, vector<16xi1>) -> (vector<16xi1>, vector<16xf32>, vector<16xf32>)
            %min3A_1114 = arith.minimumf %while3A_1069, %masked_sort3A_1107 : vector<16xf32>
            %masked_sort3A_1115 = arith.constant dense<true> : vector<16xi1>
            %masked_sort3A_1116, %masked_sort3A_1117, %masked_sort3A_1118 = tpu.sort %min3A_1114, %min3A_1114 masked %masked_sort3A_1115 {descending = true} : (vector<16xf32>, vector<16xf32>, vector<16xi1>) -> (vector<16xi1>, vector<16xf32>, vector<16xf32>)
            %reduce_min3A_1119 = arith.constant true
            %reduce_min3A_1120 = vector.broadcast %reduce_min3A_1119 : i1 to vector<16xi1>
            %reduce_min3A_1121 = tpu.scan <min>, %masked_sort3A_1117 masked %reduce_min3A_1120 : vector<16xf32>, vector<16xi1> -> vector<16xf32>
            %reduce_min3A_1122 = vector.extract %reduce_min3A_1121[15] : f32 from vector<16xf32>
            scf.yield %masked_sort3A_1112, %masked_sort3A_1117, %reduce_min3A_1122 : vector<16xf32>, vector<16xf32>, f32
          } else {
            scf.yield %while3A_1069, %while3A_1070, %while3A_1071 : vector<16xf32>, vector<16xf32>, f32
          }
          scf.yield %cond3A_1099#0, %cond3A_1099#1, %cond3A_1099#2 : vector<16xf32>, vector<16xf32>, f32
        }
        %while3A_578 = arith.constant 1 : i32
        %while3A_579:3 = scf.for %while3A_1068 = %while3A_575 to %while3A_571 step %while3A_578 iter_args(%while3A_1069 = %while3A_577#0, %while3A_1070 = %while3A_577#1, %while3A_1071 = %while3A_577#2) -> (vector<16xf32>, vector<16xf32>, f32)  : i32 {
          %mul3A_1072 = arith.constant 16 : i32
          %mul3A_1073 = arith.muli %while3A_1068, %mul3A_1072 : i32
          %get3A_1074 = arith.index_cast %mul3A_1073 : i32 to index
          %get3A_1075 = tpu.vector_load %arg8[%get3A_1074] {strides = array<i32>} : memref<4096xi32, #tpu.memory_space<vmem>>, vector<16xi32>,
          %max3A_1076 = arith.constant 0 : i32
          %max3A_1077 = vector.broadcast %max3A_1076 : i32 to vector<16xi32>
          %max3A_1078 = arith.maxsi %get3A_1075, %max3A_1077 : vector<16xi32>
          %min3A_1079 = arith.constant 32767 : i32
          %min3A_1080 = vector.broadcast %min3A_1079 : i32 to vector<16xi32>
          %min3A_1081 = arith.minsi %max3A_1078, %min3A_1080 : vector<16xi32>
          %gather3A_1082 = tpu.vector_load_idx %arg6[%min3A_1081] : memref<32768xf32, #tpu.memory_space<vmem>>[vector<16xi32>], vector<16xf32>,
          %mul3A_1083 = arith.constant 16 : i32
          %mul3A_1084 = arith.muli %while3A_1068, %mul3A_1083 : i32
          %add3A_1085 = vector.broadcast %mul3A_1084 : i32 to vector<16xi32>
          %add3A_1086 = arith.addi %iota3A_501, %add3A_1085 : vector<16xi32>
          %lt3A_1087 = vector.broadcast %reduce_max3A_239 : i32 to vector<16xi32>
          %lt3A_1088 = arith.cmpi slt, %add3A_1086, %lt3A_1087 : vector<16xi32>
          %broadcast_in_dim3A_1089 = vector.broadcast %while3A_568 : f32 to vector<16xf32>
          %select_n3A_1090 = arith.select %lt3A_1088, %gather3A_1082, %broadcast_in_dim3A_1089 : vector<16xi1>, vector<16xf32>
          %gt3A_1091 = vector.broadcast %while3A_1071 : f32 to vector<16xf32>
          %gt3A_1092 = arith.cmpf ogt, %select_n3A_1090, %gt3A_1091 : vector<16xf32>
          %all_reduce_population_count3A_1093 = tpu.all_reduce %gt3A_1092 {dim = 0 : i64, kind = #tpu.reduction_kind<sum>} : vector<16xi1> -> vector<16xi32>
          %slice3A = vector.extract_strided_slice %all_reduce_population_count3A_1093 {offsets = [0], sizes = [1], strides = [1]} : vector<16xi32> to vector<1xi32>
          %squeeze3A = vector.extract %slice3A[0] : i32 from vector<1xi32>
          %gt3A_1094 = arith.constant 0 : i32
          %gt3A_1095 = arith.cmpi sgt, %squeeze3A, %gt3A_1094 : i32
          %convert_element_type3A_1096 = arith.extui %gt3A_1095 : i1 to i32
          %cond3A_1097 = arith.constant 0 : i32
          %cond3A_1098 = arith.cmpi ne, %convert_element_type3A_1096, %cond3A_1097 : i32
          %cond3A_1099:3 = scf.if %cond3A_1098 -> (vector<16xf32>, vector<16xf32>, f32) {
            %masked_sort3A_1100 = arith.constant dense<true> : vector<16xi1>
            %masked_sort3A_1101, %masked_sort3A_1102, %masked_sort3A_1103 = tpu.sort %select_n3A_1090, %select_n3A_1090 masked %masked_sort3A_1100 : (vector<16xf32>, vector<16xf32>, vector<16xi1>) -> (vector<16xi1>, vector<16xf32>, vector<16xf32>)
            %max3A_1104 = arith.maximumf %masked_sort3A_1102, %while3A_1070 : vector<16xf32>
            %masked_sort3A_1105 = arith.constant dense<true> : vector<16xi1>
            %masked_sort3A_1106, %masked_sort3A_1107, %masked_sort3A_1108 = tpu.sort %max3A_1104, %max3A_1104 masked %masked_sort3A_1105 {descending = true} : (vector<16xf32>, vector<16xf32>, vector<16xi1>) -> (vector<16xi1>, vector<16xf32>, vector<16xf32>)
            %max3A_1109 = arith.maximumf %while3A_1069, %masked_sort3A_1107 : vector<16xf32>
            %masked_sort3A_1110 = arith.constant dense<true> : vector<16xi1>
            %masked_sort3A_1111, %masked_sort3A_1112, %masked_sort3A_1113 = tpu.sort %max3A_1109, %max3A_1109 masked %masked_sort3A_1110 : (vector<16xf32>, vector<16xf32>, vector<16xi1>) -> (vector<16xi1>, vector<16xf32>, vector<16xf32>)
            %min3A_1114 = arith.minimumf %while3A_1069, %masked_sort3A_1107 : vector<16xf32>
            %masked_sort3A_1115 = arith.constant dense<true> : vector<16xi1>
            %masked_sort3A_1116, %masked_sort3A_1117, %masked_sort3A_1118 = tpu.sort %min3A_1114, %min3A_1114 masked %masked_sort3A_1115 {descending = true} : (vector<16xf32>, vector<16xf32>, vector<16xi1>) -> (vector<16xi1>, vector<16xf32>, vector<16xf32>)
            %reduce_min3A_1119 = arith.constant true
            %reduce_min3A_1120 = vector.broadcast %reduce_min3A_1119 : i1 to vector<16xi1>
            %reduce_min3A_1121 = tpu.scan <min>, %masked_sort3A_1117 masked %reduce_min3A_1120 : vector<16xf32>, vector<16xi1> -> vector<16xf32>
            %reduce_min3A_1122 = vector.extract %reduce_min3A_1121[15] : f32 from vector<16xf32>
            scf.yield %masked_sort3A_1112, %masked_sort3A_1117, %reduce_min3A_1122 : vector<16xf32>, vector<16xf32>, f32
          } else {
            scf.yield %while3A_1069, %while3A_1070, %while3A_1071 : vector<16xf32>, vector<16xf32>, f32
          }
          scf.yield %cond3A_1099#0, %cond3A_1099#1, %cond3A_1099#2 : vector<16xf32>, vector<16xf32>, f32
        }
        %iota3A_580 = tpu.iota {dimensions = array<i32: 0>} : vector<16xi32>
        %eq3A_581 = arith.constant 13 : i32
        %eq3A_582 = vector.broadcast %eq3A_581 : i32 to vector<16xi32>
        %eq3A_583 = arith.cmpi eq, %iota3A_580, %eq3A_582 : vector<16xi32>
        %jit3A_584 = arith.constant -3.400000e+38 : f32
        %broadcast_in_dim3A_585 = vector.broadcast %jit3A_584 : f32 to vector<16xf32>
        %select_n3A_586 = arith.select %eq3A_583, %while3A_579#1, %broadcast_in_dim3A_585 : vector<16xi1>, vector<16xf32>
        %reduce_max3A_587 = arith.constant true
        %reduce_max3A_588 = vector.broadcast %reduce_max3A_587 : i1 to vector<16xi1>
        %reduce_max3A_589 = tpu.scan <max>, %select_n3A_586 masked %reduce_max3A_588 : vector<16xf32>, vector<16xi1> -> vector<16xf32>
        %reduce_max3A_590 = vector.extract %reduce_max3A_589[15] : f32 from vector<16xf32>
        %gt3A_591 = vector.broadcast %reduce_max3A_590 : f32 to vector<16xf32>
        %gt3A_592 = arith.cmpf ogt, %while3A_579#0, %gt3A_591 : vector<16xf32>
        %convert_element_type3A_593 = arith.extui %gt3A_592 : vector<16xi1> to vector<16xi32>
        %reduce_sum3A_594 = arith.constant true
        %reduce_sum3A_595 = vector.broadcast %reduce_sum3A_594 : i1 to vector<16xi1>
        %reduce_sum3A_596 = tpu.scan <sum>, %convert_element_type3A_593 masked %reduce_sum3A_595 : vector<16xi32>, vector<16xi1> -> vector<16xi32>
        %reduce_sum3A_597 = vector.extract %reduce_sum3A_596[15] : i32 from vector<16xi32>
        %gt3A_598 = vector.broadcast %reduce_max3A_590 : f32 to vector<16xf32>
        %gt3A_599 = arith.cmpf ogt, %while3A_579#1, %gt3A_598 : vector<16xf32>
        %convert_element_type3A_600 = arith.extui %gt3A_599 : vector<16xi1> to vector<16xi32>
        %reduce_sum3A_601 = arith.constant true
        %reduce_sum3A_602 = vector.broadcast %reduce_sum3A_601 : i1 to vector<16xi1>
        %reduce_sum3A_603 = tpu.scan <sum>, %convert_element_type3A_600 masked %reduce_sum3A_602 : vector<16xi32>, vector<16xi1> -> vector<16xi32>
        %reduce_sum3A_604 = vector.extract %reduce_sum3A_603[15] : i32 from vector<16xi32>
        %add3A_605 = arith.addi %reduce_sum3A_597, %reduce_sum3A_604 : i32
        %sub3A_606 = arith.constant 30 : i32
        %sub3A_607 = arith.subi %sub3A_606, %add3A_605 : i32
        %iota3A_608 = tpu.iota {dimensions = array<i32: 0>} : vector<16xi32>
        %broadcast_in_dim3A_609 = arith.constant 0 : i32
        %broadcast_in_dim3A_610 = vector.broadcast %broadcast_in_dim3A_609 : i32 to vector<16xi32>
        %add3A_611 = arith.constant 15 : i32
        %add3A_612 = arith.addi %reduce_max3A_231, %add3A_611 : i32
        %jit3A_613 = arith.constant 16 : i32
        %div3A_614 = arith.divsi %add3A_612, %jit3A_613 : i32
        %sign3A_615 = arith.constant 0 : i32
        %sign3A_616 = arith.cmpi sgt, %add3A_612, %sign3A_615 : i32
        %sign3A_617 = arith.extui %sign3A_616 : i1 to i32
        %sign3A_618 = arith.constant 0 : i32
        %sign3A_619 = arith.cmpi slt, %add3A_612, %sign3A_618 : i32
        %sign3A_620 = arith.extui %sign3A_619 : i1 to i32
        %sign3A_621 = arith.subi %sign3A_617, %sign3A_620 : i32
        %sign3A_622 = arith.constant 0 : i32
        %sign3A_623 = arith.cmpi sgt, %jit3A_613, %sign3A_622 : i32
        %sign3A_624 = arith.extui %sign3A_623 : i1 to i32
        %sign3A_625 = arith.constant 0 : i32
        %sign3A_626 = arith.cmpi slt, %jit3A_613, %sign3A_625 : i32
        %sign3A_627 = arith.extui %sign3A_626 : i1 to i32
        %sign3A_628 = arith.subi %sign3A_624, %sign3A_627 : i32
        %ne3A_629 = arith.cmpi ne, %sign3A_621, %sign3A_628 : i32
        %rem3A_630 = arith.remsi %add3A_612, %jit3A_613 : i32
        %ne3A_631 = arith.constant 0 : i32
        %ne3A_632 = arith.cmpi ne, %rem3A_630, %ne3A_631 : i32
        %and3A_633 = arith.andi %ne3A_629, %ne3A_632 : i1
        %sub3A_634 = arith.constant 1 : i32
        %sub3A_635 = arith.subi %div3A_614, %sub3A_634 : i32
        %select_n3A_636 = arith.select %and3A_633, %sub3A_635, %div3A_614 : i32
        %while3A_637 = arith.constant 0 : i32
        %while3A_638 = arith.constant 0 : i32
        %while3A_639 = arith.subi %select_n3A_636, %while3A_637 : i32
        %while3A_640 = arith.addi %while3A_637, %while3A_639 : i32
        %while3A_641 = arith.constant 1 : i32
        %while3A_642 = arith.divsi %while3A_639, %while3A_641 : i32
        %while3A_643 = arith.muli %while3A_642, %while3A_641 : i32
        %while3A_644 = arith.addi %while3A_637, %while3A_643 : i32
        %while3A_645 = arith.constant 1 : i32
        %while3A_646:2 = scf.for %while3A_1068 = %while3A_637 to %while3A_644 step %while3A_645 iter_args(%while3A_1069 = %while3A_638, %while3A_1070 = %broadcast_in_dim3A_610) -> (i32, vector<16xi32>)  : i32 {
          %mul3A_1071 = arith.constant 16 : i32
          %mul3A_1072 = arith.muli %while3A_1068, %mul3A_1071 : i32
          %get3A_1073 = arith.index_cast %mul3A_1072 : i32 to index
          %get3A_1074 = tpu.vector_load %arg7[%get3A_1073] {strides = array<i32>} : memref<4096xi32, #tpu.memory_space<vmem>>, vector<16xi32>,
          %max3A_1075 = arith.constant 0 : i32
          %max3A_1076 = vector.broadcast %max3A_1075 : i32 to vector<16xi32>
          %max3A_1077 = arith.maxsi %get3A_1074, %max3A_1076 : vector<16xi32>
          %min3A_1078 = arith.constant 32767 : i32
          %min3A_1079 = vector.broadcast %min3A_1078 : i32 to vector<16xi32>
          %min3A_1080 = arith.minsi %max3A_1077, %min3A_1079 : vector<16xi32>
          %gather3A_1081 = tpu.vector_load_idx %arg5[%min3A_1080] : memref<32768xf32, #tpu.memory_space<vmem>>[vector<16xi32>], vector<16xf32>,
          %mul3A_1082 = arith.constant 16 : i32
          %mul3A_1083 = arith.muli %while3A_1068, %mul3A_1082 : i32
          %add3A_1084 = vector.broadcast %mul3A_1083 : i32 to vector<16xi32>
          %add3A_1085 = arith.addi %iota3A_608, %add3A_1084 : vector<16xi32>
          %lt3A_1086 = vector.broadcast %reduce_max3A_231 : i32 to vector<16xi32>
          %lt3A_1087 = arith.cmpi slt, %add3A_1085, %lt3A_1086 : vector<16xi32>
          %gt3A_1088 = vector.broadcast %reduce_max3A_483 : f32 to vector<16xf32>
          %gt3A_1089 = arith.cmpf ogt, %gather3A_1081, %gt3A_1088 : vector<16xf32>
          %and3A_1090 = arith.andi %lt3A_1087, %gt3A_1089 : vector<16xi1>
          %eq3A_1091 = vector.broadcast %reduce_max3A_483 : f32 to vector<16xf32>
          %eq3A_1092 = arith.cmpf oeq, %gather3A_1081, %eq3A_1091 : vector<16xf32>
          %and3A_1093 = arith.andi %lt3A_1087, %eq3A_1092 : vector<16xi1>
          %convert_element_type3A_1094 = arith.extui %and3A_1093 : vector<16xi1> to vector<16xi32>
          %broadcast_in_dim3A_1095 = arith.constant true
          %broadcast_in_dim3A_1096 = vector.broadcast %broadcast_in_dim3A_1095 : i1 to vector<16xi1>
          %masked_cumsum3A_1097 = tpu.scan <sum>, %convert_element_type3A_1094 masked %broadcast_in_dim3A_1096 : vector<16xi32>, vector<16xi1> -> vector<16xi32>
          %sub3A_1098 = arith.subi %masked_cumsum3A_1097, %convert_element_type3A_1094 : vector<16xi32>
          %add3A_1099 = vector.broadcast %while3A_1069 : i32 to vector<16xi32>
          %add3A_1100 = arith.addi %add3A_1099, %sub3A_1098 : vector<16xi32>
          %lt3A_1101 = vector.broadcast %sub3A_500 : i32 to vector<16xi32>
          %lt3A_1102 = arith.cmpi slt, %add3A_1100, %lt3A_1101 : vector<16xi32>
          %and3A_1103 = arith.andi %and3A_1093, %lt3A_1102 : vector<16xi1>
          %or3A_1104 = arith.ori %and3A_1090, %and3A_1103 : vector<16xi1>
          %convert_element_type3A_1105 = arith.extui %or3A_1104 : vector<16xi1> to vector<16xi32>
          %broadcast_in_dim3A_1106 = arith.constant true
          %broadcast_in_dim3A_1107 = vector.broadcast %broadcast_in_dim3A_1106 : i1 to vector<16xi1>
          %masked_cumsum3A_1108 = tpu.scan <sum>, %convert_element_type3A_1105 masked %broadcast_in_dim3A_1107 : vector<16xi32>, vector<16xi1> -> vector<16xi32>
          %add3A_1109 = arith.addi %while3A_1070, %masked_cumsum3A_1108 : vector<16xi32>
          %sub3A_1110 = arith.subi %add3A_1109, %convert_element_type3A_1105 : vector<16xi32>
          tpu.vector_store_idx %arg9[%sub3A_1110], %get3A_1074 masked %or3A_1104 : memref<32xi32, #tpu.memory_space<vmem>>[vector<16xi32>], vector<16xi32>, vector<16xi1>
          %reduce_sum3A_1111 = arith.constant true
          %reduce_sum3A_1112 = vector.broadcast %reduce_sum3A_1111 : i1 to vector<16xi1>
          %reduce_sum3A_1113 = tpu.scan <sum>, %convert_element_type3A_1094 masked %reduce_sum3A_1112 : vector<16xi32>, vector<16xi1> -> vector<16xi32>
          %reduce_sum3A_1114 = vector.extract %reduce_sum3A_1113[15] : i32 from vector<16xi32>
          %add3A_1115 = arith.addi %while3A_1069, %reduce_sum3A_1114 : i32
          %all_reduce_population_count3A_1116 = tpu.all_reduce %or3A_1104 {dim = 0 : i64, kind = #tpu.reduction_kind<sum>} : vector<16xi1> -> vector<16xi32>
          %add3A_1117 = arith.addi %while3A_1070, %all_reduce_population_count3A_1116 : vector<16xi32>
          scf.yield %add3A_1115, %add3A_1117 : i32, vector<16xi32>
        }
        %while3A_647 = arith.constant 1 : i32
        %while3A_648:2 = scf.for %while3A_1068 = %while3A_644 to %while3A_640 step %while3A_647 iter_args(%while3A_1069 = %while3A_646#0, %while3A_1070 = %while3A_646#1) -> (i32, vector<16xi32>)  : i32 {
          %mul3A_1071 = arith.constant 16 : i32
          %mul3A_1072 = arith.muli %while3A_1068, %mul3A_1071 : i32
          %get3A_1073 = arith.index_cast %mul3A_1072 : i32 to index
          %get3A_1074 = tpu.vector_load %arg7[%get3A_1073] {strides = array<i32>} : memref<4096xi32, #tpu.memory_space<vmem>>, vector<16xi32>,
          %max3A_1075 = arith.constant 0 : i32
          %max3A_1076 = vector.broadcast %max3A_1075 : i32 to vector<16xi32>
          %max3A_1077 = arith.maxsi %get3A_1074, %max3A_1076 : vector<16xi32>
          %min3A_1078 = arith.constant 32767 : i32
          %min3A_1079 = vector.broadcast %min3A_1078 : i32 to vector<16xi32>
          %min3A_1080 = arith.minsi %max3A_1077, %min3A_1079 : vector<16xi32>
          %gather3A_1081 = tpu.vector_load_idx %arg5[%min3A_1080] : memref<32768xf32, #tpu.memory_space<vmem>>[vector<16xi32>], vector<16xf32>,
          %mul3A_1082 = arith.constant 16 : i32
          %mul3A_1083 = arith.muli %while3A_1068, %mul3A_1082 : i32
          %add3A_1084 = vector.broadcast %mul3A_1083 : i32 to vector<16xi32>
          %add3A_1085 = arith.addi %iota3A_608, %add3A_1084 : vector<16xi32>
          %lt3A_1086 = vector.broadcast %reduce_max3A_231 : i32 to vector<16xi32>
          %lt3A_1087 = arith.cmpi slt, %add3A_1085, %lt3A_1086 : vector<16xi32>
          %gt3A_1088 = vector.broadcast %reduce_max3A_483 : f32 to vector<16xf32>
          %gt3A_1089 = arith.cmpf ogt, %gather3A_1081, %gt3A_1088 : vector<16xf32>
          %and3A_1090 = arith.andi %lt3A_1087, %gt3A_1089 : vector<16xi1>
          %eq3A_1091 = vector.broadcast %reduce_max3A_483 : f32 to vector<16xf32>
          %eq3A_1092 = arith.cmpf oeq, %gather3A_1081, %eq3A_1091 : vector<16xf32>
          %and3A_1093 = arith.andi %lt3A_1087, %eq3A_1092 : vector<16xi1>
          %convert_element_type3A_1094 = arith.extui %and3A_1093 : vector<16xi1> to vector<16xi32>
          %broadcast_in_dim3A_1095 = arith.constant true
          %broadcast_in_dim3A_1096 = vector.broadcast %broadcast_in_dim3A_1095 : i1 to vector<16xi1>
          %masked_cumsum3A_1097 = tpu.scan <sum>, %convert_element_type3A_1094 masked %broadcast_in_dim3A_1096 : vector<16xi32>, vector<16xi1> -> vector<16xi32>
          %sub3A_1098 = arith.subi %masked_cumsum3A_1097, %convert_element_type3A_1094 : vector<16xi32>
          %add3A_1099 = vector.broadcast %while3A_1069 : i32 to vector<16xi32>
          %add3A_1100 = arith.addi %add3A_1099, %sub3A_1098 : vector<16xi32>
          %lt3A_1101 = vector.broadcast %sub3A_500 : i32 to vector<16xi32>
          %lt3A_1102 = arith.cmpi slt, %add3A_1100, %lt3A_1101 : vector<16xi32>
          %and3A_1103 = arith.andi %and3A_1093, %lt3A_1102 : vector<16xi1>
          %or3A_1104 = arith.ori %and3A_1090, %and3A_1103 : vector<16xi1>
          %convert_element_type3A_1105 = arith.extui %or3A_1104 : vector<16xi1> to vector<16xi32>
          %broadcast_in_dim3A_1106 = arith.constant true
          %broadcast_in_dim3A_1107 = vector.broadcast %broadcast_in_dim3A_1106 : i1 to vector<16xi1>
          %masked_cumsum3A_1108 = tpu.scan <sum>, %convert_element_type3A_1105 masked %broadcast_in_dim3A_1107 : vector<16xi32>, vector<16xi1> -> vector<16xi32>
          %add3A_1109 = arith.addi %while3A_1070, %masked_cumsum3A_1108 : vector<16xi32>
          %sub3A_1110 = arith.subi %add3A_1109, %convert_element_type3A_1105 : vector<16xi32>
          tpu.vector_store_idx %arg9[%sub3A_1110], %get3A_1074 masked %or3A_1104 : memref<32xi32, #tpu.memory_space<vmem>>[vector<16xi32>], vector<16xi32>, vector<16xi1>
          %reduce_sum3A_1111 = arith.constant true
          %reduce_sum3A_1112 = vector.broadcast %reduce_sum3A_1111 : i1 to vector<16xi1>
          %reduce_sum3A_1113 = tpu.scan <sum>, %convert_element_type3A_1094 masked %reduce_sum3A_1112 : vector<16xi32>, vector<16xi1> -> vector<16xi32>
          %reduce_sum3A_1114 = vector.extract %reduce_sum3A_1113[15] : i32 from vector<16xi32>
          %add3A_1115 = arith.addi %while3A_1069, %reduce_sum3A_1114 : i32
          %all_reduce_population_count3A_1116 = tpu.all_reduce %or3A_1104 {dim = 0 : i64, kind = #tpu.reduction_kind<sum>} : vector<16xi1> -> vector<16xi32>
          %add3A_1117 = arith.addi %while3A_1070, %all_reduce_population_count3A_1116 : vector<16xi32>
          scf.yield %add3A_1115, %add3A_1117 : i32, vector<16xi32>
        }
        %iota3A_649 = tpu.iota {dimensions = array<i32: 0>} : vector<16xi32>
        %broadcast_in_dim3A_650 = arith.constant 0 : i32
        %broadcast_in_dim3A_651 = vector.broadcast %broadcast_in_dim3A_650 : i32 to vector<16xi32>
        %add3A_652 = arith.constant 15 : i32
        %add3A_653 = arith.addi %reduce_max3A_239, %add3A_652 : i32
        %jit3A_654 = arith.constant 16 : i32
        %div3A_655 = arith.divsi %add3A_653, %jit3A_654 : i32
        %sign3A_656 = arith.constant 0 : i32
        %sign3A_657 = arith.cmpi sgt, %add3A_653, %sign3A_656 : i32
        %sign3A_658 = arith.extui %sign3A_657 : i1 to i32
        %sign3A_659 = arith.constant 0 : i32
        %sign3A_660 = arith.cmpi slt, %add3A_653, %sign3A_659 : i32
        %sign3A_661 = arith.extui %sign3A_660 : i1 to i32
        %sign3A_662 = arith.subi %sign3A_658, %sign3A_661 : i32
        %sign3A_663 = arith.constant 0 : i32
        %sign3A_664 = arith.cmpi sgt, %jit3A_654, %sign3A_663 : i32
        %sign3A_665 = arith.extui %sign3A_664 : i1 to i32
        %sign3A_666 = arith.constant 0 : i32
        %sign3A_667 = arith.cmpi slt, %jit3A_654, %sign3A_666 : i32
        %sign3A_668 = arith.extui %sign3A_667 : i1 to i32
        %sign3A_669 = arith.subi %sign3A_665, %sign3A_668 : i32
        %ne3A_670 = arith.cmpi ne, %sign3A_662, %sign3A_669 : i32
        %rem3A_671 = arith.remsi %add3A_653, %jit3A_654 : i32
        %ne3A_672 = arith.constant 0 : i32
        %ne3A_673 = arith.cmpi ne, %rem3A_671, %ne3A_672 : i32
        %and3A_674 = arith.andi %ne3A_670, %ne3A_673 : i1
        %sub3A_675 = arith.constant 1 : i32
        %sub3A_676 = arith.subi %div3A_655, %sub3A_675 : i32
        %select_n3A_677 = arith.select %and3A_674, %sub3A_676, %div3A_655 : i32
        %while3A_678 = arith.constant 0 : i32
        %while3A_679 = arith.constant 0 : i32
        %while3A_680 = arith.subi %select_n3A_677, %while3A_678 : i32
        %while3A_681 = arith.addi %while3A_678, %while3A_680 : i32
        %while3A_682 = arith.constant 1 : i32
        %while3A_683 = arith.divsi %while3A_680, %while3A_682 : i32
        %while3A_684 = arith.muli %while3A_683, %while3A_682 : i32
        %while3A_685 = arith.addi %while3A_678, %while3A_684 : i32
        %while3A_686 = arith.constant 1 : i32
        %while3A_687:2 = scf.for %while3A_1068 = %while3A_678 to %while3A_685 step %while3A_686 iter_args(%while3A_1069 = %while3A_679, %while3A_1070 = %broadcast_in_dim3A_651) -> (i32, vector<16xi32>)  : i32 {
          %mul3A_1071 = arith.constant 16 : i32
          %mul3A_1072 = arith.muli %while3A_1068, %mul3A_1071 : i32
          %get3A_1073 = arith.index_cast %mul3A_1072 : i32 to index
          %get3A_1074 = tpu.vector_load %arg8[%get3A_1073] {strides = array<i32>} : memref<4096xi32, #tpu.memory_space<vmem>>, vector<16xi32>,
          %max3A_1075 = arith.constant 0 : i32
          %max3A_1076 = vector.broadcast %max3A_1075 : i32 to vector<16xi32>
          %max3A_1077 = arith.maxsi %get3A_1074, %max3A_1076 : vector<16xi32>
          %min3A_1078 = arith.constant 32767 : i32
          %min3A_1079 = vector.broadcast %min3A_1078 : i32 to vector<16xi32>
          %min3A_1080 = arith.minsi %max3A_1077, %min3A_1079 : vector<16xi32>
          %gather3A_1081 = tpu.vector_load_idx %arg6[%min3A_1080] : memref<32768xf32, #tpu.memory_space<vmem>>[vector<16xi32>], vector<16xf32>,
          %mul3A_1082 = arith.constant 16 : i32
          %mul3A_1083 = arith.muli %while3A_1068, %mul3A_1082 : i32
          %add3A_1084 = vector.broadcast %mul3A_1083 : i32 to vector<16xi32>
          %add3A_1085 = arith.addi %iota3A_649, %add3A_1084 : vector<16xi32>
          %lt3A_1086 = vector.broadcast %reduce_max3A_239 : i32 to vector<16xi32>
          %lt3A_1087 = arith.cmpi slt, %add3A_1085, %lt3A_1086 : vector<16xi32>
          %gt3A_1088 = vector.broadcast %reduce_max3A_590 : f32 to vector<16xf32>
          %gt3A_1089 = arith.cmpf ogt, %gather3A_1081, %gt3A_1088 : vector<16xf32>
          %and3A_1090 = arith.andi %lt3A_1087, %gt3A_1089 : vector<16xi1>
          %eq3A_1091 = vector.broadcast %reduce_max3A_590 : f32 to vector<16xf32>
          %eq3A_1092 = arith.cmpf oeq, %gather3A_1081, %eq3A_1091 : vector<16xf32>
          %and3A_1093 = arith.andi %lt3A_1087, %eq3A_1092 : vector<16xi1>
          %convert_element_type3A_1094 = arith.extui %and3A_1093 : vector<16xi1> to vector<16xi32>
          %broadcast_in_dim3A_1095 = arith.constant true
          %broadcast_in_dim3A_1096 = vector.broadcast %broadcast_in_dim3A_1095 : i1 to vector<16xi1>
          %masked_cumsum3A_1097 = tpu.scan <sum>, %convert_element_type3A_1094 masked %broadcast_in_dim3A_1096 : vector<16xi32>, vector<16xi1> -> vector<16xi32>
          %sub3A_1098 = arith.subi %masked_cumsum3A_1097, %convert_element_type3A_1094 : vector<16xi32>
          %add3A_1099 = vector.broadcast %while3A_1069 : i32 to vector<16xi32>
          %add3A_1100 = arith.addi %add3A_1099, %sub3A_1098 : vector<16xi32>
          %lt3A_1101 = vector.broadcast %sub3A_607 : i32 to vector<16xi32>
          %lt3A_1102 = arith.cmpi slt, %add3A_1100, %lt3A_1101 : vector<16xi32>
          %and3A_1103 = arith.andi %and3A_1093, %lt3A_1102 : vector<16xi1>
          %or3A_1104 = arith.ori %and3A_1090, %and3A_1103 : vector<16xi1>
          %convert_element_type3A_1105 = arith.extui %or3A_1104 : vector<16xi1> to vector<16xi32>
          %broadcast_in_dim3A_1106 = arith.constant true
          %broadcast_in_dim3A_1107 = vector.broadcast %broadcast_in_dim3A_1106 : i1 to vector<16xi1>
          %masked_cumsum3A_1108 = tpu.scan <sum>, %convert_element_type3A_1105 masked %broadcast_in_dim3A_1107 : vector<16xi32>, vector<16xi1> -> vector<16xi32>
          %add3A_1109 = arith.addi %while3A_1070, %masked_cumsum3A_1108 : vector<16xi32>
          %sub3A_1110 = arith.subi %add3A_1109, %convert_element_type3A_1105 : vector<16xi32>
          tpu.vector_store_idx %arg10[%sub3A_1110], %get3A_1074 masked %or3A_1104 : memref<32xi32, #tpu.memory_space<vmem>>[vector<16xi32>], vector<16xi32>, vector<16xi1>
          %reduce_sum3A_1111 = arith.constant true
          %reduce_sum3A_1112 = vector.broadcast %reduce_sum3A_1111 : i1 to vector<16xi1>
          %reduce_sum3A_1113 = tpu.scan <sum>, %convert_element_type3A_1094 masked %reduce_sum3A_1112 : vector<16xi32>, vector<16xi1> -> vector<16xi32>
          %reduce_sum3A_1114 = vector.extract %reduce_sum3A_1113[15] : i32 from vector<16xi32>
          %add3A_1115 = arith.addi %while3A_1069, %reduce_sum3A_1114 : i32
          %all_reduce_population_count3A_1116 = tpu.all_reduce %or3A_1104 {dim = 0 : i64, kind = #tpu.reduction_kind<sum>} : vector<16xi1> -> vector<16xi32>
          %add3A_1117 = arith.addi %while3A_1070, %all_reduce_population_count3A_1116 : vector<16xi32>
          scf.yield %add3A_1115, %add3A_1117 : i32, vector<16xi32>
        }
        %while3A_688 = arith.constant 1 : i32
        %while3A_689:2 = scf.for %while3A_1068 = %while3A_685 to %while3A_681 step %while3A_688 iter_args(%while3A_1069 = %while3A_687#0, %while3A_1070 = %while3A_687#1) -> (i32, vector<16xi32>)  : i32 {
          %mul3A_1071 = arith.constant 16 : i32
          %mul3A_1072 = arith.muli %while3A_1068, %mul3A_1071 : i32
          %get3A_1073 = arith.index_cast %mul3A_1072 : i32 to index
          %get3A_1074 = tpu.vector_load %arg8[%get3A_1073] {strides = array<i32>} : memref<4096xi32, #tpu.memory_space<vmem>>, vector<16xi32>,
          %max3A_1075 = arith.constant 0 : i32
          %max3A_1076 = vector.broadcast %max3A_1075 : i32 to vector<16xi32>
          %max3A_1077 = arith.maxsi %get3A_1074, %max3A_1076 : vector<16xi32>
          %min3A_1078 = arith.constant 32767 : i32
          %min3A_1079 = vector.broadcast %min3A_1078 : i32 to vector<16xi32>
          %min3A_1080 = arith.minsi %max3A_1077, %min3A_1079 : vector<16xi32>
          %gather3A_1081 = tpu.vector_load_idx %arg6[%min3A_1080] : memref<32768xf32, #tpu.memory_space<vmem>>[vector<16xi32>], vector<16xf32>,
          %mul3A_1082 = arith.constant 16 : i32
          %mul3A_1083 = arith.muli %while3A_1068, %mul3A_1082 : i32
          %add3A_1084 = vector.broadcast %mul3A_1083 : i32 to vector<16xi32>
          %add3A_1085 = arith.addi %iota3A_649, %add3A_1084 : vector<16xi32>
          %lt3A_1086 = vector.broadcast %reduce_max3A_239 : i32 to vector<16xi32>
          %lt3A_1087 = arith.cmpi slt, %add3A_1085, %lt3A_1086 : vector<16xi32>
          %gt3A_1088 = vector.broadcast %reduce_max3A_590 : f32 to vector<16xf32>
          %gt3A_1089 = arith.cmpf ogt, %gather3A_1081, %gt3A_1088 : vector<16xf32>
          %and3A_1090 = arith.andi %lt3A_1087, %gt3A_1089 : vector<16xi1>
          %eq3A_1091 = vector.broadcast %reduce_max3A_590 : f32 to vector<16xf32>
          %eq3A_1092 = arith.cmpf oeq, %gather3A_1081, %eq3A_1091 : vector<16xf32>
          %and3A_1093 = arith.andi %lt3A_1087, %eq3A_1092 : vector<16xi1>
          %convert_element_type3A_1094 = arith.extui %and3A_1093 : vector<16xi1> to vector<16xi32>
          %broadcast_in_dim3A_1095 = arith.constant true
          %broadcast_in_dim3A_1096 = vector.broadcast %broadcast_in_dim3A_1095 : i1 to vector<16xi1>
          %masked_cumsum3A_1097 = tpu.scan <sum>, %convert_element_type3A_1094 masked %broadcast_in_dim3A_1096 : vector<16xi32>, vector<16xi1> -> vector<16xi32>
          %sub3A_1098 = arith.subi %masked_cumsum3A_1097, %convert_element_type3A_1094 : vector<16xi32>
          %add3A_1099 = vector.broadcast %while3A_1069 : i32 to vector<16xi32>
          %add3A_1100 = arith.addi %add3A_1099, %sub3A_1098 : vector<16xi32>
          %lt3A_1101 = vector.broadcast %sub3A_607 : i32 to vector<16xi32>
          %lt3A_1102 = arith.cmpi slt, %add3A_1100, %lt3A_1101 : vector<16xi32>
          %and3A_1103 = arith.andi %and3A_1093, %lt3A_1102 : vector<16xi1>
          %or3A_1104 = arith.ori %and3A_1090, %and3A_1103 : vector<16xi1>
          %convert_element_type3A_1105 = arith.extui %or3A_1104 : vector<16xi1> to vector<16xi32>
          %broadcast_in_dim3A_1106 = arith.constant true
          %broadcast_in_dim3A_1107 = vector.broadcast %broadcast_in_dim3A_1106 : i1 to vector<16xi1>
          %masked_cumsum3A_1108 = tpu.scan <sum>, %convert_element_type3A_1105 masked %broadcast_in_dim3A_1107 : vector<16xi32>, vector<16xi1> -> vector<16xi32>
          %add3A_1109 = arith.addi %while3A_1070, %masked_cumsum3A_1108 : vector<16xi32>
          %sub3A_1110 = arith.subi %add3A_1109, %convert_element_type3A_1105 : vector<16xi32>
          tpu.vector_store_idx %arg10[%sub3A_1110], %get3A_1074 masked %or3A_1104 : memref<32xi32, #tpu.memory_space<vmem>>[vector<16xi32>], vector<16xi32>, vector<16xi1>
          %reduce_sum3A_1111 = arith.constant true
          %reduce_sum3A_1112 = vector.broadcast %reduce_sum3A_1111 : i1 to vector<16xi1>
          %reduce_sum3A_1113 = tpu.scan <sum>, %convert_element_type3A_1094 masked %reduce_sum3A_1112 : vector<16xi32>, vector<16xi1> -> vector<16xi32>
          %reduce_sum3A_1114 = vector.extract %reduce_sum3A_1113[15] : i32 from vector<16xi32>
          %add3A_1115 = arith.addi %while3A_1069, %reduce_sum3A_1114 : i32
          %all_reduce_population_count3A_1116 = tpu.all_reduce %or3A_1104 {dim = 0 : i64, kind = #tpu.reduction_kind<sum>} : vector<16xi1> -> vector<16xi32>
          %add3A_1117 = arith.addi %while3A_1070, %all_reduce_population_count3A_1116 : vector<16xi32>
          scf.yield %add3A_1115, %add3A_1117 : i32, vector<16xi32>
        }
        %get3A_690 = arith.constant 0 : index
        %get3A_691 = tpu.vector_load %arg9[%get3A_690] {strides = array<i32>} : memref<32xi32, #tpu.memory_space<vmem>>, vector<16xi32>,
        %get3A_692 = arith.constant 16 : index
        %get3A_693 = tpu.vector_load %arg9[%get3A_692] {strides = array<i32>} : memref<32xi32, #tpu.memory_space<vmem>>, vector<16xi32>,
        %broadcast_in_dim3A_694 = arith.constant 0 : i32
        %broadcast_in_dim3A_695 = vector.broadcast %broadcast_in_dim3A_694 : i32 to vector<16xi32>
        %add3A_696 = arith.constant 0 : i32
        %add3A_697 = vector.broadcast %add3A_696 : i32 to vector<16xi32>
        %add3A_698 = arith.addi %iota3A, %add3A_697 : vector<16xi32>
        %and3A_699 = arith.constant 15 : i32
        %and3A_700 = vector.broadcast %and3A_699 : i32 to vector<16xi32>
        %and3A_701 = arith.andi %add3A_698, %and3A_700 : vector<16xi32>
        %gather3A_702 = tpu.vector_load_idx %arg10[%and3A_701] : memref<32xi32, #tpu.memory_space<vmem>>[vector<16xi32>], vector<16xi32>,
        %add3A_703 = arith.constant 16 : i32
        %add3A_704 = vector.broadcast %add3A_703 : i32 to vector<16xi32>
        %add3A_705 = arith.addi %and3A_701, %add3A_704 : vector<16xi32>
        %gather3A_706 = tpu.vector_load_idx %arg10[%add3A_705] : memref<32xi32, #tpu.memory_space<vmem>>[vector<16xi32>], vector<16xi32>,
        %eq3A_707 = arith.cmpi eq, %get3A_691, %gather3A_702 : vector<16xi32>
        %convert_element_type3A_708 = arith.extui %eq3A_707 : vector<16xi1> to vector<16xi32>
        %add3A_709 = arith.addi %broadcast_in_dim3A_695, %convert_element_type3A_708 : vector<16xi32>
        %eq3A_710 = arith.cmpi eq, %get3A_691, %gather3A_706 : vector<16xi32>
        %convert_element_type3A_711 = arith.extui %eq3A_710 : vector<16xi1> to vector<16xi32>
        %add3A_712 = arith.addi %add3A_709, %convert_element_type3A_711 : vector<16xi32>
        %eq3A_713 = arith.cmpi eq, %get3A_693, %gather3A_702 : vector<16xi32>
        %convert_element_type3A_714 = arith.extui %eq3A_713 : vector<16xi1> to vector<16xi32>
        %add3A_715 = arith.addi %add3A_712, %convert_element_type3A_714 : vector<16xi32>
        %eq3A_716 = arith.cmpi eq, %get3A_693, %gather3A_706 : vector<16xi32>
        %convert_element_type3A_717 = arith.extui %eq3A_716 : vector<16xi1> to vector<16xi32>
        %add3A_718 = arith.addi %add3A_715, %convert_element_type3A_717 : vector<16xi32>
        %add3A_719 = arith.constant 1 : i32
        %add3A_720 = vector.broadcast %add3A_719 : i32 to vector<16xi32>
        %add3A_721 = arith.addi %iota3A, %add3A_720 : vector<16xi32>
        %and3A_722 = arith.constant 15 : i32
        %and3A_723 = vector.broadcast %and3A_722 : i32 to vector<16xi32>
        %and3A_724 = arith.andi %add3A_721, %and3A_723 : vector<16xi32>
        %gather3A_725 = tpu.vector_load_idx %arg10[%and3A_724] : memref<32xi32, #tpu.memory_space<vmem>>[vector<16xi32>], vector<16xi32>,
        %add3A_726 = arith.constant 16 : i32
        %add3A_727 = vector.broadcast %add3A_726 : i32 to vector<16xi32>
        %add3A_728 = arith.addi %and3A_724, %add3A_727 : vector<16xi32>
        %gather3A_729 = tpu.vector_load_idx %arg10[%add3A_728] : memref<32xi32, #tpu.memory_space<vmem>>[vector<16xi32>], vector<16xi32>,
        %eq3A_730 = arith.cmpi eq, %get3A_691, %gather3A_725 : vector<16xi32>
        %convert_element_type3A_731 = arith.extui %eq3A_730 : vector<16xi1> to vector<16xi32>
        %add3A_732 = arith.addi %add3A_718, %convert_element_type3A_731 : vector<16xi32>
        %eq3A_733 = arith.cmpi eq, %get3A_691, %gather3A_729 : vector<16xi32>
        %convert_element_type3A_734 = arith.extui %eq3A_733 : vector<16xi1> to vector<16xi32>
        %add3A_735 = arith.addi %add3A_732, %convert_element_type3A_734 : vector<16xi32>
        %eq3A_736 = arith.cmpi eq, %get3A_693, %gather3A_725 : vector<16xi32>
        %convert_element_type3A_737 = arith.extui %eq3A_736 : vector<16xi1> to vector<16xi32>
        %add3A_738 = arith.addi %add3A_735, %convert_element_type3A_737 : vector<16xi32>
        %eq3A_739 = arith.cmpi eq, %get3A_693, %gather3A_729 : vector<16xi32>
        %convert_element_type3A_740 = arith.extui %eq3A_739 : vector<16xi1> to vector<16xi32>
        %add3A_741 = arith.addi %add3A_738, %convert_element_type3A_740 : vector<16xi32>
        %add3A_742 = arith.constant 2 : i32
        %add3A_743 = vector.broadcast %add3A_742 : i32 to vector<16xi32>
        %add3A_744 = arith.addi %iota3A, %add3A_743 : vector<16xi32>
        %and3A_745 = arith.constant 15 : i32
        %and3A_746 = vector.broadcast %and3A_745 : i32 to vector<16xi32>
        %and3A_747 = arith.andi %add3A_744, %and3A_746 : vector<16xi32>
        %gather3A_748 = tpu.vector_load_idx %arg10[%and3A_747] : memref<32xi32, #tpu.memory_space<vmem>>[vector<16xi32>], vector<16xi32>,
        %add3A_749 = arith.constant 16 : i32
        %add3A_750 = vector.broadcast %add3A_749 : i32 to vector<16xi32>
        %add3A_751 = arith.addi %and3A_747, %add3A_750 : vector<16xi32>
        %gather3A_752 = tpu.vector_load_idx %arg10[%add3A_751] : memref<32xi32, #tpu.memory_space<vmem>>[vector<16xi32>], vector<16xi32>,
        %eq3A_753 = arith.cmpi eq, %get3A_691, %gather3A_748 : vector<16xi32>
        %convert_element_type3A_754 = arith.extui %eq3A_753 : vector<16xi1> to vector<16xi32>
        %add3A_755 = arith.addi %add3A_741, %convert_element_type3A_754 : vector<16xi32>
        %eq3A_756 = arith.cmpi eq, %get3A_691, %gather3A_752 : vector<16xi32>
        %convert_element_type3A_757 = arith.extui %eq3A_756 : vector<16xi1> to vector<16xi32>
        %add3A_758 = arith.addi %add3A_755, %convert_element_type3A_757 : vector<16xi32>
        %eq3A_759 = arith.cmpi eq, %get3A_693, %gather3A_748 : vector<16xi32>
        %convert_element_type3A_760 = arith.extui %eq3A_759 : vector<16xi1> to vector<16xi32>
        %add3A_761 = arith.addi %add3A_758, %convert_element_type3A_760 : vector<16xi32>
        %eq3A_762 = arith.cmpi eq, %get3A_693, %gather3A_752 : vector<16xi32>
        %convert_element_type3A_763 = arith.extui %eq3A_762 : vector<16xi1> to vector<16xi32>
        %add3A_764 = arith.addi %add3A_761, %convert_element_type3A_763 : vector<16xi32>
        %add3A_765 = arith.constant 3 : i32
        %add3A_766 = vector.broadcast %add3A_765 : i32 to vector<16xi32>
        %add3A_767 = arith.addi %iota3A, %add3A_766 : vector<16xi32>
        %and3A_768 = arith.constant 15 : i32
        %and3A_769 = vector.broadcast %and3A_768 : i32 to vector<16xi32>
        %and3A_770 = arith.andi %add3A_767, %and3A_769 : vector<16xi32>
        %gather3A_771 = tpu.vector_load_idx %arg10[%and3A_770] : memref<32xi32, #tpu.memory_space<vmem>>[vector<16xi32>], vector<16xi32>,
        %add3A_772 = arith.constant 16 : i32
        %add3A_773 = vector.broadcast %add3A_772 : i32 to vector<16xi32>
        %add3A_774 = arith.addi %and3A_770, %add3A_773 : vector<16xi32>
        %gather3A_775 = tpu.vector_load_idx %arg10[%add3A_774] : memref<32xi32, #tpu.memory_space<vmem>>[vector<16xi32>], vector<16xi32>,
        %eq3A_776 = arith.cmpi eq, %get3A_691, %gather3A_771 : vector<16xi32>
        %convert_element_type3A_777 = arith.extui %eq3A_776 : vector<16xi1> to vector<16xi32>
        %add3A_778 = arith.addi %add3A_764, %convert_element_type3A_777 : vector<16xi32>
        %eq3A_779 = arith.cmpi eq, %get3A_691, %gather3A_775 : vector<16xi32>
        %convert_element_type3A_780 = arith.extui %eq3A_779 : vector<16xi1> to vector<16xi32>
        %add3A_781 = arith.addi %add3A_778, %convert_element_type3A_780 : vector<16xi32>
        %eq3A_782 = arith.cmpi eq, %get3A_693, %gather3A_771 : vector<16xi32>
        %convert_element_type3A_783 = arith.extui %eq3A_782 : vector<16xi1> to vector<16xi32>
        %add3A_784 = arith.addi %add3A_781, %convert_element_type3A_783 : vector<16xi32>
        %eq3A_785 = arith.cmpi eq, %get3A_693, %gather3A_775 : vector<16xi32>
        %convert_element_type3A_786 = arith.extui %eq3A_785 : vector<16xi1> to vector<16xi32>
        %add3A_787 = arith.addi %add3A_784, %convert_element_type3A_786 : vector<16xi32>
        %add3A_788 = arith.constant 4 : i32
        %add3A_789 = vector.broadcast %add3A_788 : i32 to vector<16xi32>
        %add3A_790 = arith.addi %iota3A, %add3A_789 : vector<16xi32>
        %and3A_791 = arith.constant 15 : i32
        %and3A_792 = vector.broadcast %and3A_791 : i32 to vector<16xi32>
        %and3A_793 = arith.andi %add3A_790, %and3A_792 : vector<16xi32>
        %gather3A_794 = tpu.vector_load_idx %arg10[%and3A_793] : memref<32xi32, #tpu.memory_space<vmem>>[vector<16xi32>], vector<16xi32>,
        %add3A_795 = arith.constant 16 : i32
        %add3A_796 = vector.broadcast %add3A_795 : i32 to vector<16xi32>
        %add3A_797 = arith.addi %and3A_793, %add3A_796 : vector<16xi32>
        %gather3A_798 = tpu.vector_load_idx %arg10[%add3A_797] : memref<32xi32, #tpu.memory_space<vmem>>[vector<16xi32>], vector<16xi32>,
        %eq3A_799 = arith.cmpi eq, %get3A_691, %gather3A_794 : vector<16xi32>
        %convert_element_type3A_800 = arith.extui %eq3A_799 : vector<16xi1> to vector<16xi32>
        %add3A_801 = arith.addi %add3A_787, %convert_element_type3A_800 : vector<16xi32>
        %eq3A_802 = arith.cmpi eq, %get3A_691, %gather3A_798 : vector<16xi32>
        %convert_element_type3A_803 = arith.extui %eq3A_802 : vector<16xi1> to vector<16xi32>
        %add3A_804 = arith.addi %add3A_801, %convert_element_type3A_803 : vector<16xi32>
        %eq3A_805 = arith.cmpi eq, %get3A_693, %gather3A_794 : vector<16xi32>
        %convert_element_type3A_806 = arith.extui %eq3A_805 : vector<16xi1> to vector<16xi32>
        %add3A_807 = arith.addi %add3A_804, %convert_element_type3A_806 : vector<16xi32>
        %eq3A_808 = arith.cmpi eq, %get3A_693, %gather3A_798 : vector<16xi32>
        %convert_element_type3A_809 = arith.extui %eq3A_808 : vector<16xi1> to vector<16xi32>
        %add3A_810 = arith.addi %add3A_807, %convert_element_type3A_809 : vector<16xi32>
        %add3A_811 = arith.constant 5 : i32
        %add3A_812 = vector.broadcast %add3A_811 : i32 to vector<16xi32>
        %add3A_813 = arith.addi %iota3A, %add3A_812 : vector<16xi32>
        %and3A_814 = arith.constant 15 : i32
        %and3A_815 = vector.broadcast %and3A_814 : i32 to vector<16xi32>
        %and3A_816 = arith.andi %add3A_813, %and3A_815 : vector<16xi32>
        %gather3A_817 = tpu.vector_load_idx %arg10[%and3A_816] : memref<32xi32, #tpu.memory_space<vmem>>[vector<16xi32>], vector<16xi32>,
        %add3A_818 = arith.constant 16 : i32
        %add3A_819 = vector.broadcast %add3A_818 : i32 to vector<16xi32>
        %add3A_820 = arith.addi %and3A_816, %add3A_819 : vector<16xi32>
        %gather3A_821 = tpu.vector_load_idx %arg10[%add3A_820] : memref<32xi32, #tpu.memory_space<vmem>>[vector<16xi32>], vector<16xi32>,
        %eq3A_822 = arith.cmpi eq, %get3A_691, %gather3A_817 : vector<16xi32>
        %convert_element_type3A_823 = arith.extui %eq3A_822 : vector<16xi1> to vector<16xi32>
        %add3A_824 = arith.addi %add3A_810, %convert_element_type3A_823 : vector<16xi32>
        %eq3A_825 = arith.cmpi eq, %get3A_691, %gather3A_821 : vector<16xi32>
        %convert_element_type3A_826 = arith.extui %eq3A_825 : vector<16xi1> to vector<16xi32>
        %add3A_827 = arith.addi %add3A_824, %convert_element_type3A_826 : vector<16xi32>
        %eq3A_828 = arith.cmpi eq, %get3A_693, %gather3A_817 : vector<16xi32>
        %convert_element_type3A_829 = arith.extui %eq3A_828 : vector<16xi1> to vector<16xi32>
        %add3A_830 = arith.addi %add3A_827, %convert_element_type3A_829 : vector<16xi32>
        %eq3A_831 = arith.cmpi eq, %get3A_693, %gather3A_821 : vector<16xi32>
        %convert_element_type3A_832 = arith.extui %eq3A_831 : vector<16xi1> to vector<16xi32>
        %add3A_833 = arith.addi %add3A_830, %convert_element_type3A_832 : vector<16xi32>
        %add3A_834 = arith.constant 6 : i32
        %add3A_835 = vector.broadcast %add3A_834 : i32 to vector<16xi32>
        %add3A_836 = arith.addi %iota3A, %add3A_835 : vector<16xi32>
        %and3A_837 = arith.constant 15 : i32
        %and3A_838 = vector.broadcast %and3A_837 : i32 to vector<16xi32>
        %and3A_839 = arith.andi %add3A_836, %and3A_838 : vector<16xi32>
        %gather3A_840 = tpu.vector_load_idx %arg10[%and3A_839] : memref<32xi32, #tpu.memory_space<vmem>>[vector<16xi32>], vector<16xi32>,
        %add3A_841 = arith.constant 16 : i32
        %add3A_842 = vector.broadcast %add3A_841 : i32 to vector<16xi32>
        %add3A_843 = arith.addi %and3A_839, %add3A_842 : vector<16xi32>
        %gather3A_844 = tpu.vector_load_idx %arg10[%add3A_843] : memref<32xi32, #tpu.memory_space<vmem>>[vector<16xi32>], vector<16xi32>,
        %eq3A_845 = arith.cmpi eq, %get3A_691, %gather3A_840 : vector<16xi32>
        %convert_element_type3A_846 = arith.extui %eq3A_845 : vector<16xi1> to vector<16xi32>
        %add3A_847 = arith.addi %add3A_833, %convert_element_type3A_846 : vector<16xi32>
        %eq3A_848 = arith.cmpi eq, %get3A_691, %gather3A_844 : vector<16xi32>
        %convert_element_type3A_849 = arith.extui %eq3A_848 : vector<16xi1> to vector<16xi32>
        %add3A_850 = arith.addi %add3A_847, %convert_element_type3A_849 : vector<16xi32>
        %eq3A_851 = arith.cmpi eq, %get3A_693, %gather3A_840 : vector<16xi32>
        %convert_element_type3A_852 = arith.extui %eq3A_851 : vector<16xi1> to vector<16xi32>
        %add3A_853 = arith.addi %add3A_850, %convert_element_type3A_852 : vector<16xi32>
        %eq3A_854 = arith.cmpi eq, %get3A_693, %gather3A_844 : vector<16xi32>
        %convert_element_type3A_855 = arith.extui %eq3A_854 : vector<16xi1> to vector<16xi32>
        %add3A_856 = arith.addi %add3A_853, %convert_element_type3A_855 : vector<16xi32>
        %add3A_857 = arith.constant 7 : i32
        %add3A_858 = vector.broadcast %add3A_857 : i32 to vector<16xi32>
        %add3A_859 = arith.addi %iota3A, %add3A_858 : vector<16xi32>
        %and3A_860 = arith.constant 15 : i32
        %and3A_861 = vector.broadcast %and3A_860 : i32 to vector<16xi32>
        %and3A_862 = arith.andi %add3A_859, %and3A_861 : vector<16xi32>
        %gather3A_863 = tpu.vector_load_idx %arg10[%and3A_862] : memref<32xi32, #tpu.memory_space<vmem>>[vector<16xi32>], vector<16xi32>,
        %add3A_864 = arith.constant 16 : i32
        %add3A_865 = vector.broadcast %add3A_864 : i32 to vector<16xi32>
        %add3A_866 = arith.addi %and3A_862, %add3A_865 : vector<16xi32>
        %gather3A_867 = tpu.vector_load_idx %arg10[%add3A_866] : memref<32xi32, #tpu.memory_space<vmem>>[vector<16xi32>], vector<16xi32>,
        %eq3A_868 = arith.cmpi eq, %get3A_691, %gather3A_863 : vector<16xi32>
        %convert_element_type3A_869 = arith.extui %eq3A_868 : vector<16xi1> to vector<16xi32>
        %add3A_870 = arith.addi %add3A_856, %convert_element_type3A_869 : vector<16xi32>
        %eq3A_871 = arith.cmpi eq, %get3A_691, %gather3A_867 : vector<16xi32>
        %convert_element_type3A_872 = arith.extui %eq3A_871 : vector<16xi1> to vector<16xi32>
        %add3A_873 = arith.addi %add3A_870, %convert_element_type3A_872 : vector<16xi32>
        %eq3A_874 = arith.cmpi eq, %get3A_693, %gather3A_863 : vector<16xi32>
        %convert_element_type3A_875 = arith.extui %eq3A_874 : vector<16xi1> to vector<16xi32>
        %add3A_876 = arith.addi %add3A_873, %convert_element_type3A_875 : vector<16xi32>
        %eq3A_877 = arith.cmpi eq, %get3A_693, %gather3A_867 : vector<16xi32>
        %convert_element_type3A_878 = arith.extui %eq3A_877 : vector<16xi1> to vector<16xi32>
        %add3A_879 = arith.addi %add3A_876, %convert_element_type3A_878 : vector<16xi32>
        %add3A_880 = arith.constant 8 : i32
        %add3A_881 = vector.broadcast %add3A_880 : i32 to vector<16xi32>
        %add3A_882 = arith.addi %iota3A, %add3A_881 : vector<16xi32>
        %and3A_883 = arith.constant 15 : i32
        %and3A_884 = vector.broadcast %and3A_883 : i32 to vector<16xi32>
        %and3A_885 = arith.andi %add3A_882, %and3A_884 : vector<16xi32>
        %gather3A_886 = tpu.vector_load_idx %arg10[%and3A_885] : memref<32xi32, #tpu.memory_space<vmem>>[vector<16xi32>], vector<16xi32>,
        %add3A_887 = arith.constant 16 : i32
        %add3A_888 = vector.broadcast %add3A_887 : i32 to vector<16xi32>
        %add3A_889 = arith.addi %and3A_885, %add3A_888 : vector<16xi32>
        %gather3A_890 = tpu.vector_load_idx %arg10[%add3A_889] : memref<32xi32, #tpu.memory_space<vmem>>[vector<16xi32>], vector<16xi32>,
        %eq3A_891 = arith.cmpi eq, %get3A_691, %gather3A_886 : vector<16xi32>
        %convert_element_type3A_892 = arith.extui %eq3A_891 : vector<16xi1> to vector<16xi32>
        %add3A_893 = arith.addi %add3A_879, %convert_element_type3A_892 : vector<16xi32>
        %eq3A_894 = arith.cmpi eq, %get3A_691, %gather3A_890 : vector<16xi32>
        %convert_element_type3A_895 = arith.extui %eq3A_894 : vector<16xi1> to vector<16xi32>
        %add3A_896 = arith.addi %add3A_893, %convert_element_type3A_895 : vector<16xi32>
        %eq3A_897 = arith.cmpi eq, %get3A_693, %gather3A_886 : vector<16xi32>
        %convert_element_type3A_898 = arith.extui %eq3A_897 : vector<16xi1> to vector<16xi32>
        %add3A_899 = arith.addi %add3A_896, %convert_element_type3A_898 : vector<16xi32>
        %eq3A_900 = arith.cmpi eq, %get3A_693, %gather3A_890 : vector<16xi32>
        %convert_element_type3A_901 = arith.extui %eq3A_900 : vector<16xi1> to vector<16xi32>
        %add3A_902 = arith.addi %add3A_899, %convert_element_type3A_901 : vector<16xi32>
        %add3A_903 = arith.constant 9 : i32
        %add3A_904 = vector.broadcast %add3A_903 : i32 to vector<16xi32>
        %add3A_905 = arith.addi %iota3A, %add3A_904 : vector<16xi32>
        %and3A_906 = arith.constant 15 : i32
        %and3A_907 = vector.broadcast %and3A_906 : i32 to vector<16xi32>
        %and3A_908 = arith.andi %add3A_905, %and3A_907 : vector<16xi32>
        %gather3A_909 = tpu.vector_load_idx %arg10[%and3A_908] : memref<32xi32, #tpu.memory_space<vmem>>[vector<16xi32>], vector<16xi32>,
        %add3A_910 = arith.constant 16 : i32
        %add3A_911 = vector.broadcast %add3A_910 : i32 to vector<16xi32>
        %add3A_912 = arith.addi %and3A_908, %add3A_911 : vector<16xi32>
        %gather3A_913 = tpu.vector_load_idx %arg10[%add3A_912] : memref<32xi32, #tpu.memory_space<vmem>>[vector<16xi32>], vector<16xi32>,
        %eq3A_914 = arith.cmpi eq, %get3A_691, %gather3A_909 : vector<16xi32>
        %convert_element_type3A_915 = arith.extui %eq3A_914 : vector<16xi1> to vector<16xi32>
        %add3A_916 = arith.addi %add3A_902, %convert_element_type3A_915 : vector<16xi32>
        %eq3A_917 = arith.cmpi eq, %get3A_691, %gather3A_913 : vector<16xi32>
        %convert_element_type3A_918 = arith.extui %eq3A_917 : vector<16xi1> to vector<16xi32>
        %add3A_919 = arith.addi %add3A_916, %convert_element_type3A_918 : vector<16xi32>
        %eq3A_920 = arith.cmpi eq, %get3A_693, %gather3A_909 : vector<16xi32>
        %convert_element_type3A_921 = arith.extui %eq3A_920 : vector<16xi1> to vector<16xi32>
        %add3A_922 = arith.addi %add3A_919, %convert_element_type3A_921 : vector<16xi32>
        %eq3A_923 = arith.cmpi eq, %get3A_693, %gather3A_913 : vector<16xi32>
        %convert_element_type3A_924 = arith.extui %eq3A_923 : vector<16xi1> to vector<16xi32>
        %add3A_925 = arith.addi %add3A_922, %convert_element_type3A_924 : vector<16xi32>
        %add3A_926 = arith.constant 10 : i32
        %add3A_927 = vector.broadcast %add3A_926 : i32 to vector<16xi32>
        %add3A_928 = arith.addi %iota3A, %add3A_927 : vector<16xi32>
        %and3A_929 = arith.constant 15 : i32
        %and3A_930 = vector.broadcast %and3A_929 : i32 to vector<16xi32>
        %and3A_931 = arith.andi %add3A_928, %and3A_930 : vector<16xi32>
        %gather3A_932 = tpu.vector_load_idx %arg10[%and3A_931] : memref<32xi32, #tpu.memory_space<vmem>>[vector<16xi32>], vector<16xi32>,
        %add3A_933 = arith.constant 16 : i32
        %add3A_934 = vector.broadcast %add3A_933 : i32 to vector<16xi32>
        %add3A_935 = arith.addi %and3A_931, %add3A_934 : vector<16xi32>
        %gather3A_936 = tpu.vector_load_idx %arg10[%add3A_935] : memref<32xi32, #tpu.memory_space<vmem>>[vector<16xi32>], vector<16xi32>,
        %eq3A_937 = arith.cmpi eq, %get3A_691, %gather3A_932 : vector<16xi32>
        %convert_element_type3A_938 = arith.extui %eq3A_937 : vector<16xi1> to vector<16xi32>
        %add3A_939 = arith.addi %add3A_925, %convert_element_type3A_938 : vector<16xi32>
        %eq3A_940 = arith.cmpi eq, %get3A_691, %gather3A_936 : vector<16xi32>
        %convert_element_type3A_941 = arith.extui %eq3A_940 : vector<16xi1> to vector<16xi32>
        %add3A_942 = arith.addi %add3A_939, %convert_element_type3A_941 : vector<16xi32>
        %eq3A_943 = arith.cmpi eq, %get3A_693, %gather3A_932 : vector<16xi32>
        %convert_element_type3A_944 = arith.extui %eq3A_943 : vector<16xi1> to vector<16xi32>
        %add3A_945 = arith.addi %add3A_942, %convert_element_type3A_944 : vector<16xi32>
        %eq3A_946 = arith.cmpi eq, %get3A_693, %gather3A_936 : vector<16xi32>
        %convert_element_type3A_947 = arith.extui %eq3A_946 : vector<16xi1> to vector<16xi32>
        %add3A_948 = arith.addi %add3A_945, %convert_element_type3A_947 : vector<16xi32>
        %add3A_949 = arith.constant 11 : i32
        %add3A_950 = vector.broadcast %add3A_949 : i32 to vector<16xi32>
        %add3A_951 = arith.addi %iota3A, %add3A_950 : vector<16xi32>
        %and3A_952 = arith.constant 15 : i32
        %and3A_953 = vector.broadcast %and3A_952 : i32 to vector<16xi32>
        %and3A_954 = arith.andi %add3A_951, %and3A_953 : vector<16xi32>
        %gather3A_955 = tpu.vector_load_idx %arg10[%and3A_954] : memref<32xi32, #tpu.memory_space<vmem>>[vector<16xi32>], vector<16xi32>,
        %add3A_956 = arith.constant 16 : i32
        %add3A_957 = vector.broadcast %add3A_956 : i32 to vector<16xi32>
        %add3A_958 = arith.addi %and3A_954, %add3A_957 : vector<16xi32>
        %gather3A_959 = tpu.vector_load_idx %arg10[%add3A_958] : memref<32xi32, #tpu.memory_space<vmem>>[vector<16xi32>], vector<16xi32>,
        %eq3A_960 = arith.cmpi eq, %get3A_691, %gather3A_955 : vector<16xi32>
        %convert_element_type3A_961 = arith.extui %eq3A_960 : vector<16xi1> to vector<16xi32>
        %add3A_962 = arith.addi %add3A_948, %convert_element_type3A_961 : vector<16xi32>
        %eq3A_963 = arith.cmpi eq, %get3A_691, %gather3A_959 : vector<16xi32>
        %convert_element_type3A_964 = arith.extui %eq3A_963 : vector<16xi1> to vector<16xi32>
        %add3A_965 = arith.addi %add3A_962, %convert_element_type3A_964 : vector<16xi32>
        %eq3A_966 = arith.cmpi eq, %get3A_693, %gather3A_955 : vector<16xi32>
        %convert_element_type3A_967 = arith.extui %eq3A_966 : vector<16xi1> to vector<16xi32>
        %add3A_968 = arith.addi %add3A_965, %convert_element_type3A_967 : vector<16xi32>
        %eq3A_969 = arith.cmpi eq, %get3A_693, %gather3A_959 : vector<16xi32>
        %convert_element_type3A_970 = arith.extui %eq3A_969 : vector<16xi1> to vector<16xi32>
        %add3A_971 = arith.addi %add3A_968, %convert_element_type3A_970 : vector<16xi32>
        %add3A_972 = arith.constant 12 : i32
        %add3A_973 = vector.broadcast %add3A_972 : i32 to vector<16xi32>
        %add3A_974 = arith.addi %iota3A, %add3A_973 : vector<16xi32>
        %and3A_975 = arith.constant 15 : i32
        %and3A_976 = vector.broadcast %and3A_975 : i32 to vector<16xi32>
        %and3A_977 = arith.andi %add3A_974, %and3A_976 : vector<16xi32>
        %gather3A_978 = tpu.vector_load_idx %arg10[%and3A_977] : memref<32xi32, #tpu.memory_space<vmem>>[vector<16xi32>], vector<16xi32>,
        %add3A_979 = arith.constant 16 : i32
        %add3A_980 = vector.broadcast %add3A_979 : i32 to vector<16xi32>
        %add3A_981 = arith.addi %and3A_977, %add3A_980 : vector<16xi32>
        %gather3A_982 = tpu.vector_load_idx %arg10[%add3A_981] : memref<32xi32, #tpu.memory_space<vmem>>[vector<16xi32>], vector<16xi32>,
        %eq3A_983 = arith.cmpi eq, %get3A_691, %gather3A_978 : vector<16xi32>
        %convert_element_type3A_984 = arith.extui %eq3A_983 : vector<16xi1> to vector<16xi32>
        %add3A_985 = arith.addi %add3A_971, %convert_element_type3A_984 : vector<16xi32>
        %eq3A_986 = arith.cmpi eq, %get3A_691, %gather3A_982 : vector<16xi32>
        %convert_element_type3A_987 = arith.extui %eq3A_986 : vector<16xi1> to vector<16xi32>
        %add3A_988 = arith.addi %add3A_985, %convert_element_type3A_987 : vector<16xi32>
        %eq3A_989 = arith.cmpi eq, %get3A_693, %gather3A_978 : vector<16xi32>
        %convert_element_type3A_990 = arith.extui %eq3A_989 : vector<16xi1> to vector<16xi32>
        %add3A_991 = arith.addi %add3A_988, %convert_element_type3A_990 : vector<16xi32>
        %eq3A_992 = arith.cmpi eq, %get3A_693, %gather3A_982 : vector<16xi32>
        %convert_element_type3A_993 = arith.extui %eq3A_992 : vector<16xi1> to vector<16xi32>
        %add3A_994 = arith.addi %add3A_991, %convert_element_type3A_993 : vector<16xi32>
        %add3A_995 = arith.constant 13 : i32
        %add3A_996 = vector.broadcast %add3A_995 : i32 to vector<16xi32>
        %add3A_997 = arith.addi %iota3A, %add3A_996 : vector<16xi32>
        %and3A_998 = arith.constant 15 : i32
        %and3A_999 = vector.broadcast %and3A_998 : i32 to vector<16xi32>
        %and3A_1000 = arith.andi %add3A_997, %and3A_999 : vector<16xi32>
        %gather3A_1001 = tpu.vector_load_idx %arg10[%and3A_1000] : memref<32xi32, #tpu.memory_space<vmem>>[vector<16xi32>], vector<16xi32>,
        %add3A_1002 = arith.constant 16 : i32
        %add3A_1003 = vector.broadcast %add3A_1002 : i32 to vector<16xi32>
        %add3A_1004 = arith.addi %and3A_1000, %add3A_1003 : vector<16xi32>
        %gather3A_1005 = tpu.vector_load_idx %arg10[%add3A_1004] : memref<32xi32, #tpu.memory_space<vmem>>[vector<16xi32>], vector<16xi32>,
        %eq3A_1006 = arith.cmpi eq, %get3A_691, %gather3A_1001 : vector<16xi32>
        %convert_element_type3A_1007 = arith.extui %eq3A_1006 : vector<16xi1> to vector<16xi32>
        %add3A_1008 = arith.addi %add3A_994, %convert_element_type3A_1007 : vector<16xi32>
        %eq3A_1009 = arith.cmpi eq, %get3A_691, %gather3A_1005 : vector<16xi32>
        %convert_element_type3A_1010 = arith.extui %eq3A_1009 : vector<16xi1> to vector<16xi32>
        %add3A_1011 = arith.addi %add3A_1008, %convert_element_type3A_1010 : vector<16xi32>
        %eq3A_1012 = arith.cmpi eq, %get3A_693, %gather3A_1001 : vector<16xi32>
        %convert_element_type3A_1013 = arith.extui %eq3A_1012 : vector<16xi1> to vector<16xi32>
        %add3A_1014 = arith.addi %add3A_1011, %convert_element_type3A_1013 : vector<16xi32>
        %eq3A_1015 = arith.cmpi eq, %get3A_693, %gather3A_1005 : vector<16xi32>
        %convert_element_type3A_1016 = arith.extui %eq3A_1015 : vector<16xi1> to vector<16xi32>
        %add3A_1017 = arith.addi %add3A_1014, %convert_element_type3A_1016 : vector<16xi32>
        %add3A_1018 = arith.constant 14 : i32
        %add3A_1019 = vector.broadcast %add3A_1018 : i32 to vector<16xi32>
        %add3A_1020 = arith.addi %iota3A, %add3A_1019 : vector<16xi32>
        %and3A_1021 = arith.constant 15 : i32
        %and3A_1022 = vector.broadcast %and3A_1021 : i32 to vector<16xi32>
        %and3A_1023 = arith.andi %add3A_1020, %and3A_1022 : vector<16xi32>
        %gather3A_1024 = tpu.vector_load_idx %arg10[%and3A_1023] : memref<32xi32, #tpu.memory_space<vmem>>[vector<16xi32>], vector<16xi32>,
        %add3A_1025 = arith.constant 16 : i32
        %add3A_1026 = vector.broadcast %add3A_1025 : i32 to vector<16xi32>
        %add3A_1027 = arith.addi %and3A_1023, %add3A_1026 : vector<16xi32>
        %gather3A_1028 = tpu.vector_load_idx %arg10[%add3A_1027] : memref<32xi32, #tpu.memory_space<vmem>>[vector<16xi32>], vector<16xi32>,
        %eq3A_1029 = arith.cmpi eq, %get3A_691, %gather3A_1024 : vector<16xi32>
        %convert_element_type3A_1030 = arith.extui %eq3A_1029 : vector<16xi1> to vector<16xi32>
        %add3A_1031 = arith.addi %add3A_1017, %convert_element_type3A_1030 : vector<16xi32>
        %eq3A_1032 = arith.cmpi eq, %get3A_691, %gather3A_1028 : vector<16xi32>
        %convert_element_type3A_1033 = arith.extui %eq3A_1032 : vector<16xi1> to vector<16xi32>
        %add3A_1034 = arith.addi %add3A_1031, %convert_element_type3A_1033 : vector<16xi32>
        %eq3A_1035 = arith.cmpi eq, %get3A_693, %gather3A_1024 : vector<16xi32>
        %convert_element_type3A_1036 = arith.extui %eq3A_1035 : vector<16xi1> to vector<16xi32>
        %add3A_1037 = arith.addi %add3A_1034, %convert_element_type3A_1036 : vector<16xi32>
        %eq3A_1038 = arith.cmpi eq, %get3A_693, %gather3A_1028 : vector<16xi32>
        %convert_element_type3A_1039 = arith.extui %eq3A_1038 : vector<16xi1> to vector<16xi32>
        %add3A_1040 = arith.addi %add3A_1037, %convert_element_type3A_1039 : vector<16xi32>
        %add3A_1041 = arith.constant 15 : i32
        %add3A_1042 = vector.broadcast %add3A_1041 : i32 to vector<16xi32>
        %add3A_1043 = arith.addi %iota3A, %add3A_1042 : vector<16xi32>
        %and3A_1044 = arith.constant 15 : i32
        %and3A_1045 = vector.broadcast %and3A_1044 : i32 to vector<16xi32>
        %and3A_1046 = arith.andi %add3A_1043, %and3A_1045 : vector<16xi32>
        %gather3A_1047 = tpu.vector_load_idx %arg10[%and3A_1046] : memref<32xi32, #tpu.memory_space<vmem>>[vector<16xi32>], vector<16xi32>,
        %add3A_1048 = arith.constant 16 : i32
        %add3A_1049 = vector.broadcast %add3A_1048 : i32 to vector<16xi32>
        %add3A_1050 = arith.addi %and3A_1046, %add3A_1049 : vector<16xi32>
        %gather3A_1051 = tpu.vector_load_idx %arg10[%add3A_1050] : memref<32xi32, #tpu.memory_space<vmem>>[vector<16xi32>], vector<16xi32>,
        %eq3A_1052 = arith.cmpi eq, %get3A_691, %gather3A_1047 : vector<16xi32>
        %convert_element_type3A_1053 = arith.extui %eq3A_1052 : vector<16xi1> to vector<16xi32>
        %add3A_1054 = arith.addi %add3A_1040, %convert_element_type3A_1053 : vector<16xi32>
        %eq3A_1055 = arith.cmpi eq, %get3A_691, %gather3A_1051 : vector<16xi32>
        %convert_element_type3A_1056 = arith.extui %eq3A_1055 : vector<16xi1> to vector<16xi32>
        %add3A_1057 = arith.addi %add3A_1054, %convert_element_type3A_1056 : vector<16xi32>
        %eq3A_1058 = arith.cmpi eq, %get3A_693, %gather3A_1047 : vector<16xi32>
        %convert_element_type3A_1059 = arith.extui %eq3A_1058 : vector<16xi1> to vector<16xi32>
        %add3A_1060 = arith.addi %add3A_1057, %convert_element_type3A_1059 : vector<16xi32>
        %eq3A_1061 = arith.cmpi eq, %get3A_693, %gather3A_1051 : vector<16xi32>
        %convert_element_type3A_1062 = arith.extui %eq3A_1061 : vector<16xi1> to vector<16xi32>
        %add3A_1063 = arith.addi %add3A_1060, %convert_element_type3A_1062 : vector<16xi32>
        %reduce_sum3A_1064 = arith.constant true
        %reduce_sum3A_1065 = vector.broadcast %reduce_sum3A_1064 : i1 to vector<16xi1>
        %reduce_sum3A_1066 = tpu.scan <sum>, %add3A_1063 masked %reduce_sum3A_1065 : vector<16xi32>, vector<16xi1> -> vector<16xi32>
        %reduce_sum3A_1067 = vector.extract %reduce_sum3A_1066[15] : i32 from vector<16xi32>
        scf.yield %reduce_sum3A_1067 : i32
      }
      %get3A_246 = arith.constant 0 : index
      %get3A_247 = tpu.vector_load %arg9[%get3A_246] {strides = array<i32>} : memref<32xi32, #tpu.memory_space<vmem>>, vector<16xi32>,
      %max3A_248 = arith.constant 0 : i32
      %max3A_249 = vector.broadcast %max3A_248 : i32 to vector<16xi32>
      %max3A_250 = arith.maxsi %get3A_247, %max3A_249 : vector<16xi32>
      %get3A_251 = arith.constant 16 : index
      %get3A_252 = tpu.vector_load %arg9[%get3A_251] {strides = array<i32>} : memref<32xi32, #tpu.memory_space<vmem>>, vector<16xi32>,
      %max3A_253 = arith.constant 0 : i32
      %max3A_254 = vector.broadcast %max3A_253 : i32 to vector<16xi32>
      %max3A_255 = arith.maxsi %get3A_252, %max3A_254 : vector<16xi32>
      %gather3A = tpu.vector_load_idx %arg6[%max3A_250] : memref<32768xf32, #tpu.memory_space<vmem>>[vector<16xi32>], vector<16xf32>,
      %gather3A_256 = tpu.vector_load_idx %arg6[%max3A_255] : memref<32768xf32, #tpu.memory_space<vmem>>[vector<16xi32>], vector<16xf32>,
      %neg3A = arith.constant 0.000000e+00 : f32
      %neg3A_257 = vector.broadcast %neg3A : f32 to vector<16xf32>
      %neg3A_258 = arith.subf %neg3A_257, %gather3A : vector<16xf32>
      %exp3A = math.exp %neg3A_258 : vector<16xf32>
      %add3A_259 = arith.constant 1.000000e+00 : f32
      %add3A_260 = vector.broadcast %add3A_259 : f32 to vector<16xf32>
      %add3A_261 = arith.addf %add3A_260, %exp3A : vector<16xf32>
      %div3A = arith.constant 1.000000e+00 : f32
      %div3A_262 = vector.broadcast %div3A : f32 to vector<16xf32>
      %div3A_263 = arith.divf %div3A_262, %add3A_261 : vector<16xf32>
      %add3A_264 = arith.constant 1.000000e-07 : f32
      %add3A_265 = vector.broadcast %add3A_264 : f32 to vector<16xf32>
      %add3A_266 = arith.addf %div3A_263, %add3A_265 : vector<16xf32>
      %bitcast3A = vector.bitcast %add3A_266 : vector<16xf32> to vector<16xi32>
      %shift_right_arithmetic3A = arith.constant 23 : i32
      %shift_right_arithmetic3A_267 = vector.broadcast %shift_right_arithmetic3A : i32 to vector<16xi32>
      %shift_right_arithmetic3A_268 = arith.shrsi %bitcast3A, %shift_right_arithmetic3A_267 : vector<16xi32>
      %sub3A_269 = arith.constant 127 : i32
      %sub3A_270 = vector.broadcast %sub3A_269 : i32 to vector<16xi32>
      %sub3A_271 = arith.subi %shift_right_arithmetic3A_268, %sub3A_270 : vector<16xi32>
      %and3A = arith.constant 8388607 : i32
      %and3A_272 = vector.broadcast %and3A : i32 to vector<16xi32>
      %and3A_273 = arith.andi %bitcast3A, %and3A_272 : vector<16xi32>
      %or3A_274 = arith.constant 1065353216 : i32
      %or3A_275 = vector.broadcast %or3A_274 : i32 to vector<16xi32>
      %or3A_276 = arith.ori %and3A_273, %or3A_275 : vector<16xi32>
      %bitcast3A_277 = vector.bitcast %or3A_276 : vector<16xi32> to vector<16xf32>
      %sub3A_278 = arith.constant 1.000000e+00 : f32
      %sub3A_279 = vector.broadcast %sub3A_278 : f32 to vector<16xf32>
      %sub3A_280 = arith.subf %bitcast3A_277, %sub3A_279 : vector<16xf32>
      %add3A_281 = arith.constant 1.000000e+00 : f32
      %add3A_282 = vector.broadcast %add3A_281 : f32 to vector<16xf32>
      %add3A_283 = arith.addf %bitcast3A_277, %add3A_282 : vector<16xf32>
      %div3A_284 = arith.divf %sub3A_280, %add3A_283 : vector<16xf32>
      %mul3A_285 = arith.mulf %div3A_284, %div3A_284 : vector<16xf32>
      %mul3A_286 = arith.constant 0.111111112 : f32
      %mul3A_287 = vector.broadcast %mul3A_286 : f32 to vector<16xf32>
      %mul3A_288 = arith.mulf %mul3A_285, %mul3A_287 : vector<16xf32>
      %add3A_289 = arith.constant 0.142857149 : f32
      %add3A_290 = vector.broadcast %add3A_289 : f32 to vector<16xf32>
      %add3A_291 = arith.addf %add3A_290, %mul3A_288 : vector<16xf32>
      %mul3A_292 = arith.mulf %mul3A_285, %add3A_291 : vector<16xf32>
      %add3A_293 = arith.constant 2.000000e-01 : f32
      %add3A_294 = vector.broadcast %add3A_293 : f32 to vector<16xf32>
      %add3A_295 = arith.addf %add3A_294, %mul3A_292 : vector<16xf32>
      %mul3A_296 = arith.mulf %mul3A_285, %add3A_295 : vector<16xf32>
      %add3A_297 = arith.constant 0.333333343 : f32
      %add3A_298 = vector.broadcast %add3A_297 : f32 to vector<16xf32>
      %add3A_299 = arith.addf %add3A_298, %mul3A_296 : vector<16xf32>
      %mul3A_300 = arith.mulf %mul3A_285, %add3A_299 : vector<16xf32>
      %add3A_301 = arith.constant 1.000000e+00 : f32
      %add3A_302 = vector.broadcast %add3A_301 : f32 to vector<16xf32>
      %add3A_303 = arith.addf %add3A_302, %mul3A_300 : vector<16xf32>
      %convert_element_type3A_304 = arith.sitofp %sub3A_271 : vector<16xi32> to vector<16xf32>
      %mul3A_305 = arith.constant 0.693147182 : f32
      %mul3A_306 = vector.broadcast %mul3A_305 : f32 to vector<16xf32>
      %mul3A_307 = arith.mulf %convert_element_type3A_304, %mul3A_306 : vector<16xf32>
      %mul3A_308 = arith.constant 2.000000e+00 : f32
      %mul3A_309 = vector.broadcast %mul3A_308 : f32 to vector<16xf32>
      %mul3A_310 = arith.mulf %mul3A_309, %div3A_284 : vector<16xf32>
      %mul3A_311 = arith.mulf %mul3A_310, %add3A_303 : vector<16xf32>
      %add3A_312 = arith.addf %mul3A_307, %mul3A_311 : vector<16xf32>
      %neg3A_313 = arith.constant 0.000000e+00 : f32
      %neg3A_314 = vector.broadcast %neg3A_313 : f32 to vector<16xf32>
      %neg3A_315 = arith.subf %neg3A_314, %add3A_312 : vector<16xf32>
      %lt3A = arith.constant 14 : i32
      %lt3A_316 = vector.broadcast %lt3A : i32 to vector<16xi32>
      %lt3A_317 = arith.cmpi slt, %iota3A, %lt3A_316 : vector<16xi32>
      %neg3A_318 = arith.constant 0.000000e+00 : f32
      %neg3A_319 = vector.broadcast %neg3A_318 : f32 to vector<16xf32>
      %neg3A_320 = arith.subf %neg3A_319, %gather3A_256 : vector<16xf32>
      %exp3A_321 = math.exp %neg3A_320 : vector<16xf32>
      %add3A_322 = arith.constant 1.000000e+00 : f32
      %add3A_323 = vector.broadcast %add3A_322 : f32 to vector<16xf32>
      %add3A_324 = arith.addf %add3A_323, %exp3A_321 : vector<16xf32>
      %div3A_325 = arith.constant 1.000000e+00 : f32
      %div3A_326 = vector.broadcast %div3A_325 : f32 to vector<16xf32>
      %div3A_327 = arith.divf %div3A_326, %add3A_324 : vector<16xf32>
      %add3A_328 = arith.constant 1.000000e-07 : f32
      %add3A_329 = vector.broadcast %add3A_328 : f32 to vector<16xf32>
      %add3A_330 = arith.addf %div3A_327, %add3A_329 : vector<16xf32>
      %bitcast3A_331 = vector.bitcast %add3A_330 : vector<16xf32> to vector<16xi32>
      %shift_right_arithmetic3A_332 = arith.constant 23 : i32
      %shift_right_arithmetic3A_333 = vector.broadcast %shift_right_arithmetic3A_332 : i32 to vector<16xi32>
      %shift_right_arithmetic3A_334 = arith.shrsi %bitcast3A_331, %shift_right_arithmetic3A_333 : vector<16xi32>
      %sub3A_335 = arith.constant 127 : i32
      %sub3A_336 = vector.broadcast %sub3A_335 : i32 to vector<16xi32>
      %sub3A_337 = arith.subi %shift_right_arithmetic3A_334, %sub3A_336 : vector<16xi32>
      %and3A_338 = arith.constant 8388607 : i32
      %and3A_339 = vector.broadcast %and3A_338 : i32 to vector<16xi32>
      %and3A_340 = arith.andi %bitcast3A_331, %and3A_339 : vector<16xi32>
      %or3A_341 = arith.constant 1065353216 : i32
      %or3A_342 = vector.broadcast %or3A_341 : i32 to vector<16xi32>
      %or3A_343 = arith.ori %and3A_340, %or3A_342 : vector<16xi32>
      %bitcast3A_344 = vector.bitcast %or3A_343 : vector<16xi32> to vector<16xf32>
      %sub3A_345 = arith.constant 1.000000e+00 : f32
      %sub3A_346 = vector.broadcast %sub3A_345 : f32 to vector<16xf32>
      %sub3A_347 = arith.subf %bitcast3A_344, %sub3A_346 : vector<16xf32>
      %add3A_348 = arith.constant 1.000000e+00 : f32
      %add3A_349 = vector.broadcast %add3A_348 : f32 to vector<16xf32>
      %add3A_350 = arith.addf %bitcast3A_344, %add3A_349 : vector<16xf32>
      %div3A_351 = arith.divf %sub3A_347, %add3A_350 : vector<16xf32>
      %mul3A_352 = arith.mulf %div3A_351, %div3A_351 : vector<16xf32>
      %mul3A_353 = arith.constant 0.111111112 : f32
      %mul3A_354 = vector.broadcast %mul3A_353 : f32 to vector<16xf32>
      %mul3A_355 = arith.mulf %mul3A_352, %mul3A_354 : vector<16xf32>
      %add3A_356 = arith.constant 0.142857149 : f32
      %add3A_357 = vector.broadcast %add3A_356 : f32 to vector<16xf32>
      %add3A_358 = arith.addf %add3A_357, %mul3A_355 : vector<16xf32>
      %mul3A_359 = arith.mulf %mul3A_352, %add3A_358 : vector<16xf32>
      %add3A_360 = arith.constant 2.000000e-01 : f32
      %add3A_361 = vector.broadcast %add3A_360 : f32 to vector<16xf32>
      %add3A_362 = arith.addf %add3A_361, %mul3A_359 : vector<16xf32>
      %mul3A_363 = arith.mulf %mul3A_352, %add3A_362 : vector<16xf32>
      %add3A_364 = arith.constant 0.333333343 : f32
      %add3A_365 = vector.broadcast %add3A_364 : f32 to vector<16xf32>
      %add3A_366 = arith.addf %add3A_365, %mul3A_363 : vector<16xf32>
      %mul3A_367 = arith.mulf %mul3A_352, %add3A_366 : vector<16xf32>
      %add3A_368 = arith.constant 1.000000e+00 : f32
      %add3A_369 = vector.broadcast %add3A_368 : f32 to vector<16xf32>
      %add3A_370 = arith.addf %add3A_369, %mul3A_367 : vector<16xf32>
      %convert_element_type3A_371 = arith.sitofp %sub3A_337 : vector<16xi32> to vector<16xf32>
      %mul3A_372 = arith.constant 0.693147182 : f32
      %mul3A_373 = vector.broadcast %mul3A_372 : f32 to vector<16xf32>
      %mul3A_374 = arith.mulf %convert_element_type3A_371, %mul3A_373 : vector<16xf32>
      %mul3A_375 = arith.constant 2.000000e+00 : f32
      %mul3A_376 = vector.broadcast %mul3A_375 : f32 to vector<16xf32>
      %mul3A_377 = arith.mulf %mul3A_376, %div3A_351 : vector<16xf32>
      %mul3A_378 = arith.mulf %mul3A_377, %add3A_370 : vector<16xf32>
      %add3A_379 = arith.addf %mul3A_374, %mul3A_378 : vector<16xf32>
      %neg3A_380 = arith.constant 0.000000e+00 : f32
      %neg3A_381 = vector.broadcast %neg3A_380 : f32 to vector<16xf32>
      %neg3A_382 = arith.subf %neg3A_381, %add3A_379 : vector<16xf32>
      %jit3A = arith.constant 0.000000e+00 : f32
      %broadcast_in_dim3A_383 = vector.broadcast %jit3A : f32 to vector<16xf32>
      %select_n3A = arith.select %lt3A_317, %neg3A_382, %broadcast_in_dim3A_383 : vector<16xi1>, vector<16xf32>
      %add3A_384 = arith.addf %neg3A_315, %select_n3A : vector<16xf32>
      %reduce_sum3A = arith.constant true
      %reduce_sum3A_385 = vector.broadcast %reduce_sum3A : i1 to vector<16xi1>
      %reduce_sum3A_386 = tpu.scan <sum>, %add3A_384 masked %reduce_sum3A_385 : vector<16xf32>, vector<16xi1> -> vector<16xf32>
      %reduce_sum3A_387 = vector.extract %reduce_sum3A_386[15] : f32 from vector<16xf32>
      %convert_element_type3A_388 = arith.sitofp %cond3A_245 : i32 to f32
      %mul3A_389 = arith.constant 0.0333333351 : f32
      %mul3A_390 = arith.mulf %convert_element_type3A_388, %mul3A_389 : f32
      %sub3A_391 = arith.constant 1.000000e+00 : f32
      %sub3A_392 = arith.subf %sub3A_391, %mul3A_390 : f32
      %mul3A_393 = arith.constant 0.0333333351 : f32
      %mul3A_394 = arith.mulf %reduce_sum3A_387, %mul3A_393 : f32
      %mul3A_395 = arith.mulf %mul3A_394, %sub3A_392 : f32
      %eq3A = vector.broadcast %scan3A_8 : i32 to vector<16xi32>
      %eq3A_396 = arith.cmpi eq, %iota3A, %eq3A : vector<16xi32>
      %broadcast_in_dim3A_397 = vector.broadcast %mul3A_395 : f32 to vector<16xf32>
      %select_n3A_398 = arith.select %eq3A_396, %broadcast_in_dim3A_397, %scan3A_9 : vector<16xi1>, vector<16xf32>
      scf.yield %select_n3A_398 : vector<16xf32>
    }
    %scan3A_6 = arith.constant 4 : i32
    %swap3A = arith.constant 0 : index
    %swap3A_7 = tpu.vector_load %arg11[%swap3A] {strides = array<i32>} : memref<16xf32, #tpu.memory_space<vmem>>, vector<16xf32>,
    tpu.vector_store %arg11[%swap3A], %scan3A_5 {strides = array<i32>} : memref<16xf32, #tpu.memory_space<vmem>>, vector<16xf32>,
    "tpu.region"() ({
      %run_scoped3A = tpu.sem_alloc : memref<!tpu.dma_semaphore, #tpu.memory_space<semaphore_mem>>
      %dma_start3A = arith.constant 0 : i32
      %dma_start3A_8 = tpu.memref_slice %arg4[%add3A, %dma_start3A] : memref<32x16xf32, #tpu.memory_space<hbm>> -> memref<1x16xf32, #tpu.memory_space<hbm>>
      %dma_start3A_9 = tpu.memref_squeeze %dma_start3A_8 : memref<1x16xf32, #tpu.memory_space<hbm>> -> memref<16xf32, #tpu.memory_space<hbm>>
      %dma_start3A_10 = arith.constant 0 : i32
      %dma_start3A_11 = tpu.memref_slice %arg4[%add3A, %dma_start3A_10] : memref<32x16xf32, #tpu.memory_space<hbm>> -> memref<1x16xf32, #tpu.memory_space<hbm>>
      %dma_start3A_12 = tpu.memref_squeeze %dma_start3A_11 : memref<1x16xf32, #tpu.memory_space<hbm>> -> memref<16xf32, #tpu.memory_space<hbm>>
      tpu.enqueue_dma source(%arg11 : memref<16xf32, #tpu.memory_space<vmem>>) target(%dma_start3A_12 : memref<16xf32, #tpu.memory_space<hbm>>) target_semaphore(%run_scoped3A : memref<!tpu.dma_semaphore, #tpu.memory_space<semaphore_mem>>)
      %dma_wait3A = arith.constant 0 : i32
      %dma_wait3A_13 = tpu.memref_slice %arg4[%add3A, %dma_wait3A] : memref<32x16xf32, #tpu.memory_space<hbm>> -> memref<1x16xf32, #tpu.memory_space<hbm>>
      %dma_wait3A_14 = tpu.memref_squeeze %dma_wait3A_13 : memref<1x16xf32, #tpu.memory_space<hbm>> -> memref<16xf32, #tpu.memory_space<hbm>>
      %dma_wait3A_15 = arith.constant 0 : i32
      %dma_wait3A_16 = tpu.memref_slice %arg4[%add3A, %dma_wait3A_15] : memref<32x16xf32, #tpu.memory_space<hbm>> -> memref<1x16xf32, #tpu.memory_space<hbm>>
      %dma_wait3A_17 = tpu.memref_squeeze %dma_wait3A_16 : memref<1x16xf32, #tpu.memory_space<hbm>> -> memref<16xf32, #tpu.memory_space<hbm>>
      tpu.wait_dma2 semaphore(%run_scoped3A : memref<!tpu.dma_semaphore, #tpu.memory_space<semaphore_mem>>) src(%arg11 : memref<16xf32, #tpu.memory_space<vmem>>) dst(%dma_wait3A_17 : memref<16xf32, #tpu.memory_space<hbm>>)
      tpu.yield
    }) : () -> ()
    return
  }
}

</mosaic_0001>

<sc_bundles>
// kernel: _sc_call.3.cloned.1.call-start
scs
__scs_entry_jumppad:
0x0: {  	(pc) =	sbr.rel $0x88, $3  }
0x1: {  	(tag) =	ssettag $0x0;
	lr =	simm.s32 $0x1  }
0x2: {  	[smem:$0x3F9F] =	sst lr;
	_ =	strace $0xD0000000  }
0x3: {  	_ = 	snop  }
0x4: {  	_ = 	snop  }
0x5: {  	_ = 	snop  }
0x6: {  	_ = 	snop  }
0x7: {  	_ = 	snop  }
__scs_overlays_trampoline_lowered:
0x8: {  	[smem:$0x3FAE] =	sst s0  }
0x9: {  	[smem:$0x3FAF] =	sst s1  }
0xa: {  	[smem:$0x3FB0] =	sst s2  }
0xb: {  	[smem:$0x3FB1] =	sst s3  }
0xc: {  	[smem:$0x3FB2] =	sst s4  }
0xd: {  	[smem:$0x3FB3] =	sst s5  }
0xe: {  	[smem:$0x3FB4] =	sst s6  }
0xf: {  	[smem:$0x3FB5] =	sst s7  }
0x10: {  	[smem:$0x3FB6] =	sst s8  }
0x11: {  	[smem:$0x3FB7] =	sst s9;
	s0 =	simm.s32 @!p0 $0x0  }
0x12: {  	s1 =	sld [smem:$0x3F9D];
	s0 =	simm.s32 @p0 $0x1  }
0x13: {  	[smem:$0x3FB8] =	sst s0;
	s0 =	simm.s32 @!p1 $0x0  }
0x14: {  	s2 =	sld [smem:$0x3F9C];
	s0 =	simm.s32 @p1 $0x1  }
0x15: {  	[smem:$0x3FB9] =	sst s0;
	s0 =	simm.s32 @!p2 $0x0  }
0x16: {  	s3 =	sld [smem:$0x3FDB];
	s0 =	simm.s32 @p2 $0x1  }
0x17: {  	s4 =	simm.s32 $0x1BF5;
	[smem:$0x3FBB] =	sst s0  }
0x18: {  	s0 =	sld [smem:$0x3F9E];
	_ =	swait.ge [sflag:s4], $0x0  }
0x19: {  	s7 =	sld [smem:$0x3F9F]  }
0x1a: {  	s8 =	sadd.s32 $0xFFFFE003, lr  }
0x1b: {  	s9 =	sadd.s32 $0xFFFFFEF7, lr;
	s5 =	simm.s32 $0xFFFFFFFF;
	p2 =	slt.u32 s8, $0xFFFFF086  }
0x1c: {  	p1 =	slt.u32 s9, $0xF7A;
	s5 =	simm.s32 @!p2 $0x0  }
0x1d: {  	s5 =	simm.s32 @p1 $0x1;
	p0 =	seq.s32 s7, s2  }
0x1e: {  	s7 =	smul.u32 @!p0 $0xF7A, s2;
	p2 =	seq.s32 @!p0 s5, $0x0  }
0x1f: {  	s9 =	smul.u32 $0xF7A, s1;
	s8 =	simm.s32 @!p0 $0x1BF5;
	p2 =	por !p2, p0  }
0x20: {  	[sflag:s8] =	ssyncset.s32 @!p0 $0xFFFFF086;
	s6 =	sadd.s32 @!p0 s3, s7;
	s7 =	simm.s32 @!p0 $0x108  }
0x21: {  	s3 =	sadd.s32 s3, s9;
	s6 =	sadd.s32 @!p0 $0x88, s6;
	s7 =	simm.s32 @p2 $0x1082  }
0x22: {  	[simem:s7], [sflag:s8] =	dma.local @!p0 [hbm:s6], $0xF7A  }
0x23: {  	s9 =	sor.u32 $0xD0000000, s2;
	s6 =	simm.s32 $0x108;
	_ =	swait.ge @!p0 [sflag:s8], $0x0  }
0x24: {  	s3 =	sadd.s32 $0x88, s3;
	s6 =	simm.s32 @!p1 $0x1082;
	[sflag:s4] =	ssyncset.s32 $0xFFFFF086  }
0x25: {  	[simem:s6], [sflag:s4] =	dma.local [hbm:s3], $0xF7A  }
0x26: {  	[smem:$0x3F9F] =	sst s1;
	(tag) =	ssettag s2;
	_ =	strace s9  }
0x27: {  	s1 =	sld [smem:$0x3FAF]  }
0x28: {  	s2 =	sld [smem:$0x3FB0]  }
0x29: {  	s4 =	sld [smem:$0x3FB2]  }
0x2a: {  	p0 =	seq.s32 s5, $0x0;
	s5 =	sld [smem:$0x3FB3]  }
0x2b: {  	s6 =	sld [smem:$0x3FB4]  }
0x2c: {  	s7 =	sld [smem:$0x3FB5]  }
0x2d: {  	s3 =	simm.s32 $0x108;
	s8 =	sld [smem:$0x3FB6]  }
0x2e: {  	s3 =	simm.s32 @!p0 $0x1082;
	s9 =	sld [smem:$0x3FB7]  }
0x2f: {  	lr =	sadd.s32 s0, s3;
	s0 =	sld [smem:$0x3FAE]  }
0x30: {  	s3 =	sld [smem:$0x3FB1]  }
0x31: {  	[smem:$0x3FBA] =	sst s10  }
0x32: {  	s10 =	sld [smem:$0x3FB8];
	_ =	sdelay $0x3  }
0x33: {  	p0 =	seq.s32 s10, $0x1;
	s10 =	sld [smem:$0x3FBA];
	_ =	sdelay $0x3  }
0x34: {  	[smem:$0x3FBA] =	sst s10  }
0x35: {  	s10 =	sld [smem:$0x3FB9];
	_ =	sdelay $0x3  }
0x36: {  	p1 =	seq.s32 s10, $0x1;
	s10 =	sld [smem:$0x3FBA];
	_ =	sdelay $0x3  }
0x37: {  	[smem:$0x3FBA] =	sst s10  }
0x38: {  	s10 =	sld [smem:$0x3FBB]  }
0x39: {  	_ = 	snop;
	(pc) =	sbr.ind lr, $3  }
0x3a: {  	_ = 	snop  }
0x3b: {  	_ = 	snop  }
0x3c: {  	p2 =	seq.s32 s10, $0x1;
	s10 =	sld [smem:$0x3FBA]  }
0x3d: {  	_ =	shalt  }
0x3e: {  	_ =	shalt  }
0x3f: {  	_ =	shalt  }
0x40: {  	_ =	shalt  }
0x41: {  	_ =	shalt  }
0x42: {  	_ =	shalt  }
0x43: {  	_ =	shalt  }
0x44: {  	_ =	shalt  }
0x45: {  	_ =	shalt  }
0x46: {  	_ =	shalt  }
0x47: {  	_ =	shalt  }
0x48: {  	_ =	shalt  }
0x49: {  	_ =	shalt  }
0x4a: {  	_ =	shalt  }
0x4b: {  	_ =	shalt  }
0x4c: {  	_ =	shalt  }
0x4d: {  	_ =	shalt  }
0x4e: {  	_ =	shalt  }
0x4f: {  	_ =	shalt  }
0x50: {  	_ =	shalt  }
0x51: {  	_ =	shalt  }
0x52: {  	_ =	shalt  }
0x53: {  	_ =	shalt  }
0x54: {  	_ =	shalt  }
0x55: {  	_ =	shalt  }
0x56: {  	_ =	shalt  }
0x57: {  	_ =	shalt  }
0x58: {  	_ =	shalt  }
0x59: {  	_ =	shalt  }
0x5a: {  	_ =	shalt  }
0x5b: {  	_ =	shalt  }
0x5c: {  	_ =	shalt  }
0x5d: {  	_ =	shalt  }
0x5e: {  	_ =	shalt  }
0x5f: {  	_ =	shalt  }
0x60: {  	_ =	shalt  }
0x61: {  	_ =	shalt  }
0x62: {  	_ =	shalt  }
0x63: {  	_ =	shalt  }
0x64: {  	_ =	shalt  }
0x65: {  	_ =	shalt  }
0x66: {  	_ =	shalt  }
0x67: {  	_ =	shalt  }
0x68: {  	_ =	shalt  }
0x69: {  	_ =	shalt  }
0x6a: {  	_ =	shalt  }
0x6b: {  	_ =	shalt  }
0x6c: {  	_ =	shalt  }
0x6d: {  	_ =	shalt  }
0x6e: {  	_ =	shalt  }
0x6f: {  	_ =	shalt  }
0x70: {  	_ =	shalt  }
0x71: {  	_ =	shalt  }
0x72: {  	_ =	shalt  }
0x73: {  	_ =	shalt  }
0x74: {  	_ =	shalt  }
0x75: {  	_ =	shalt  }
0x76: {  	_ =	shalt  }
0x77: {  	_ =	shalt  }
0x78: {  	_ =	shalt  }
0x79: {  	_ =	shalt  }
0x7a: {  	_ =	shalt  }
0x7b: {  	_ =	shalt  }
0x7c: {  	_ =	shalt  }
0x7d: {  	_ =	shalt  }
0x7e: {  	_ =	shalt  }
0x7f: {  	_ =	shalt  }
0x80: {  	_ =	shalt  }
0x81: {  	_ =	shalt  }
0x82: {  	_ =	shalt  }
0x83: {  	_ =	shalt  }
0x84: {  	_ =	shalt  }
0x85: {  	_ =	shalt  }
0x86: {  	_ =	shalt  }
0x87: {  	_ =	shalt  }
.Lfunc_end0:
.L_simem_size_0:
called_computation_lowered:
.L_overlay_start_0:
0x88: {  	s2 =	sld [smem:$0x3FD9]  }
0x89: {  	s3 =	sld [smem:$0x3FFE];
	_ =	sdelay $0x1  }
0x8a: {  	s1 =	srdreg.scid  }
0x8b: {  	s0 =	sand.u32 $0x1, s1  }
0x8c: {  	s17 =	sshll.u32 s0, $0xA;
	s2 =	sadd.s32 s3, s2  }
0x8d: {  	s2 =	sadd.s32 s2, s17  }
0x8e: {  	[smem:$0x3FC6] =	sst s2  }
0x8f: {  	_ = 	snop  }
0x90: {  	s2 =	sld [smem:$0x3FC9]  }
0x91: {  	s18 =	sld [smem:$0x3FC8];
	(tm) =	ssettm $0x1  }
0x92: {  	s4 =	sld [smem:$0x3FFB];
	_ =	sdelay $0x3  }
0x93: {  	_ =	strace s4  }
0x94: {  	s4 =	sld [smem:$0x3FFC];
	_ =	sdelay $0x3  }
0x95: {  	_ =	strace s4  }
0x96: {  	s4 =	sld [smem:$0x3FFD];
	_ =	sdelay $0x3  }
0x97: {  	_ =	strace s4  }
0x98: {  	_ =	strace $0x8FFFFFFF  }
0x99: {  	s19 =	sld [smem:$0x3FDB];
	_ =	sdelay $0x1  }
0x9a: {  	s5 =	simm.s32 $_scs_section_size  }
0x9b: {  	s6 =	simm.s32 $_size__tile_overlayer_lowered;
	s7 =	simm.s32 $_tile_overlayer_lowered  }
0x9c: {  	s22 =	simm.s32 $0x1BFF;
	s21 =	sshll.u32 s7, $0x1;
	s4 =	sadd.s32 s5, s19  }
0x9d: {  	s8 =	simm.s32 $0x0;
	s20 =	sshll.u32 s6, $0x1;
	s6 =	sadd.s32 s21, s4  }
0x9e: {  	[timem:s8], [sflag:s22] =	dma.local [hbm:s6], s20  }
0x9f: {  	_ =	swait.ge [sflag:s22], s20  }
0xa0: {  	s5 =	ssub.s32 $0x0, s20;
	[sflag:s22] =	ssyncset.done $0x0  }
0xa1: {  	[sflag:s22] =	ssyncadd.s32 s5;
	_ =	sdelay $0x1  }
0xa2: {  	s23 =	simm.s32 $0x1B8B  }
0xa3: {  	_ =	swait.ge [sflag:s23], $0x1  }
0xa4: {  	[sflag:s23] =	ssyncset.done $0x0  }
0xa5: {  	s25 =	simm.s32 $0x1B8E;
	s24 =	sld [smem:$0x3FFE];
	[sflag:s23] =	ssyncadd.s32 $0xFFFFFFFF  }
0xa6: {  	s26 =	simm.s32 $execute0_lowered;
	[smem:$0x3FD2] =	sst s25  }
0xa7: {  	s6 =	sshll.u32 s26, $0x1;
	_ =	strace $0x80000046;
	[dreg:$0x1] =	wrdreg $0xFFFFFFFF  }
0xa8: {  	s28 =	simm.s32 $_size_execute0_lowered;
	s4 =	sadd.s32 s4, s6;
	[dreg:$0x0] =	wrdreg $0x0  }
0xa9: {  	s6 =	sshll.u32 s28, $0x1;
	[dreg:$0x2] =	wrdreg s4  }
0xaa: {  	[dreg:$0x3] =	wrdreg s6  }
0xab: {  	[dreg:$0x4] =	wrdreg $0xC0  }
0xac: {  	_ =	task [dreg:s8], $0x5FFFF  }
0xad: {  	[dreg:$0x1] =	wrdreg $0xFFFFFFFF  }
0xae: {  	[dreg:$0x0] =	wrdreg $0x60  }
0xaf: {  	[dreg:$0x2] =	wrdreg s2  }
0xb0: {  	[dreg:$0x3] =	wrdreg s18  }
0xb1: {  	[dreg:$0x4] =	wrdreg s24  }
0xb2: {  	[dreg:$0x5] =	wrdreg $0x9  }
0xb3: {  	_ =	task.clear_ibuf [dreg:s8], $0x6FFFF;
	_ =	strace $0x90000046  }
0xb4: {  	s29 =	simm.s32 $0x9;
	_ =	strace $0x80000048  }
0xb5: {  	_ =	swait.ge [sflag:s29], $0x1  }
0xb6: {  	[sflag:s29] =	ssyncadd.s32 $0xFFFFFFFF  }
0xb7: {  	_ =	strace $0x90000048  }
0xb8: {  	_ =	sfence  }
0xb9: {  	s30 =	sld [smem:$0x0];
	_ =	sdelay $0x2  }
0xba: {  	s31 =	sshll.u32 s1, $0xD;
	s1 =	sshrl.u32 s1, $0x2  }
0xbb: {  	s3 =	sand.u32 $0x4000, s31;
	s1 =	sadd.s32 s1, s30  }
0xbc: {  	s0 =	sor.u32 s3, s0;
	s1 =	sshll.u32 s1, $0x11  }
0xbd: {  	s0 =	sor.u32 s1, s0  }
0xbe: {  	s0 =	sadd.s32 $0x8F2B, s0  }
0xbf: {  	[sflag:s0] =	ssyncadd.remote.s32 $0x1  }
0xc0: {  	_ =	sfence.sel $0xFFFF  }
0xc1: {  	[dreg:$0x0] =	wrdreg $0xFFFFFFFF;
	(pc) =	sbr.abs _section_cstart, $3  }
0xc2: {  	[dreg:$0x1] =	wrdreg $0xFFFFFFFF  }
0xc3: {  	_ =	task.clear_ibuf [dreg:s8], $0x2FFFF;
	_ =	strace $0x9FFFFFFF  }
0xc4: {  	(tm) =	ssettm $0x7FFFFFFF  }
0xc5: {  	_ =	shalt  }
tec
execute0_lowered:
.L_overlay_start_1:
0x0: {  	(tag) =	ssettag $0x1  }
0x1: {  	v0 =	vimm.s32 $0xFFFFFFFF  }
0x2: {  	v1 =	vimm.s32 $0xFFFFFFFE;
	v2 =	vimm.s32 $0x0;
	v4 =	vimm.s32 $0xFEDCBA9  }
0x3: {  	v3 =	vlaneseq.u32;
	v6 =	vimm.s32 $0x87654321;
	vm0 =	vcmask $0x3338  }
0x4: {  	vm1 =	vcmask $0x1F10;
	v9 =	vimm.s32 $0x1C1B1A19;
	v10 =	vimm.s32 $0x101F1E1D  }
0x5: {  	v11 =	vimm.s32 $0x10FEDCBA;
	v12 =	vimm.s32 $0x14131211;
	v14 =	vimm.s32 $0x18171615  }
0x6: {  	v16 =	vimm.s32 $0x11101F1E;
	v17 =	vimm.s32 $0x210FEDCB;
	v18 =	vimm.s32 $0x15141312  }
0x7: {  	v20 =	vimm.s32 $0xA9876543;
	v21 =	vimm.s32 $0x1E1D1C1B;
	v22 =	vimm.s32 $0x1211101F  }
0x8: {  	v23 =	vimm.s32 $0x16151413;
	v24 =	vimm.s32 $0x3210FEDC;
	v25 =	vimm.s32 $0xBA987654  }
0x9: {  	v26 =	vimm.s32 $0x1A191817;
	v29 =	vimm.s32 $0x43210FED;
	v30 =	vimm.s32 $0x17161514  }
0xa: {  	v32 =	vimm.s32 $0x1B1A1918;
	v62 =	vimm.s32 $0x543210FE;
	v34 =	vimm.s32 $0xFEDCBA98  }
0xb: {  	v35 =	vimm.s32 $0xDCBA9876;
	v36 =	vimm.s32 $0x76543210;
	v37 =	vimm.s32 $0x6543210F  }
0xc: {  	v38 =	vimm.s32 $0xEDCBA987;
	v7 =	vunpack.c.l.s4.s8 v4;
	v4 =	vor.u32 $0x10, v3  }
0xd: {  	v5 =	vor.u32 $0x20, v3;
	v8 =	vunpack.c.l.s4.s8 v6;
	v6 =	vor.u32 $0x30, v3  }
0xe: {  	v9 =	vunpack.c.0.s8.s32 v9;
	v10 =	vunpack.c.0.s8.s32 v10;
	v13 =	vunpack.c.l.s4.s8 v11  }
0xf: {  	v11 =	vimm.s32 $0x98765432;
	v16 =	vunpack.c.0.s8.s32 v16;
	v19 =	vunpack.c.l.s4.s8 v17  }
0x10: {  	v17 =	vunpack.c.0.s8.s32 v18;
	v18 =	vimm.s32 $0x19181716;
	v20 =	vunpack.c.l.s4.s8 v20  }
0x11: {  	v21 =	vunpack.c.0.s8.s32 v21;
	v27 =	vunpack.c.l.s4.s8 v24;
	v28 =	vunpack.c.l.s4.s8 v25  }
0x12: {  	v22 =	vunpack.c.0.s8.s32 v22;
	v23 =	vunpack.c.0.s8.s32 v23;
	v24 =	vunpack.c.0.s8.s32 v26  }
0x13: {  	s0 =	rddreg [dreg:$0x0];
	v31 =	vunpack.c.l.s4.s8 v29;
	v29 =	vimm.s32 $0xCBA98765;
	v34 =	vunpack.c.l.s4.s8 v34  }
0x14: {  	s1 =	rddreg [dreg:$0x1];
	v35 =	vunpack.c.l.s4.s8 v35;
	v36 =	vunpack.c.l.s4.s8 v36;
	v37 =	vunpack.c.l.s4.s8 v37  }
0x15: {  	s5 =	rddreg [dreg:$0x2];
	v38 =	vunpack.c.l.s4.s8 v38;
	v15 =	vunpack.c.l.s4.s8 v11;
	v11 =	vunpack.c.0.s8.s32 v12  }
0x16: {  	s4 =	srdreg.scid;
	s3 =	simm.s32 $0x0;
	s11 =	simm.s32 $0x1;
	v12 =	vunpack.c.0.s8.s32 v14;
	v18 =	vunpack.c.0.s8.s32 v18;
	v33 =	vunpack.c.l.s4.s8 v29  }
0x17: {  	s12 =	simm.s32 $0x2;
	s13 =	simm.s32 $0x10000;
	s14 =	simm.s32 $0x11000;
	v29 =	vunpack.c.0.s8.s32 v30;
	v30 =	vunpack.c.0.s8.s32 v32;
	v7 =	vunpack.c.0.s8.s32 v7  }
0x18: {  	s15 =	simm.s32 $0x12000;
	s16 =	simm.s32 $0x12100;
	s17 =	simm.s32 $0x3;
	v8 =	vunpack.c.0.s8.s32 v8;
	v13 =	vunpack.c.0.s8.s32 v13;
	v19 =	vunpack.c.0.s8.s32 v19  }
0x19: {  	s18 =	simm.s32 $0x12080;
	s19 =	simm.s32 $0x0;
	s6 =	sand.u32 $0x1, s4;
	v20 =	vunpack.c.0.s8.s32 v20;
	v25 =	vunpack.c.0.s8.s32 v27;
	v26 =	vunpack.c.0.s8.s32 v28  }
0x1a: {  	[smem:$0x7FF] =	sst s3;
	s4 =	stileid.u32;
	s7 =	ssub.s32 $0x2, s6;
	v27 =	vimm.s32 $0x1F1E1D1C;
	v28 =	vimm.s32 $0x13121110;
	v39 =	vunpack.c.0.s8.s32 v34  }
.Ltmp0:
0x1b: {  	_ =	strace $0x80000047;
	s31 =	sshll.u32 s4, $0xF;
	v31 =	vunpack.c.0.s8.s32 v31;
	v40 =	vunpack.c.0.s8.s32 v36;
	v34 =	vunpack.c.0.s8.s32 v35;
	(pc) =	sbr.rel .LBB2_1-.Ltmp0, $4  }
0x1c: {  	s9 =	sshll.u32 s6, $0x4;
	s6 =	sshll.u32 s6, $0x6;
	s10 =	sshll.u32 s4, $0x5;
	v35 =	vunpack.c.0.s8.s32 v37;
	v36 =	vunpack.c.0.s8.s32 v38;
	v39 =	vand.u32 $0xF, v39  }
0x1d: {  	s8 =	sshrl.u32 s7, $0x1;
	s9 =	sadd.s32 s5, s9;
	s5 =	sor.u32 s31, s6;
	v32 =	vunpack.c.0.s8.s32 v33;
	v33 =	vunpack.c.l.s4.s8 v62;
	v63 =	vcombine.low v39, v40  }
0x1e: {  	v14 =	vunpack.c.0.s8.s32 v15;
	v15 =	vimm.s32 $0x1D1C1B1A;
	v27 =	vunpack.c.0.s8.s32 v27;
	s7 =	ssub.s32 s7, s8;
	s6 =	sadd.s32 s10, s9;
	s8 =	simm.s32 $0x80  }
0x1f: {  	v28 =	vunpack.c.0.s8.s32 v28;
	s9 =	simm.s32 $0x400;
	s10 =	simm.s32 $0x8000;
	v15 =	vunpack.c.0.s8.s32 v15;
	s7 =	smax.u32 s7, $0x1;
	v33 =	vunpack.c.0.s8.s32 v33;
	[tilespmem:$0x1FFF0] =	vst v63  }
.LBB2_39:
0x20: {  	s19 =	sadd.s32 $0x1, s19  }
0x21: {  	p0 =	sne.s32 s19, s7  }
.Ltmp1:
0x22: {  	[tilespmem:$0x12100] =	vst v38;
	(pc) =	sbr.rel @!p0 .LBB2_40-.Ltmp1, $4  }
0x23: {  	[hbm4b:s6+s3] =	stream.linear.scatter [tilespmem:s16], [sflag:$0x3], $0x80, $0x38;
	[tilespmem:$0x12180] =	vst v63  }
0x24: {  	_ =	swait.ge [sflag:s17], $0x80  }
0x25: {  	[sflag:s17] =	ssyncset.done $0x0  }
0x26: {  	[sflag:s17] =	ssyncadd.s32 $0xFFFFFF80  }
.LBB2_1:
.Ltmp2:
0x27: {  	(pc) =	sbr.rel .LBB2_2-.Ltmp2, $2  }
0x28: {  	_ =	sdelay $0x2  }
0x29: {  	v38 =	vimm.f32 $0.0e+00;
	s20 =	simm.s32 $0x0  }
.LBB2_28:
0x2a: {  	s23 =	simm.s32 $0x0;
	s22 =	simm.s32 $0x0  }
.LBB2_36:
0x2b: {  	vm2 =	vgt.s32 v41, $0x0  }
0x2c: {  	v44 =	vnsel vm2, $0x0, v41  }
0x2d: {  	v44 =	vmin.u32 v44, $0x7FFF;
	_ =	sdelay $0x4  }
0x2e: {  	v44 =	vld.idx.msk [tilespmem:v44+s10+$0x0], $0xffff;
	_ =	sdelay $0x1  }
0x2f: {  	s2 =	sadd.s32 @p0 $0x10, s23  }
0x30: {  	s21 =	smov.u32 @p0 s2  }
0x31: {  	v45 =	vor.u32 s21, v3  }
0x32: {  	vm2 =	vlt.s32 v45, v42;
	vm3 =	veq.f32 v44, v40  }
0x33: {  	vm3 =	vmand vm2, vm3  }
0x34: {  	v58 =	vsel vm3, $0x1, v2  }
0x35: {  	(xrf0) =	vadd.scan.msk.s32 $0xffff, v58;
	_ =	sdelay $0x4  }
0x36: {  	v59 =	vsel vm3, $0xFFFFFFFF, v2  }
0x37: {  	v42 =	vadd.s32 s22, v59;
	v60, _, _ =	vpop (xrf0)  }
0x38: {  	v42 =	vadd.s32 v60, v42  }
0x39: {  	vm4 =	vgt.f32 v44, v40;
	vm5 =	vlt.s32 v42, v39  }
0x3a: {  	vm2 =	vmand vm2, vm4;
	(v2sf) =	vpush v60, $0xF;
	vm3 =	vmand vm3, vm5  }
0x3b: {  	vm2 =	vmor vm2, vm3  }
0x3c: {  	v61 =	vsel vm2, $0x1, v2  }
0x3d: {  	(xrf0) =	vadd.scan.msk.s32 $0xffff, v61;
	_ =	sdelay $0x4  }
0x3e: {  	v62 =	vsel vm2, $0xFFFFFFFF, v2  }
0x3f: {  	v39 =	vadd.s32 v62, v43;
	v63, _, _ =	vpop (xrf0)  }
0x40: {  	v39 =	vadd.s32 v63, v39;
	_ =	sdelay $0x4  }
0x41: {  	s31 =	spop (v2sf);
	[tilespmem:v39+s18+$0x0] =	vst.idx.msk vm2, v41  }
.LBB2_37:
0x42: {  	_ =	sdelay $0x1  }
0x43: {  	v40 =	vcombine.low v8, v7  }
0x44: {  	v49 =	vsel vm1, v10, v9;
	v50 =	vsel vm1, v12, v11;
	v39 =	vld [tilespmem:$0x12000];
	v43 =	vsel vm1, v16, v15  }
0x45: {  	v45 =	vld.idx.msk [tilespmem:v3+s18+$0x0], $0xffff;
	v44 =	vsel vm1, v18, v17;
	v42 =	vcombine.low v50, v49;
	v41 =	vand.u32 $0xF, v40  }
0x46: {  	v63 =	vcombine.low v14, v13;
	v46 =	vld.idx.msk [tilespmem:v4+s18+$0x0], $0xffff;
	v48 =	vcombine.low v44, v43;
	_ =	sdelay $0x1  }
0x47: {  	v52 =	vcombine.low v20, v19;
	v47 =	vand.u32 $0xF, v63;
	v40 =	vld [tilespmem:$0x12010];
	_ =	sdelay $0x1  }
0x48: {  	v52 =	vand.u32 $0xF, v52;
	vm2 =	veq.s32 v39, v45;
	v51 =	vld.idx.msk [tilespmem:v41+s18+$0x0], $0xffff  }
0x49: {  	v37 =	vcombine.low v26, v25;
	vm3 =	veq.s32 v39, v46;
	v55 =	vsel vm2, $0x1, v2;
	v53 =	vld.idx.msk [tilespmem:v42+s18+$0x0], $0xffff  }
0x4a: {  	v56 =	vsel vm3, $0x1, v2;
	v41 =	vsel vm1, v22, v21;
	v42 =	vsel vm1, v24, v23;
	v48 =	vld.idx.msk [tilespmem:v48+s18+$0x0], $0xffff  }
0x4b: {  	v47 =	vld.idx.msk [tilespmem:v47+s18+$0x0], $0xffff;
	vm2 =	veq.s32 v40, v45;
	vm3 =	veq.s32 v40, v46;
	v54 =	vcombine.low v42, v41  }
0x4c: {  	v45 =	vsel vm1, v28, v27;
	v46 =	vsel vm1, v30, v29;
	v57 =	vsel vm2, $0x1, v2  }
0x4d: {  	v52 =	vld.idx.msk [tilespmem:v52+s18+$0x0], $0xffff;
	v58 =	vsel vm3, $0x1, v2;
	v57 =	vadd.s32 v55, v57;
	vm2 =	veq.s32 v39, v51  }
0x4e: {  	vm3 =	veq.s32 v39, v53;
	vm4 =	veq.s32 v40, v51;
	v51 =	vand.u32 $0xF, v37  }
0x4f: {  	vm15 =	veq.s32 v39, v48;
	v59 =	vsel vm2, $0x1, v2;
	v60 =	vsel vm3, $0x1, v2  }
0x50: {  	v61 =	vsel vm4, $0x1, v2;
	vm2 =	veq.s32 v40, v53;
	vm3 =	veq.s32 v39, v47  }
0x51: {  	v63 =	vsel vm15, $0x1, v2;
	v53 =	vld.idx.msk [tilespmem:v54+s18+$0x0], $0xffff;
	v54 =	vsel vm2, $0x1, v2;
	v62 =	vsel vm3, $0x1, v2  }
0x52: {  	vm2 =	veq.s32 v40, v47;
	v47 =	vcombine.low v46, v45;
	vm3 =	veq.s32 v40, v52  }
0x53: {  	v37 =	vsel vm2, $0x1, v2;
	vm2 =	veq.s32 v40, v48;
	v48 =	vadd.s32 v56, v57  }
0x54: {  	v57 =	vsel vm3, $0x1, v2;
	v55 =	vsel vm2, $0x1, v2;
	v48 =	vadd.s32 v58, v48  }
0x55: {  	vm2 =	veq.s32 v39, v52;
	v58 =	vcombine.low v32, v31;
	v48 =	vadd.s32 v59, v48  }
0x56: {  	v51 =	vld.idx.msk [tilespmem:v51+s18+$0x0], $0xffff;
	v56 =	vsel vm2, $0x1, v2;
	v59 =	vsel vm1, v9, v12;
	v48 =	vadd.s32 v61, v48  }
0x57: {  	v58 =	vand.u32 $0xF, v58;
	v61 =	vsel vm1, v27, v30;
	vm2 =	veq.s32 v39, v53  }
0x58: {  	v48 =	vadd.s32 v60, v48;
	v60 =	vsel vm1, v29, v28;
	v52 =	vsel vm2, $0x1, v2  }
0x59: {  	vm2 =	veq.s32 v40, v53;
	v53 =	vld.idx.msk [tilespmem:v47+s18+$0x0], $0xffff;
	v47 =	vsel vm1, v11, v10;
	v48 =	vadd.s32 v54, v48  }
0x5a: {  	v54 =	vcombine.low v61, v60;
	v48 =	vadd.s32 v62, v48;
	v60 =	vcombine.low v59, v47  }
0x5b: {  	vm3 =	veq.s32 v39, v51;
	v37 =	vadd.s32 v37, v48;
	v48 =	vcombine.low v34, v33  }
0x5c: {  	v61 =	vsel vm2, $0x1, v2;
	v37 =	vadd.s32 v63, v37;
	v62 =	vsel vm3, $0x1, v2  }
0x5d: {  	vm3 =	veq.s32 v40, v51;
	v51 =	vld.idx.msk [tilespmem:v58+s18+$0x0], $0xffff;
	v63 =	vand.u32 $0xF, v48;
	v37 =	vadd.s32 v55, v37  }
0x5e: {  	v48 =	vsel vm1, v17, v16;
	v55 =	vsel vm1, v15, v18;
	v37 =	vadd.s32 v56, v37  }
0x5f: {  	vm2 =	veq.s32 v39, v53;
	v56 =	vcombine.low v55, v48;
	v37 =	vadd.s32 v57, v37  }
0x60: {  	v57 =	vsel vm2, $0x1, v2;
	vm2 =	veq.s32 v40, v53;
	v37 =	vadd.s32 v52, v37  }
0x61: {  	v53 =	vsel vm3, $0x1, v2;
	v52 =	vcombine.low v36, v35;
	v58 =	vld.idx.msk [tilespmem:v60+s18+$0x0], $0xffff;
	v37 =	vadd.s32 v61, v37  }
0x62: {  	v60 =	vsel vm2, $0x1, v2;
	vm2 =	veq.s32 v39, v51;
	v37 =	vadd.s32 v62, v37  }
0x63: {  	vm3 =	veq.s32 v40, v51;
	v52 =	vand.u32 $0xF, v52;
	v61 =	vld.idx.msk [tilespmem:v63+s18+$0x0], $0xffff;
	v37 =	vadd.s32 v53, v37  }
0x64: {  	v62 =	vsel vm1, v23, v22;
	v63 =	vsel vm3, $0x1, v2;
	v37 =	vadd.s32 v57, v37  }
0x65: {  	v53 =	vsel vm1, v21, v24;
	v37 =	vadd.s32 v60, v37;
	v60 =	vsel vm2, $0x1, v2  }
0x66: {  	v57 =	vcombine.low v53, v62;
	vm2 =	veq.s32 v39, v58;
	v37 =	vadd.s32 v60, v37  }
0x67: {  	vm3 =	veq.s32 v40, v58;
	v58 =	vsel vm2, $0x1, v2;
	v37 =	vadd.s32 v63, v37  }
0x68: {  	v60 =	vsel vm3, $0x1, v2;
	vm2 =	veq.s32 v39, v61;
	v37 =	vadd.s32 v58, v37  }
0x69: {  	vm3 =	veq.s32 v40, v61;
	v61 =	vsel vm2, $0x1, v2;
	v37 =	vadd.s32 v60, v37  }
0x6a: {  	v56 =	vld.idx.msk [tilespmem:v56+s18+$0x0], $0xffff;
	v63 =	vsel vm3, $0x1, v2;
	v37 =	vadd.s32 v61, v37  }
0x6b: {  	v37 =	vadd.s32 v63, v37;
	v63 =	vld [tilespmem:$0x1FFF0];
	_ =	sdelay $0x1  }
0x6c: {  	v49 =	vcombine.low v49, v50;
	v43 =	vcombine.low v43, v44;
	v50 =	vld.idx.msk [tilespmem:v52+s18+$0x0], $0xffff  }
0x6d: {  	v41 =	vcombine.low v41, v42;
	v51 =	vld.idx.msk [tilespmem:v54+s18+$0x0], $0xffff;
	v54 =	vcombine.low v25, v26  }
0x6e: {  	v45 =	vcombine.low v45, v46;
	v52 =	vcombine.low v7, v8;
	v57 =	vld.idx.msk [tilespmem:v57+s18+$0x0], $0xffff  }
0x6f: {  	v48 =	vcombine.low v48, v55;
	v42 =	vand.u32 $0xF, v54;
	vm2 =	veq.s32 v39, v56  }
0x70: {  	vm3 =	veq.s32 v40, v56;
	v52 =	vand.u32 $0xF, v52;
	v60 =	vsel vm2, $0x1, v2  }
0x71: {  	v61 =	vsel vm3, $0x1, v2;
	vm2 =	veq.s32 v39, v50;
	v37 =	vadd.s32 v60, v37  }
0x72: {  	v37 =	vadd.s32 v61, v37;
	v60 =	vsel vm2, $0x1, v2;
	vm2 =	veq.s32 v40, v50;
	v56 =	vld.idx.msk [tilespmem:v63+s18+$0x0], $0xffff  }
0x73: {  	v37 =	vadd.s32 v60, v37;
	v50 =	vsel vm2, $0x1, v2;
	vm3 =	veq.s32 v39, v57  }
0x74: {  	v37 =	vadd.s32 v50, v37;
	vm2 =	veq.s32 v40, v57;
	v63 =	vcombine.low v13, v14  }
0x75: {  	v52 =	vld.idx.msk [tilespmem:v52+s18+$0x0], $0xffff;
	v57 =	vcombine.low v19, v20;
	v61 =	vsel vm3, $0x1, v2;
	v58 =	vsel vm2, $0x1, v2  }
0x76: {  	v49 =	vld.idx.msk [tilespmem:v49+s18+$0x0], $0xffff;
	vm3 =	veq.s32 v39, v51;
	v37 =	vadd.s32 v61, v37;
	v50 =	vand.u32 $0xF, v63  }
0x77: {  	v43 =	vld.idx.msk [tilespmem:v43+s18+$0x0], $0xffff;
	v44 =	vand.u32 $0xF, v57;
	v37 =	vadd.s32 v58, v37;
	vm2 =	veq.s32 v39, v56  }
0x78: {  	v63 =	vsel vm3, $0x1, v2;
	v60 =	vsel vm2, $0x1, v2;
	vm2 =	veq.s32 v40, v56  }
0x79: {  	v37 =	vadd.s32 v60, v37;
	v61 =	vsel vm2, $0x1, v2;
	vm2 =	veq.s32 v40, v51  }
0x7a: {  	v54 =	vld.idx.msk [tilespmem:v45+s18+$0x0], $0xffff;
	v37 =	vadd.s32 v61, v37;
	v58 =	vsel vm2, $0x1, v2;
	vm2 =	veq.s32 v39, v52  }
0x7b: {  	vm3 =	veq.s32 v39, v49;
	v50 =	vld.idx.msk [tilespmem:v50+s18+$0x0], $0xffff;
	v37 =	vadd.s32 v63, v37;
	v60 =	vsel vm2, $0x1, v2  }
0x7c: {  	vm2 =	veq.s32 v40, v52;
	v63 =	vsel vm3, $0x1, v2;
	vm3 =	veq.s32 v39, v43  }
0x7d: {  	v37 =	vadd.s32 v58, v37;
	v61 =	vsel vm2, $0x1, v2;
	vm2 =	veq.s32 v40, v49  }
0x7e: {  	v52 =	vcombine.low v33, v34;
	v37 =	vadd.s32 v60, v37;
	v56 =	vsel vm2, $0x1, v2  }
0x7f: {  	v44 =	vld.idx.msk [tilespmem:v44+s18+$0x0], $0xffff;
	v60 =	vsel vm3, $0x1, v2;
	vm3 =	veq.s32 v39, v54;
	v37 =	vadd.s32 v61, v37  }
0x80: {  	vm2 =	veq.s32 v39, v50;
	v61 =	vcombine.low v31, v32;
	v37 =	vadd.s32 v63, v37  }
0x81: {  	v57 =	vsel vm2, $0x1, v2;
	vm2 =	veq.s32 v40, v50;
	v63 =	vcombine.low v47, v59  }
0x82: {  	v41 =	vld.idx.msk [tilespmem:v41+s18+$0x0], $0xffff;
	v37 =	vadd.s32 v56, v37;
	v58 =	vsel vm2, $0x1, v2;
	vm2 =	veq.s32 v40, v43  }
0x83: {  	v46 =	vand.u32 $0xF, v61;
	v56 =	vand.u32 $0xF, v52;
	v37 =	vadd.s32 v57, v37  }
0x84: {  	v42 =	vld.idx.msk [tilespmem:v42+s18+$0x0], $0xffff;
	v50 =	vsel vm2, $0x1, v2;
	vm2 =	veq.s32 v39, v44;
	v37 =	vadd.s32 v58, v37  }
0x85: {  	v51 =	vsel vm2, $0x1, v2;
	vm2 =	veq.s32 v40, v44;
	v37 =	vadd.s32 v60, v37  }
0x86: {  	v61 =	vcombine.low v62, v53;
	v44 =	vsel vm2, $0x1, v2;
	v37 =	vadd.s32 v50, v37  }
0x87: {  	vm2 =	veq.s32 v39, v41;
	v60 =	vcombine.low v35, v36;
	v37 =	vadd.s32 v51, v37  }
0x88: {  	v55 =	vsel vm2, $0x1, v2;
	vm2 =	veq.s32 v40, v41;
	v58 =	vld.idx.msk [tilespmem:v46+s18+$0x0], $0xffff;
	v37 =	vadd.s32 v44, v37  }
0x89: {  	v57 =	vsel vm2, $0x1, v2;
	vm2 =	veq.s32 v39, v42;
	v37 =	vadd.s32 v55, v37  }
0x8a: {  	v43 =	vld.idx.msk [tilespmem:v63+s18+$0x0], $0xffff;
	v59 =	vsel vm2, $0x1, v2;
	vm2 =	veq.s32 v40, v42;
	v37 =	vadd.s32 v57, v37  }
0x8b: {  	v47 =	vand.u32 $0xF, v60;
	v62 =	vsel vm2, $0x1, v2;
	v37 =	vadd.s32 v59, v37  }
0x8c: {  	v63 =	vsel vm3, $0x1, v2;
	v41 =	vld.idx.msk [tilespmem:v56+s18+$0x0], $0xffff;
	vm2 =	veq.s32 v40, v54;
	v37 =	vadd.s32 v62, v37  }
0x8d: {  	v49 =	vsel vm2, $0x1, v2;
	vm2 =	veq.s32 v39, v58;
	v37 =	vadd.s32 v63, v37  }
0x8e: {  	v51 =	vld.idx.msk [tilespmem:v48+s18+$0x0], $0xffff;
	vm3 =	veq.s32 v40, v58;
	v50 =	vsel vm2, $0x1, v2;
	v37 =	vadd.s32 v49, v37  }
0x8f: {  	vm2 =	veq.s32 v39, v43;
	v52 =	vsel vm3, $0x1, v2;
	v37 =	vadd.s32 v50, v37  }
0x90: {  	v54 =	vld.idx.msk [tilespmem:v47+s18+$0x0], $0xffff;
	vm3 =	veq.s32 v40, v43;
	v53 =	vsel vm2, $0x1, v2;
	v37 =	vadd.s32 v52, v37  }
0x91: {  	v55 =	vsel vm3, $0x1, v2;
	vm2 =	veq.s32 v39, v41;
	v37 =	vadd.s32 v53, v37  }
0x92: {  	v42 =	vld.idx.msk [tilespmem:v61+s18+$0x0], $0xffff;
	vm3 =	veq.s32 v40, v41;
	v56 =	vsel vm2, $0x1, v2;
	v37 =	vadd.s32 v55, v37  }
0x93: {  	vm2 =	veq.s32 v39, v51;
	v57 =	vsel vm3, $0x1, v2;
	v37 =	vadd.s32 v56, v37  }
0x94: {  	vm3 =	veq.s32 v40, v51;
	v58 =	vsel vm2, $0x1, v2;
	v37 =	vadd.s32 v57, v37  }
0x95: {  	v59 =	vsel vm3, $0x1, v2;
	vm2 =	veq.s32 v39, v54;
	v37 =	vadd.s32 v58, v37  }
0x96: {  	vm3 =	veq.s32 v40, v54;
	v60 =	vsel vm2, $0x1, v2;
	v37 =	vadd.s32 v59, v37  }
0x97: {  	vm2 =	veq.s32 v39, v42;
	v61 =	vsel vm3, $0x1, v2;
	v37 =	vadd.s32 v60, v37  }
0x98: {  	vm3 =	veq.s32 v40, v42;
	v62 =	vsel vm2, $0x1, v2;
	v37 =	vadd.s32 v61, v37  }
0x99: {  	v63 =	vsel vm3, $0x1, v2;
	v37 =	vadd.s32 v62, v37  }
0x9a: {  	v39 =	vadd.s32 v63, v37  }
.LBB2_38:
0x9b: {  	v37 =	vld [tilespmem:$0x12000];
	_ =	sdelay $0x4  }
0x9c: {  	vm2 =	vgt.s32 v37, $0x0  }
0x9d: {  	v37 =	vnsel vm2, $0x0, v37;
	_ =	sdelay $0x4  }
0x9e: {  	v37 =	vld.idx.msk [tilespmem:v37+s10+$0x0], $0xffff;
	_ =	sdelay $0x4  }
0x9f: {  	v37 =	vsub.f32 $0.0e+00, v37;
	_ =	sdelay $0x1  }
0xa0: {  	v37 =	vmul.f32 $1.442695020e+00, v37;
	_ =	sdelay $0x1  }
0xa1: {  	(erf) = vpow2.f32 v37;
	_ =	sdelay $0x8  }
0xa2: {  	v55 =	vld [tilespmem:$0x12010];
	v40 =	vpop (erf)  }
0xa3: {  	v40 =	vadd.f32 $1.000000000e+00, v40;
	_ =	sdelay $0x1  }
0xa4: {  	(erf) = vrcp.f32 v40;
	_ =	sdelay $0x1  }
0xa5: {  	vm2 =	vgt.s32 v55, $0x0  }
0xa6: {  	v37 =	vnsel vm2, $0x0, v55;
	_ =	sdelay $0x4  }
0xa7: {  	v37 =	vld.idx.msk [tilespmem:v37+s10+$0x0], $0xffff  }
0xa8: {  	v40 =	vpop (erf)  }
0xa9: {  	v40 =	vadd.f32 $1.000000010e-07, v40;
	_ =	sdelay $0x1  }
0xaa: {  	v41 =	vand.u32 $0x7FFFFF, v40  }
0xab: {  	v37 =	vsub.f32 $0.0e+00, v37;
	v41 =	vor.u32 $0x3F800000, v41  }
0xac: {  	v42 =	vadd.f32 $1.000000000e+00, v41  }
0xad: {  	v37 =	vmul.f32 $1.442695020e+00, v37  }
0xae: {  	(erf) = vrcp.f32 v42  }
0xaf: {  	(erf) = vpow2.f32 v37;
	_ =	sdelay $0x7  }
0xb0: {  	v56 =	vpop (erf)  }
0xb1: {  	v57 =	vpop (erf)  }
0xb2: {  	v42 =	vadd.f32 $1.000000000e+00, v57;
	_ =	sdelay $0x1  }
0xb3: {  	(erf) = vrcp.f32 v42;
	_ =	sdelay $0x8  }
0xb4: {  	v42 =	vpop (erf)  }
0xb5: {  	v42 =	vadd.f32 $1.000000010e-07, v42;
	_ =	sdelay $0x1  }
0xb6: {  	v43 =	vand.u32 $0x7FFFFF, v42  }
0xb7: {  	v43 =	vor.u32 $0x3F800000, v43  }
0xb8: {  	v44 =	vadd.f32 $1.000000000e+00, v43;
	_ =	sdelay $0x1  }
0xb9: {  	(erf) = vrcp.f32 v44;
	_ =	sdelay $0x7  }
0xba: {  	v43 =	vadd.f32 $-1.000000000e+00, v43  }
0xbb: {  	v41 =	vadd.f32 $-1.000000000e+00, v41;
	v44 =	vpop (erf)  }
0xbc: {  	v43 =	vmul.f32 v44, v43  }
0xbd: {  	v37 =	vmul.f32 v56, v41  }
0xbe: {  	v58 =	vmul.f32 v43, v43  }
0xbf: {  	v59 =	vmul.f32 v37, v37  }
0xc0: {  	v45 =	vmul.f32 $1.111111120e-01, v58  }
0xc1: {  	v46 =	vmul.f32 $1.111111120e-01, v59  }
0xc2: {  	v45 =	vadd.f32 $1.428571490e-01, v45  }
0xc3: {  	v46 =	vadd.f32 $1.428571490e-01, v46  }
0xc4: {  	v45 =	vmul.f32 v45, v58  }
0xc5: {  	v46 =	vmul.f32 v46, v59  }
0xc6: {  	v45 =	vadd.f32 $2.000000030e-01, v45  }
0xc7: {  	v46 =	vadd.f32 $2.000000030e-01, v46  }
0xc8: {  	v45 =	vmul.f32 v45, v58  }
0xc9: {  	v46 =	vmul.f32 v46, v59  }
0xca: {  	v45 =	vadd.f32 $3.333333430e-01, v45  }
0xcb: {  	v46 =	vadd.f32 $3.333333430e-01, v46  }
0xcc: {  	v40 =	vshra.s32 v40, $0x17;
	v42 =	vshra.s32 v42, $0x17;
	v41 =	vmul.f32 v45, v58  }
0xcd: {  	v40 =	vadd.s32 $0xFFFFFF81, v40;
	v42 =	vadd.s32 $0xFFFFFF81, v42;
	v44 =	vmul.f32 v46, v59  }
0xce: {  	v42 =	vcvt.s32.f32 v42;
	v43 =	vadd.f32 v43, v43;
	v41 =	vadd.f32 $1.000000000e+00, v41  }
0xcf: {  	v40 =	vcvt.s32.f32 v40;
	v37 =	vadd.f32 v37, v37;
	v44 =	vadd.f32 $1.000000000e+00, v44  }
0xd0: {  	v42 =	vmul.f32 $6.931471820e-01, v42;
	v41 =	vmul.f32 v41, v43  }
0xd1: {  	v40 =	vmul.f32 $6.931471820e-01, v40;
	v37 =	vmul.f32 v44, v37  }
0xd2: {  	v41 =	vadd.f32 v41, v42  }
0xd3: {  	v37 =	vadd.f32 v37, v40  }
0xd4: {  	v60 =	vsub.f32 $0.0e+00, v41  }
0xd5: {  	vm2 =	vmmov $0x3fff;
	v37 =	vsub.f32 $0.0e+00, v37  }
0xd6: {  	v40 =	vnsel vm2, $0x0, v60  }
0xd7: {  	v37 =	vadd.f32 v40, v37;
	_ =	sdelay $0x1  }
0xd8: {  	(xrf2) =	vadd.scan.msk.f32 $0xffff, v37  }
0xd9: {  	(xrf0) =	vadd.scan.msk.s32 $0xffff, v39;
	_ =	sdelay $0x5  }
0xda: {  	v61, _, _ =	vpop (xrf0)  }
0xdb: {  	(v2sf) =	vpush v61, $0xF;
	_ =	sdelay $0x1  }
0xdc: {  	v62, _, _ =	vpop (xrf2)  }
0xdd: {  	(v2sf) =	vpush v62, $0xF;
	_ =	sdelay $0xb  }
0xde: {  	s2 =	spop (v2sf)  }
0xdf: {  	s2 =	scvt.s32.f32 s2;
	_ =	sdelay $0x1  }
0xe0: {  	v63 =	vmov s20;
	s20 =	sadd.s32 $0x1, s20;
	s2 =	smul.f32 $3.333333510e-02, s2;
	s21 =	spop (v2sf)  }
0xe1: {  	p0 =	sne.s32 s20, $0x4;
	s21 =	smul.f32 $3.333333510e-02, s21  }
.Ltmp3:
0xe2: {  	s2 =	ssub.f32 $1.000000000e+00, s2;
	(pc) =	sbr.rel @!p0 .LBB2_39-.Ltmp3, $4  }
0xe3: {  	_ = 	snop  }
0xe4: {  	s2 =	smul.f32 s21, s2  }
0xe5: {  	vm2 =	veq.s32 v63, v3  }
0xe6: {  	v38 =	vsel vm2, s2, v38  }
.LBB2_2:
0xe7: {  	s21 =	sshll.u32 s20, $0x4  }
0xe8: {  	s21 =	sadd.s32 s5, s21  }
0xe9: {  	s22 =	sadd.s32 s1, s21  }
0xea: {  	[tilespmem:s3], [sflag:$0x1] =	stream.strided.gather [hbm4b:s22+s8], $0x8000, s9, s8, $0x38;
	[tilespmem:$0x12180] =	vst v63  }
0xeb: {  	s21 =	sadd.s32 s0, s21  }
0xec: {  	[tilespmem:s10], [sflag:$0x2] =	stream.strided.gather [hbm4b:s21+s8], $0x8000, s9, s8, $0x38;
	[tilespmem:$0x12180] =	vst v63  }
0xed: {  	_ =	swait.ge [sflag:s11], $0x8000  }
0xee: {  	[sflag:s11] =	ssyncset.done $0x0  }
0xef: {  	[sflag:s11] =	ssyncadd.s32 $0xFFFF8000  }
0xf0: {  	_ =	swait.ge [sflag:s12], $0x8000  }
0xf1: {  	[sflag:s12] =	ssyncset.done $0x0  }
0xf2: {  	[sflag:s12] =	ssyncadd.s32 $0xFFFF8000  }
0xf3: {  	v39 =	vld [tilespmem:$0x0]  }
0xf4: {  	v40 =	vld [tilespmem:$0x10]  }
0xf5: {  	v41 =	vld [tilespmem:$0x8000]  }
0xf6: {  	v42 =	vld [tilespmem:$0x8010];
	_ =	sdelay $0x1  }
0xf7: {  	vm4 =	vge.f32 v39, $-3.399999950e+38  }
0xf8: {  	vm3 =	vge.f32 v40, $-3.399999950e+38;
	v43 =	vsel vm4, $0x1, v2  }
0xf9: {  	vm5 =	vge.f32 v41, $-3.399999950e+38;
	v44 =	vsel vm3, $0x1, v2;
	(xrf0) =	vadd.scan.msk.s32 $0xffff, v43  }
0xfa: {  	vm2 =	vge.f32 v42, $-3.399999950e+38;
	v59 =	vsel vm5, $0x1, v2;
	(xrf0) =	vadd.scan.msk.s32 $0xffff, v44  }
0xfb: {  	v45 =	vsel vm2, $0x1, v2;
	(xrf0) =	vadd.scan.msk.s32 $0xffff, v59  }
0xfc: {  	(xrf0) =	vadd.scan.msk.s32 $0xffff, v45;
	_ =	sdelay $0x2  }
0xfd: {  	v60, _, _ =	vpop (xrf0)  }
0xfe: {  	v61 =	vmpcnt.ones.xlane vm4;
	v46 =	vsel vm3, $0xFFFFFFFF, v2;
	v43 =	vsub.s32 v60, v43;
	v47, _, _ =	vpop (xrf0)  }
0xff: {  	v48 =	vmpcnt.ones.xlane vm5;
	vm6 =	vlt.s32 v43, $0xFFF;
	v46 =	vadd.s32 v46, v47;
	v62, _, _ =	vpop (xrf0)  }
0x100: {  	v49 =	vsel vm2, $0xFFFFFFFF, v2;
	v43 =	vnsel vm6, $0xFFF, v43;
	v46 =	vadd.s32 v61, v46;
	v50, _, _ =	vpop (xrf0)  }
0x101: {  	v44 =	vsub.s32 v62, v59;
	v63 =	vadd.s32 v49, v50;
	vm10 =	vlt.s32 v46, $0xFFF  }
0x102: {  	[tilespmem:$0x12000] =	vst v0;
	vm11 =	vlt.s32 v44, $0xFFF;
	v46 =	vnsel vm10, $0xFFF, v46;
	v47 =	vadd.s32 v48, v63  }
0x103: {  	[tilespmem:$0x12010] =	vst v0;
	v44 =	vnsel vm11, $0xFFF, v44;
	vm12 =	vlt.s32 v47, $0xFFF  }
0x104: {  	[tilespmem:$0x12080] =	vst v1;
	v47 =	vnsel vm12, $0xFFF, v47  }
0x105: {  	[tilespmem:$0x12090] =	vst v1;
	v37 =	vmin.f32 v39, v40  }
0x106: {  	(xrf0) =	vmin.scan.msk.f32 $0xffff, v37;
	[tilespmem:v43+s13+$0x0] =	vst.idx.msk vm4, v3  }
0x107: {  	[tilespmem:v46+s13+$0x0] =	vst.idx.msk vm3, v4  }
0x108: {  	[tilespmem:v44+s14+$0x0] =	vst.idx.msk vm5, v3  }
0x109: {  	[tilespmem:v47+s14+$0x0] =	vst.idx.msk vm2, v4  }
0x10a: {  	v43 =	vld [tilespmem:$0x20];
	_ =	sdelay $0x1  }
0x10b: {  	v49, _, _ =	vpop (xrf0)  }
0x10c: {  	v44 =	vbroadcast v49, $0xF;
	_ =	sdelay $0x1  }
0x10d: {  	v50 =	vmin.f32 v41, v42;
	vm13 =	vge.f32 v43, v44  }
0x10e: {  	(xrf0) =	vmin.scan.msk.f32 $0xffff, v50;
	v51 =	vsel vm13, $0x1, v2  }
0x10f: {  	(xrf0) =	vadd.scan.msk.s32 $0xffff, v51;
	_ =	sdelay $0x2  }
0x110: {  	v52 =	vmpcnt.ones.xlane vm3;
	_ =	sdelay $0x1  }
0x111: {  	v45 =	vadd.s32 v61, v52;
	v53, _, _ =	vpop (xrf0);
	v54 =	vsel vm13, $0xFFFFFFFF, v2  }
0x112: {  	v47 =	vadd.s32 v54, v45;
	v55, _, _ =	vpop (xrf0)  }
0x113: {  	v47 =	vadd.s32 v55, v47  }
0x114: {  	vm3 =	vlt.s32 v47, $0xFFF  }
0x115: {  	v47 =	vnsel vm3, $0xFFF, v47;
	_ =	sdelay $0x4  }
0x116: {  	[tilespmem:v47+s13+$0x0] =	vst.idx.msk vm13, v5  }
0x117: {  	v47 =	vld [tilespmem:$0x8020];
	_ =	sdelay $0x2  }
0x118: {  	v46 =	vbroadcast v53, $0xF;
	_ =	sdelay $0x1  }
0x119: {  	vm3 =	vge.f32 v47, v46  }
0x11a: {  	v56 =	vsel vm3, $0x1, v2  }
0x11b: {  	(xrf0) =	vadd.scan.msk.s32 $0xffff, v56;
	_ =	sdelay $0x2  }
0x11c: {  	v57 =	vmpcnt.ones.xlane vm2;
	_ =	sdelay $0x1  }
0x11d: {  	v48 =	vadd.s32 v48, v57;
	v58 =	vsel vm3, $0xFFFFFFFF, v2  }
0x11e: {  	v49 =	vadd.s32 v58, v48;
	v59, _, _ =	vpop (xrf0)  }
0x11f: {  	v49 =	vadd.s32 v59, v49  }
0x120: {  	vm2 =	vlt.s32 v49, $0xFFF  }
0x121: {  	v49 =	vnsel vm2, $0xFFF, v49;
	_ =	sdelay $0x4  }
0x122: {  	[tilespmem:v49+s14+$0x0] =	vst.idx.msk vm3, v5  }
0x123: {  	v49 =	vld [tilespmem:$0x30];
	_ =	sdelay $0x4  }
0x124: {  	vm2 =	vge.f32 v49, v44  }
0x125: {  	v44 =	vsel vm2, $0x1, v2  }
0x126: {  	(xrf0) =	vadd.scan.msk.s32 $0xffff, v44;
	_ =	sdelay $0x2  }
0x127: {  	v60 =	vmpcnt.ones.xlane vm13;
	_ =	sdelay $0x1  }
0x128: {  	v61 =	vsel vm2, $0xFFFFFFFF, v2;
	v44 =	vadd.s32 v45, v60  }
0x129: {  	v45 =	vadd.s32 v61, v44;
	v62, _, _ =	vpop (xrf0)  }
0x12a: {  	v45 =	vadd.s32 v62, v45  }
0x12b: {  	vm14 =	vlt.s32 v45, $0xFFF  }
0x12c: {  	v45 =	vnsel vm14, $0xFFF, v45;
	_ =	sdelay $0x4  }
0x12d: {  	[tilespmem:v45+s13+$0x0] =	vst.idx.msk vm2, v6  }
0x12e: {  	v45 =	vld [tilespmem:$0x8030];
	_ =	sdelay $0x1  }
0x12f: {  	v63 =	vmin.f32 v39, v43  }
0x130: {  	v43 =	vmax.f32 v39, v43;
	v40 =	vmax.f32 v40, v63  }
0x131: {  	v52 =	vmin.f32 v41, v47;
	v47 =	vmax.f32 v41, v47;
	v53 =	vmin.f32 v43, v49  }
0x132: {  	v42 =	vmax.f32 v42, v52;
	v39 =	vmax.f32 v40, v53;
	vm15 =	vge.f32 v45, v46  }
0x133: {  	v40 =	vmax.f32 v43, v49;
	v55 =	vmin.f32 v47, v45;
	v54 =	vsel vm15, $0x1, v2  }
0x134: {  	v56 =	vmin.f32 v40, v39;
	v41 =	vmax.f32 v42, v55;
	v42 =	vmax.f32 v47, v45;
	(xrf0) =	vadd.scan.msk.s32 $0xffff, v54  }
0x135: {  	v57 =	vmin.f32 v42, v41;
	(xrf0) =	vmin.scan.msk.f32 $0xffff, v56  }
0x136: {  	(xrf0) =	vmin.scan.msk.f32 $0xffff, v57;
	_ =	sdelay $0x3  }
0x137: {  	v58, _, _ =	vpop (xrf0)  }
0x138: {  	v59, _, _ =	vpop (xrf0)  }
0x139: {  	(v2sf) =	vpush v59, $0xF;
	v60, _, _ =	vpop (xrf0)  }
0x13a: {  	(v2sf) =	vpush v60, $0xF;
	_ =	sdelay $0x3  }
0x13b: {  	v61 =	vmpcnt.ones.xlane vm3;
	_ =	sdelay $0x1  }
0x13c: {  	v45 =	vadd.s32 v48, v61;
	v46 =	vsel vm15, $0xFFFFFFFF, v2  }
0x13d: {  	v46 =	vadd.s32 v46, v45  }
0x13e: {  	v43 =	vadd.s32 v58, v46  }
0x13f: {  	vm3 =	vlt.s32 v43, $0xFFF  }
0x140: {  	v43 =	vnsel vm3, $0xFFF, v43  }
.Ltmp4:
0x141: {  	_ = 	snop;
	(pc) =	sbr.rel .LBB2_3-.Ltmp4, $4  }
0x142: {  	_ = 	snop  }
0x143: {  	v62 =	vmpcnt.ones.xlane vm2;
	v63 =	vmpcnt.ones.xlane vm15  }
0x144: {  	s23 =	simm.s32 $0x70;
	s24 =	spop (v2sf)  }
0x145: {  	s22 =	simm.s32 $0x8070;
	s21 =	simm.s32 $0x70;
	v44 =	vadd.s32 v44, v62;
	[tilespmem:v43+s14+$0x0] =	vst.idx.msk vm15, v6;
	v43 =	vadd.s32 v45, v63;
	s25 =	spop (v2sf)  }
.LBB2_5:
0x146: {  	s23 =	sadd.s32 $0x40, s23  }
0x147: {  	p0 =	sne.s32 s23, $0x8030  }
.Ltmp5:
0x148: {  	_ = 	snop;
	(pc) =	sbr.rel @!p0 .LBB2_6-.Ltmp5, $2  }
0x149: {  	_ =	sdelay $0x2  }
0x14a: {  	s22 =	sadd.s32 $0x40, s22;
	s21 =	sadd.s32 $0x40, s21  }
.LBB2_3:
0x14b: {  	v54 =	vld [tilespmem:s21+$0xFFFFFFD0]  }
0x14c: {  	v53 =	vld [tilespmem:s21+$0xFFFFFFE0]  }
0x14d: {  	v51 =	vld [tilespmem:s21+$0xFFFFFFF0]  }
0x14e: {  	v50 =	vld [tilespmem:s21+$0x0]  }
0x14f: {  	v49 =	vld [tilespmem:s22+$0xFFFFFFD0]  }
0x150: {  	v48 =	vld [tilespmem:s22+$0xFFFFFFE0]  }
0x151: {  	v46 =	vld [tilespmem:s22+$0xFFFFFFF0]  }
0x152: {  	v45 =	vld [tilespmem:s22+$0x0];
	_ =	sdelay $0x3  }
0x153: {  	v47 =	vmax.f32 v54, v53  }
0x154: {  	v52 =	vmax.f32 v51, v50;
	v55 =	vmax.f32 v49, v48;
	v56 =	vmax.f32 v46, v45  }
0x155: {  	v52 =	vmax.f32 v47, v52;
	v47 =	vmax.f32 v55, v56  }
0x156: {  	vm2 =	vge.f32 v52, s24;
	vm3 =	vge.f32 v47, s25  }
0x157: {  	vm2 =	vmor vm2, vm3  }
0x158: {  	v63 =	vmpcnt.ones.xlane vm2;
	_ =	sdelay $0x1  }
0x159: {  	(v2sf) =	vpush v63, $0x0;
	_ =	sdelay $0xe  }
0x15a: {  	s26 =	spop (v2sf)  }
0x15b: {  	p0 =	slt.s32 s26, $0x1  }
.Ltmp6:
0x15c: {  	_ = 	snop;
	(pc) =	sbr.rel @p0 .LBB2_5-.Ltmp6, $1  }
0x15d: {  	_ =	sdelay $0x3  }
0x15e: {  	v55 =	vmov s24  }
0x15f: {  	vm5 =	vge.f32 v54, v55  }
0x160: {  	vm3 =	vge.f32 v53, v55;
	v54 =	vsel vm5, $0x1, v2  }
0x161: {  	v59 =	vmov s25;
	vm4 =	vge.f32 v51, v55;
	v60 =	vsel vm3, $0x1, v2;
	(xrf0) =	vadd.scan.msk.s32 $0xffff, v54  }
0x162: {  	v61 =	vmin.f32 v40, v52;
	vm2 =	vge.f32 v50, v55;
	v62 =	vsel vm4, $0x1, v2;
	(xrf0) =	vadd.scan.msk.s32 $0xffff, v60  }
0x163: {  	v40 =	vmax.f32 v40, v52;
	vm6 =	vge.f32 v49, v59;
	v50 =	vsel vm2, $0x1, v2;
	(xrf0) =	vadd.scan.msk.s32 $0xffff, v62  }
0x164: {  	v63 =	vmin.f32 v42, v47;
	vm7 =	vge.f32 v48, v59;
	v49 =	vsel vm6, $0x1, v2;
	(xrf0) =	vadd.scan.msk.s32 $0xffff, v50  }
0x165: {  	v42 =	vmax.f32 v42, v47;
	vm8 =	vge.f32 v46, v59;
	v37 =	vsel vm7, $0x1, v2;
	(xrf0) =	vadd.scan.msk.s32 $0xffff, v49  }
0x166: {  	v39 =	vmax.f32 v39, v61;
	vm9 =	vge.f32 v45, v59;
	v46 =	vsel vm8, $0x1, v2;
	(xrf0) =	vadd.scan.msk.s32 $0xffff, v37  }
0x167: {  	v41 =	vmax.f32 v41, v63;
	v52 =	vsel vm5, $0xFFFFFFFF, v2;
	v54 =	vsel vm9, $0x1, v2;
	v53, _, _ =	vpop (xrf0);
	(xrf0) =	vadd.scan.msk.s32 $0xffff, v46  }
0x168: {  	v55 =	vmpcnt.ones.xlane vm5;
	v56 =	vmin.f32 v40, v39;
	v57 =	vmpcnt.ones.xlane vm3;
	v49, _, _ =	vpop (xrf0);
	(xrf0) =	vadd.scan.msk.s32 $0xffff, v54  }
0x169: {  	v59 =	vmin.f32 v42, v41;
	v61 =	vsel vm3, $0xFFFFFFFF, v2;
	v45 =	vadd.s32 v52, v44;
	v58, _, _ =	vpop (xrf0);
	(xrf0) =	vmin.scan.msk.f32 $0xffff, v56  }
0x16a: {  	v60 =	vadd.s32 v44, v55;
	v62 =	vsel vm4, $0xFFFFFFFF, v2;
	v45 =	vadd.s32 v53, v45;
	v63, _, _ =	vpop (xrf0);
	(xrf0) =	vmin.scan.msk.f32 $0xffff, v59  }
0x16b: {  	v47 =	vadd.s32 v60, v57;
	v48 =	vadd.s32 v61, v49;
	vm10 =	vlt.s32 v45, $0xFFF;
	v37, _, _ =	vpop (xrf0)  }
0x16c: {  	v61 =	vsel vm6, $0xFFFFFFFF, v2;
	v56 =	vadd.s32 v62, v58;
	v44 =	vadd.s32 v60, v48;
	v50, _, _ =	vpop (xrf0)  }
0x16d: {  	v58 =	vmpcnt.ones.xlane vm4;
	v45 =	vnsel vm10, $0xFFF, v45;
	v60 =	vsel vm2, $0xFFFFFFFF, v2;
	v49, _, _ =	vpop (xrf0)  }
0x16e: {  	v62 =	vadd.s32 v61, v43;
	v61 =	vmpcnt.ones.xlane vm8;
	v57 =	vadd.s32 v47, v56;
	v53, _, _ =	vpop (xrf0)  }
0x16f: {  	vm11 =	vlt.s32 v44, $0xFFF;
	v51 =	vadd.s32 v60, v63;
	v60 =	vsel vm8, $0xFFFFFFFF, v2;
	v59, _, _ =	vpop (xrf0)  }
0x170: {  	vm12 =	vlt.s32 v57, $0xFFF;
	v44 =	vnsel vm11, $0xFFF, v44;
	(v2sf) =	vpush v59, $0xF;
	v63, _, _ =	vpop (xrf0)  }
0x171: {  	s29 =	sadd.s32 $0xFFFFFFD0, s23;
	v47 =	vadd.s32 v47, v58;
	v46 =	vadd.s32 v37, v62;
	(v2sf) =	vpush v63, $0xF  }
0x172: {  	v37 =	vmpcnt.ones.xlane vm6;
	v62 =	vor.u32 s29, v3;
	v48 =	vnsel vm12, $0xFFF, v57  }
0x173: {  	v51 =	vadd.s32 v47, v51;
	vm13 =	vlt.s32 v46, $0xFFF;
	v57 =	vsel vm7, $0xFFFFFFFF, v2  }
0x174: {  	vm12 =	vlt.s32 v51, $0xFFF;
	v46 =	vnsel vm13, $0xFFF, v46;
	v58 =	vadd.s32 v43, v37  }
0x175: {  	s30 =	sadd.s32 $0xFFFFFFE0, s23;
	v50 =	vadd.s32 v57, v50;
	v49 =	vadd.s32 v60, v49;
	v59 =	vmpcnt.ones.xlane vm7  }
0x176: {  	v37 =	vor.u32 s30, v3;
	v51 =	vnsel vm12, $0xFFF, v51;
	v50 =	vadd.s32 v58, v50  }
0x177: {  	vm14 =	vlt.s32 v50, $0xFFF;
	v63 =	vsel vm9, $0xFFFFFFFF, v2;
	v43 =	vadd.s32 v58, v59  }
0x178: {  	v53 =	vadd.s32 v63, v53;
	v49 =	vadd.s32 v43, v49;
	v43 =	vadd.s32 v43, v61  }
0x179: {  	s31 =	sadd.s32 $0xFFFFFFF0, s23;
	[tilespmem:v45+s13+$0x0] =	vst.idx.msk vm5, v62;
	v57 =	vnsel vm14, $0xFFF, v50;
	vm15 =	vlt.s32 v49, $0xFFF;
	v58 =	vadd.s32 v43, v53  }
0x17a: {  	[tilespmem:v44+s13+$0x0] =	vst.idx.msk vm3, v37;
	v59 =	vor.u32 s31, v3;
	v49 =	vnsel vm15, $0xFFF, v49;
	vm3 =	vlt.s32 v58, $0xFFF  }
0x17b: {  	[tilespmem:v48+s13+$0x0] =	vst.idx.msk vm4, v59;
	v61 =	vor.u32 s23, v3;
	v60 =	vnsel vm3, $0xFFF, v58  }
.Ltmp7:
0x17c: {  	[tilespmem:v51+s13+$0x0] =	vst.idx.msk vm2, v61;
	(pc) =	sbr.rel .LBB2_5-.Ltmp7, $4  }
0x17d: {  	[tilespmem:v46+s14+$0x0] =	vst.idx.msk vm6, v62  }
0x17e: {  	v63 =	vmpcnt.ones.xlane vm9;
	v62 =	vmpcnt.ones.xlane vm2;
	[tilespmem:v57+s14+$0x0] =	vst.idx.msk vm7, v37  }
0x17f: {  	[tilespmem:v49+s14+$0x0] =	vst.idx.msk vm8, v59;
	s24 =	spop (v2sf)  }
0x180: {  	v43 =	vadd.s32 v43, v63;
	v44 =	vadd.s32 v47, v62;
	[tilespmem:v60+s14+$0x0] =	vst.idx.msk vm9, v61;
	s25 =	spop (v2sf)  }
.LBB2_6:
0x181: {  	v39 =	vxor.u32 $0x80000000, v44  }
0x182: {  	v61 =	vxor.u32 $0x80000000, v43;
	(xrf0) =	vmax.scan.msk.u32 $0xffff, v39  }
0x183: {  	(xrf0) =	vmax.scan.msk.u32 $0xffff, v61;
	_ =	sdelay $0x4  }
0x184: {  	v62, _, _ =	vpop (xrf0)  }
0x185: {  	(v2sf) =	vpush v62, $0xF;
	v63, _, _ =	vpop (xrf0)  }
0x186: {  	(v2sf) =	vpush v63, $0xF;
	_ =	sdelay $0xd  }
0x187: {  	s23 =	spop (v2sf)  }
0x188: {  	s22 =	sxor.u32 $0x80000000, s23;
	s24 =	spop (v2sf)  }
0x189: {  	s21 =	sxor.u32 $0x80000000, s24;
	p0 =	sgt.s32 s22, $0xFFF  }
0x18a: {  	p1 =	slt.s32 @!p0 s21, $0x1000  }
0x18b: {  	p0 =	por p0, !p1  }
.Ltmp8:
0x18c: {  	_ = 	snop;
	(pc) =	sbr.rel @p0 .LBB2_7-.Ltmp8, $1  }
0x18d: {  	_ =	sdelay $0x3  }
0x18e: {  	v39 =	vld [tilespmem:$0x10000]  }
0x18f: {  	v40 =	vld [tilespmem:$0x10010];
	_ =	sdelay $0x3  }
0x190: {  	vm2 =	vgt.s32 v39, $0x0  }
0x191: {  	v39 =	vnsel vm2, $0x0, v39;
	vm2 =	vgt.s32 v40, $0x0  }
0x192: {  	v39 =	vmin.u32 v39, $0x7FFF;
	v40 =	vnsel vm2, $0x0, v40  }
0x193: {  	v40 =	vmin.u32 v40, $0x7FFF;
	_ =	sdelay $0x3  }
0x194: {  	v39 =	vld.idx.msk [tilespmem:v39+s3+$0x0], $0xffff  }
0x195: {  	v40 =	vld.idx.msk [tilespmem:v40+s3+$0x0], $0xffff;
	_ =	sdelay $0x3  }
0x196: {  	(xrf1) =	vsort.ascd.msk.f32 $0xffff, v39, v39  }
0x197: {  	(xrf1) =	vsort.dscd.msk.f32 $0xffff, v40, v40;
	_ =	sdelay $0xc  }
0x198: {  	v39, _, _ =	vpop (xrf1)  }
0x199: {  	v40, _, _ =	vpop (xrf1)  }
0x19a: {  	v41 =	vmax.f32 v39, v40  }
0x19b: {  	v39 =	vmin.f32 v39, v40;
	(xrf1) =	vsort.ascd.msk.f32 $0xffff, v41, v41  }
0x19c: {  	(xrf1) =	vsort.dscd.msk.f32 $0xffff, v39, v39;
	_ =	sdelay $0x1  }
0x19d: {  	s23 =	sadd.s32 $0x8000000F, s23  }
0x19e: {  	s25 =	sand.u32 $0xF, s23  }
0x19f: {  	s31 =	sshra.s32 s23, $0x1F;
	p1 =	slt.s32 s23, $0x1;
	p0 =	sne.s32 s25, $0x0  }
0x1a0: {  	s25 =	sshrl.u32 s31, $0x1C;
	p0 =	por !p1, !p0  }
0x1a1: {  	s23 =	sadd.s32 s25, s23;
	s25 =	simm.s32 $0x1;
	p1 =	por !p0, !p0  }
0x1a2: {  	s26 =	sshra.s32 s23, $0x4;
	s25 =	simm.s32 @!p1 $0x0  }
0x1a3: {  	s23 =	ssub.s32 s26, s25  }
0x1a4: {  	p0 =	slt.s32 s23, $0x3  }
.Ltmp9:
0x1a5: {  	_ = 	snop;
	(pc) =	sbr.rel @p0 .LBB2_19-.Ltmp9, $3  }
0x1a6: {  	_ =	sdelay $0x1  }
0x1a7: {  	v41, _, _ =	vpop (xrf1)  }
0x1a8: {  	v40, _, _ =	vpop (xrf1)  }
0x1a9: {  	(xrf0) =	vmin.scan.msk.f32 $0xffff, v40;
	_ =	sdelay $0x3  }
0x1aa: {  	s25 =	simm.s32 $0x10020  }
0x1ab: {  	v39 =	vld [tilespmem:s25+$0x0]  }
0x1ac: {  	v42, _, _ =	vpop (xrf0)  }
0x1ad: {  	(v2sf) =	vpush v42, $0xF;
	_ =	sdelay $0x2  }
0x1ae: {  	vm2 =	vgt.s32 v39, $0x0  }
0x1af: {  	v39 =	vnsel vm2, $0x0, v39  }
0x1b0: {  	v39 =	vmin.u32 v39, $0x7FFF;
	_ =	sdelay $0x4  }
0x1b1: {  	v62 =	vld.idx.msk [tilespmem:v39+s3+$0x0], $0xffff;
	_ =	sdelay $0x1  }
0x1b2: {  	s25 =	simm.s32 $0x20  }
0x1b3: {  	v43 =	vor.u32 s25, v3;
	v39 =	vmov s22  }
0x1b4: {  	vm2 =	vlt.s32 v43, v39  }
0x1b5: {  	v42 =	vnsel vm2, $0xFF800000, v62;
	s29 =	spop (v2sf)  }
0x1b6: {  	vm2 =	vgt.f32 v42, s29  }
0x1b7: {  	v63 =	vmpcnt.ones.xlane vm2;
	_ =	sdelay $0x1  }
0x1b8: {  	(v2sf) =	vpush v63, $0x0;
	_ =	sdelay $0xe  }
0x1b9: {  	s28 =	spop (v2sf)  }
0x1ba: {  	p0 =	slt.s32 s28, $0x1  }
0x1bb: {  	(xrf1) =	vsort.ascd.msk.f32 @!p0 $0xffff, v42, v42;
	_ =	sdelay $0xd  }
0x1bc: {  	v42, _, _ =	vpop @!p0 (xrf1)  }
0x1bd: {  	v42 =	vmax.f32 @!p0 v42, v40  }
0x1be: {  	(xrf1) =	vsort.dscd.msk.f32 @!p0 $0xffff, v42, v42;
	_ =	sdelay $0xd  }
0x1bf: {  	v42, _, _ =	vpop @!p0 (xrf1)  }
0x1c0: {  	v43 =	vmin.f32 @!p0 v41, v42  }
0x1c1: {  	(xrf1) =	vsort.dscd.msk.f32 @!p0 $0xffff, v43, v43;
	_ =	sdelay $0x1  }
0x1c2: {  	v42 =	vmax.f32 @!p0 v41, v42  }
0x1c3: {  	(xrf1) =	vsort.ascd.msk.f32 @!p0 $0xffff, v42, v42;
	_ =	sdelay $0x4  }
0x1c4: {  	s28 =	simm.s32 $0xFFFFFFFF  }
0x1c5: {  	s28 =	simm.s32 @!p1 $0x0  }
0x1c6: {  	s26 =	sadd.s32 s28, s26  }
0x1c7: {  	s26 =	sadd.s32 $0xFFFFFFFE, s26  }
0x1c8: {  	s26 =	sadd.s32 $0xFFFFFFFF, s26  }
0x1c9: {  	p1 =	sne.s32 s26, $0x0  }
.Ltmp10:
0x1ca: {  	v42, _, _ =	vpop @!p0 (xrf1);
	(pc) =	sbr.rel @!p1 .LBB2_18-.Ltmp10, $3  }
0x1cb: {  	(xrf0) =	vmin.scan.msk.f32 @!p0 $0xffff, v42;
	_ =	sdelay $0x1  }
0x1cc: {  	v43, _, _ =	vpop @!p0 (xrf1)  }
0x1cd: {  	s28 =	simm.s32 $0x10030;
	v40 =	vpsel p0, v40, v42;
	v41 =	vpsel p0, v41, v43  }
.LBB2_17:
0x1ce: {  	s30 =	smov.u32 s29  }
0x1cf: {  	s26 =	sadd.s32 $0xFFFFFFFF, s26;
	v42 =	vld [tilespmem:s28+$0x0]  }
0x1d0: {  	p1 =	sne.s32 s26, $0x0;
	v43, _, _ =	vpop @!p0 (xrf0)  }
0x1d1: {  	(v2sf) =	vpush @!p0 v43, $0xF;
	_ =	sdelay $0x2  }
0x1d2: {  	vm2 =	vgt.s32 v42, $0x0  }
0x1d3: {  	v42 =	vnsel vm2, $0x0, v42  }
0x1d4: {  	v42 =	vmin.u32 v42, $0x7FFF;
	_ =	sdelay $0x4  }
0x1d5: {  	v42 =	vld.idx.msk [tilespmem:v42+s3+$0x0], $0xffff;
	_ =	sdelay $0x2  }
0x1d6: {  	s25 =	sadd.s32 $0x10, s25  }
0x1d7: {  	v43 =	vor.u32 s25, v3  }
0x1d8: {  	vm2 =	vlt.s32 v43, v39;
	s29 =	spop @!p0 (v2sf)  }
0x1d9: {  	v42 =	vnsel vm2, $0xFF800000, v42;
	s29 =	smov.u32 @p0 s30  }
0x1da: {  	vm2 =	vgt.f32 v42, s29  }
0x1db: {  	v43 =	vmpcnt.ones.xlane vm2;
	_ =	sdelay $0x1  }
0x1dc: {  	(v2sf) =	vpush v43, $0x0;
	_ =	sdelay $0xe  }
0x1dd: {  	s30 =	spop (v2sf)  }
0x1de: {  	p0 =	slt.s32 s30, $0x1  }
0x1df: {  	(xrf1) =	vsort.ascd.msk.f32 @!p0 $0xffff, v42, v42;
	_ =	sdelay $0xd  }
0x1e0: {  	v42, _, _ =	vpop @!p0 (xrf1)  }
0x1e1: {  	v42 =	vmax.f32 @!p0 v42, v40  }
0x1e2: {  	(xrf1) =	vsort.dscd.msk.f32 @!p0 $0xffff, v42, v42;
	_ =	sdelay $0xd  }
0x1e3: {  	v42, _, _ =	vpop @!p0 (xrf1)  }
0x1e4: {  	v43 =	vmax.f32 @!p0 v41, v42;
	v42 =	vmin.f32 @!p0 v41, v42  }
0x1e5: {  	(xrf1) =	vsort.dscd.msk.f32 @!p0 $0xffff, v42, v42  }
0x1e6: {  	(xrf1) =	vsort.ascd.msk.f32 @!p0 $0xffff, v43, v43;
	_ =	sdelay $0xc  }
0x1e7: {  	v42, _, _ =	vpop @!p0 (xrf1)  }
.Ltmp11:
0x1e8: {  	v40 =	vpsel p0, v40, v42;
	v43, _, _ =	vpop @!p0 (xrf1);
	(xrf0) =	vmin.scan.msk.f32 @!p0 $0xffff, v42;
	(pc) =	sbr.rel @p1 .LBB2_17-.Ltmp11, $2  }
0x1e9: {  	v41 =	vpsel p0, v41, v43;
	_ =	sdelay $0x2  }
0x1ea: {  	s28 =	sadd.s32 $0x10, s28  }
.LBB2_18:
0x1eb: {  	_ =	sdelay $0x1  }
0x1ec: {  	v39, _, _ =	vpop @!p0 (xrf0)  }
0x1ed: {  	(v2sf) =	vpush @!p0 v39, $0xF;
	_ =	sdelay $0xe  }
0x1ee: {  	s25 =	spop @!p0 (v2sf)  }
.LBB2_19:
0x1ef: {  	v39 =	vld [tilespmem:$0x11000]  }
0x1f0: {  	v42 =	vld [tilespmem:$0x11010];
	_ =	sdelay $0x3  }
0x1f1: {  	vm2 =	vgt.s32 v39, $0x0  }
0x1f2: {  	v39 =	vnsel vm2, $0x0, v39;
	vm2 =	vgt.s32 v42, $0x0  }
0x1f3: {  	v39 =	vmin.u32 v39, $0x7FFF;
	v42 =	vnsel vm2, $0x0, v42  }
0x1f4: {  	v42 =	vmin.u32 v42, $0x7FFF;
	_ =	sdelay $0x3  }
0x1f5: {  	v43 =	vsel vm0, $0xFF7FC99E, v40;
	v39 =	vld.idx.msk [tilespmem:v39+s10+$0x0], $0xffff  }
0x1f6: {  	(xrf0) =	vmax.scan.msk.f32 $0xffff, v43;
	v42 =	vld.idx.msk [tilespmem:v42+s10+$0x0], $0xffff;
	_ =	sdelay $0x3  }
0x1f7: {  	(xrf1) =	vsort.ascd.msk.f32 $0xffff, v39, v39  }
0x1f8: {  	(xrf1) =	vsort.dscd.msk.f32 $0xffff, v42, v42  }
0x1f9: {  	v58, _, _ =	vpop (xrf0)  }
0x1fa: {  	v39 =	vbroadcast v58, $0xF;
	_ =	sdelay $0x1  }
0x1fb: {  	vm2 =	vgt.f32 v41, v39  }
0x1fc: {  	v41 =	vsel vm2, $0x1, v2  }
0x1fd: {  	(xrf0) =	vadd.scan.msk.s32 $0xffff, v41  }
0x1fe: {  	vm2 =	vgt.f32 v40, v39  }
0x1ff: {  	v40 =	vsel vm2, $0x1, v2  }
0x200: {  	(xrf0) =	vadd.scan.msk.s32 $0xffff, v40;
	_ =	sdelay $0x2  }
0x201: {  	v59, _, _ =	vpop (xrf0)  }
0x202: {  	v60, _, _ =	vpop (xrf1)  }
0x203: {  	v42, _, _ =	vpop (xrf1)  }
0x204: {  	(v2sf) =	vpush v59, $0xF;
	v61, _, _ =	vpop (xrf0);
	v62 =	vmax.f32 v60, v42  }
0x205: {  	(v2sf) =	vpush v61, $0xF;
	v63 =	vmin.f32 v60, v42;
	(xrf1) =	vsort.ascd.msk.f32 $0xffff, v62, v62  }
0x206: {  	(xrf1) =	vsort.dscd.msk.f32 $0xffff, v63, v63;
	_ =	sdelay $0x1  }
0x207: {  	s24 =	sadd.s32 $0x8000000F, s24  }
0x208: {  	s25 =	sand.u32 $0xF, s24  }
0x209: {  	s26 =	sshra.s32 s24, $0x1F;
	p0 =	slt.s32 s24, $0x1;
	p1 =	sne.s32 s25, $0x0  }
0x20a: {  	s31 =	sshrl.u32 s26, $0x1C;
	p0 =	por !p0, !p1  }
0x20b: {  	s25 =	simm.s32 $0x1;
	s24 =	sadd.s32 s31, s24;
	p1 =	por !p0, !p0  }
0x20c: {  	s29 =	sshra.s32 s24, $0x4;
	s25 =	simm.s32 @!p1 $0x0  }
0x20d: {  	s24 =	ssub.s32 s29, s25  }
0x20e: {  	p0 =	slt.s32 s24, $0x3  }
.Ltmp12:
0x20f: {  	_ = 	snop;
	(pc) =	sbr.rel @p0 .LBB2_23-.Ltmp12, $3  }
0x210: {  	_ =	sdelay $0x1  }
0x211: {  	s25 =	spop (v2sf);
	v41, _, _ =	vpop (xrf1)  }
0x212: {  	s26 =	spop (v2sf);
	v42, _, _ =	vpop (xrf1)  }
0x213: {  	(xrf0) =	vmin.scan.msk.f32 $0xffff, v42;
	_ =	sdelay $0x3  }
0x214: {  	s28 =	simm.s32 $0x11020  }
0x215: {  	v40 =	vld [tilespmem:s28+$0x0]  }
0x216: {  	v43, _, _ =	vpop (xrf0)  }
0x217: {  	(v2sf) =	vpush v43, $0xF;
	_ =	sdelay $0x2  }
0x218: {  	vm2 =	vgt.s32 v40, $0x0  }
0x219: {  	v40 =	vnsel vm2, $0x0, v40  }
0x21a: {  	v40 =	vmin.u32 v40, $0x7FFF;
	_ =	sdelay $0x4  }
0x21b: {  	v62 =	vld.idx.msk [tilespmem:v40+s10+$0x0], $0xffff;
	_ =	sdelay $0x1  }
0x21c: {  	s28 =	simm.s32 $0x20  }
0x21d: {  	v44 =	vor.u32 s28, v3;
	v40 =	vmov s21  }
0x21e: {  	vm2 =	vlt.s32 v44, v40  }
0x21f: {  	v43 =	vnsel vm2, $0xFF800000, v62;
	s31 =	spop (v2sf)  }
0x220: {  	vm2 =	vgt.f32 v43, s31  }
0x221: {  	v63 =	vmpcnt.ones.xlane vm2;
	_ =	sdelay $0x1  }
0x222: {  	(v2sf) =	vpush v63, $0x0;
	_ =	sdelay $0xe  }
0x223: {  	s30 =	spop (v2sf)  }
0x224: {  	p0 =	slt.s32 s30, $0x1  }
0x225: {  	(xrf1) =	vsort.ascd.msk.f32 @!p0 $0xffff, v43, v43;
	_ =	sdelay $0xd  }
0x226: {  	v43, _, _ =	vpop @!p0 (xrf1)  }
0x227: {  	v43 =	vmax.f32 @!p0 v43, v42  }
0x228: {  	(xrf1) =	vsort.dscd.msk.f32 @!p0 $0xffff, v43, v43;
	_ =	sdelay $0xd  }
0x229: {  	v43, _, _ =	vpop @!p0 (xrf1)  }
0x22a: {  	v44 =	vmin.f32 @!p0 v41, v43  }
0x22b: {  	(xrf1) =	vsort.dscd.msk.f32 @!p0 $0xffff, v44, v44;
	_ =	sdelay $0x1  }
0x22c: {  	v43 =	vmax.f32 @!p0 v41, v43  }
0x22d: {  	(xrf1) =	vsort.ascd.msk.f32 @!p0 $0xffff, v43, v43;
	_ =	sdelay $0x4  }
0x22e: {  	s30 =	simm.s32 $0xFFFFFFFF  }
0x22f: {  	s30 =	simm.s32 @!p1 $0x0  }
0x230: {  	s29 =	sadd.s32 s30, s29  }
0x231: {  	s29 =	sadd.s32 $0xFFFFFFFE, s29  }
0x232: {  	s29 =	sadd.s32 $0xFFFFFFFF, s29  }
0x233: {  	p1 =	sne.s32 s29, $0x0  }
.Ltmp13:
0x234: {  	v43, _, _ =	vpop @!p0 (xrf1);
	(pc) =	sbr.rel @!p1 .LBB2_22-.Ltmp13, $3  }
0x235: {  	(xrf0) =	vmin.scan.msk.f32 @!p0 $0xffff, v43;
	_ =	sdelay $0x1  }
0x236: {  	v44, _, _ =	vpop @!p0 (xrf1)  }
0x237: {  	s30 =	simm.s32 $0x11030;
	v42 =	vpsel p0, v42, v43;
	v41 =	vpsel p0, v41, v44  }
.LBB2_21:
0x238: {  	s2 =	smov.u32 s31  }
0x239: {  	s29 =	sadd.s32 $0xFFFFFFFF, s29;
	v43 =	vld [tilespmem:s30+$0x0]  }
0x23a: {  	p1 =	sne.s32 s29, $0x0;
	v44, _, _ =	vpop @!p0 (xrf0)  }
0x23b: {  	(v2sf) =	vpush @!p0 v44, $0xF;
	_ =	sdelay $0x2  }
0x23c: {  	vm2 =	vgt.s32 v43, $0x0  }
0x23d: {  	v43 =	vnsel vm2, $0x0, v43  }
0x23e: {  	v43 =	vmin.u32 v43, $0x7FFF;
	_ =	sdelay $0x4  }
0x23f: {  	v43 =	vld.idx.msk [tilespmem:v43+s10+$0x0], $0xffff;
	_ =	sdelay $0x2  }
0x240: {  	s28 =	sadd.s32 $0x10, s28  }
0x241: {  	v44 =	vor.u32 s28, v3  }
0x242: {  	vm2 =	vlt.s32 v44, v40;
	s31 =	spop @!p0 (v2sf)  }
0x243: {  	v43 =	vnsel vm2, $0xFF800000, v43;
	s31 =	smov.u32 @p0 s2  }
0x244: {  	vm2 =	vgt.f32 v43, s31  }
0x245: {  	v44 =	vmpcnt.ones.xlane vm2;
	_ =	sdelay $0x1  }
0x246: {  	(v2sf) =	vpush v44, $0x0;
	_ =	sdelay $0xe  }
0x247: {  	s2 =	spop (v2sf)  }
0x248: {  	p0 =	slt.s32 s2, $0x1  }
0x249: {  	(xrf1) =	vsort.ascd.msk.f32 @!p0 $0xffff, v43, v43;
	_ =	sdelay $0xd  }
0x24a: {  	v43, _, _ =	vpop @!p0 (xrf1)  }
0x24b: {  	v43 =	vmax.f32 @!p0 v43, v42  }
0x24c: {  	(xrf1) =	vsort.dscd.msk.f32 @!p0 $0xffff, v43, v43;
	_ =	sdelay $0xd  }
0x24d: {  	v43, _, _ =	vpop @!p0 (xrf1)  }
0x24e: {  	v44 =	vmax.f32 @!p0 v41, v43;
	v43 =	vmin.f32 @!p0 v41, v43  }
0x24f: {  	(xrf1) =	vsort.dscd.msk.f32 @!p0 $0xffff, v43, v43  }
0x250: {  	(xrf1) =	vsort.ascd.msk.f32 @!p0 $0xffff, v44, v44;
	_ =	sdelay $0xc  }
0x251: {  	v43, _, _ =	vpop @!p0 (xrf1)  }
.Ltmp14:
0x252: {  	v42 =	vpsel p0, v42, v43;
	v44, _, _ =	vpop @!p0 (xrf1);
	(xrf0) =	vmin.scan.msk.f32 @!p0 $0xffff, v43;
	(pc) =	sbr.rel @p1 .LBB2_21-.Ltmp14, $2  }
0x253: {  	v41 =	vpsel p0, v41, v44;
	_ =	sdelay $0x2  }
0x254: {  	s30 =	sadd.s32 $0x10, s30  }
.LBB2_22:
0x255: {  	_ =	sdelay $0x1  }
0x256: {  	v40, _, _ =	vpop @!p0 (xrf0)  }
0x257: {  	(v2sf) =	vpush @!p0 v40, $0xF;
	_ =	sdelay $0xe  }
0x258: {  	s2 =	spop @!p0 (v2sf)  }
.LBB2_23:
0x259: {  	v40 =	vsel vm0, $0xFF7FC99E, v42  }
0x25a: {  	(xrf0) =	vmax.scan.msk.f32 $0xffff, v40;
	_ =	sdelay $0x5  }
0x25b: {  	v40, _, _ =	vpop (xrf0)  }
0x25c: {  	v40 =	vbroadcast v40, $0xF;
	_ =	sdelay $0x1  }
0x25d: {  	vm2 =	vgt.f32 v41, v40  }
0x25e: {  	v41 =	vsel vm2, $0x1, v2;
	vm2 =	vgt.f32 v42, v40  }
0x25f: {  	(xrf0) =	vadd.scan.msk.s32 $0xffff, v41;
	v61 =	vsel vm2, $0x1, v2  }
0x260: {  	(xrf0) =	vadd.scan.msk.s32 $0xffff, v61;
	_ =	sdelay $0x4  }
0x261: {  	v62, _, _ =	vpop (xrf0)  }
0x262: {  	(v2sf) =	vpush v62, $0xF;
	v63, _, _ =	vpop (xrf0)  }
0x263: {  	(v2sf) =	vpush v63, $0xF;
	_ =	sdelay $0x9  }
0x264: {  	p0 =	slt.s32 s23, $0x1  }
.Ltmp15:
0x265: {  	_ = 	snop;
	(pc) =	sbr.rel @p0 .LBB2_26-.Ltmp15, $3  }
0x266: {  	_ =	sdelay $0x1  }
0x267: {  	s28 =	spop (v2sf)  }
0x268: {  	s29 =	spop (v2sf)  }
0x269: {  	p1 =	seq.s32 s23, $0x1  }
.Ltmp16:
0x26a: {  	_ = 	snop;
	(pc) =	sbr.rel @p1 .LBB2_25-.Ltmp16, $4  }
0x26b: {  	_ = 	snop  }
0x26c: {  	s2 =	sadd.s32 s25, s26  }
0x26d: {  	s31 =	simm.s32 $0x10000;
	s2 =	ssub.s32 $0x1E, s2  }
0x26e: {  	v43 =	vmov s22;
	v44 =	vimm.s32 $0x0;
	s22 =	simm.s32 $0x0;
	s25 =	sadd.s32 $0xFFFFFFFF, s23;
	p0 =	por $0x0, $0x0;
	v42 =	vld [tilespmem:s31+$0x0];
	v41 =	vmov s2  }
0x26f: {  	_ =	sdelay $0x3  }
0x270: {  	vm2 =	vgt.s32 v42, $0x0  }
0x271: {  	v45 =	vnsel vm2, $0x0, v42  }
0x272: {  	v45 =	vmin.u32 v45, $0x7FFF;
	_ =	sdelay $0x4  }
0x273: {  	v45 =	vld.idx.msk [tilespmem:v45+s3+$0x0], $0xffff;
	_ =	sdelay $0x3  }
0x274: {  	v46 =	vor.u32 s22, v3  }
0x275: {  	vm2 =	vlt.s32 v46, v43;
	vm3 =	veq.f32 v45, v39  }
0x276: {  	vm3 =	vmand vm2, vm3  }
0x277: {  	v58 =	vsel vm3, $0x1, v2  }
0x278: {  	(xrf0) =	vadd.scan.msk.s32 $0xffff, v58;
	_ =	sdelay $0x4  }
0x279: {  	v59 =	vsel vm3, $0xFFFFFFFF, v2  }
0x27a: {  	v46 =	vadd.s32 s22, v59;
	v47, _, _ =	vpop (xrf0)  }
0x27b: {  	v46 =	vadd.s32 v47, v46  }
0x27c: {  	vm4 =	vgt.f32 v45, v39;
	vm5 =	vlt.s32 v46, v41  }
0x27d: {  	vm2 =	vmand vm2, vm4;
	(v2sf) =	vpush v47, $0xF;
	vm3 =	vmand vm3, vm5  }
0x27e: {  	vm2 =	vmor vm2, vm3  }
0x27f: {  	v60 =	vsel vm2, $0x1, v2  }
0x280: {  	(xrf0) =	vadd.scan.msk.s32 $0xffff, v60;
	_ =	sdelay $0x4  }
0x281: {  	v61 =	vsel vm2, $0xFFFFFFFF, v2  }
0x282: {  	v45 =	vadd.s32 v61, v44;
	v62, _, _ =	vpop (xrf0)  }
0x283: {  	v45 =	vadd.s32 v62, v45  }
0x284: {  	p1 =	seq.s32 s25, $0x1  }
.Ltmp17:
0x285: {  	_ = 	snop;
	(pc) =	sbr.rel @p1 .LBB2_30-.Ltmp17, $3  }
0x286: {  	v63 =	vmpcnt.ones.xlane vm2;
	_ =	sdelay $0x1  }
0x287: {  	s26 =	simm.s32 $0x10010;
	s30 =	sadd.s32 $0xFFFFFFFF, s25;
	v44 =	vadd.s32 v44, v63;
	s2 =	spop (v2sf);
	[tilespmem:v45+s15+$0x0] =	vst.idx.msk vm2, v42  }
0x288: {  	p0 =	por $0x1, $0x1;
	s25 =	simm.s32 $0x0;
	s23 =	sadd.s32 $0x0, s2;
	v45 =	vmov v44;
	v42 =	vld [tilespmem:s26+$0x0]  }
.LBB2_31:
0x289: {  	p1 =	seq.s32 s30, $0x1;
	_ =	sdelay $0x3  }
0x28a: {  	vm2 =	vgt.s32 v42, $0x0  }
0x28b: {  	v46 =	vnsel vm2, $0x0, v42  }
0x28c: {  	v46 =	vmin.u32 v46, $0x7FFF;
	_ =	sdelay $0x4  }
0x28d: {  	v46 =	vld.idx.msk [tilespmem:v46+s3+$0x0], $0xffff;
	_ =	sdelay $0x3  }
0x28e: {  	s25 =	sadd.s32 $0x10, s25  }
0x28f: {  	v47 =	vor.u32 s25, v3  }
0x290: {  	vm2 =	vlt.s32 v47, v43;
	vm3 =	veq.f32 v46, v39  }
0x291: {  	vm3 =	vmand vm2, vm3  }
0x292: {  	v47 =	vsel vm3, $0x1, v2  }
0x293: {  	(xrf0) =	vadd.scan.msk.s32 $0xffff, v47;
	_ =	sdelay $0x4  }
0x294: {  	v47 =	vsel vm3, $0xFFFFFFFF, v2  }
0x295: {  	v47 =	vadd.s32 s23, v47;
	v48, _, _ =	vpop (xrf0)  }
0x296: {  	v47 =	vadd.s32 v48, v47;
	(v2sf) =	vpush v48, $0xF  }
0x297: {  	vm4 =	vgt.f32 v46, v39;
	vm5 =	vlt.s32 v47, v41  }
0x298: {  	vm2 =	vmand vm2, vm4;
	vm3 =	vmand vm3, vm5  }
0x299: {  	vm2 =	vmor vm2, vm3  }
0x29a: {  	v46 =	vsel vm2, $0x1, v2;
	v47 =	vmpcnt.ones.xlane vm2  }
0x29b: {  	(xrf0) =	vadd.scan.msk.s32 $0xffff, v46  }
0x29c: {  	v45 =	vadd.s32 v45, v47;
	_ =	sdelay $0x3  }
0x29d: {  	v46 =	vsel vm2, $0xFFFFFFFF, v2  }
0x29e: {  	v46 =	vadd.s32 v46, v44;
	v44 =	vmov v45;
	v47, _, _ =	vpop (xrf0)  }
0x29f: {  	v46 =	vadd.s32 v47, v46;
	_ =	sdelay $0x1  }
.Ltmp18:
0x2a0: {  	(pc) =	sbr.rel @!p1 .LBB2_31-.Ltmp18, $4  }
0x2a1: {  	s2 =	spop (v2sf)  }
0x2a2: {  	s23 =	sadd.s32 s23, s2  }
0x2a3: {  	s26 =	sadd.s32 $0x10, s26;
	[tilespmem:v46+s15+$0x0] =	vst.idx.msk vm2, v42  }
0x2a4: {  	s30 =	sadd.s32 $0xFFFFFFFF, s30;
	v42 =	vld [tilespmem:s26+$0x0]  }
.LBB2_32:
0x2a5: {  	_ =	sdelay $0x3  }
0x2a6: {  	vm2 =	vgt.s32 v42, $0x0  }
0x2a7: {  	v45 =	vnsel vm2, $0x0, v42  }
0x2a8: {  	v45 =	vmin.u32 v45, $0x7FFF;
	_ =	sdelay $0x4  }
0x2a9: {  	v45 =	vld.idx.msk [tilespmem:v45+s3+$0x0], $0xffff;
	_ =	sdelay $0x1  }
0x2aa: {  	s2 =	sadd.s32 @p0 $0x10, s25  }
0x2ab: {  	s22 =	smov.u32 @p0 s2  }
0x2ac: {  	v46 =	vor.u32 s22, v3  }
0x2ad: {  	vm2 =	vlt.s32 v46, v43;
	vm3 =	veq.f32 v45, v39  }
0x2ae: {  	vm3 =	vmand vm2, vm3  }
0x2af: {  	v58 =	vsel vm3, $0x1, v2  }
0x2b0: {  	(xrf0) =	vadd.scan.msk.s32 $0xffff, v58;
	_ =	sdelay $0x4  }
0x2b1: {  	v59 =	vsel vm3, $0xFFFFFFFF, v2  }
0x2b2: {  	v43 =	vadd.s32 s23, v59;
	v60, _, _ =	vpop (xrf0)  }
0x2b3: {  	v43 =	vadd.s32 v60, v43  }
0x2b4: {  	vm4 =	vgt.f32 v45, v39;
	vm5 =	vlt.s32 v43, v41  }
0x2b5: {  	vm2 =	vmand vm2, vm4;
	(v2sf) =	vpush v60, $0xF;
	vm3 =	vmand vm3, vm5  }
0x2b6: {  	vm2 =	vmor vm2, vm3  }
0x2b7: {  	v61 =	vsel vm2, $0x1, v2  }
0x2b8: {  	(xrf0) =	vadd.scan.msk.s32 $0xffff, v61;
	_ =	sdelay $0x4  }
0x2b9: {  	v62 =	vsel vm2, $0xFFFFFFFF, v2  }
0x2ba: {  	v39 =	vadd.s32 v62, v44;
	v63, _, _ =	vpop (xrf0)  }
0x2bb: {  	v39 =	vadd.s32 v63, v39;
	_ =	sdelay $0x4  }
0x2bc: {  	s31 =	spop (v2sf);
	[tilespmem:v39+s15+$0x0] =	vst.idx.msk vm2, v42  }
.LBB2_26:
0x2bd: {  	p0 =	slt.s32 s24, $0x1  }
.Ltmp19:
0x2be: {  	_ = 	snop;
	(pc) =	sbr.rel @p0 .LBB2_37-.Ltmp19, $1  }
0x2bf: {  	_ =	sdelay $0x3  }
0x2c0: {  	s22 =	simm.s32 $0x11000;
	p1 =	sne.s32 s24, $0x1  }
.Ltmp20:
0x2c1: {  	v41 =	vld [tilespmem:s22+$0x0];
	(pc) =	sbr.rel @!p1 .LBB2_28-.Ltmp20, $4  }
0x2c2: {  	_ = 	snop  }
0x2c3: {  	s2 =	sadd.s32 s28, s29  }
0x2c4: {  	s2 =	ssub.s32 $0x1E, s2  }
0x2c5: {  	v42 =	vmov s21;
	v43 =	vimm.s32 $0x0;
	s21 =	simm.s32 $0x0;
	s23 =	sadd.s32 $0xFFFFFFFF, s24;
	p0 =	por $0x0, $0x0;
	v39 =	vmov s2  }
0x2c6: {  	vm2 =	vgt.s32 v41, $0x0  }
0x2c7: {  	v44 =	vnsel vm2, $0x0, v41  }
0x2c8: {  	v44 =	vmin.u32 v44, $0x7FFF;
	_ =	sdelay $0x4  }
0x2c9: {  	v44 =	vld.idx.msk [tilespmem:v44+s10+$0x0], $0xffff;
	_ =	sdelay $0x3  }
0x2ca: {  	v45 =	vor.u32 s21, v3  }
0x2cb: {  	vm2 =	vlt.s32 v45, v42;
	vm3 =	veq.f32 v44, v40  }
0x2cc: {  	vm3 =	vmand vm2, vm3  }
0x2cd: {  	v58 =	vsel vm3, $0x1, v2  }
0x2ce: {  	(xrf0) =	vadd.scan.msk.s32 $0xffff, v58;
	_ =	sdelay $0x4  }
0x2cf: {  	v59 =	vsel vm3, $0xFFFFFFFF, v2  }
0x2d0: {  	v45 =	vadd.s32 s21, v59;
	v46, _, _ =	vpop (xrf0)  }
0x2d1: {  	v45 =	vadd.s32 v46, v45  }
0x2d2: {  	vm4 =	vgt.f32 v44, v40;
	vm5 =	vlt.s32 v45, v39  }
0x2d3: {  	vm2 =	vmand vm2, vm4;
	vm3 =	vmand vm3, vm5  }
0x2d4: {  	vm2 =	vmor vm2, vm3  }
0x2d5: {  	v60 =	vsel vm2, $0x1, v2  }
0x2d6: {  	(xrf0) =	vadd.scan.msk.s32 $0xffff, v60  }
0x2d7: {  	(v2sf) =	vpush v46, $0xF;
	_ =	sdelay $0x3  }
0x2d8: {  	v61 =	vsel vm2, $0xFFFFFFFF, v2  }
0x2d9: {  	v44 =	vadd.s32 v61, v43;
	v62, _, _ =	vpop (xrf0)  }
0x2da: {  	v44 =	vadd.s32 v62, v44;
	_ =	sdelay $0x4  }
0x2db: {  	p1 =	sne.s32 s23, $0x1;
	s24 =	simm.s32 $0x11010;
	[tilespmem:v44+s18+$0x0] =	vst.idx.msk vm2, v41  }
.Ltmp21:
0x2dc: {  	v41 =	vld [tilespmem:s24+$0x0];
	(pc) =	sbr.rel @!p1 .LBB2_34-.Ltmp21, $3  }
0x2dd: {  	v63 =	vmpcnt.ones.xlane vm2;
	_ =	sdelay $0x1  }
0x2de: {  	s25 =	sadd.s32 $0xFFFFFFFF, s23;
	v43 =	vadd.s32 v43, v63;
	s2 =	spop (v2sf)  }
0x2df: {  	p0 =	por $0x1, $0x1;
	s23 =	simm.s32 $0x0;
	s22 =	sadd.s32 $0x0, s2;
	v44 =	vmov v43  }
.LBB2_35:
0x2e0: {  	p1 =	sne.s32 s25, $0x1;
	_ =	sdelay $0x3  }
0x2e1: {  	vm2 =	vgt.s32 v41, $0x0  }
0x2e2: {  	v45 =	vnsel vm2, $0x0, v41  }
0x2e3: {  	v45 =	vmin.u32 v45, $0x7FFF;
	_ =	sdelay $0x4  }
0x2e4: {  	v45 =	vld.idx.msk [tilespmem:v45+s10+$0x0], $0xffff;
	_ =	sdelay $0x3  }
0x2e5: {  	s23 =	sadd.s32 $0x10, s23  }
0x2e6: {  	v46 =	vor.u32 s23, v3  }
0x2e7: {  	vm2 =	vlt.s32 v46, v42;
	vm3 =	veq.f32 v45, v40  }
0x2e8: {  	vm3 =	vmand vm2, vm3  }
0x2e9: {  	v46 =	vsel vm3, $0x1, v2  }
0x2ea: {  	(xrf0) =	vadd.scan.msk.s32 $0xffff, v46;
	_ =	sdelay $0x4  }
0x2eb: {  	v46 =	vsel vm3, $0xFFFFFFFF, v2  }
0x2ec: {  	v46 =	vadd.s32 s22, v46;
	v47, _, _ =	vpop (xrf0)  }
0x2ed: {  	v46 =	vadd.s32 v47, v46;
	(v2sf) =	vpush v47, $0xF  }
0x2ee: {  	vm4 =	vgt.f32 v45, v40;
	vm5 =	vlt.s32 v46, v39  }
0x2ef: {  	vm2 =	vmand vm2, vm4;
	vm3 =	vmand vm3, vm5  }
0x2f0: {  	vm2 =	vmor vm2, vm3  }
0x2f1: {  	v45 =	vsel vm2, $0x1, v2;
	v46 =	vmpcnt.ones.xlane vm2  }
0x2f2: {  	(xrf0) =	vadd.scan.msk.s32 $0xffff, v45  }
0x2f3: {  	v44 =	vadd.s32 v44, v46;
	_ =	sdelay $0x3  }
0x2f4: {  	v45 =	vsel vm2, $0xFFFFFFFF, v2  }
0x2f5: {  	v45 =	vadd.s32 v45, v43;
	v43 =	vmov v44;
	v46, _, _ =	vpop (xrf0)  }
0x2f6: {  	v45 =	vadd.s32 v46, v45;
	_ =	sdelay $0x1  }
.Ltmp22:
0x2f7: {  	(pc) =	sbr.rel @p1 .LBB2_35-.Ltmp22, $4  }
0x2f8: {  	s2 =	spop (v2sf)  }
0x2f9: {  	s22 =	sadd.s32 s22, s2  }
0x2fa: {  	s24 =	sadd.s32 $0x10, s24;
	[tilespmem:v45+s18+$0x0] =	vst.idx.msk vm2, v41  }
0x2fb: {  	s25 =	sadd.s32 $0xFFFFFFFF, s25;
	v41 =	vld [tilespmem:s24+$0x0]  }
.Ltmp23:
0x2fc: {  	_ = 	snop;
	(pc) =	sbr.rel .LBB2_36-.Ltmp23, $1  }
0x2fd: {  	_ =	sdelay $0x3  }
.LBB2_7:
0x2fe: {  	v39 =	vld [tilespmem:$0x0]  }
0x2ff: {  	v40 =	vld [tilespmem:$0x10];
	_ =	sdelay $0x3  }
0x300: {  	(xrf1) =	vsort.ascd.msk.f32 $0xffff, v39, v39  }
0x301: {  	(xrf1) =	vsort.dscd.msk.f32 $0xffff, v40, v40;
	_ =	sdelay $0xc  }
0x302: {  	v59 =	vld [tilespmem:$0x8000];
	v39, _, _ =	vpop (xrf1)  }
0x303: {  	v42 =	vld [tilespmem:$0x8010];
	v41, _, _ =	vpop (xrf1)  }
0x304: {  	v43 =	vmax.f32 v39, v41  }
0x305: {  	v39 =	vmin.f32 v39, v41;
	(xrf1) =	vsort.ascd.msk.f32 $0xffff, v43, v43  }
0x306: {  	(xrf1) =	vsort.dscd.msk.f32 $0xffff, v39, v39  }
0x307: {  	(xrf1) =	vsort.ascd.msk.f32 $0xffff, v59, v59  }
0x308: {  	(xrf1) =	vsort.dscd.msk.f32 $0xffff, v42, v42;
	_ =	sdelay $0xa  }
0x309: {  	v39, _, _ =	vpop (xrf1)  }
0x30a: {  	v40, _, _ =	vpop (xrf1)  }
0x30b: {  	v60, _, _ =	vpop (xrf1)  }
0x30c: {  	v42, _, _ =	vpop (xrf1)  }
0x30d: {  	v61 =	vmax.f32 v60, v42  }
0x30e: {  	v41 =	vmin.f32 v60, v42;
	(xrf1) =	vsort.ascd.msk.f32 $0xffff, v61, v61  }
0x30f: {  	(xrf1) =	vsort.dscd.msk.f32 $0xffff, v41, v41;
	_ =	sdelay $0xa  }
0x310: {  	(xrf0) =	vmin.scan.msk.f32 $0xffff, v40;
	_ =	sdelay $0x1  }
0x311: {  	v41, _, _ =	vpop (xrf1)  }
0x312: {  	v42, _, _ =	vpop (xrf1)  }
0x313: {  	v43 =	vld [tilespmem:$0x20];
	(xrf0) =	vmin.scan.msk.f32 $0xffff, v42;
	_ =	sdelay $0x1  }
0x314: {  	v44, _, _ =	vpop (xrf0)  }
0x315: {  	v45 =	vbroadcast v44, $0xF;
	_ =	sdelay $0x1  }
0x316: {  	vm2 =	vgt.f32 v43, v45  }
0x317: {  	(v2sf) =	vpush v44, $0xF;
	v45 =	vmpcnt.ones.xlane vm2;
	v62, _, _ =	vpop (xrf0)  }
0x318: {  	(v2sf) =	vpush v62, $0xF  }
0x319: {  	(v2sf) =	vpush v45, $0x0;
	_ =	sdelay $0xc  }
0x31a: {  	s21 =	spop (v2sf)  }
0x31b: {  	s22 =	spop (v2sf)  }
0x31c: {  	s23 =	spop (v2sf)  }
0x31d: {  	p1 =	slt.s32 s23, $0x1  }
0x31e: {  	(xrf1) =	vsort.ascd.msk.f32 @!p1 $0xffff, v43, v43;
	_ =	sdelay $0xd  }
0x31f: {  	v43, _, _ =	vpop @!p1 (xrf1)  }
0x320: {  	v43 =	vmax.f32 @!p1 v43, v40  }
0x321: {  	(xrf1) =	vsort.dscd.msk.f32 @!p1 $0xffff, v43, v43;
	_ =	sdelay $0xd  }
0x322: {  	v43, _, _ =	vpop @!p1 (xrf1)  }
0x323: {  	v45 =	vmax.f32 @!p1 v39, v43  }
0x324: {  	v43 =	vmin.f32 @!p1 v39, v43;
	(xrf1) =	vsort.ascd.msk.f32 @!p1 $0xffff, v45, v45  }
0x325: {  	(xrf1) =	vsort.dscd.msk.f32 @!p1 $0xffff, v43, v43;
	_ =	sdelay $0xc  }
0x326: {  	v43, _, _ =	vpop @!p1 (xrf1)  }
0x327: {  	v45, _, _ =	vpop @!p1 (xrf1)  }
0x328: {  	v46 =	vld [tilespmem:$0x8020];
	(xrf0) =	vmin.scan.msk.f32 @!p1 $0xffff, v45;
	_ =	sdelay $0x1  }
0x329: {  	v44 =	vbroadcast v62, $0xF;
	_ =	sdelay $0x2  }
0x32a: {  	vm2 =	vgt.f32 v46, v44  }
0x32b: {  	v47 =	vmpcnt.ones.xlane vm2;
	v44, _, _ =	vpop @!p1 (xrf0)  }
0x32c: {  	(v2sf) =	vpush @!p1 v44, $0xF  }
0x32d: {  	(v2sf) =	vpush v47, $0x0;
	_ =	sdelay $0xd  }
0x32e: {  	s23 =	spop @!p1 (v2sf)  }
0x32f: {  	s24 =	spop (v2sf)  }
0x330: {  	p0 =	slt.s32 s24, $0x1  }
0x331: {  	(xrf1) =	vsort.ascd.msk.f32 @!p0 $0xffff, v46, v46;
	_ =	sdelay $0xd  }
0x332: {  	v44, _, _ =	vpop @!p0 (xrf1)  }
0x333: {  	v44 =	vmax.f32 @!p0 v44, v42  }
0x334: {  	(xrf1) =	vsort.dscd.msk.f32 @!p0 $0xffff, v44, v44;
	_ =	sdelay $0xd  }
0x335: {  	v44, _, _ =	vpop @!p0 (xrf1)  }
0x336: {  	v46 =	vmax.f32 @!p0 v41, v44  }
0x337: {  	v44 =	vmin.f32 @!p0 v41, v44;
	(xrf1) =	vsort.ascd.msk.f32 @!p0 $0xffff, v46, v46  }
0x338: {  	(xrf1) =	vsort.dscd.msk.f32 @!p0 $0xffff, v44, v44;
	_ =	sdelay $0xc  }
0x339: {  	v44, _, _ =	vpop @!p0 (xrf1)  }
0x33a: {  	v46, _, _ =	vpop @!p0 (xrf1)  }
0x33b: {  	v47 =	vld [tilespmem:$0x30];
	(xrf0) =	vmin.scan.msk.f32 @!p0 $0xffff, v46;
	_ =	sdelay $0x3  }
0x33c: {  	s23 =	smov.u32 @p1 s21  }
0x33d: {  	vm2 =	vgt.f32 v47, s23  }
0x33e: {  	v49 =	vmpcnt.ones.xlane vm2;
	v48, _, _ =	vpop @!p0 (xrf0)  }
0x33f: {  	(v2sf) =	vpush @!p0 v48, $0xF  }
0x340: {  	(v2sf) =	vpush v49, $0x0;
	_ =	sdelay $0xd  }
0x341: {  	s24 =	spop @!p0 (v2sf)  }
0x342: {  	s30 =	spop (v2sf)  }
0x343: {  	p2 =	slt.s32 s30, $0x1  }
0x344: {  	(xrf1) =	vsort.ascd.msk.f32 @!p2 $0xffff, v47, v47;
	_ =	sdelay $0xd  }
0x345: {  	v40 =	vpsel p1, v40, v45;
	v45, _, _ =	vpop @!p2 (xrf1)  }
0x346: {  	v45 =	vmax.f32 @!p2 v45, v40  }
0x347: {  	(xrf1) =	vsort.dscd.msk.f32 @!p2 $0xffff, v45, v45;
	_ =	sdelay $0xd  }
0x348: {  	v39 =	vpsel p1, v39, v43;
	v43, _, _ =	vpop @!p2 (xrf1)  }
0x349: {  	v45 =	vmax.f32 @!p2 v39, v43  }
0x34a: {  	v43 =	vmin.f32 @!p2 v39, v43;
	(xrf1) =	vsort.ascd.msk.f32 @!p2 $0xffff, v45, v45  }
0x34b: {  	(xrf1) =	vsort.dscd.msk.f32 @!p2 $0xffff, v43, v43;
	_ =	sdelay $0xc  }
0x34c: {  	v43, _, _ =	vpop @!p2 (xrf1)  }
0x34d: {  	v45, _, _ =	vpop @!p2 (xrf1)  }
0x34e: {  	v47 =	vld [tilespmem:$0x8030];
	(xrf0) =	vmin.scan.msk.f32 @!p2 $0xffff, v45;
	_ =	sdelay $0x3  }
0x34f: {  	s24 =	smov.u32 @p0 s22  }
0x350: {  	vm2 =	vgt.f32 v47, s24  }
0x351: {  	v63 =	vmpcnt.ones.xlane vm2;
	v48, _, _ =	vpop @!p2 (xrf0)  }
0x352: {  	(v2sf) =	vpush @!p2 v48, $0xF  }
0x353: {  	(v2sf) =	vpush v63, $0x0;
	_ =	sdelay $0xd  }
0x354: {  	s21 =	spop @!p2 (v2sf)  }
0x355: {  	s31 =	spop (v2sf)  }
0x356: {  	p1 =	slt.s32 s31, $0x1  }
0x357: {  	(xrf1) =	vsort.ascd.msk.f32 @!p1 $0xffff, v47, v47;
	_ =	sdelay $0xd  }
0x358: {  	v42 =	vpsel p0, v42, v46;
	v46, _, _ =	vpop @!p1 (xrf1)  }
0x359: {  	v46 =	vmax.f32 @!p1 v46, v42  }
0x35a: {  	(xrf1) =	vsort.dscd.msk.f32 @!p1 $0xffff, v46, v46;
	_ =	sdelay $0xd  }
0x35b: {  	v41 =	vpsel p0, v41, v44;
	v44, _, _ =	vpop @!p1 (xrf1)  }
0x35c: {  	v46 =	vmax.f32 @!p1 v41, v44  }
0x35d: {  	v44 =	vmin.f32 @!p1 v41, v44;
	(xrf1) =	vsort.ascd.msk.f32 @!p1 $0xffff, v46, v46  }
0x35e: {  	(xrf1) =	vsort.dscd.msk.f32 @!p1 $0xffff, v44, v44;
	_ =	sdelay $0xc  }
0x35f: {  	v44, _, _ =	vpop @!p1 (xrf1)  }
0x360: {  	v48, _, _ =	vpop @!p1 (xrf1)  }
0x361: {  	(xrf0) =	vmin.scan.msk.f32 @!p1 $0xffff, v48;
	_ =	sdelay $0x5  }
0x362: {  	v46, _, _ =	vpop @!p1 (xrf0)  }
0x363: {  	(v2sf) =	vpush @!p1 v46, $0xF;
	_ =	sdelay $0xb  }
.Ltmp24:
0x364: {  	_ = 	snop;
	(pc) =	sbr.rel .LBB2_8-.Ltmp24, $3  }
0x365: {  	_ =	sdelay $0x1  }
0x366: {  	v47 =	vpsel p2, v40, v45;
	s22 =	spop @!p1 (v2sf)  }
0x367: {  	s21 =	smov.u32 @p2 s23;
	s23 =	simm.s32 $0x0;
	v46 =	vpsel p2, v39, v43;
	v43 =	vpsel p1, v42, v48;
	v42 =	vpsel p1, v41, v44;
	s22 =	smov.u32 @p1 s24  }
.LBB2_10:
0x368: {  	s23 =	sadd.s32 $0x100, s23  }
0x369: {  	p0 =	sne.s32 s23, $0x1FF00  }
.Ltmp25:
0x36a: {  	_ = 	snop;
	(pc) =	sbr.rel @!p0 .LBB2_11-.Ltmp25, $1  }
0x36b: {  	_ =	sdelay $0x3  }
.LBB2_8:
0x36c: {  	s24 =	sshra.s32 s23, $0x2  }
0x36d: {  	v50 =	vld [tilespmem:s24+$0x40]  }
0x36e: {  	v49 =	vld [tilespmem:s24+$0x50]  }
0x36f: {  	v48 =	vld [tilespmem:s24+$0x60]  }
0x370: {  	v45 =	vld [tilespmem:s24+$0x70]  }
0x371: {  	v44 =	vld [tilespmem:s24+$0x8040]  }
0x372: {  	v41 =	vld [tilespmem:s24+$0x8050]  }
0x373: {  	v40 =	vld [tilespmem:s24+$0x8060]  }
0x374: {  	v39 =	vld [tilespmem:s24+$0x8070];
	_ =	sdelay $0x3  }
0x375: {  	v51 =	vmax.f32 v50, v49  }
0x376: {  	v52 =	vmax.f32 v48, v45;
	v53 =	vmax.f32 v44, v41;
	v54 =	vmax.f32 v40, v39  }
0x377: {  	v51 =	vmax.f32 v51, v52;
	v62 =	vmax.f32 v53, v54  }
0x378: {  	vm2 =	vgt.f32 v51, s21;
	vm3 =	vgt.f32 v62, s22  }
0x379: {  	vm2 =	vmor vm2, vm3  }
0x37a: {  	v63 =	vmpcnt.ones.xlane vm2;
	_ =	sdelay $0x1  }
0x37b: {  	(v2sf) =	vpush v63, $0x0;
	_ =	sdelay $0xe  }
0x37c: {  	s31 =	spop (v2sf)  }
0x37d: {  	p0 =	slt.s32 s31, $0x1  }
.Ltmp26:
0x37e: {  	_ = 	snop;
	(pc) =	sbr.rel @p0 .LBB2_10-.Ltmp26, $1  }
0x37f: {  	_ =	sdelay $0x3  }
0x380: {  	v51 =	vmov s21  }
0x381: {  	vm2 =	vgt.f32 v50, v51  }
0x382: {  	v52 =	vmpcnt.ones.xlane vm2;
	_ =	sdelay $0x1  }
0x383: {  	(v2sf) =	vpush v52, $0x0;
	_ =	sdelay $0xe  }
0x384: {  	s24 =	spop (v2sf)  }
0x385: {  	p3 =	slt.s32 s24, $0x1  }
0x386: {  	(xrf1) =	vsort.ascd.msk.f32 @!p3 $0xffff, v50, v50;
	_ =	sdelay $0xd  }
0x387: {  	v50, _, _ =	vpop @!p3 (xrf1)  }
0x388: {  	v50 =	vmax.f32 @!p3 v50, v47  }
0x389: {  	(xrf1) =	vsort.dscd.msk.f32 @!p3 $0xffff, v50, v50;
	_ =	sdelay $0xd  }
0x38a: {  	v50, _, _ =	vpop @!p3 (xrf1)  }
0x38b: {  	v52 =	vmax.f32 @!p3 v46, v50  }
0x38c: {  	v50 =	vmin.f32 @!p3 v46, v50;
	(xrf1) =	vsort.ascd.msk.f32 @!p3 $0xffff, v52, v52  }
0x38d: {  	(xrf1) =	vsort.dscd.msk.f32 @!p3 $0xffff, v50, v50;
	_ =	sdelay $0xc  }
0x38e: {  	v50, _, _ =	vpop @!p3 (xrf1)  }
0x38f: {  	v52, _, _ =	vpop @!p3 (xrf1)  }
0x390: {  	(xrf0) =	vmin.scan.msk.f32 @!p3 $0xffff, v52;
	_ =	sdelay $0x5  }
0x391: {  	v53, _, _ =	vpop @!p3 (xrf0)  }
0x392: {  	v54 =	vbroadcast @!p3 v53, $0xF;
	_ =	sdelay $0x1  }
0x393: {  	v51 =	vpsel p3, v51, v54  }
0x394: {  	vm2 =	vgt.f32 v49, v51  }
0x395: {  	v58 =	vmpcnt.ones.xlane vm2  }
0x396: {  	(v2sf) =	vpush @!p3 v53, $0xF  }
0x397: {  	(v2sf) =	vpush v58, $0x0;
	_ =	sdelay $0xd  }
0x398: {  	s24 =	spop @!p3 (v2sf)  }
0x399: {  	s25 =	spop (v2sf)  }
0x39a: {  	p0 =	slt.s32 s25, $0x1  }
0x39b: {  	(xrf1) =	vsort.ascd.msk.f32 @!p0 $0xffff, v49, v49;
	_ =	sdelay $0xd  }
0x39c: {  	v47 =	vpsel p3, v47, v52;
	v49, _, _ =	vpop @!p0 (xrf1)  }
0x39d: {  	v49 =	vmax.f32 @!p0 v49, v47  }
0x39e: {  	(xrf1) =	vsort.dscd.msk.f32 @!p0 $0xffff, v49, v49;
	_ =	sdelay $0xd  }
0x39f: {  	v46 =	vpsel p3, v46, v50;
	v49, _, _ =	vpop @!p0 (xrf1)  }
0x3a0: {  	v50 =	vmax.f32 @!p0 v46, v49  }
0x3a1: {  	v49 =	vmin.f32 @!p0 v46, v49;
	(xrf1) =	vsort.ascd.msk.f32 @!p0 $0xffff, v50, v50  }
0x3a2: {  	(xrf1) =	vsort.dscd.msk.f32 @!p0 $0xffff, v49, v49;
	_ =	sdelay $0xc  }
0x3a3: {  	v49, _, _ =	vpop @!p0 (xrf1)  }
0x3a4: {  	v50, _, _ =	vpop @!p0 (xrf1)  }
0x3a5: {  	(xrf0) =	vmin.scan.msk.f32 @!p0 $0xffff, v50;
	_ =	sdelay $0x5  }
0x3a6: {  	v52, _, _ =	vpop @!p0 (xrf0)  }
0x3a7: {  	v53 =	vbroadcast @!p0 v52, $0xF;
	_ =	sdelay $0x1  }
0x3a8: {  	v51 =	vpsel p0, v51, v53  }
0x3a9: {  	vm2 =	vgt.f32 v48, v51  }
0x3aa: {  	v59 =	vmpcnt.ones.xlane vm2  }
0x3ab: {  	(v2sf) =	vpush @!p0 v52, $0xF  }
0x3ac: {  	(v2sf) =	vpush v59, $0x0;
	_ =	sdelay $0xd  }
0x3ad: {  	s25 =	spop @!p0 (v2sf)  }
0x3ae: {  	s26 =	spop (v2sf)  }
0x3af: {  	p1 =	slt.s32 s26, $0x1  }
0x3b0: {  	(xrf1) =	vsort.ascd.msk.f32 @!p1 $0xffff, v48, v48;
	_ =	sdelay $0xd  }
0x3b1: {  	v47 =	vpsel p0, v47, v50;
	v48, _, _ =	vpop @!p1 (xrf1)  }
0x3b2: {  	v48 =	vmax.f32 @!p1 v48, v47  }
0x3b3: {  	(xrf1) =	vsort.dscd.msk.f32 @!p1 $0xffff, v48, v48;
	_ =	sdelay $0xd  }
0x3b4: {  	v46 =	vpsel p0, v46, v49;
	v48, _, _ =	vpop @!p1 (xrf1)  }
0x3b5: {  	v49 =	vmax.f32 @!p1 v46, v48  }
0x3b6: {  	v48 =	vmin.f32 @!p1 v46, v48;
	(xrf1) =	vsort.ascd.msk.f32 @!p1 $0xffff, v49, v49  }
0x3b7: {  	(xrf1) =	vsort.dscd.msk.f32 @!p1 $0xffff, v48, v48;
	_ =	sdelay $0xc  }
0x3b8: {  	v48, _, _ =	vpop @!p1 (xrf1)  }
0x3b9: {  	v49, _, _ =	vpop @!p1 (xrf1)  }
0x3ba: {  	(xrf0) =	vmin.scan.msk.f32 @!p1 $0xffff, v49;
	_ =	sdelay $0x5  }
0x3bb: {  	v50, _, _ =	vpop @!p1 (xrf0)  }
0x3bc: {  	v52 =	vbroadcast @!p1 v50, $0xF;
	_ =	sdelay $0x1  }
0x3bd: {  	v51 =	vpsel p1, v51, v52  }
0x3be: {  	vm2 =	vgt.f32 v45, v51  }
0x3bf: {  	v51 =	vmpcnt.ones.xlane vm2  }
0x3c0: {  	(v2sf) =	vpush @!p1 v50, $0xF  }
0x3c1: {  	(v2sf) =	vpush v51, $0x0;
	_ =	sdelay $0xd  }
0x3c2: {  	s26 =	spop @!p1 (v2sf)  }
0x3c3: {  	s28 =	spop (v2sf)  }
0x3c4: {  	p2 =	slt.s32 s28, $0x1  }
0x3c5: {  	(xrf1) =	vsort.ascd.msk.f32 @!p2 $0xffff, v45, v45;
	_ =	sdelay $0xd  }
0x3c6: {  	v45 =	vpsel p1, v47, v49;
	v47, _, _ =	vpop @!p2 (xrf1)  }
0x3c7: {  	v47 =	vmax.f32 @!p2 v47, v45  }
0x3c8: {  	(xrf1) =	vsort.dscd.msk.f32 @!p2 $0xffff, v47, v47;
	_ =	sdelay $0xd  }
0x3c9: {  	v46 =	vpsel p1, v46, v48;
	v47, _, _ =	vpop @!p2 (xrf1)  }
0x3ca: {  	v48 =	vmax.f32 @!p2 v46, v47  }
0x3cb: {  	v47 =	vmin.f32 @!p2 v46, v47;
	(xrf1) =	vsort.ascd.msk.f32 @!p2 $0xffff, v48, v48  }
0x3cc: {  	(xrf1) =	vsort.dscd.msk.f32 @!p2 $0xffff, v47, v47;
	_ =	sdelay $0xc  }
0x3cd: {  	v47, _, _ =	vpop @!p2 (xrf1)  }
0x3ce: {  	v48, _, _ =	vpop @!p2 (xrf1)  }
0x3cf: {  	(xrf0) =	vmin.scan.msk.f32 @!p2 $0xffff, v48;
	_ =	sdelay $0x3  }
0x3d0: {  	v60 =	vmov s22  }
0x3d1: {  	vm2 =	vgt.f32 v44, v60  }
0x3d2: {  	v61 =	vmpcnt.ones.xlane vm2;
	v50, _, _ =	vpop @!p2 (xrf0)  }
0x3d3: {  	(v2sf) =	vpush @!p2 v50, $0xF  }
0x3d4: {  	(v2sf) =	vpush v61, $0x0;
	_ =	sdelay $0xd  }
0x3d5: {  	s24 =	smov.u32 @p3 s21;
	s21 =	spop @!p2 (v2sf)  }
0x3d6: {  	s31 =	spop (v2sf)  }
0x3d7: {  	p3 =	slt.s32 s31, $0x1  }
0x3d8: {  	(xrf1) =	vsort.ascd.msk.f32 @!p3 $0xffff, v44, v44;
	_ =	sdelay $0xd  }
0x3d9: {  	v44, _, _ =	vpop @!p3 (xrf1)  }
0x3da: {  	v44 =	vmax.f32 @!p3 v44, v43  }
0x3db: {  	(xrf1) =	vsort.dscd.msk.f32 @!p3 $0xffff, v44, v44;
	_ =	sdelay $0xd  }
0x3dc: {  	v44, _, _ =	vpop @!p3 (xrf1)  }
0x3dd: {  	v50 =	vmax.f32 @!p3 v42, v44  }
0x3de: {  	v44 =	vmin.f32 @!p3 v42, v44;
	(xrf1) =	vsort.ascd.msk.f32 @!p3 $0xffff, v50, v50  }
0x3df: {  	(xrf1) =	vsort.dscd.msk.f32 @!p3 $0xffff, v44, v44;
	_ =	sdelay $0xc  }
0x3e0: {  	v44, _, _ =	vpop @!p3 (xrf1)  }
0x3e1: {  	v50, _, _ =	vpop @!p3 (xrf1)  }
0x3e2: {  	(xrf0) =	vmin.scan.msk.f32 @!p3 $0xffff, v50;
	_ =	sdelay $0x5  }
0x3e3: {  	v51, _, _ =	vpop @!p3 (xrf0)  }
0x3e4: {  	v52 =	vbroadcast @!p3 v51, $0xF;
	_ =	sdelay $0x1  }
0x3e5: {  	v49 =	vpsel p3, v60, v52  }
0x3e6: {  	vm2 =	vgt.f32 v41, v49  }
0x3e7: {  	v62 =	vmpcnt.ones.xlane vm2  }
0x3e8: {  	(v2sf) =	vpush @!p3 v51, $0xF  }
0x3e9: {  	(v2sf) =	vpush v62, $0x0;
	_ =	sdelay $0xd  }
0x3ea: {  	s28 =	spop @!p3 (v2sf)  }
0x3eb: {  	s29 =	spop (v2sf)  }
0x3ec: {  	p4 =	slt.s32 s29, $0x1  }
0x3ed: {  	(xrf1) =	vsort.ascd.msk.f32 @!p4 $0xffff, v41, v41;
	_ =	sdelay $0xd  }
0x3ee: {  	v41 =	vpsel p3, v43, v50;
	v43, _, _ =	vpop @!p4 (xrf1)  }
0x3ef: {  	v43 =	vmax.f32 @!p4 v43, v41  }
0x3f0: {  	(xrf1) =	vsort.dscd.msk.f32 @!p4 $0xffff, v43, v43;
	_ =	sdelay $0xd  }
0x3f1: {  	v42 =	vpsel p3, v42, v44;
	v43, _, _ =	vpop @!p4 (xrf1)  }
0x3f2: {  	v44 =	vmax.f32 @!p4 v42, v43  }
0x3f3: {  	v43 =	vmin.f32 @!p4 v42, v43;
	(xrf1) =	vsort.ascd.msk.f32 @!p4 $0xffff, v44, v44  }
0x3f4: {  	(xrf1) =	vsort.dscd.msk.f32 @!p4 $0xffff, v43, v43;
	_ =	sdelay $0xc  }
0x3f5: {  	v43, _, _ =	vpop @!p4 (xrf1)  }
0x3f6: {  	v44, _, _ =	vpop @!p4 (xrf1)  }
0x3f7: {  	(xrf0) =	vmin.scan.msk.f32 @!p4 $0xffff, v44;
	_ =	sdelay $0x5  }
0x3f8: {  	v50, _, _ =	vpop @!p4 (xrf0)  }
0x3f9: {  	v51 =	vbroadcast @!p4 v50, $0xF;
	_ =	sdelay $0x1  }
0x3fa: {  	v49 =	vpsel p4, v49, v51  }
0x3fb: {  	vm2 =	vgt.f32 v40, v49  }
0x3fc: {  	v63 =	vmpcnt.ones.xlane vm2  }
0x3fd: {  	(v2sf) =	vpush @!p4 v50, $0xF  }
0x3fe: {  	(v2sf) =	vpush v63, $0x0;
	_ =	sdelay $0xd  }
0x3ff: {  	s29 =	spop @!p4 (v2sf)  }
0x400: {  	s30 =	spop (v2sf)  }
0x401: {  	p5 =	slt.s32 s30, $0x1  }
0x402: {  	(xrf1) =	vsort.ascd.msk.f32 @!p5 $0xffff, v40, v40;
	_ =	sdelay $0xd  }
0x403: {  	v40 =	vpsel p4, v41, v44;
	v41, _, _ =	vpop @!p5 (xrf1)  }
0x404: {  	v41 =	vmax.f32 @!p5 v41, v40  }
0x405: {  	(xrf1) =	vsort.dscd.msk.f32 @!p5 $0xffff, v41, v41;
	_ =	sdelay $0xd  }
0x406: {  	v41 =	vpsel p4, v42, v43;
	v42, _, _ =	vpop @!p5 (xrf1)  }
0x407: {  	v43 =	vmax.f32 @!p5 v41, v42  }
0x408: {  	v42 =	vmin.f32 @!p5 v41, v42;
	(xrf1) =	vsort.ascd.msk.f32 @!p5 $0xffff, v43, v43  }
0x409: {  	(xrf1) =	vsort.dscd.msk.f32 @!p5 $0xffff, v42, v42;
	_ =	sdelay $0xc  }
0x40a: {  	v42, _, _ =	vpop @!p5 (xrf1)  }
0x40b: {  	v43, _, _ =	vpop @!p5 (xrf1)  }
0x40c: {  	(xrf0) =	vmin.scan.msk.f32 @!p5 $0xffff, v43;
	_ =	sdelay $0x5  }
0x40d: {  	v44, _, _ =	vpop @!p5 (xrf0)  }
0x40e: {  	v50 =	vbroadcast @!p5 v44, $0xF;
	_ =	sdelay $0x1  }
0x40f: {  	v49 =	vpsel p5, v49, v50  }
0x410: {  	vm2 =	vgt.f32 v39, v49  }
0x411: {  	v49 =	vmpcnt.ones.xlane vm2  }
0x412: {  	(v2sf) =	vpush @!p5 v44, $0xF  }
0x413: {  	(v2sf) =	vpush v49, $0x0;
	_ =	sdelay $0xd  }
0x414: {  	s30 =	spop @!p5 (v2sf)  }
0x415: {  	s31 =	spop (v2sf)  }
0x416: {  	p6 =	slt.s32 s31, $0x1  }
0x417: {  	(xrf1) =	vsort.ascd.msk.f32 @!p6 $0xffff, v39, v39;
	_ =	sdelay $0xd  }
0x418: {  	v39 =	vpsel p5, v40, v43;
	v40, _, _ =	vpop @!p6 (xrf1)  }
0x419: {  	v40 =	vmax.f32 @!p6 v40, v39  }
0x41a: {  	(xrf1) =	vsort.dscd.msk.f32 @!p6 $0xffff, v40, v40;
	_ =	sdelay $0xd  }
0x41b: {  	v40 =	vpsel p5, v41, v42;
	v41, _, _ =	vpop @!p6 (xrf1)  }
0x41c: {  	v42 =	vmax.f32 @!p6 v40, v41  }
0x41d: {  	v41 =	vmin.f32 @!p6 v40, v41;
	(xrf1) =	vsort.ascd.msk.f32 @!p6 $0xffff, v42, v42  }
0x41e: {  	(xrf1) =	vsort.dscd.msk.f32 @!p6 $0xffff, v41, v41;
	_ =	sdelay $0xc  }
0x41f: {  	v41, _, _ =	vpop @!p6 (xrf1)  }
0x420: {  	v43, _, _ =	vpop @!p6 (xrf1)  }
0x421: {  	(xrf0) =	vmin.scan.msk.f32 @!p6 $0xffff, v43;
	_ =	sdelay $0x5  }
0x422: {  	v42, _, _ =	vpop @!p6 (xrf0)  }
0x423: {  	(v2sf) =	vpush @!p6 v42, $0xF;
	_ =	sdelay $0xb  }
.Ltmp27:
0x424: {  	_ = 	snop;
	(pc) =	sbr.rel .LBB2_10-.Ltmp27, $4  }
0x425: {  	s28 =	smov.u32 @p3 s22  }
0x426: {  	s25 =	smov.u32 @p0 s24;
	s29 =	smov.u32 @p4 s28  }
0x427: {  	s26 =	smov.u32 @p1 s25;
	v46 =	vpsel p2, v46, v47;
	s30 =	smov.u32 @p5 s29;
	s22 =	spop @!p6 (v2sf)  }
0x428: {  	v47 =	vpsel p2, v45, v48;
	s21 =	smov.u32 @p2 s26;
	v43 =	vpsel p6, v39, v43;
	v42 =	vpsel p6, v40, v41;
	s22 =	smov.u32 @p6 s30  }
.LBB2_11:
0x429: {  	v39 =	vsel vm0, $0xFF7FC99E, v47  }
0x42a: {  	(xrf0) =	vmax.scan.msk.f32 $0xffff, v39;
	_ =	sdelay $0x5  }
0x42b: {  	v39, _, _ =	vpop (xrf0)  }
0x42c: {  	v40 =	vbroadcast v39, $0xF;
	_ =	sdelay $0x1  }
0x42d: {  	vm2 =	vgt.f32 v46, v40  }
0x42e: {  	v57 =	vsel vm2, $0x1, v2;
	vm2 =	vgt.f32 v47, v40  }
0x42f: {  	(xrf0) =	vadd.scan.msk.s32 $0xffff, v57;
	v58 =	vsel vm2, $0x1, v2  }
0x430: {  	v59 =	vsel vm0, $0xFF7FC99E, v43;
	(xrf0) =	vadd.scan.msk.s32 $0xffff, v58  }
0x431: {  	(xrf0) =	vmax.scan.msk.f32 $0xffff, v59;
	_ =	sdelay $0x3  }
0x432: {  	v60, _, _ =	vpop (xrf0)  }
0x433: {  	v44, _, _ =	vpop (xrf0)  }
0x434: {  	v41, _, _ =	vpop (xrf0)  }
0x435: {  	v41 =	vbroadcast v41, $0xF;
	_ =	sdelay $0x1  }
0x436: {  	vm2 =	vgt.f32 v42, v41  }
0x437: {  	v42 =	vsel vm2, $0x1, v2;
	vm2 =	vgt.f32 v43, v41  }
0x438: {  	(xrf0) =	vadd.scan.msk.s32 $0xffff, v42;
	v61 =	vsel vm2, $0x1, v2  }
0x439: {  	(xrf0) =	vadd.scan.msk.s32 $0xffff, v61;
	_ =	sdelay $0x3  }
0x43a: {  	(v2sf) =	vpush v60, $0xF  }
0x43b: {  	(v2sf) =	vpush v44, $0xF;
	v62, _, _ =	vpop (xrf0)  }
0x43c: {  	(v2sf) =	vpush v62, $0xF;
	v63, _, _ =	vpop (xrf0)  }
0x43d: {  	(v2sf) =	vpush v63, $0xF;
	_ =	sdelay $0xb  }
0x43e: {  	s21 =	spop (v2sf)  }
0x43f: {  	s22 =	spop (v2sf)  }
.Ltmp28:
0x440: {  	s23 =	spop (v2sf);
	(pc) =	sbr.rel .LBB2_12-.Ltmp28, $4  }
0x441: {  	s31 =	spop (v2sf)  }
0x442: {  	s24 =	simm.s32 $0x0;
	s21 =	sadd.s32 s21, s22;
	s22 =	sadd.s32 s23, s31  }
0x443: {  	s25 =	simm.s32 $0x0;
	v39 =	vimm.s32 $0x0;
	s21 =	ssub.s32 $0x1E, s21;
	s23 =	ssub.s32 $0x1E, s22  }
0x444: {  	v46 =	vimm.s32 $0x0;
	v42 =	vmov s21;
	s21 =	simm.s32 $0x0;
	s22 =	simm.s32 $0x20;
	v43 =	vmov s23;
	s23 =	simm.s32 $0x8020  }
.LBB2_14:
0x445: {  	s21 =	sadd.s32 $0x40, s21  }
0x446: {  	p0 =	seq.s32 s21, $0x8000  }
.Ltmp29:
0x447: {  	_ = 	snop;
	(pc) =	sbr.rel @p0 .LBB2_38-.Ltmp29, $2  }
0x448: {  	_ =	sdelay $0x2  }
0x449: {  	s22 =	sadd.s32 $0x40, s22;
	s23 =	sadd.s32 $0x40, s23  }
.LBB2_12:
0x44a: {  	v52 =	vld [tilespmem:s22+$0xFFFFFFE0]  }
0x44b: {  	v51 =	vld [tilespmem:s22+$0xFFFFFFF0]  }
0x44c: {  	v50 =	vld [tilespmem:s22+$0x0]  }
0x44d: {  	v47 =	vld [tilespmem:s22+$0x10]  }
0x44e: {  	v49 =	vld [tilespmem:s23+$0xFFFFFFE0]  }
0x44f: {  	v48 =	vld [tilespmem:s23+$0xFFFFFFF0]  }
0x450: {  	v44 =	vld [tilespmem:s23+$0x0]  }
0x451: {  	v45 =	vld [tilespmem:s23+$0x10];
	_ =	sdelay $0x3  }
0x452: {  	v53 =	vmax.f32 v52, v51  }
0x453: {  	v54 =	vmax.f32 v50, v47;
	v55 =	vmax.f32 v49, v48;
	v56 =	vmax.f32 v44, v45  }
0x454: {  	v53 =	vmax.f32 v53, v54;
	v62 =	vmax.f32 v55, v56  }
0x455: {  	vm2 =	vge.f32 v53, v40;
	vm3 =	vge.f32 v62, v41  }
0x456: {  	vm2 =	vmor vm2, vm3  }
0x457: {  	v63 =	vmpcnt.ones.xlane vm2;
	_ =	sdelay $0x1  }
0x458: {  	(v2sf) =	vpush v63, $0x0;
	_ =	sdelay $0xe  }
0x459: {  	s26 =	spop (v2sf)  }
0x45a: {  	p0 =	slt.s32 s26, $0x1  }
.Ltmp30:
0x45b: {  	_ = 	snop;
	(pc) =	sbr.rel @p0 .LBB2_14-.Ltmp30, $1  }
0x45c: {  	_ =	sdelay $0x3  }
0x45d: {  	vm2 =	veq.f32 v52, v40  }
0x45e: {  	v53 =	vsel vm2, $0x1, v2  }
0x45f: {  	(xrf0) =	vadd.scan.msk.s32 $0xffff, v53;
	_ =	sdelay $0x5  }
0x460: {  	v53, _, _ =	vpop (xrf0)  }
0x461: {  	(v2sf) =	vpush v53, $0xF  }
0x462: {  	v54 =	vsel vm2, $0xFFFFFFFF, v2  }
0x463: {  	v54 =	vadd.s32 s25, v54  }
0x464: {  	v53 =	vadd.s32 v53, v54  }
0x465: {  	vm3 =	vlt.s32 v53, v42  }
0x466: {  	vm4 =	vgt.f32 v52, v40;
	vm5 =	veq.f32 v49, v41;
	vm2 =	vmand vm2, vm3  }
0x467: {  	v56 =	vsel vm5, $0x1, v2;
	vm2 =	vmor vm4, vm2  }
0x468: {  	(xrf0) =	vadd.scan.msk.s32 $0xffff, v56;
	vm3 =	veq.f32 v51, v40;
	v57 =	vsel vm2, $0x1, v2  }
0x469: {  	v58 =	vsel vm3, $0x1, v2;
	(xrf0) =	vadd.scan.msk.s32 $0xffff, v57  }
0x46a: {  	(xrf0) =	vadd.scan.msk.s32 $0xffff, v58;
	_ =	sdelay $0x3  }
0x46b: {  	v52, _, _ =	vpop (xrf0)  }
0x46c: {  	v53, _, _ =	vpop (xrf0)  }
0x46d: {  	v59 =	vsel vm3, $0xFFFFFFFF, v2;
	v55, _, _ =	vpop (xrf0);
	s26 =	spop (v2sf);
	(v2sf) =	vpush v52, $0xF  }
0x46e: {  	v54 =	vadd.s32 v59, v55;
	s29 =	sadd.s32 s25, s26;
	(v2sf) =	vpush v55, $0xF  }
0x46f: {  	v54 =	vadd.s32 s29, v54  }
0x470: {  	vm8 =	veq.f32 v48, v41;
	vm15 =	vlt.s32 v54, v42  }
0x471: {  	vm6 =	vgt.f32 v51, v40;
	v60 =	vsel vm8, $0x1, v2;
	vm3 =	vmand vm3, vm15  }
0x472: {  	(xrf0) =	vadd.scan.msk.s32 $0xffff, v60;
	vm3 =	vmor vm6, vm3  }
0x473: {  	vm12 =	veq.f32 v50, v40;
	v61 =	vsel vm3, $0x1, v2  }
0x474: {  	v62 =	vsel vm12, $0x1, v2;
	(xrf0) =	vadd.scan.msk.s32 $0xffff, v61  }
0x475: {  	(xrf0) =	vadd.scan.msk.s32 $0xffff, v62;
	_ =	sdelay $0x2  }
0x476: {  	v51, _, _ =	vpop (xrf0)  }
0x477: {  	(v2sf) =	vpush v51, $0xF  }
0x478: {  	v54, _, _ =	vpop (xrf0)  }
0x479: {  	v63, _, _ =	vpop (xrf0)  }
0x47a: {  	vm6 =	veq.f32 v44, v41;
	s30 =	spop (v2sf);
	(v2sf) =	vpush v63, $0xF  }
0x47b: {  	v56 =	vsel vm12, $0xFFFFFFFF, v2;
	v37 =	vsel vm6, $0x1, v2;
	s28 =	spop (v2sf)  }
0x47c: {  	(xrf0) =	vadd.scan.msk.s32 $0xffff, v37;
	v55 =	vadd.s32 v56, v63;
	s25 =	sadd.s32 s28, s29  }
0x47d: {  	v55 =	vadd.s32 s25, v55  }
0x47e: {  	vm7 =	vlt.s32 v55, v42  }
0x47f: {  	vm9 =	vgt.f32 v50, v40;
	vm4 =	vmand vm12, vm7  }
0x480: {  	vm4 =	vmor vm9, vm4  }
0x481: {  	vm9 =	veq.f32 v47, v40;
	v59 =	vsel vm4, $0x1, v2  }
0x482: {  	v50, _, _ =	vpop (xrf0);
	v60 =	vsel vm9, $0x1, v2;
	(xrf0) =	vadd.scan.msk.s32 $0xffff, v59  }
0x483: {  	(v2sf) =	vpush v50, $0xF;
	(xrf0) =	vadd.scan.msk.s32 $0xffff, v60  }
0x484: {  	vm10 =	vgt.f32 v49, v41;
	vm7 =	veq.f32 v45, v41  }
0x485: {  	vm15 =	vgt.f32 v48, v41;
	v62 =	vsel vm8, $0xFFFFFFFF, v2;
	v57 =	vsel vm7, $0x1, v2  }
0x486: {  	v61 =	vsel vm5, $0xFFFFFFFF, v2;
	v51 =	vadd.s32 v62, v51;
	v56 =	vsel vm6, $0xFFFFFFFF, v2;
	s26 =	sadd.s32 s24, s30;
	s31 =	spop (v2sf);
	(xrf0) =	vadd.scan.msk.s32 $0xffff, v57  }
0x487: {  	v62 =	vmpcnt.ones.xlane vm2;
	v50 =	vadd.s32 v56, v50;
	s29 =	sadd.s32 s31, s26;
	v55 =	vadd.s32 s24, v61  }
0x488: {  	v50 =	vadd.s32 s29, v50;
	v63 =	vadd.s32 v52, v55;
	v55 =	vsel vm3, $0xFFFFFFFF, v2;
	v52, _, _ =	vpop (xrf0)  }
0x489: {  	vm11 =	vlt.s32 v63, v43;
	v58 =	vsel vm9, $0xFFFFFFFF, v2;
	v57 =	vadd.s32 s26, v51;
	v37, _, _ =	vpop (xrf0);
	s2 =	spop (v2sf)  }
0x48a: {  	vm5 =	vmand vm5, vm11;
	vm13 =	vlt.s32 v57, v43;
	s24 =	sadd.s32 s2, s25;
	v59 =	vadd.s32 v58, v37  }
0x48b: {  	v60 =	vsel vm2, $0xFFFFFFFF, v2;
	vm14 =	vmand vm8, vm13;
	v49 =	vadd.s32 s24, v59  }
0x48c: {  	vm8 =	vmor vm15, vm14;
	(v2sf) =	vpush v37, $0xF;
	v63, _, _ =	vpop (xrf0);
	vm12 =	vlt.s32 v49, v42  }
0x48d: {  	vm14 =	vgt.f32 v47, v40;
	(v2sf) =	vpush v63, $0xF;
	vm13 =	vmand vm9, vm12  }
0x48e: {  	vm10 =	vmor vm10, vm5;
	v61 =	vadd.s32 v60, v46;
	vm5 =	vmor vm14, vm13  }
0x48f: {  	v60 =	vsel vm7, $0xFFFFFFFF, v2;
	v48 =	vadd.s32 v53, v61;
	v57 =	vsel vm5, $0x1, v2  }
0x490: {  	v61 =	vsel vm4, $0xFFFFFFFF, v2;
	vm15 =	vmand vm2, vm10;
	vm8 =	vmand vm3, vm8;
	(xrf0) =	vadd.scan.msk.s32 $0xffff, v57  }
0x491: {  	v37 =	vadd.s32 v46, v62;
	v58 =	vmpcnt.ones.xlane vm3;
	v62 =	vmpcnt.ones.xlane vm4  }
0x492: {  	s30 =	spop (v2sf);
	v59 =	vsel vm15, $0x1, v2;
	v47 =	vadd.s32 v60, v63;
	v63 =	vsel vm8, $0x1, v2  }
0x493: {  	s31 =	sadd.s32 $0x10, s21;
	s26 =	sadd.s32 s30, s29;
	vm15 =	vgt.f32 v45, v41;
	v49 =	vadd.s32 v55, v54;
	v46 =	vadd.s32 v37, v58  }
0x494: {  	s2 =	sadd.s32 $0x20, s21;
	v47 =	vadd.s32 s26, v47;
	v39 =	vadd.s32 v59, v39;
	v58 =	vor.u32 s31, v3  }
0x495: {  	v59 =	vor.u32 s2, v3;
	v49 =	vadd.s32 v37, v49;
	vm12 =	vlt.s32 v50, v43  }
0x496: {  	v50 =	vadd.s32 v61, v52;
	vm6 =	vmand vm6, vm12;
	v54 =	vsel vm5, $0xFFFFFFFF, v2;
	v55, _, _ =	vpop (xrf0)  }
0x497: {  	v50 =	vadd.s32 v46, v50;
	v46 =	vadd.s32 v46, v62;
	v56 =	vadd.s32 v54, v55  }
0x498: {  	vm13 =	vlt.s32 v47, v43;
	vm14 =	vgt.f32 v44, v41;
	v44 =	vadd.s32 v46, v56  }
.Ltmp31:
0x499: {  	vm7 =	vmand vm7, vm13;
	vm6 =	vmor vm14, vm6;
	v57 =	vor.u32 s21, v3;
	(pc) =	sbr.rel .LBB2_14-.Ltmp31, $4  }
0x49a: {  	v39 =	vadd.s32 v63, v39;
	vm7 =	vmor vm15, vm7;
	[tilespmem:v48+s15+$0x0] =	vst.idx.msk vm2, v57;
	vm2 =	vmand vm4, vm6  }
0x49b: {  	s30 =	sadd.s32 $0x30, s21;
	v61 =	vmpcnt.ones.xlane vm5;
	[tilespmem:v49+s15+$0x0] =	vst.idx.msk vm3, v58;
	v60 =	vsel vm2, $0x1, v2;
	vm2 =	vmand vm5, vm7;
	s29 =	spop (v2sf)  }
0x49c: {  	v62 =	vor.u32 s30, v3;
	[tilespmem:v50+s15+$0x0] =	vst.idx.msk vm4, v59;
	v39 =	vadd.s32 v60, v39;
	v63 =	vsel vm2, $0x1, v2;
	s31 =	spop (v2sf)  }
0x49d: {  	v39 =	vadd.s32 v63, v39;
	v46 =	vadd.s32 v46, v61;
	s25 =	sadd.s32 s29, s24;
	s24 =	sadd.s32 s31, s26;
	[tilespmem:v44+s15+$0x0] =	vst.idx.msk vm5, v62  }
.LBB2_25:
.Ltmp32:
0x49e: {  	(pc) =	sbr.rel .LBB2_32-.Ltmp32, $2  }
0x49f: {  	_ =	sdelay $0x2  }
0x4a0: {  	s25 =	simm.s32 $0x0;
	s23 =	simm.s32 $0x0  }
.LBB2_30:
.Ltmp33:
0x4a1: {  	(pc) =	sbr.rel .LBB2_32-.Ltmp33, $2  }
0x4a2: {  	_ =	sdelay $0x2  }
0x4a3: {  	s25 =	simm.s32 $0x0  }
.LBB2_34:
.Ltmp34:
0x4a4: {  	(pc) =	sbr.rel .LBB2_36-.Ltmp34, $2  }
0x4a5: {  	_ =	sdelay $0x2  }
0x4a6: {  	s23 =	simm.s32 $0x0  }
.LBB2_40:
0x4a7: {  	_ =	sfence.sel $0x180000  }
0x4a8: {  	[bflag:$0x0] =	sbarrier.arrive $0xFFFF  }
0x4a9: {  	_ =	strace $0x90000047  }
0x4aa: {  	[bflag:$0x2] =	sbarrier.arrive $0xFFFF  }
0x4ab: {  	p0 =	sne.s32 s4, $0x0;
	s0 =	rddreg [dreg:$0x3]  }
0x4ac: {  	s0 =	sadd.s32 @!p0 $0x100000, s0  }
0x4ad: {  	[sflag:s0] =	ssyncadd.tile.s32 @!p0 $0x1;
	_ =	shalt  }
.Lfunc_end2:
_tile_overlayer_lowered:
.L_overlay_start_2:
0x4ae: {  	(tag) =	ssettag $0x2  }
0x4af: {  	s0 =	rddreg [dreg:$0x0];
	s2 =	stileid.u32  }
0x4b0: {  	s1 =	rddreg [dreg:$0x1];
	p0 =	sne.s32 s2, $0x0  }
0x4b1: {  	s3 =	rddreg [dreg:$0x2];
	[bflag:$0x3] =	sbarrier.arrive $0xFFFF;
	s2 =	simm.s32 @!p0 $0x1C03  }
0x4b2: {  	[timem:s3], [sflag:s2] =	dma.local @!p0 [hbm:s0], s1  }
0x4b3: {  	s0 =	simm.s32 @!p0 $0x3  }
0x4b4: {  	_ =	swait.ge @!p0 [sflag:s0], s1  }
0x4b5: {  	s1 =	ssub.s32 @!p0 $0x0, s1;
	[sflag:s0] =	ssyncset.done @!p0 $0x0  }
0x4b6: {  	[sflag:s0] =	ssyncadd.s32 @!p0 s1  }
0x4b7: {  	[bflag:$0x3] =	sbarrier.arrive $0xFFFF  }
0x4b8: {  	_ =	shalt  }

</sc_bundles>
